<compile_context>
chip_gen: v7x
topology: tpu7x:2x2x1
jax: 0.10.2.dev20260603
libtpu: 0.0.44.dev20260713+nightly
codegen_flags: <defaults>
</compile_context>

<pallas_src>
import functools

import jax
import jax.numpy as jnp
from jax import lax
from jax.experimental import pallas as pl
from jax.experimental.pallas import tpu as pltpu
from jax.experimental.pallas import tpu_sc as plsc

_P = 40
_L = 16


def _make_sc_kernel(vocab, batch, num_groups):
    n_panels = vocab // _P
    mesh = plsc.VectorSubcoreMesh(core_axis_name="c", subcore_axis_name="s")
    nw = 32
    max_iters = pl.cdiv(n_panels, nw)

    @functools.partial(
        pl.kernel,
        mesh=mesh,
        out_type=jax.ShapeDtypeStruct((vocab, batch), jnp.float32),
        scratch_types=[
            pltpu.VMEM((2, _P, batch), jnp.float32),
            pltpu.VMEM((batch,), jnp.int32),
            pltpu.VMEM((num_groups, _L), jnp.float32),
            pltpu.VMEM((batch,), jnp.float32),
            pltpu.SemaphoreType.DMA((2,)),
            pltpu.SemaphoreType.DMA((2,)),
        ],
    )
    def k(x_hbm, gid_hbm, temp_hbm, o_hbm, buf, gid_v, temp_v, s_v, isem, osem):
        wid = lax.axis_index("s") * 2 + lax.axis_index("c")

        pltpu.sync_copy(gid_hbm, gid_v)
        pltpu.sync_copy(temp_hbm, temp_v)

        inv = [1.0 / temp_v[gidx, pl.ds(0, _L)] for gidx in range(num_groups)]

        def scale_chunk(i, sc):
            g = gid_v[pl.ds(i * _L, _L)]
            s = jnp.zeros((_L,), jnp.float32)
            for gidx in range(num_groups):
                s = jnp.where(g == gidx, inv[gidx], s)
            s_v[pl.ds(i * _L, _L)] = s
            return sc

        lax.fori_loop(0, batch // _L, scale_chunk, 0, unroll=True)

        def panel(it):
            return wid + nw * it

        def in_copy(it):
            slot = lax.rem(it, 2)
            return pltpu.make_async_copy(
                x_hbm.at[pl.ds(panel(it) * _P, _P), :], buf.at[slot], isem.at[slot]
            )

        def out_copy(it):
            slot = lax.rem(it, 2)
            return pltpu.make_async_copy(
                buf.at[slot], o_hbm.at[pl.ds(panel(it) * _P, _P), :], osem.at[slot]
            )

        in_copy(jnp.int32(0)).start()

        def body(it, carry):
            active = panel(it) < n_panels

            @pl.when(active)
            def _do():
                slot = lax.rem(it, 2)
                in_copy(it).wait()

                def row(r, rc):
                    rref = buf.at[slot, r]
                    for c in range(batch // _L):
                        sl = pl.ds(c * _L, _L)
                        rref[sl] = rref[sl] * s_v[sl]
                    return rc

                lax.fori_loop(0, _P, row, 0)
                out_copy(it).start()

            nxt = panel(it + 1) < n_panels

            @pl.when((it >= 1) & nxt)
            def _wait_prev():
                out_copy(it - 1).wait()

            @pl.when(nxt)
            def _prefetch():
                in_copy(it + 1).start()

            return carry

        lax.fori_loop(jnp.int32(0), jnp.int32(max_iters), body, 0)
        t_act = lax.div(jnp.int32(n_panels) - 1 - wid, jnp.int32(nw)) + 1
        out_copy(t_act - 2).wait()
        out_copy(t_act - 1).wait()

    return k


def kernel(logits, group_ids, temperatures):
    batch, vocab = logits.shape
    num_groups = temperatures.shape[0]
    assert vocab % _P == 0 and batch % _L == 0
    xt = logits.T
    temps2d = jnp.broadcast_to(temperatures[:, None], (num_groups, _L))
    out_t = _make_sc_kernel(vocab, batch, num_groups)(xt, group_ids, temps2d)
    return out_t.T

# --- scband reference (transcript-rebuilt; emitter-appended) ---
"""Pipeline reference for scband-group-temperature-scaling-6305011990626 (READ-ONLY COPY).

The authoritative reference and input builder live on the scoring server;
editing this copy changes nothing except your own understanding.
"""

import jax, jax.numpy as jnp
import numpy as np

NUM_GROUPS = 2
INITIAL_TEMPERATURE = 1.0
BATCH = 1024
VOCAB = 100000


def setup_inputs(seed: int = 0) -> dict:
    key = jax.random.key(seed)
    k1, k2 = jax.random.split(key)
    logits = jax.random.normal(k1, (BATCH, VOCAB), dtype=jnp.float32)
    group_ids = jax.random.randint(k2, (BATCH,), 0, NUM_GROUPS, dtype=jnp.int32)
    temperatures = jnp.ones((NUM_GROUPS,), dtype=jnp.float32) * INITIAL_TEMPERATURE
    return {"logits": logits, "group_ids": group_ids, "temperatures": temperatures}


def reference(logits, group_ids, temperatures):
    # Faithful translation of GroupTemperatureScaling.forward:
    # start from zeros, then for each group overwrite the masked rows with
    # logits / temperatures[group_id]. Rows whose group id is outside
    # [0, num_groups) stay zero, matching the torch semantics.
    num_groups = temperatures.shape[0]
    calibrated = jnp.zeros_like(logits)
    for group_id in range(num_groups):
        mask = (group_ids == group_id)
        scaled = logits / temperatures[group_id]
        calibrated = jnp.where(mask[:, None], scaled, calibrated)
    return calibrated

if __name__ == "__main__":
    import jax
    _d = setup_inputs()
    print(jax.jit(kernel)(*tuple(_d.values())))

</pallas_src>

<mosaic_0001>
#map = affine_map<(d0, d1) -> (0, 0)>
#map1 = affine_map<(d0, d1) -> (0)>
module attributes {stable_mosaic.version = 14 : i64} {
  func.func @k(%arg0: i32, %arg1: i32, %arg2: memref<100000x1024xf32, #tpu.memory_space<hbm>>, %arg3: memref<1024xi32, #tpu.memory_space<hbm>>, %arg4: memref<2x16xf32, #tpu.memory_space<hbm>>, %arg5: memref<100000x1024xf32, #tpu.memory_space<hbm>>, %arg6: memref<2x40x1024xf32, #tpu.memory_space<vmem>>, %arg7: memref<1024xi32, #tpu.memory_space<vmem>>, %arg8: memref<2x16xf32, #tpu.memory_space<vmem>>, %arg9: memref<1024xf32, #tpu.memory_space<vmem>>, %arg10: memref<2x!tpu.dma_semaphore, #tpu.memory_space<semaphore_mem>>, %arg11: memref<2x!tpu.dma_semaphore, #tpu.memory_space<semaphore_mem>>) attributes {dimension_semantics = [#tpu.dimension_semantics<core_parallel>, #tpu.dimension_semantics<subcore_parallel>], iteration_bounds = array<i64: 2, 16>, scalar_prefetch = 0 : i64, scratch_operands = 6 : i64, tpu.core_type = #tpu.core_type<sc_vector_subcore>, window_params = [{transform_indices = #map}, {transform_indices = #map1}, {transform_indices = #map}, {transform_indices = #map}]} {
    %mul3A = arith.constant 2 : i32
    %mul3A_0 = arith.muli %arg1, %mul3A : i32
    %add3A = arith.addi %mul3A_0, %arg0 : i32
    "tpu.region"() ({
      %run_scoped3A = tpu.sem_alloc : memref<!tpu.dma_semaphore, #tpu.memory_space<semaphore_mem>>
      tpu.enqueue_dma source(%arg3 : memref<1024xi32, #tpu.memory_space<hbm>>) target(%arg7 : memref<1024xi32, #tpu.memory_space<vmem>>) target_semaphore(%run_scoped3A : memref<!tpu.dma_semaphore, #tpu.memory_space<semaphore_mem>>)
      tpu.wait_dma2 semaphore(%run_scoped3A : memref<!tpu.dma_semaphore, #tpu.memory_space<semaphore_mem>>) src(%arg3 : memref<1024xi32, #tpu.memory_space<hbm>>) dst(%arg7 : memref<1024xi32, #tpu.memory_space<vmem>>)
      tpu.yield
    }) : () -> ()
    "tpu.region"() ({
      %run_scoped3A = tpu.sem_alloc : memref<!tpu.dma_semaphore, #tpu.memory_space<semaphore_mem>>
      tpu.enqueue_dma source(%arg4 : memref<2x16xf32, #tpu.memory_space<hbm>>) target(%arg8 : memref<2x16xf32, #tpu.memory_space<vmem>>) target_semaphore(%run_scoped3A : memref<!tpu.dma_semaphore, #tpu.memory_space<semaphore_mem>>)
      tpu.wait_dma2 semaphore(%run_scoped3A : memref<!tpu.dma_semaphore, #tpu.memory_space<semaphore_mem>>) src(%arg4 : memref<2x16xf32, #tpu.memory_space<hbm>>) dst(%arg8 : memref<2x16xf32, #tpu.memory_space<vmem>>)
      tpu.yield
    }) : () -> ()
    %get3A = arith.constant 0 : i32
    %get3A_1 = arith.index_cast %get3A : i32 to index
    %get3A_2 = arith.constant 0 : index
    %get3A_3 = tpu.vector_load %arg8[%get3A_1, %get3A_2] {strides = array<i32>} : memref<2x16xf32, #tpu.memory_space<vmem>>, vector<1x16xf32>,
    %get3A_4 = vector.shape_cast %get3A_3 : vector<1x16xf32> to vector<16xf32>
    %div3A = arith.constant 1.000000e+00 : f32
    %div3A_5 = vector.broadcast %div3A : f32 to vector<16xf32>
    %div3A_6 = arith.divf %div3A_5, %get3A_4 : vector<16xf32>
    %get3A_7 = arith.constant 1 : i32
    %get3A_8 = arith.index_cast %get3A_7 : i32 to index
    %get3A_9 = arith.constant 0 : index
    %get3A_10 = tpu.vector_load %arg8[%get3A_8, %get3A_9] {strides = array<i32>} : memref<2x16xf32, #tpu.memory_space<vmem>>, vector<1x16xf32>,
    %get3A_11 = vector.shape_cast %get3A_10 : vector<1x16xf32> to vector<16xf32>
    %div3A_12 = arith.constant 1.000000e+00 : f32
    %div3A_13 = vector.broadcast %div3A_12 : f32 to vector<16xf32>
    %div3A_14 = arith.divf %div3A_13, %get3A_11 : vector<16xf32>
    %scan3A = arith.constant 0 : i32
    %scan3A_15 = arith.constant 0 : i32
    %mul3A_16 = arith.constant 16 : i32
    %mul3A_17 = arith.muli %scan3A_15, %mul3A_16 : i32
    %get3A_18 = arith.index_cast %mul3A_17 : i32 to index
    %get3A_19 = tpu.vector_load %arg7[%get3A_18] {strides = array<i32>} : memref<1024xi32, #tpu.memory_space<vmem>>, vector<16xi32>,
    %get3A_20 = vector.shape_cast %get3A_19 : vector<16xi32> to vector<16xi32>
    %broadcast_in_dim3A = arith.constant 0.000000e+00 : f32
    %broadcast_in_dim3A_21 = vector.broadcast %broadcast_in_dim3A : f32 to vector<16xf32>
    %eq3A = arith.constant 0 : i32
    %eq3A_22 = vector.broadcast %eq3A : i32 to vector<16xi32>
    %eq3A_23 = arith.cmpi eq, %get3A_20, %eq3A_22 : vector<16xi32>
    %select_n3A = arith.select %eq3A_23, %div3A_6, %broadcast_in_dim3A_21 : vector<16xi1>, vector<16xf32>
    %eq3A_24 = arith.constant 1 : i32
    %eq3A_25 = vector.broadcast %eq3A_24 : i32 to vector<16xi32>
    %eq3A_26 = arith.cmpi eq, %get3A_20, %eq3A_25 : vector<16xi32>
    %select_n3A_27 = arith.select %eq3A_26, %div3A_14, %select_n3A : vector<16xi1>, vector<16xf32>
    %mul3A_28 = arith.constant 16 : i32
    %mul3A_29 = arith.muli %scan3A_15, %mul3A_28 : i32
    %swap3A = arith.index_cast %mul3A_29 : i32 to index
    %swap3A_30 = tpu.vector_load %arg9[%swap3A] {strides = array<i32>} : memref<1024xf32, #tpu.memory_space<vmem>>, vector<16xf32>,
    %swap3A_31 = vector.shape_cast %swap3A_30 : vector<16xf32> to vector<16xf32>
    %swap3A_32 = vector.shape_cast %select_n3A_27 : vector<16xf32> to vector<16xf32>
    tpu.vector_store %arg9[%swap3A], %swap3A_32 {strides = array<i32>} : memref<1024xf32, #tpu.memory_space<vmem>>, vector<16xf32>,
    %scan3A_33 = arith.constant 1 : i32
    %mul3A_34 = arith.constant 16 : i32
    %mul3A_35 = arith.muli %scan3A_33, %mul3A_34 : i32
    %get3A_36 = arith.index_cast %mul3A_35 : i32 to index
    %get3A_37 = tpu.vector_load %arg7[%get3A_36] {strides = array<i32>} : memref<1024xi32, #tpu.memory_space<vmem>>, vector<16xi32>,
    %get3A_38 = vector.shape_cast %get3A_37 : vector<16xi32> to vector<16xi32>
    %broadcast_in_dim3A_39 = arith.constant 0.000000e+00 : f32
    %broadcast_in_dim3A_40 = vector.broadcast %broadcast_in_dim3A_39 : f32 to vector<16xf32>
    %eq3A_41 = arith.constant 0 : i32
    %eq3A_42 = vector.broadcast %eq3A_41 : i32 to vector<16xi32>
    %eq3A_43 = arith.cmpi eq, %get3A_38, %eq3A_42 : vector<16xi32>
    %select_n3A_44 = arith.select %eq3A_43, %div3A_6, %broadcast_in_dim3A_40 : vector<16xi1>, vector<16xf32>
    %eq3A_45 = arith.constant 1 : i32
    %eq3A_46 = vector.broadcast %eq3A_45 : i32 to vector<16xi32>
    %eq3A_47 = arith.cmpi eq, %get3A_38, %eq3A_46 : vector<16xi32>
    %select_n3A_48 = arith.select %eq3A_47, %div3A_14, %select_n3A_44 : vector<16xi1>, vector<16xf32>
    %mul3A_49 = arith.constant 16 : i32
    %mul3A_50 = arith.muli %scan3A_33, %mul3A_49 : i32
    %swap3A_51 = arith.index_cast %mul3A_50 : i32 to index
    %swap3A_52 = tpu.vector_load %arg9[%swap3A_51] {strides = array<i32>} : memref<1024xf32, #tpu.memory_space<vmem>>, vector<16xf32>,
    %swap3A_53 = vector.shape_cast %swap3A_52 : vector<16xf32> to vector<16xf32>
    %swap3A_54 = vector.shape_cast %select_n3A_48 : vector<16xf32> to vector<16xf32>
    tpu.vector_store %arg9[%swap3A_51], %swap3A_54 {strides = array<i32>} : memref<1024xf32, #tpu.memory_space<vmem>>, vector<16xf32>,
    %scan3A_55 = arith.constant 2 : i32
    %mul3A_56 = arith.constant 16 : i32
    %mul3A_57 = arith.muli %scan3A_55, %mul3A_56 : i32
    %get3A_58 = arith.index_cast %mul3A_57 : i32 to index
    %get3A_59 = tpu.vector_load %arg7[%get3A_58] {strides = array<i32>} : memref<1024xi32, #tpu.memory_space<vmem>>, vector<16xi32>,
    %get3A_60 = vector.shape_cast %get3A_59 : vector<16xi32> to vector<16xi32>
    %broadcast_in_dim3A_61 = arith.constant 0.000000e+00 : f32
    %broadcast_in_dim3A_62 = vector.broadcast %broadcast_in_dim3A_61 : f32 to vector<16xf32>
    %eq3A_63 = arith.constant 0 : i32
    %eq3A_64 = vector.broadcast %eq3A_63 : i32 to vector<16xi32>
    %eq3A_65 = arith.cmpi eq, %get3A_60, %eq3A_64 : vector<16xi32>
    %select_n3A_66 = arith.select %eq3A_65, %div3A_6, %broadcast_in_dim3A_62 : vector<16xi1>, vector<16xf32>
    %eq3A_67 = arith.constant 1 : i32
    %eq3A_68 = vector.broadcast %eq3A_67 : i32 to vector<16xi32>
    %eq3A_69 = arith.cmpi eq, %get3A_60, %eq3A_68 : vector<16xi32>
    %select_n3A_70 = arith.select %eq3A_69, %div3A_14, %select_n3A_66 : vector<16xi1>, vector<16xf32>
    %mul3A_71 = arith.constant 16 : i32
    %mul3A_72 = arith.muli %scan3A_55, %mul3A_71 : i32
    %swap3A_73 = arith.index_cast %mul3A_72 : i32 to index
    %swap3A_74 = tpu.vector_load %arg9[%swap3A_73] {strides = array<i32>} : memref<1024xf32, #tpu.memory_space<vmem>>, vector<16xf32>,
    %swap3A_75 = vector.shape_cast %swap3A_74 : vector<16xf32> to vector<16xf32>
    %swap3A_76 = vector.shape_cast %select_n3A_70 : vector<16xf32> to vector<16xf32>
    tpu.vector_store %arg9[%swap3A_73], %swap3A_76 {strides = array<i32>} : memref<1024xf32, #tpu.memory_space<vmem>>, vector<16xf32>,
    %scan3A_77 = arith.constant 3 : i32
    %mul3A_78 = arith.constant 16 : i32
    %mul3A_79 = arith.muli %scan3A_77, %mul3A_78 : i32
    %get3A_80 = arith.index_cast %mul3A_79 : i32 to index
    %get3A_81 = tpu.vector_load %arg7[%get3A_80] {strides = array<i32>} : memref<1024xi32, #tpu.memory_space<vmem>>, vector<16xi32>,
    %get3A_82 = vector.shape_cast %get3A_81 : vector<16xi32> to vector<16xi32>
    %broadcast_in_dim3A_83 = arith.constant 0.000000e+00 : f32
    %broadcast_in_dim3A_84 = vector.broadcast %broadcast_in_dim3A_83 : f32 to vector<16xf32>
    %eq3A_85 = arith.constant 0 : i32
    %eq3A_86 = vector.broadcast %eq3A_85 : i32 to vector<16xi32>
    %eq3A_87 = arith.cmpi eq, %get3A_82, %eq3A_86 : vector<16xi32>
    %select_n3A_88 = arith.select %eq3A_87, %div3A_6, %broadcast_in_dim3A_84 : vector<16xi1>, vector<16xf32>
    %eq3A_89 = arith.constant 1 : i32
    %eq3A_90 = vector.broadcast %eq3A_89 : i32 to vector<16xi32>
    %eq3A_91 = arith.cmpi eq, %get3A_82, %eq3A_90 : vector<16xi32>
    %select_n3A_92 = arith.select %eq3A_91, %div3A_14, %select_n3A_88 : vector<16xi1>, vector<16xf32>
    %mul3A_93 = arith.constant 16 : i32
    %mul3A_94 = arith.muli %scan3A_77, %mul3A_93 : i32
    %swap3A_95 = arith.index_cast %mul3A_94 : i32 to index
    %swap3A_96 = tpu.vector_load %arg9[%swap3A_95] {strides = array<i32>} : memref<1024xf32, #tpu.memory_space<vmem>>, vector<16xf32>,
    %swap3A_97 = vector.shape_cast %swap3A_96 : vector<16xf32> to vector<16xf32>
    %swap3A_98 = vector.shape_cast %select_n3A_92 : vector<16xf32> to vector<16xf32>
    tpu.vector_store %arg9[%swap3A_95], %swap3A_98 {strides = array<i32>} : memref<1024xf32, #tpu.memory_space<vmem>>, vector<16xf32>,
    %scan3A_99 = arith.constant 4 : i32
    %mul3A_100 = arith.constant 16 : i32
    %mul3A_101 = arith.muli %scan3A_99, %mul3A_100 : i32
    %get3A_102 = arith.index_cast %mul3A_101 : i32 to index
    %get3A_103 = tpu.vector_load %arg7[%get3A_102] {strides = array<i32>} : memref<1024xi32, #tpu.memory_space<vmem>>, vector<16xi32>,
    %get3A_104 = vector.shape_cast %get3A_103 : vector<16xi32> to vector<16xi32>
    %broadcast_in_dim3A_105 = arith.constant 0.000000e+00 : f32
    %broadcast_in_dim3A_106 = vector.broadcast %broadcast_in_dim3A_105 : f32 to vector<16xf32>
    %eq3A_107 = arith.constant 0 : i32
    %eq3A_108 = vector.broadcast %eq3A_107 : i32 to vector<16xi32>
    %eq3A_109 = arith.cmpi eq, %get3A_104, %eq3A_108 : vector<16xi32>
    %select_n3A_110 = arith.select %eq3A_109, %div3A_6, %broadcast_in_dim3A_106 : vector<16xi1>, vector<16xf32>
    %eq3A_111 = arith.constant 1 : i32
    %eq3A_112 = vector.broadcast %eq3A_111 : i32 to vector<16xi32>
    %eq3A_113 = arith.cmpi eq, %get3A_104, %eq3A_112 : vector<16xi32>
    %select_n3A_114 = arith.select %eq3A_113, %div3A_14, %select_n3A_110 : vector<16xi1>, vector<16xf32>
    %mul3A_115 = arith.constant 16 : i32
    %mul3A_116 = arith.muli %scan3A_99, %mul3A_115 : i32
    %swap3A_117 = arith.index_cast %mul3A_116 : i32 to index
    %swap3A_118 = tpu.vector_load %arg9[%swap3A_117] {strides = array<i32>} : memref<1024xf32, #tpu.memory_space<vmem>>, vector<16xf32>,
    %swap3A_119 = vector.shape_cast %swap3A_118 : vector<16xf32> to vector<16xf32>
    %swap3A_120 = vector.shape_cast %select_n3A_114 : vector<16xf32> to vector<16xf32>
    tpu.vector_store %arg9[%swap3A_117], %swap3A_120 {strides = array<i32>} : memref<1024xf32, #tpu.memory_space<vmem>>, vector<16xf32>,
    %scan3A_121 = arith.constant 5 : i32
    %mul3A_122 = arith.constant 16 : i32
    %mul3A_123 = arith.muli %scan3A_121, %mul3A_122 : i32
    %get3A_124 = arith.index_cast %mul3A_123 : i32 to index
    %get3A_125 = tpu.vector_load %arg7[%get3A_124] {strides = array<i32>} : memref<1024xi32, #tpu.memory_space<vmem>>, vector<16xi32>,
    %get3A_126 = vector.shape_cast %get3A_125 : vector<16xi32> to vector<16xi32>
    %broadcast_in_dim3A_127 = arith.constant 0.000000e+00 : f32
    %broadcast_in_dim3A_128 = vector.broadcast %broadcast_in_dim3A_127 : f32 to vector<16xf32>
    %eq3A_129 = arith.constant 0 : i32
    %eq3A_130 = vector.broadcast %eq3A_129 : i32 to vector<16xi32>
    %eq3A_131 = arith.cmpi eq, %get3A_126, %eq3A_130 : vector<16xi32>
    %select_n3A_132 = arith.select %eq3A_131, %div3A_6, %broadcast_in_dim3A_128 : vector<16xi1>, vector<16xf32>
    %eq3A_133 = arith.constant 1 : i32
    %eq3A_134 = vector.broadcast %eq3A_133 : i32 to vector<16xi32>
    %eq3A_135 = arith.cmpi eq, %get3A_126, %eq3A_134 : vector<16xi32>
    %select_n3A_136 = arith.select %eq3A_135, %div3A_14, %select_n3A_132 : vector<16xi1>, vector<16xf32>
    %mul3A_137 = arith.constant 16 : i32
    %mul3A_138 = arith.muli %scan3A_121, %mul3A_137 : i32
    %swap3A_139 = arith.index_cast %mul3A_138 : i32 to index
    %swap3A_140 = tpu.vector_load %arg9[%swap3A_139] {strides = array<i32>} : memref<1024xf32, #tpu.memory_space<vmem>>, vector<16xf32>,
    %swap3A_141 = vector.shape_cast %swap3A_140 : vector<16xf32> to vector<16xf32>
    %swap3A_142 = vector.shape_cast %select_n3A_136 : vector<16xf32> to vector<16xf32>
    tpu.vector_store %arg9[%swap3A_139], %swap3A_142 {strides = array<i32>} : memref<1024xf32, #tpu.memory_space<vmem>>, vector<16xf32>,
    %scan3A_143 = arith.constant 6 : i32
    %mul3A_144 = arith.constant 16 : i32
    %mul3A_145 = arith.muli %scan3A_143, %mul3A_144 : i32
    %get3A_146 = arith.index_cast %mul3A_145 : i32 to index
    %get3A_147 = tpu.vector_load %arg7[%get3A_146] {strides = array<i32>} : memref<1024xi32, #tpu.memory_space<vmem>>, vector<16xi32>,
    %get3A_148 = vector.shape_cast %get3A_147 : vector<16xi32> to vector<16xi32>
    %broadcast_in_dim3A_149 = arith.constant 0.000000e+00 : f32
    %broadcast_in_dim3A_150 = vector.broadcast %broadcast_in_dim3A_149 : f32 to vector<16xf32>
    %eq3A_151 = arith.constant 0 : i32
    %eq3A_152 = vector.broadcast %eq3A_151 : i32 to vector<16xi32>
    %eq3A_153 = arith.cmpi eq, %get3A_148, %eq3A_152 : vector<16xi32>
    %select_n3A_154 = arith.select %eq3A_153, %div3A_6, %broadcast_in_dim3A_150 : vector<16xi1>, vector<16xf32>
    %eq3A_155 = arith.constant 1 : i32
    %eq3A_156 = vector.broadcast %eq3A_155 : i32 to vector<16xi32>
    %eq3A_157 = arith.cmpi eq, %get3A_148, %eq3A_156 : vector<16xi32>
    %select_n3A_158 = arith.select %eq3A_157, %div3A_14, %select_n3A_154 : vector<16xi1>, vector<16xf32>
    %mul3A_159 = arith.constant 16 : i32
    %mul3A_160 = arith.muli %scan3A_143, %mul3A_159 : i32
    %swap3A_161 = arith.index_cast %mul3A_160 : i32 to index
    %swap3A_162 = tpu.vector_load %arg9[%swap3A_161] {strides = array<i32>} : memref<1024xf32, #tpu.memory_space<vmem>>, vector<16xf32>,
    %swap3A_163 = vector.shape_cast %swap3A_162 : vector<16xf32> to vector<16xf32>
    %swap3A_164 = vector.shape_cast %select_n3A_158 : vector<16xf32> to vector<16xf32>
    tpu.vector_store %arg9[%swap3A_161], %swap3A_164 {strides = array<i32>} : memref<1024xf32, #tpu.memory_space<vmem>>, vector<16xf32>,
    %scan3A_165 = arith.constant 7 : i32
    %mul3A_166 = arith.constant 16 : i32
    %mul3A_167 = arith.muli %scan3A_165, %mul3A_166 : i32
    %get3A_168 = arith.index_cast %mul3A_167 : i32 to index
    %get3A_169 = tpu.vector_load %arg7[%get3A_168] {strides = array<i32>} : memref<1024xi32, #tpu.memory_space<vmem>>, vector<16xi32>,
    %get3A_170 = vector.shape_cast %get3A_169 : vector<16xi32> to vector<16xi32>
    %broadcast_in_dim3A_171 = arith.constant 0.000000e+00 : f32
    %broadcast_in_dim3A_172 = vector.broadcast %broadcast_in_dim3A_171 : f32 to vector<16xf32>
    %eq3A_173 = arith.constant 0 : i32
    %eq3A_174 = vector.broadcast %eq3A_173 : i32 to vector<16xi32>
    %eq3A_175 = arith.cmpi eq, %get3A_170, %eq3A_174 : vector<16xi32>
    %select_n3A_176 = arith.select %eq3A_175, %div3A_6, %broadcast_in_dim3A_172 : vector<16xi1>, vector<16xf32>
    %eq3A_177 = arith.constant 1 : i32
    %eq3A_178 = vector.broadcast %eq3A_177 : i32 to vector<16xi32>
    %eq3A_179 = arith.cmpi eq, %get3A_170, %eq3A_178 : vector<16xi32>
    %select_n3A_180 = arith.select %eq3A_179, %div3A_14, %select_n3A_176 : vector<16xi1>, vector<16xf32>
    %mul3A_181 = arith.constant 16 : i32
    %mul3A_182 = arith.muli %scan3A_165, %mul3A_181 : i32
    %swap3A_183 = arith.index_cast %mul3A_182 : i32 to index
    %swap3A_184 = tpu.vector_load %arg9[%swap3A_183] {strides = array<i32>} : memref<1024xf32, #tpu.memory_space<vmem>>, vector<16xf32>,
    %swap3A_185 = vector.shape_cast %swap3A_184 : vector<16xf32> to vector<16xf32>
    %swap3A_186 = vector.shape_cast %select_n3A_180 : vector<16xf32> to vector<16xf32>
    tpu.vector_store %arg9[%swap3A_183], %swap3A_186 {strides = array<i32>} : memref<1024xf32, #tpu.memory_space<vmem>>, vector<16xf32>,
    %scan3A_187 = arith.constant 8 : i32
    %mul3A_188 = arith.constant 16 : i32
    %mul3A_189 = arith.muli %scan3A_187, %mul3A_188 : i32
    %get3A_190 = arith.index_cast %mul3A_189 : i32 to index
    %get3A_191 = tpu.vector_load %arg7[%get3A_190] {strides = array<i32>} : memref<1024xi32, #tpu.memory_space<vmem>>, vector<16xi32>,
    %get3A_192 = vector.shape_cast %get3A_191 : vector<16xi32> to vector<16xi32>
    %broadcast_in_dim3A_193 = arith.constant 0.000000e+00 : f32
    %broadcast_in_dim3A_194 = vector.broadcast %broadcast_in_dim3A_193 : f32 to vector<16xf32>
    %eq3A_195 = arith.constant 0 : i32
    %eq3A_196 = vector.broadcast %eq3A_195 : i32 to vector<16xi32>
    %eq3A_197 = arith.cmpi eq, %get3A_192, %eq3A_196 : vector<16xi32>
    %select_n3A_198 = arith.select %eq3A_197, %div3A_6, %broadcast_in_dim3A_194 : vector<16xi1>, vector<16xf32>
    %eq3A_199 = arith.constant 1 : i32
    %eq3A_200 = vector.broadcast %eq3A_199 : i32 to vector<16xi32>
    %eq3A_201 = arith.cmpi eq, %get3A_192, %eq3A_200 : vector<16xi32>
    %select_n3A_202 = arith.select %eq3A_201, %div3A_14, %select_n3A_198 : vector<16xi1>, vector<16xf32>
    %mul3A_203 = arith.constant 16 : i32
    %mul3A_204 = arith.muli %scan3A_187, %mul3A_203 : i32
    %swap3A_205 = arith.index_cast %mul3A_204 : i32 to index
    %swap3A_206 = tpu.vector_load %arg9[%swap3A_205] {strides = array<i32>} : memref<1024xf32, #tpu.memory_space<vmem>>, vector<16xf32>,
    %swap3A_207 = vector.shape_cast %swap3A_206 : vector<16xf32> to vector<16xf32>
    %swap3A_208 = vector.shape_cast %select_n3A_202 : vector<16xf32> to vector<16xf32>
    tpu.vector_store %arg9[%swap3A_205], %swap3A_208 {strides = array<i32>} : memref<1024xf32, #tpu.memory_space<vmem>>, vector<16xf32>,
    %scan3A_209 = arith.constant 9 : i32
    %mul3A_210 = arith.constant 16 : i32
    %mul3A_211 = arith.muli %scan3A_209, %mul3A_210 : i32
    %get3A_212 = arith.index_cast %mul3A_211 : i32 to index
    %get3A_213 = tpu.vector_load %arg7[%get3A_212] {strides = array<i32>} : memref<1024xi32, #tpu.memory_space<vmem>>, vector<16xi32>,
    %get3A_214 = vector.shape_cast %get3A_213 : vector<16xi32> to vector<16xi32>
    %broadcast_in_dim3A_215 = arith.constant 0.000000e+00 : f32
    %broadcast_in_dim3A_216 = vector.broadcast %broadcast_in_dim3A_215 : f32 to vector<16xf32>
    %eq3A_217 = arith.constant 0 : i32
    %eq3A_218 = vector.broadcast %eq3A_217 : i32 to vector<16xi32>
    %eq3A_219 = arith.cmpi eq, %get3A_214, %eq3A_218 : vector<16xi32>
    %select_n3A_220 = arith.select %eq3A_219, %div3A_6, %broadcast_in_dim3A_216 : vector<16xi1>, vector<16xf32>
    %eq3A_221 = arith.constant 1 : i32
    %eq3A_222 = vector.broadcast %eq3A_221 : i32 to vector<16xi32>
    %eq3A_223 = arith.cmpi eq, %get3A_214, %eq3A_222 : vector<16xi32>
    %select_n3A_224 = arith.select %eq3A_223, %div3A_14, %select_n3A_220 : vector<16xi1>, vector<16xf32>
    %mul3A_225 = arith.constant 16 : i32
    %mul3A_226 = arith.muli %scan3A_209, %mul3A_225 : i32
    %swap3A_227 = arith.index_cast %mul3A_226 : i32 to index
    %swap3A_228 = tpu.vector_load %arg9[%swap3A_227] {strides = array<i32>} : memref<1024xf32, #tpu.memory_space<vmem>>, vector<16xf32>,
    %swap3A_229 = vector.shape_cast %swap3A_228 : vector<16xf32> to vector<16xf32>
    %swap3A_230 = vector.shape_cast %select_n3A_224 : vector<16xf32> to vector<16xf32>
    tpu.vector_store %arg9[%swap3A_227], %swap3A_230 {strides = array<i32>} : memref<1024xf32, #tpu.memory_space<vmem>>, vector<16xf32>,
    %scan3A_231 = arith.constant 10 : i32
    %mul3A_232 = arith.constant 16 : i32
    %mul3A_233 = arith.muli %scan3A_231, %mul3A_232 : i32
    %get3A_234 = arith.index_cast %mul3A_233 : i32 to index
    %get3A_235 = tpu.vector_load %arg7[%get3A_234] {strides = array<i32>} : memref<1024xi32, #tpu.memory_space<vmem>>, vector<16xi32>,
    %get3A_236 = vector.shape_cast %get3A_235 : vector<16xi32> to vector<16xi32>
    %broadcast_in_dim3A_237 = arith.constant 0.000000e+00 : f32
    %broadcast_in_dim3A_238 = vector.broadcast %broadcast_in_dim3A_237 : f32 to vector<16xf32>
    %eq3A_239 = arith.constant 0 : i32
    %eq3A_240 = vector.broadcast %eq3A_239 : i32 to vector<16xi32>
    %eq3A_241 = arith.cmpi eq, %get3A_236, %eq3A_240 : vector<16xi32>
    %select_n3A_242 = arith.select %eq3A_241, %div3A_6, %broadcast_in_dim3A_238 : vector<16xi1>, vector<16xf32>
    %eq3A_243 = arith.constant 1 : i32
    %eq3A_244 = vector.broadcast %eq3A_243 : i32 to vector<16xi32>
    %eq3A_245 = arith.cmpi eq, %get3A_236, %eq3A_244 : vector<16xi32>
    %select_n3A_246 = arith.select %eq3A_245, %div3A_14, %select_n3A_242 : vector<16xi1>, vector<16xf32>
    %mul3A_247 = arith.constant 16 : i32
    %mul3A_248 = arith.muli %scan3A_231, %mul3A_247 : i32
    %swap3A_249 = arith.index_cast %mul3A_248 : i32 to index
    %swap3A_250 = tpu.vector_load %arg9[%swap3A_249] {strides = array<i32>} : memref<1024xf32, #tpu.memory_space<vmem>>, vector<16xf32>,
    %swap3A_251 = vector.shape_cast %swap3A_250 : vector<16xf32> to vector<16xf32>
    %swap3A_252 = vector.shape_cast %select_n3A_246 : vector<16xf32> to vector<16xf32>
    tpu.vector_store %arg9[%swap3A_249], %swap3A_252 {strides = array<i32>} : memref<1024xf32, #tpu.memory_space<vmem>>, vector<16xf32>,
    %scan3A_253 = arith.constant 11 : i32
    %mul3A_254 = arith.constant 16 : i32
    %mul3A_255 = arith.muli %scan3A_253, %mul3A_254 : i32
    %get3A_256 = arith.index_cast %mul3A_255 : i32 to index
    %get3A_257 = tpu.vector_load %arg7[%get3A_256] {strides = array<i32>} : memref<1024xi32, #tpu.memory_space<vmem>>, vector<16xi32>,
    %get3A_258 = vector.shape_cast %get3A_257 : vector<16xi32> to vector<16xi32>
    %broadcast_in_dim3A_259 = arith.constant 0.000000e+00 : f32
    %broadcast_in_dim3A_260 = vector.broadcast %broadcast_in_dim3A_259 : f32 to vector<16xf32>
    %eq3A_261 = arith.constant 0 : i32
    %eq3A_262 = vector.broadcast %eq3A_261 : i32 to vector<16xi32>
    %eq3A_263 = arith.cmpi eq, %get3A_258, %eq3A_262 : vector<16xi32>
    %select_n3A_264 = arith.select %eq3A_263, %div3A_6, %broadcast_in_dim3A_260 : vector<16xi1>, vector<16xf32>
    %eq3A_265 = arith.constant 1 : i32
    %eq3A_266 = vector.broadcast %eq3A_265 : i32 to vector<16xi32>
    %eq3A_267 = arith.cmpi eq, %get3A_258, %eq3A_266 : vector<16xi32>
    %select_n3A_268 = arith.select %eq3A_267, %div3A_14, %select_n3A_264 : vector<16xi1>, vector<16xf32>
    %mul3A_269 = arith.constant 16 : i32
    %mul3A_270 = arith.muli %scan3A_253, %mul3A_269 : i32
    %swap3A_271 = arith.index_cast %mul3A_270 : i32 to index
    %swap3A_272 = tpu.vector_load %arg9[%swap3A_271] {strides = array<i32>} : memref<1024xf32, #tpu.memory_space<vmem>>, vector<16xf32>,
    %swap3A_273 = vector.shape_cast %swap3A_272 : vector<16xf32> to vector<16xf32>
    %swap3A_274 = vector.shape_cast %select_n3A_268 : vector<16xf32> to vector<16xf32>
    tpu.vector_store %arg9[%swap3A_271], %swap3A_274 {strides = array<i32>} : memref<1024xf32, #tpu.memory_space<vmem>>, vector<16xf32>,
    %scan3A_275 = arith.constant 12 : i32
    %mul3A_276 = arith.constant 16 : i32
    %mul3A_277 = arith.muli %scan3A_275, %mul3A_276 : i32
    %get3A_278 = arith.index_cast %mul3A_277 : i32 to index
    %get3A_279 = tpu.vector_load %arg7[%get3A_278] {strides = array<i32>} : memref<1024xi32, #tpu.memory_space<vmem>>, vector<16xi32>,
    %get3A_280 = vector.shape_cast %get3A_279 : vector<16xi32> to vector<16xi32>
    %broadcast_in_dim3A_281 = arith.constant 0.000000e+00 : f32
    %broadcast_in_dim3A_282 = vector.broadcast %broadcast_in_dim3A_281 : f32 to vector<16xf32>
    %eq3A_283 = arith.constant 0 : i32
    %eq3A_284 = vector.broadcast %eq3A_283 : i32 to vector<16xi32>
    %eq3A_285 = arith.cmpi eq, %get3A_280, %eq3A_284 : vector<16xi32>
    %select_n3A_286 = arith.select %eq3A_285, %div3A_6, %broadcast_in_dim3A_282 : vector<16xi1>, vector<16xf32>
    %eq3A_287 = arith.constant 1 : i32
    %eq3A_288 = vector.broadcast %eq3A_287 : i32 to vector<16xi32>
    %eq3A_289 = arith.cmpi eq, %get3A_280, %eq3A_288 : vector<16xi32>
    %select_n3A_290 = arith.select %eq3A_289, %div3A_14, %select_n3A_286 : vector<16xi1>, vector<16xf32>
    %mul3A_291 = arith.constant 16 : i32
    %mul3A_292 = arith.muli %scan3A_275, %mul3A_291 : i32
    %swap3A_293 = arith.index_cast %mul3A_292 : i32 to index
    %swap3A_294 = tpu.vector_load %arg9[%swap3A_293] {strides = array<i32>} : memref<1024xf32, #tpu.memory_space<vmem>>, vector<16xf32>,
    %swap3A_295 = vector.shape_cast %swap3A_294 : vector<16xf32> to vector<16xf32>
    %swap3A_296 = vector.shape_cast %select_n3A_290 : vector<16xf32> to vector<16xf32>
    tpu.vector_store %arg9[%swap3A_293], %swap3A_296 {strides = array<i32>} : memref<1024xf32, #tpu.memory_space<vmem>>, vector<16xf32>,
    %scan3A_297 = arith.constant 13 : i32
    %mul3A_298 = arith.constant 16 : i32
    %mul3A_299 = arith.muli %scan3A_297, %mul3A_298 : i32
    %get3A_300 = arith.index_cast %mul3A_299 : i32 to index
    %get3A_301 = tpu.vector_load %arg7[%get3A_300] {strides = array<i32>} : memref<1024xi32, #tpu.memory_space<vmem>>, vector<16xi32>,
    %get3A_302 = vector.shape_cast %get3A_301 : vector<16xi32> to vector<16xi32>
    %broadcast_in_dim3A_303 = arith.constant 0.000000e+00 : f32
    %broadcast_in_dim3A_304 = vector.broadcast %broadcast_in_dim3A_303 : f32 to vector<16xf32>
    %eq3A_305 = arith.constant 0 : i32
    %eq3A_306 = vector.broadcast %eq3A_305 : i32 to vector<16xi32>
    %eq3A_307 = arith.cmpi eq, %get3A_302, %eq3A_306 : vector<16xi32>
    %select_n3A_308 = arith.select %eq3A_307, %div3A_6, %broadcast_in_dim3A_304 : vector<16xi1>, vector<16xf32>
    %eq3A_309 = arith.constant 1 : i32
    %eq3A_310 = vector.broadcast %eq3A_309 : i32 to vector<16xi32>
    %eq3A_311 = arith.cmpi eq, %get3A_302, %eq3A_310 : vector<16xi32>
    %select_n3A_312 = arith.select %eq3A_311, %div3A_14, %select_n3A_308 : vector<16xi1>, vector<16xf32>
    %mul3A_313 = arith.constant 16 : i32
    %mul3A_314 = arith.muli %scan3A_297, %mul3A_313 : i32
    %swap3A_315 = arith.index_cast %mul3A_314 : i32 to index
    %swap3A_316 = tpu.vector_load %arg9[%swap3A_315] {strides = array<i32>} : memref<1024xf32, #tpu.memory_space<vmem>>, vector<16xf32>,
    %swap3A_317 = vector.shape_cast %swap3A_316 : vector<16xf32> to vector<16xf32>
    %swap3A_318 = vector.shape_cast %select_n3A_312 : vector<16xf32> to vector<16xf32>
    tpu.vector_store %arg9[%swap3A_315], %swap3A_318 {strides = array<i32>} : memref<1024xf32, #tpu.memory_space<vmem>>, vector<16xf32>,
    %scan3A_319 = arith.constant 14 : i32
    %mul3A_320 = arith.constant 16 : i32
    %mul3A_321 = arith.muli %scan3A_319, %mul3A_320 : i32
    %get3A_322 = arith.index_cast %mul3A_321 : i32 to index
    %get3A_323 = tpu.vector_load %arg7[%get3A_322] {strides = array<i32>} : memref<1024xi32, #tpu.memory_space<vmem>>, vector<16xi32>,
    %get3A_324 = vector.shape_cast %get3A_323 : vector<16xi32> to vector<16xi32>
    %broadcast_in_dim3A_325 = arith.constant 0.000000e+00 : f32
    %broadcast_in_dim3A_326 = vector.broadcast %broadcast_in_dim3A_325 : f32 to vector<16xf32>
    %eq3A_327 = arith.constant 0 : i32
    %eq3A_328 = vector.broadcast %eq3A_327 : i32 to vector<16xi32>
    %eq3A_329 = arith.cmpi eq, %get3A_324, %eq3A_328 : vector<16xi32>
    %select_n3A_330 = arith.select %eq3A_329, %div3A_6, %broadcast_in_dim3A_326 : vector<16xi1>, vector<16xf32>
    %eq3A_331 = arith.constant 1 : i32
    %eq3A_332 = vector.broadcast %eq3A_331 : i32 to vector<16xi32>
    %eq3A_333 = arith.cmpi eq, %get3A_324, %eq3A_332 : vector<16xi32>
    %select_n3A_334 = arith.select %eq3A_333, %div3A_14, %select_n3A_330 : vector<16xi1>, vector<16xf32>
    %mul3A_335 = arith.constant 16 : i32
    %mul3A_336 = arith.muli %scan3A_319, %mul3A_335 : i32
    %swap3A_337 = arith.index_cast %mul3A_336 : i32 to index
    %swap3A_338 = tpu.vector_load %arg9[%swap3A_337] {strides = array<i32>} : memref<1024xf32, #tpu.memory_space<vmem>>, vector<16xf32>,
    %swap3A_339 = vector.shape_cast %swap3A_338 : vector<16xf32> to vector<16xf32>
    %swap3A_340 = vector.shape_cast %select_n3A_334 : vector<16xf32> to vector<16xf32>
    tpu.vector_store %arg9[%swap3A_337], %swap3A_340 {strides = array<i32>} : memref<1024xf32, #tpu.memory_space<vmem>>, vector<16xf32>,
    %scan3A_341 = arith.constant 15 : i32
    %mul3A_342 = arith.constant 16 : i32
    %mul3A_343 = arith.muli %scan3A_341, %mul3A_342 : i32
    %get3A_344 = arith.index_cast %mul3A_343 : i32 to index
    %get3A_345 = tpu.vector_load %arg7[%get3A_344] {strides = array<i32>} : memref<1024xi32, #tpu.memory_space<vmem>>, vector<16xi32>,
    %get3A_346 = vector.shape_cast %get3A_345 : vector<16xi32> to vector<16xi32>
    %broadcast_in_dim3A_347 = arith.constant 0.000000e+00 : f32
    %broadcast_in_dim3A_348 = vector.broadcast %broadcast_in_dim3A_347 : f32 to vector<16xf32>
    %eq3A_349 = arith.constant 0 : i32
    %eq3A_350 = vector.broadcast %eq3A_349 : i32 to vector<16xi32>
    %eq3A_351 = arith.cmpi eq, %get3A_346, %eq3A_350 : vector<16xi32>
    %select_n3A_352 = arith.select %eq3A_351, %div3A_6, %broadcast_in_dim3A_348 : vector<16xi1>, vector<16xf32>
    %eq3A_353 = arith.constant 1 : i32
    %eq3A_354 = vector.broadcast %eq3A_353 : i32 to vector<16xi32>
    %eq3A_355 = arith.cmpi eq, %get3A_346, %eq3A_354 : vector<16xi32>
    %select_n3A_356 = arith.select %eq3A_355, %div3A_14, %select_n3A_352 : vector<16xi1>, vector<16xf32>
    %mul3A_357 = arith.constant 16 : i32
    %mul3A_358 = arith.muli %scan3A_341, %mul3A_357 : i32
    %swap3A_359 = arith.index_cast %mul3A_358 : i32 to index
    %swap3A_360 = tpu.vector_load %arg9[%swap3A_359] {strides = array<i32>} : memref<1024xf32, #tpu.memory_space<vmem>>, vector<16xf32>,
    %swap3A_361 = vector.shape_cast %swap3A_360 : vector<16xf32> to vector<16xf32>
    %swap3A_362 = vector.shape_cast %select_n3A_356 : vector<16xf32> to vector<16xf32>
    tpu.vector_store %arg9[%swap3A_359], %swap3A_362 {strides = array<i32>} : memref<1024xf32, #tpu.memory_space<vmem>>, vector<16xf32>,
    %scan3A_363 = arith.constant 16 : i32
    %mul3A_364 = arith.constant 16 : i32
    %mul3A_365 = arith.muli %scan3A_363, %mul3A_364 : i32
    %get3A_366 = arith.index_cast %mul3A_365 : i32 to index
    %get3A_367 = tpu.vector_load %arg7[%get3A_366] {strides = array<i32>} : memref<1024xi32, #tpu.memory_space<vmem>>, vector<16xi32>,
    %get3A_368 = vector.shape_cast %get3A_367 : vector<16xi32> to vector<16xi32>
    %broadcast_in_dim3A_369 = arith.constant 0.000000e+00 : f32
    %broadcast_in_dim3A_370 = vector.broadcast %broadcast_in_dim3A_369 : f32 to vector<16xf32>
    %eq3A_371 = arith.constant 0 : i32
    %eq3A_372 = vector.broadcast %eq3A_371 : i32 to vector<16xi32>
    %eq3A_373 = arith.cmpi eq, %get3A_368, %eq3A_372 : vector<16xi32>
    %select_n3A_374 = arith.select %eq3A_373, %div3A_6, %broadcast_in_dim3A_370 : vector<16xi1>, vector<16xf32>
    %eq3A_375 = arith.constant 1 : i32
    %eq3A_376 = vector.broadcast %eq3A_375 : i32 to vector<16xi32>
    %eq3A_377 = arith.cmpi eq, %get3A_368, %eq3A_376 : vector<16xi32>
    %select_n3A_378 = arith.select %eq3A_377, %div3A_14, %select_n3A_374 : vector<16xi1>, vector<16xf32>
    %mul3A_379 = arith.constant 16 : i32
    %mul3A_380 = arith.muli %scan3A_363, %mul3A_379 : i32
    %swap3A_381 = arith.index_cast %mul3A_380 : i32 to index
    %swap3A_382 = tpu.vector_load %arg9[%swap3A_381] {strides = array<i32>} : memref<1024xf32, #tpu.memory_space<vmem>>, vector<16xf32>,
    %swap3A_383 = vector.shape_cast %swap3A_382 : vector<16xf32> to vector<16xf32>
    %swap3A_384 = vector.shape_cast %select_n3A_378 : vector<16xf32> to vector<16xf32>
    tpu.vector_store %arg9[%swap3A_381], %swap3A_384 {strides = array<i32>} : memref<1024xf32, #tpu.memory_space<vmem>>, vector<16xf32>,
    %scan3A_385 = arith.constant 17 : i32
    %mul3A_386 = arith.constant 16 : i32
    %mul3A_387 = arith.muli %scan3A_385, %mul3A_386 : i32
    %get3A_388 = arith.index_cast %mul3A_387 : i32 to index
    %get3A_389 = tpu.vector_load %arg7[%get3A_388] {strides = array<i32>} : memref<1024xi32, #tpu.memory_space<vmem>>, vector<16xi32>,
    %get3A_390 = vector.shape_cast %get3A_389 : vector<16xi32> to vector<16xi32>
    %broadcast_in_dim3A_391 = arith.constant 0.000000e+00 : f32
    %broadcast_in_dim3A_392 = vector.broadcast %broadcast_in_dim3A_391 : f32 to vector<16xf32>
    %eq3A_393 = arith.constant 0 : i32
    %eq3A_394 = vector.broadcast %eq3A_393 : i32 to vector<16xi32>
    %eq3A_395 = arith.cmpi eq, %get3A_390, %eq3A_394 : vector<16xi32>
    %select_n3A_396 = arith.select %eq3A_395, %div3A_6, %broadcast_in_dim3A_392 : vector<16xi1>, vector<16xf32>
    %eq3A_397 = arith.constant 1 : i32
    %eq3A_398 = vector.broadcast %eq3A_397 : i32 to vector<16xi32>
    %eq3A_399 = arith.cmpi eq, %get3A_390, %eq3A_398 : vector<16xi32>
    %select_n3A_400 = arith.select %eq3A_399, %div3A_14, %select_n3A_396 : vector<16xi1>, vector<16xf32>
    %mul3A_401 = arith.constant 16 : i32
    %mul3A_402 = arith.muli %scan3A_385, %mul3A_401 : i32
    %swap3A_403 = arith.index_cast %mul3A_402 : i32 to index
    %swap3A_404 = tpu.vector_load %arg9[%swap3A_403] {strides = array<i32>} : memref<1024xf32, #tpu.memory_space<vmem>>, vector<16xf32>,
    %swap3A_405 = vector.shape_cast %swap3A_404 : vector<16xf32> to vector<16xf32>
    %swap3A_406 = vector.shape_cast %select_n3A_400 : vector<16xf32> to vector<16xf32>
    tpu.vector_store %arg9[%swap3A_403], %swap3A_406 {strides = array<i32>} : memref<1024xf32, #tpu.memory_space<vmem>>, vector<16xf32>,
    %scan3A_407 = arith.constant 18 : i32
    %mul3A_408 = arith.constant 16 : i32
    %mul3A_409 = arith.muli %scan3A_407, %mul3A_408 : i32
    %get3A_410 = arith.index_cast %mul3A_409 : i32 to index
    %get3A_411 = tpu.vector_load %arg7[%get3A_410] {strides = array<i32>} : memref<1024xi32, #tpu.memory_space<vmem>>, vector<16xi32>,
    %get3A_412 = vector.shape_cast %get3A_411 : vector<16xi32> to vector<16xi32>
    %broadcast_in_dim3A_413 = arith.constant 0.000000e+00 : f32
    %broadcast_in_dim3A_414 = vector.broadcast %broadcast_in_dim3A_413 : f32 to vector<16xf32>
    %eq3A_415 = arith.constant 0 : i32
    %eq3A_416 = vector.broadcast %eq3A_415 : i32 to vector<16xi32>
    %eq3A_417 = arith.cmpi eq, %get3A_412, %eq3A_416 : vector<16xi32>
    %select_n3A_418 = arith.select %eq3A_417, %div3A_6, %broadcast_in_dim3A_414 : vector<16xi1>, vector<16xf32>
    %eq3A_419 = arith.constant 1 : i32
    %eq3A_420 = vector.broadcast %eq3A_419 : i32 to vector<16xi32>
    %eq3A_421 = arith.cmpi eq, %get3A_412, %eq3A_420 : vector<16xi32>
    %select_n3A_422 = arith.select %eq3A_421, %div3A_14, %select_n3A_418 : vector<16xi1>, vector<16xf32>
    %mul3A_423 = arith.constant 16 : i32
    %mul3A_424 = arith.muli %scan3A_407, %mul3A_423 : i32
    %swap3A_425 = arith.index_cast %mul3A_424 : i32 to index
    %swap3A_426 = tpu.vector_load %arg9[%swap3A_425] {strides = array<i32>} : memref<1024xf32, #tpu.memory_space<vmem>>, vector<16xf32>,
    %swap3A_427 = vector.shape_cast %swap3A_426 : vector<16xf32> to vector<16xf32>
    %swap3A_428 = vector.shape_cast %select_n3A_422 : vector<16xf32> to vector<16xf32>
    tpu.vector_store %arg9[%swap3A_425], %swap3A_428 {strides = array<i32>} : memref<1024xf32, #tpu.memory_space<vmem>>, vector<16xf32>,
    %scan3A_429 = arith.constant 19 : i32
    %mul3A_430 = arith.constant 16 : i32
    %mul3A_431 = arith.muli %scan3A_429, %mul3A_430 : i32
    %get3A_432 = arith.index_cast %mul3A_431 : i32 to index
    %get3A_433 = tpu.vector_load %arg7[%get3A_432] {strides = array<i32>} : memref<1024xi32, #tpu.memory_space<vmem>>, vector<16xi32>,
    %get3A_434 = vector.shape_cast %get3A_433 : vector<16xi32> to vector<16xi32>
    %broadcast_in_dim3A_435 = arith.constant 0.000000e+00 : f32
    %broadcast_in_dim3A_436 = vector.broadcast %broadcast_in_dim3A_435 : f32 to vector<16xf32>
    %eq3A_437 = arith.constant 0 : i32
    %eq3A_438 = vector.broadcast %eq3A_437 : i32 to vector<16xi32>
    %eq3A_439 = arith.cmpi eq, %get3A_434, %eq3A_438 : vector<16xi32>
    %select_n3A_440 = arith.select %eq3A_439, %div3A_6, %broadcast_in_dim3A_436 : vector<16xi1>, vector<16xf32>
    %eq3A_441 = arith.constant 1 : i32
    %eq3A_442 = vector.broadcast %eq3A_441 : i32 to vector<16xi32>
    %eq3A_443 = arith.cmpi eq, %get3A_434, %eq3A_442 : vector<16xi32>
    %select_n3A_444 = arith.select %eq3A_443, %div3A_14, %select_n3A_440 : vector<16xi1>, vector<16xf32>
    %mul3A_445 = arith.constant 16 : i32
    %mul3A_446 = arith.muli %scan3A_429, %mul3A_445 : i32
    %swap3A_447 = arith.index_cast %mul3A_446 : i32 to index
    %swap3A_448 = tpu.vector_load %arg9[%swap3A_447] {strides = array<i32>} : memref<1024xf32, #tpu.memory_space<vmem>>, vector<16xf32>,
    %swap3A_449 = vector.shape_cast %swap3A_448 : vector<16xf32> to vector<16xf32>
    %swap3A_450 = vector.shape_cast %select_n3A_444 : vector<16xf32> to vector<16xf32>
    tpu.vector_store %arg9[%swap3A_447], %swap3A_450 {strides = array<i32>} : memref<1024xf32, #tpu.memory_space<vmem>>, vector<16xf32>,
    %scan3A_451 = arith.constant 20 : i32
    %mul3A_452 = arith.constant 16 : i32
    %mul3A_453 = arith.muli %scan3A_451, %mul3A_452 : i32
    %get3A_454 = arith.index_cast %mul3A_453 : i32 to index
    %get3A_455 = tpu.vector_load %arg7[%get3A_454] {strides = array<i32>} : memref<1024xi32, #tpu.memory_space<vmem>>, vector<16xi32>,
    %get3A_456 = vector.shape_cast %get3A_455 : vector<16xi32> to vector<16xi32>
    %broadcast_in_dim3A_457 = arith.constant 0.000000e+00 : f32
    %broadcast_in_dim3A_458 = vector.broadcast %broadcast_in_dim3A_457 : f32 to vector<16xf32>
    %eq3A_459 = arith.constant 0 : i32
    %eq3A_460 = vector.broadcast %eq3A_459 : i32 to vector<16xi32>
    %eq3A_461 = arith.cmpi eq, %get3A_456, %eq3A_460 : vector<16xi32>
    %select_n3A_462 = arith.select %eq3A_461, %div3A_6, %broadcast_in_dim3A_458 : vector<16xi1>, vector<16xf32>
    %eq3A_463 = arith.constant 1 : i32
    %eq3A_464 = vector.broadcast %eq3A_463 : i32 to vector<16xi32>
    %eq3A_465 = arith.cmpi eq, %get3A_456, %eq3A_464 : vector<16xi32>
    %select_n3A_466 = arith.select %eq3A_465, %div3A_14, %select_n3A_462 : vector<16xi1>, vector<16xf32>
    %mul3A_467 = arith.constant 16 : i32
    %mul3A_468 = arith.muli %scan3A_451, %mul3A_467 : i32
    %swap3A_469 = arith.index_cast %mul3A_468 : i32 to index
    %swap3A_470 = tpu.vector_load %arg9[%swap3A_469] {strides = array<i32>} : memref<1024xf32, #tpu.memory_space<vmem>>, vector<16xf32>,
    %swap3A_471 = vector.shape_cast %swap3A_470 : vector<16xf32> to vector<16xf32>
    %swap3A_472 = vector.shape_cast %select_n3A_466 : vector<16xf32> to vector<16xf32>
    tpu.vector_store %arg9[%swap3A_469], %swap3A_472 {strides = array<i32>} : memref<1024xf32, #tpu.memory_space<vmem>>, vector<16xf32>,
    %scan3A_473 = arith.constant 21 : i32
    %mul3A_474 = arith.constant 16 : i32
    %mul3A_475 = arith.muli %scan3A_473, %mul3A_474 : i32
    %get3A_476 = arith.index_cast %mul3A_475 : i32 to index
    %get3A_477 = tpu.vector_load %arg7[%get3A_476] {strides = array<i32>} : memref<1024xi32, #tpu.memory_space<vmem>>, vector<16xi32>,
    %get3A_478 = vector.shape_cast %get3A_477 : vector<16xi32> to vector<16xi32>
    %broadcast_in_dim3A_479 = arith.constant 0.000000e+00 : f32
    %broadcast_in_dim3A_480 = vector.broadcast %broadcast_in_dim3A_479 : f32 to vector<16xf32>
    %eq3A_481 = arith.constant 0 : i32
    %eq3A_482 = vector.broadcast %eq3A_481 : i32 to vector<16xi32>
    %eq3A_483 = arith.cmpi eq, %get3A_478, %eq3A_482 : vector<16xi32>
    %select_n3A_484 = arith.select %eq3A_483, %div3A_6, %broadcast_in_dim3A_480 : vector<16xi1>, vector<16xf32>
    %eq3A_485 = arith.constant 1 : i32
    %eq3A_486 = vector.broadcast %eq3A_485 : i32 to vector<16xi32>
    %eq3A_487 = arith.cmpi eq, %get3A_478, %eq3A_486 : vector<16xi32>
    %select_n3A_488 = arith.select %eq3A_487, %div3A_14, %select_n3A_484 : vector<16xi1>, vector<16xf32>
    %mul3A_489 = arith.constant 16 : i32
    %mul3A_490 = arith.muli %scan3A_473, %mul3A_489 : i32
    %swap3A_491 = arith.index_cast %mul3A_490 : i32 to index
    %swap3A_492 = tpu.vector_load %arg9[%swap3A_491] {strides = array<i32>} : memref<1024xf32, #tpu.memory_space<vmem>>, vector<16xf32>,
    %swap3A_493 = vector.shape_cast %swap3A_492 : vector<16xf32> to vector<16xf32>
    %swap3A_494 = vector.shape_cast %select_n3A_488 : vector<16xf32> to vector<16xf32>
    tpu.vector_store %arg9[%swap3A_491], %swap3A_494 {strides = array<i32>} : memref<1024xf32, #tpu.memory_space<vmem>>, vector<16xf32>,
    %scan3A_495 = arith.constant 22 : i32
    %mul3A_496 = arith.constant 16 : i32
    %mul3A_497 = arith.muli %scan3A_495, %mul3A_496 : i32
    %get3A_498 = arith.index_cast %mul3A_497 : i32 to index
    %get3A_499 = tpu.vector_load %arg7[%get3A_498] {strides = array<i32>} : memref<1024xi32, #tpu.memory_space<vmem>>, vector<16xi32>,
    %get3A_500 = vector.shape_cast %get3A_499 : vector<16xi32> to vector<16xi32>
    %broadcast_in_dim3A_501 = arith.constant 0.000000e+00 : f32
    %broadcast_in_dim3A_502 = vector.broadcast %broadcast_in_dim3A_501 : f32 to vector<16xf32>
    %eq3A_503 = arith.constant 0 : i32
    %eq3A_504 = vector.broadcast %eq3A_503 : i32 to vector<16xi32>
    %eq3A_505 = arith.cmpi eq, %get3A_500, %eq3A_504 : vector<16xi32>
    %select_n3A_506 = arith.select %eq3A_505, %div3A_6, %broadcast_in_dim3A_502 : vector<16xi1>, vector<16xf32>
    %eq3A_507 = arith.constant 1 : i32
    %eq3A_508 = vector.broadcast %eq3A_507 : i32 to vector<16xi32>
    %eq3A_509 = arith.cmpi eq, %get3A_500, %eq3A_508 : vector<16xi32>
    %select_n3A_510 = arith.select %eq3A_509, %div3A_14, %select_n3A_506 : vector<16xi1>, vector<16xf32>
    %mul3A_511 = arith.constant 16 : i32
    %mul3A_512 = arith.muli %scan3A_495, %mul3A_511 : i32
    %swap3A_513 = arith.index_cast %mul3A_512 : i32 to index
    %swap3A_514 = tpu.vector_load %arg9[%swap3A_513] {strides = array<i32>} : memref<1024xf32, #tpu.memory_space<vmem>>, vector<16xf32>,
    %swap3A_515 = vector.shape_cast %swap3A_514 : vector<16xf32> to vector<16xf32>
    %swap3A_516 = vector.shape_cast %select_n3A_510 : vector<16xf32> to vector<16xf32>
    tpu.vector_store %arg9[%swap3A_513], %swap3A_516 {strides = array<i32>} : memref<1024xf32, #tpu.memory_space<vmem>>, vector<16xf32>,
    %scan3A_517 = arith.constant 23 : i32
    %mul3A_518 = arith.constant 16 : i32
    %mul3A_519 = arith.muli %scan3A_517, %mul3A_518 : i32
    %get3A_520 = arith.index_cast %mul3A_519 : i32 to index
    %get3A_521 = tpu.vector_load %arg7[%get3A_520] {strides = array<i32>} : memref<1024xi32, #tpu.memory_space<vmem>>, vector<16xi32>,
    %get3A_522 = vector.shape_cast %get3A_521 : vector<16xi32> to vector<16xi32>
    %broadcast_in_dim3A_523 = arith.constant 0.000000e+00 : f32
    %broadcast_in_dim3A_524 = vector.broadcast %broadcast_in_dim3A_523 : f32 to vector<16xf32>
    %eq3A_525 = arith.constant 0 : i32
    %eq3A_526 = vector.broadcast %eq3A_525 : i32 to vector<16xi32>
    %eq3A_527 = arith.cmpi eq, %get3A_522, %eq3A_526 : vector<16xi32>
    %select_n3A_528 = arith.select %eq3A_527, %div3A_6, %broadcast_in_dim3A_524 : vector<16xi1>, vector<16xf32>
    %eq3A_529 = arith.constant 1 : i32
    %eq3A_530 = vector.broadcast %eq3A_529 : i32 to vector<16xi32>
    %eq3A_531 = arith.cmpi eq, %get3A_522, %eq3A_530 : vector<16xi32>
    %select_n3A_532 = arith.select %eq3A_531, %div3A_14, %select_n3A_528 : vector<16xi1>, vector<16xf32>
    %mul3A_533 = arith.constant 16 : i32
    %mul3A_534 = arith.muli %scan3A_517, %mul3A_533 : i32
    %swap3A_535 = arith.index_cast %mul3A_534 : i32 to index
    %swap3A_536 = tpu.vector_load %arg9[%swap3A_535] {strides = array<i32>} : memref<1024xf32, #tpu.memory_space<vmem>>, vector<16xf32>,
    %swap3A_537 = vector.shape_cast %swap3A_536 : vector<16xf32> to vector<16xf32>
    %swap3A_538 = vector.shape_cast %select_n3A_532 : vector<16xf32> to vector<16xf32>
    tpu.vector_store %arg9[%swap3A_535], %swap3A_538 {strides = array<i32>} : memref<1024xf32, #tpu.memory_space<vmem>>, vector<16xf32>,
    %scan3A_539 = arith.constant 24 : i32
    %mul3A_540 = arith.constant 16 : i32
    %mul3A_541 = arith.muli %scan3A_539, %mul3A_540 : i32
    %get3A_542 = arith.index_cast %mul3A_541 : i32 to index
    %get3A_543 = tpu.vector_load %arg7[%get3A_542] {strides = array<i32>} : memref<1024xi32, #tpu.memory_space<vmem>>, vector<16xi32>,
    %get3A_544 = vector.shape_cast %get3A_543 : vector<16xi32> to vector<16xi32>
    %broadcast_in_dim3A_545 = arith.constant 0.000000e+00 : f32
    %broadcast_in_dim3A_546 = vector.broadcast %broadcast_in_dim3A_545 : f32 to vector<16xf32>
    %eq3A_547 = arith.constant 0 : i32
    %eq3A_548 = vector.broadcast %eq3A_547 : i32 to vector<16xi32>
    %eq3A_549 = arith.cmpi eq, %get3A_544, %eq3A_548 : vector<16xi32>
    %select_n3A_550 = arith.select %eq3A_549, %div3A_6, %broadcast_in_dim3A_546 : vector<16xi1>, vector<16xf32>
    %eq3A_551 = arith.constant 1 : i32
    %eq3A_552 = vector.broadcast %eq3A_551 : i32 to vector<16xi32>
    %eq3A_553 = arith.cmpi eq, %get3A_544, %eq3A_552 : vector<16xi32>
    %select_n3A_554 = arith.select %eq3A_553, %div3A_14, %select_n3A_550 : vector<16xi1>, vector<16xf32>
    %mul3A_555 = arith.constant 16 : i32
    %mul3A_556 = arith.muli %scan3A_539, %mul3A_555 : i32
    %swap3A_557 = arith.index_cast %mul3A_556 : i32 to index
    %swap3A_558 = tpu.vector_load %arg9[%swap3A_557] {strides = array<i32>} : memref<1024xf32, #tpu.memory_space<vmem>>, vector<16xf32>,
    %swap3A_559 = vector.shape_cast %swap3A_558 : vector<16xf32> to vector<16xf32>
    %swap3A_560 = vector.shape_cast %select_n3A_554 : vector<16xf32> to vector<16xf32>
    tpu.vector_store %arg9[%swap3A_557], %swap3A_560 {strides = array<i32>} : memref<1024xf32, #tpu.memory_space<vmem>>, vector<16xf32>,
    %scan3A_561 = arith.constant 25 : i32
    %mul3A_562 = arith.constant 16 : i32
    %mul3A_563 = arith.muli %scan3A_561, %mul3A_562 : i32
    %get3A_564 = arith.index_cast %mul3A_563 : i32 to index
    %get3A_565 = tpu.vector_load %arg7[%get3A_564] {strides = array<i32>} : memref<1024xi32, #tpu.memory_space<vmem>>, vector<16xi32>,
    %get3A_566 = vector.shape_cast %get3A_565 : vector<16xi32> to vector<16xi32>
    %broadcast_in_dim3A_567 = arith.constant 0.000000e+00 : f32
    %broadcast_in_dim3A_568 = vector.broadcast %broadcast_in_dim3A_567 : f32 to vector<16xf32>
    %eq3A_569 = arith.constant 0 : i32
    %eq3A_570 = vector.broadcast %eq3A_569 : i32 to vector<16xi32>
    %eq3A_571 = arith.cmpi eq, %get3A_566, %eq3A_570 : vector<16xi32>
    %select_n3A_572 = arith.select %eq3A_571, %div3A_6, %broadcast_in_dim3A_568 : vector<16xi1>, vector<16xf32>
    %eq3A_573 = arith.constant 1 : i32
    %eq3A_574 = vector.broadcast %eq3A_573 : i32 to vector<16xi32>
    %eq3A_575 = arith.cmpi eq, %get3A_566, %eq3A_574 : vector<16xi32>
    %select_n3A_576 = arith.select %eq3A_575, %div3A_14, %select_n3A_572 : vector<16xi1>, vector<16xf32>
    %mul3A_577 = arith.constant 16 : i32
    %mul3A_578 = arith.muli %scan3A_561, %mul3A_577 : i32
    %swap3A_579 = arith.index_cast %mul3A_578 : i32 to index
    %swap3A_580 = tpu.vector_load %arg9[%swap3A_579] {strides = array<i32>} : memref<1024xf32, #tpu.memory_space<vmem>>, vector<16xf32>,
    %swap3A_581 = vector.shape_cast %swap3A_580 : vector<16xf32> to vector<16xf32>
    %swap3A_582 = vector.shape_cast %select_n3A_576 : vector<16xf32> to vector<16xf32>
    tpu.vector_store %arg9[%swap3A_579], %swap3A_582 {strides = array<i32>} : memref<1024xf32, #tpu.memory_space<vmem>>, vector<16xf32>,
    %scan3A_583 = arith.constant 26 : i32
    %mul3A_584 = arith.constant 16 : i32
    %mul3A_585 = arith.muli %scan3A_583, %mul3A_584 : i32
    %get3A_586 = arith.index_cast %mul3A_585 : i32 to index
    %get3A_587 = tpu.vector_load %arg7[%get3A_586] {strides = array<i32>} : memref<1024xi32, #tpu.memory_space<vmem>>, vector<16xi32>,
    %get3A_588 = vector.shape_cast %get3A_587 : vector<16xi32> to vector<16xi32>
    %broadcast_in_dim3A_589 = arith.constant 0.000000e+00 : f32
    %broadcast_in_dim3A_590 = vector.broadcast %broadcast_in_dim3A_589 : f32 to vector<16xf32>
    %eq3A_591 = arith.constant 0 : i32
    %eq3A_592 = vector.broadcast %eq3A_591 : i32 to vector<16xi32>
    %eq3A_593 = arith.cmpi eq, %get3A_588, %eq3A_592 : vector<16xi32>
    %select_n3A_594 = arith.select %eq3A_593, %div3A_6, %broadcast_in_dim3A_590 : vector<16xi1>, vector<16xf32>
    %eq3A_595 = arith.constant 1 : i32
    %eq3A_596 = vector.broadcast %eq3A_595 : i32 to vector<16xi32>
    %eq3A_597 = arith.cmpi eq, %get3A_588, %eq3A_596 : vector<16xi32>
    %select_n3A_598 = arith.select %eq3A_597, %div3A_14, %select_n3A_594 : vector<16xi1>, vector<16xf32>
    %mul3A_599 = arith.constant 16 : i32
    %mul3A_600 = arith.muli %scan3A_583, %mul3A_599 : i32
    %swap3A_601 = arith.index_cast %mul3A_600 : i32 to index
    %swap3A_602 = tpu.vector_load %arg9[%swap3A_601] {strides = array<i32>} : memref<1024xf32, #tpu.memory_space<vmem>>, vector<16xf32>,
    %swap3A_603 = vector.shape_cast %swap3A_602 : vector<16xf32> to vector<16xf32>
    %swap3A_604 = vector.shape_cast %select_n3A_598 : vector<16xf32> to vector<16xf32>
    tpu.vector_store %arg9[%swap3A_601], %swap3A_604 {strides = array<i32>} : memref<1024xf32, #tpu.memory_space<vmem>>, vector<16xf32>,
    %scan3A_605 = arith.constant 27 : i32
    %mul3A_606 = arith.constant 16 : i32
    %mul3A_607 = arith.muli %scan3A_605, %mul3A_606 : i32
    %get3A_608 = arith.index_cast %mul3A_607 : i32 to index
    %get3A_609 = tpu.vector_load %arg7[%get3A_608] {strides = array<i32>} : memref<1024xi32, #tpu.memory_space<vmem>>, vector<16xi32>,
    %get3A_610 = vector.shape_cast %get3A_609 : vector<16xi32> to vector<16xi32>
    %broadcast_in_dim3A_611 = arith.constant 0.000000e+00 : f32
    %broadcast_in_dim3A_612 = vector.broadcast %broadcast_in_dim3A_611 : f32 to vector<16xf32>
    %eq3A_613 = arith.constant 0 : i32
    %eq3A_614 = vector.broadcast %eq3A_613 : i32 to vector<16xi32>
    %eq3A_615 = arith.cmpi eq, %get3A_610, %eq3A_614 : vector<16xi32>
    %select_n3A_616 = arith.select %eq3A_615, %div3A_6, %broadcast_in_dim3A_612 : vector<16xi1>, vector<16xf32>
    %eq3A_617 = arith.constant 1 : i32
    %eq3A_618 = vector.broadcast %eq3A_617 : i32 to vector<16xi32>
    %eq3A_619 = arith.cmpi eq, %get3A_610, %eq3A_618 : vector<16xi32>
    %select_n3A_620 = arith.select %eq3A_619, %div3A_14, %select_n3A_616 : vector<16xi1>, vector<16xf32>
    %mul3A_621 = arith.constant 16 : i32
    %mul3A_622 = arith.muli %scan3A_605, %mul3A_621 : i32
    %swap3A_623 = arith.index_cast %mul3A_622 : i32 to index
    %swap3A_624 = tpu.vector_load %arg9[%swap3A_623] {strides = array<i32>} : memref<1024xf32, #tpu.memory_space<vmem>>, vector<16xf32>,
    %swap3A_625 = vector.shape_cast %swap3A_624 : vector<16xf32> to vector<16xf32>
    %swap3A_626 = vector.shape_cast %select_n3A_620 : vector<16xf32> to vector<16xf32>
    tpu.vector_store %arg9[%swap3A_623], %swap3A_626 {strides = array<i32>} : memref<1024xf32, #tpu.memory_space<vmem>>, vector<16xf32>,
    %scan3A_627 = arith.constant 28 : i32
    %mul3A_628 = arith.constant 16 : i32
    %mul3A_629 = arith.muli %scan3A_627, %mul3A_628 : i32
    %get3A_630 = arith.index_cast %mul3A_629 : i32 to index
    %get3A_631 = tpu.vector_load %arg7[%get3A_630] {strides = array<i32>} : memref<1024xi32, #tpu.memory_space<vmem>>, vector<16xi32>,
    %get3A_632 = vector.shape_cast %get3A_631 : vector<16xi32> to vector<16xi32>
    %broadcast_in_dim3A_633 = arith.constant 0.000000e+00 : f32
    %broadcast_in_dim3A_634 = vector.broadcast %broadcast_in_dim3A_633 : f32 to vector<16xf32>
    %eq3A_635 = arith.constant 0 : i32
    %eq3A_636 = vector.broadcast %eq3A_635 : i32 to vector<16xi32>
    %eq3A_637 = arith.cmpi eq, %get3A_632, %eq3A_636 : vector<16xi32>
    %select_n3A_638 = arith.select %eq3A_637, %div3A_6, %broadcast_in_dim3A_634 : vector<16xi1>, vector<16xf32>
    %eq3A_639 = arith.constant 1 : i32
    %eq3A_640 = vector.broadcast %eq3A_639 : i32 to vector<16xi32>
    %eq3A_641 = arith.cmpi eq, %get3A_632, %eq3A_640 : vector<16xi32>
    %select_n3A_642 = arith.select %eq3A_641, %div3A_14, %select_n3A_638 : vector<16xi1>, vector<16xf32>
    %mul3A_643 = arith.constant 16 : i32
    %mul3A_644 = arith.muli %scan3A_627, %mul3A_643 : i32
    %swap3A_645 = arith.index_cast %mul3A_644 : i32 to index
    %swap3A_646 = tpu.vector_load %arg9[%swap3A_645] {strides = array<i32>} : memref<1024xf32, #tpu.memory_space<vmem>>, vector<16xf32>,
    %swap3A_647 = vector.shape_cast %swap3A_646 : vector<16xf32> to vector<16xf32>
    %swap3A_648 = vector.shape_cast %select_n3A_642 : vector<16xf32> to vector<16xf32>
    tpu.vector_store %arg9[%swap3A_645], %swap3A_648 {strides = array<i32>} : memref<1024xf32, #tpu.memory_space<vmem>>, vector<16xf32>,
    %scan3A_649 = arith.constant 29 : i32
    %mul3A_650 = arith.constant 16 : i32
    %mul3A_651 = arith.muli %scan3A_649, %mul3A_650 : i32
    %get3A_652 = arith.index_cast %mul3A_651 : i32 to index
    %get3A_653 = tpu.vector_load %arg7[%get3A_652] {strides = array<i32>} : memref<1024xi32, #tpu.memory_space<vmem>>, vector<16xi32>,
    %get3A_654 = vector.shape_cast %get3A_653 : vector<16xi32> to vector<16xi32>
    %broadcast_in_dim3A_655 = arith.constant 0.000000e+00 : f32
    %broadcast_in_dim3A_656 = vector.broadcast %broadcast_in_dim3A_655 : f32 to vector<16xf32>
    %eq3A_657 = arith.constant 0 : i32
    %eq3A_658 = vector.broadcast %eq3A_657 : i32 to vector<16xi32>
    %eq3A_659 = arith.cmpi eq, %get3A_654, %eq3A_658 : vector<16xi32>
    %select_n3A_660 = arith.select %eq3A_659, %div3A_6, %broadcast_in_dim3A_656 : vector<16xi1>, vector<16xf32>
    %eq3A_661 = arith.constant 1 : i32
    %eq3A_662 = vector.broadcast %eq3A_661 : i32 to vector<16xi32>
    %eq3A_663 = arith.cmpi eq, %get3A_654, %eq3A_662 : vector<16xi32>
    %select_n3A_664 = arith.select %eq3A_663, %div3A_14, %select_n3A_660 : vector<16xi1>, vector<16xf32>
    %mul3A_665 = arith.constant 16 : i32
    %mul3A_666 = arith.muli %scan3A_649, %mul3A_665 : i32
    %swap3A_667 = arith.index_cast %mul3A_666 : i32 to index
    %swap3A_668 = tpu.vector_load %arg9[%swap3A_667] {strides = array<i32>} : memref<1024xf32, #tpu.memory_space<vmem>>, vector<16xf32>,
    %swap3A_669 = vector.shape_cast %swap3A_668 : vector<16xf32> to vector<16xf32>
    %swap3A_670 = vector.shape_cast %select_n3A_664 : vector<16xf32> to vector<16xf32>
    tpu.vector_store %arg9[%swap3A_667], %swap3A_670 {strides = array<i32>} : memref<1024xf32, #tpu.memory_space<vmem>>, vector<16xf32>,
    %scan3A_671 = arith.constant 30 : i32
    %mul3A_672 = arith.constant 16 : i32
    %mul3A_673 = arith.muli %scan3A_671, %mul3A_672 : i32
    %get3A_674 = arith.index_cast %mul3A_673 : i32 to index
    %get3A_675 = tpu.vector_load %arg7[%get3A_674] {strides = array<i32>} : memref<1024xi32, #tpu.memory_space<vmem>>, vector<16xi32>,
    %get3A_676 = vector.shape_cast %get3A_675 : vector<16xi32> to vector<16xi32>
    %broadcast_in_dim3A_677 = arith.constant 0.000000e+00 : f32
    %broadcast_in_dim3A_678 = vector.broadcast %broadcast_in_dim3A_677 : f32 to vector<16xf32>
    %eq3A_679 = arith.constant 0 : i32
    %eq3A_680 = vector.broadcast %eq3A_679 : i32 to vector<16xi32>
    %eq3A_681 = arith.cmpi eq, %get3A_676, %eq3A_680 : vector<16xi32>
    %select_n3A_682 = arith.select %eq3A_681, %div3A_6, %broadcast_in_dim3A_678 : vector<16xi1>, vector<16xf32>
    %eq3A_683 = arith.constant 1 : i32
    %eq3A_684 = vector.broadcast %eq3A_683 : i32 to vector<16xi32>
    %eq3A_685 = arith.cmpi eq, %get3A_676, %eq3A_684 : vector<16xi32>
    %select_n3A_686 = arith.select %eq3A_685, %div3A_14, %select_n3A_682 : vector<16xi1>, vector<16xf32>
    %mul3A_687 = arith.constant 16 : i32
    %mul3A_688 = arith.muli %scan3A_671, %mul3A_687 : i32
    %swap3A_689 = arith.index_cast %mul3A_688 : i32 to index
    %swap3A_690 = tpu.vector_load %arg9[%swap3A_689] {strides = array<i32>} : memref<1024xf32, #tpu.memory_space<vmem>>, vector<16xf32>,
    %swap3A_691 = vector.shape_cast %swap3A_690 : vector<16xf32> to vector<16xf32>
    %swap3A_692 = vector.shape_cast %select_n3A_686 : vector<16xf32> to vector<16xf32>
    tpu.vector_store %arg9[%swap3A_689], %swap3A_692 {strides = array<i32>} : memref<1024xf32, #tpu.memory_space<vmem>>, vector<16xf32>,
    %scan3A_693 = arith.constant 31 : i32
    %mul3A_694 = arith.constant 16 : i32
    %mul3A_695 = arith.muli %scan3A_693, %mul3A_694 : i32
    %get3A_696 = arith.index_cast %mul3A_695 : i32 to index
    %get3A_697 = tpu.vector_load %arg7[%get3A_696] {strides = array<i32>} : memref<1024xi32, #tpu.memory_space<vmem>>, vector<16xi32>,
    %get3A_698 = vector.shape_cast %get3A_697 : vector<16xi32> to vector<16xi32>
    %broadcast_in_dim3A_699 = arith.constant 0.000000e+00 : f32
    %broadcast_in_dim3A_700 = vector.broadcast %broadcast_in_dim3A_699 : f32 to vector<16xf32>
    %eq3A_701 = arith.constant 0 : i32
    %eq3A_702 = vector.broadcast %eq3A_701 : i32 to vector<16xi32>
    %eq3A_703 = arith.cmpi eq, %get3A_698, %eq3A_702 : vector<16xi32>
    %select_n3A_704 = arith.select %eq3A_703, %div3A_6, %broadcast_in_dim3A_700 : vector<16xi1>, vector<16xf32>
    %eq3A_705 = arith.constant 1 : i32
    %eq3A_706 = vector.broadcast %eq3A_705 : i32 to vector<16xi32>
    %eq3A_707 = arith.cmpi eq, %get3A_698, %eq3A_706 : vector<16xi32>
    %select_n3A_708 = arith.select %eq3A_707, %div3A_14, %select_n3A_704 : vector<16xi1>, vector<16xf32>
    %mul3A_709 = arith.constant 16 : i32
    %mul3A_710 = arith.muli %scan3A_693, %mul3A_709 : i32
    %swap3A_711 = arith.index_cast %mul3A_710 : i32 to index
    %swap3A_712 = tpu.vector_load %arg9[%swap3A_711] {strides = array<i32>} : memref<1024xf32, #tpu.memory_space<vmem>>, vector<16xf32>,
    %swap3A_713 = vector.shape_cast %swap3A_712 : vector<16xf32> to vector<16xf32>
    %swap3A_714 = vector.shape_cast %select_n3A_708 : vector<16xf32> to vector<16xf32>
    tpu.vector_store %arg9[%swap3A_711], %swap3A_714 {strides = array<i32>} : memref<1024xf32, #tpu.memory_space<vmem>>, vector<16xf32>,
    %scan3A_715 = arith.constant 32 : i32
    %mul3A_716 = arith.constant 16 : i32
    %mul3A_717 = arith.muli %scan3A_715, %mul3A_716 : i32
    %get3A_718 = arith.index_cast %mul3A_717 : i32 to index
    %get3A_719 = tpu.vector_load %arg7[%get3A_718] {strides = array<i32>} : memref<1024xi32, #tpu.memory_space<vmem>>, vector<16xi32>,
    %get3A_720 = vector.shape_cast %get3A_719 : vector<16xi32> to vector<16xi32>
    %broadcast_in_dim3A_721 = arith.constant 0.000000e+00 : f32
    %broadcast_in_dim3A_722 = vector.broadcast %broadcast_in_dim3A_721 : f32 to vector<16xf32>
    %eq3A_723 = arith.constant 0 : i32
    %eq3A_724 = vector.broadcast %eq3A_723 : i32 to vector<16xi32>
    %eq3A_725 = arith.cmpi eq, %get3A_720, %eq3A_724 : vector<16xi32>
    %select_n3A_726 = arith.select %eq3A_725, %div3A_6, %broadcast_in_dim3A_722 : vector<16xi1>, vector<16xf32>
    %eq3A_727 = arith.constant 1 : i32
    %eq3A_728 = vector.broadcast %eq3A_727 : i32 to vector<16xi32>
    %eq3A_729 = arith.cmpi eq, %get3A_720, %eq3A_728 : vector<16xi32>
    %select_n3A_730 = arith.select %eq3A_729, %div3A_14, %select_n3A_726 : vector<16xi1>, vector<16xf32>
    %mul3A_731 = arith.constant 16 : i32
    %mul3A_732 = arith.muli %scan3A_715, %mul3A_731 : i32
    %swap3A_733 = arith.index_cast %mul3A_732 : i32 to index
    %swap3A_734 = tpu.vector_load %arg9[%swap3A_733] {strides = array<i32>} : memref<1024xf32, #tpu.memory_space<vmem>>, vector<16xf32>,
    %swap3A_735 = vector.shape_cast %swap3A_734 : vector<16xf32> to vector<16xf32>
    %swap3A_736 = vector.shape_cast %select_n3A_730 : vector<16xf32> to vector<16xf32>
    tpu.vector_store %arg9[%swap3A_733], %swap3A_736 {strides = array<i32>} : memref<1024xf32, #tpu.memory_space<vmem>>, vector<16xf32>,
    %scan3A_737 = arith.constant 33 : i32
    %mul3A_738 = arith.constant 16 : i32
    %mul3A_739 = arith.muli %scan3A_737, %mul3A_738 : i32
    %get3A_740 = arith.index_cast %mul3A_739 : i32 to index
    %get3A_741 = tpu.vector_load %arg7[%get3A_740] {strides = array<i32>} : memref<1024xi32, #tpu.memory_space<vmem>>, vector<16xi32>,
    %get3A_742 = vector.shape_cast %get3A_741 : vector<16xi32> to vector<16xi32>
    %broadcast_in_dim3A_743 = arith.constant 0.000000e+00 : f32
    %broadcast_in_dim3A_744 = vector.broadcast %broadcast_in_dim3A_743 : f32 to vector<16xf32>
    %eq3A_745 = arith.constant 0 : i32
    %eq3A_746 = vector.broadcast %eq3A_745 : i32 to vector<16xi32>
    %eq3A_747 = arith.cmpi eq, %get3A_742, %eq3A_746 : vector<16xi32>
    %select_n3A_748 = arith.select %eq3A_747, %div3A_6, %broadcast_in_dim3A_744 : vector<16xi1>, vector<16xf32>
    %eq3A_749 = arith.constant 1 : i32
    %eq3A_750 = vector.broadcast %eq3A_749 : i32 to vector<16xi32>
    %eq3A_751 = arith.cmpi eq, %get3A_742, %eq3A_750 : vector<16xi32>
    %select_n3A_752 = arith.select %eq3A_751, %div3A_14, %select_n3A_748 : vector<16xi1>, vector<16xf32>
    %mul3A_753 = arith.constant 16 : i32
    %mul3A_754 = arith.muli %scan3A_737, %mul3A_753 : i32
    %swap3A_755 = arith.index_cast %mul3A_754 : i32 to index
    %swap3A_756 = tpu.vector_load %arg9[%swap3A_755] {strides = array<i32>} : memref<1024xf32, #tpu.memory_space<vmem>>, vector<16xf32>,
    %swap3A_757 = vector.shape_cast %swap3A_756 : vector<16xf32> to vector<16xf32>
    %swap3A_758 = vector.shape_cast %select_n3A_752 : vector<16xf32> to vector<16xf32>
    tpu.vector_store %arg9[%swap3A_755], %swap3A_758 {strides = array<i32>} : memref<1024xf32, #tpu.memory_space<vmem>>, vector<16xf32>,
    %scan3A_759 = arith.constant 34 : i32
    %mul3A_760 = arith.constant 16 : i32
    %mul3A_761 = arith.muli %scan3A_759, %mul3A_760 : i32
    %get3A_762 = arith.index_cast %mul3A_761 : i32 to index
    %get3A_763 = tpu.vector_load %arg7[%get3A_762] {strides = array<i32>} : memref<1024xi32, #tpu.memory_space<vmem>>, vector<16xi32>,
    %get3A_764 = vector.shape_cast %get3A_763 : vector<16xi32> to vector<16xi32>
    %broadcast_in_dim3A_765 = arith.constant 0.000000e+00 : f32
    %broadcast_in_dim3A_766 = vector.broadcast %broadcast_in_dim3A_765 : f32 to vector<16xf32>
    %eq3A_767 = arith.constant 0 : i32
    %eq3A_768 = vector.broadcast %eq3A_767 : i32 to vector<16xi32>
    %eq3A_769 = arith.cmpi eq, %get3A_764, %eq3A_768 : vector<16xi32>
    %select_n3A_770 = arith.select %eq3A_769, %div3A_6, %broadcast_in_dim3A_766 : vector<16xi1>, vector<16xf32>
    %eq3A_771 = arith.constant 1 : i32
    %eq3A_772 = vector.broadcast %eq3A_771 : i32 to vector<16xi32>
    %eq3A_773 = arith.cmpi eq, %get3A_764, %eq3A_772 : vector<16xi32>
    %select_n3A_774 = arith.select %eq3A_773, %div3A_14, %select_n3A_770 : vector<16xi1>, vector<16xf32>
    %mul3A_775 = arith.constant 16 : i32
    %mul3A_776 = arith.muli %scan3A_759, %mul3A_775 : i32
    %swap3A_777 = arith.index_cast %mul3A_776 : i32 to index
    %swap3A_778 = tpu.vector_load %arg9[%swap3A_777] {strides = array<i32>} : memref<1024xf32, #tpu.memory_space<vmem>>, vector<16xf32>,
    %swap3A_779 = vector.shape_cast %swap3A_778 : vector<16xf32> to vector<16xf32>
    %swap3A_780 = vector.shape_cast %select_n3A_774 : vector<16xf32> to vector<16xf32>
    tpu.vector_store %arg9[%swap3A_777], %swap3A_780 {strides = array<i32>} : memref<1024xf32, #tpu.memory_space<vmem>>, vector<16xf32>,
    %scan3A_781 = arith.constant 35 : i32
    %mul3A_782 = arith.constant 16 : i32
    %mul3A_783 = arith.muli %scan3A_781, %mul3A_782 : i32
    %get3A_784 = arith.index_cast %mul3A_783 : i32 to index
    %get3A_785 = tpu.vector_load %arg7[%get3A_784] {strides = array<i32>} : memref<1024xi32, #tpu.memory_space<vmem>>, vector<16xi32>,
    %get3A_786 = vector.shape_cast %get3A_785 : vector<16xi32> to vector<16xi32>
    %broadcast_in_dim3A_787 = arith.constant 0.000000e+00 : f32
    %broadcast_in_dim3A_788 = vector.broadcast %broadcast_in_dim3A_787 : f32 to vector<16xf32>
    %eq3A_789 = arith.constant 0 : i32
    %eq3A_790 = vector.broadcast %eq3A_789 : i32 to vector<16xi32>
    %eq3A_791 = arith.cmpi eq, %get3A_786, %eq3A_790 : vector<16xi32>
    %select_n3A_792 = arith.select %eq3A_791, %div3A_6, %broadcast_in_dim3A_788 : vector<16xi1>, vector<16xf32>
    %eq3A_793 = arith.constant 1 : i32
    %eq3A_794 = vector.broadcast %eq3A_793 : i32 to vector<16xi32>
    %eq3A_795 = arith.cmpi eq, %get3A_786, %eq3A_794 : vector<16xi32>
    %select_n3A_796 = arith.select %eq3A_795, %div3A_14, %select_n3A_792 : vector<16xi1>, vector<16xf32>
    %mul3A_797 = arith.constant 16 : i32
    %mul3A_798 = arith.muli %scan3A_781, %mul3A_797 : i32
    %swap3A_799 = arith.index_cast %mul3A_798 : i32 to index
    %swap3A_800 = tpu.vector_load %arg9[%swap3A_799] {strides = array<i32>} : memref<1024xf32, #tpu.memory_space<vmem>>, vector<16xf32>,
    %swap3A_801 = vector.shape_cast %swap3A_800 : vector<16xf32> to vector<16xf32>
    %swap3A_802 = vector.shape_cast %select_n3A_796 : vector<16xf32> to vector<16xf32>
    tpu.vector_store %arg9[%swap3A_799], %swap3A_802 {strides = array<i32>} : memref<1024xf32, #tpu.memory_space<vmem>>, vector<16xf32>,
    %scan3A_803 = arith.constant 36 : i32
    %mul3A_804 = arith.constant 16 : i32
    %mul3A_805 = arith.muli %scan3A_803, %mul3A_804 : i32
    %get3A_806 = arith.index_cast %mul3A_805 : i32 to index
    %get3A_807 = tpu.vector_load %arg7[%get3A_806] {strides = array<i32>} : memref<1024xi32, #tpu.memory_space<vmem>>, vector<16xi32>,
    %get3A_808 = vector.shape_cast %get3A_807 : vector<16xi32> to vector<16xi32>
    %broadcast_in_dim3A_809 = arith.constant 0.000000e+00 : f32
    %broadcast_in_dim3A_810 = vector.broadcast %broadcast_in_dim3A_809 : f32 to vector<16xf32>
    %eq3A_811 = arith.constant 0 : i32
    %eq3A_812 = vector.broadcast %eq3A_811 : i32 to vector<16xi32>
    %eq3A_813 = arith.cmpi eq, %get3A_808, %eq3A_812 : vector<16xi32>
    %select_n3A_814 = arith.select %eq3A_813, %div3A_6, %broadcast_in_dim3A_810 : vector<16xi1>, vector<16xf32>
    %eq3A_815 = arith.constant 1 : i32
    %eq3A_816 = vector.broadcast %eq3A_815 : i32 to vector<16xi32>
    %eq3A_817 = arith.cmpi eq, %get3A_808, %eq3A_816 : vector<16xi32>
    %select_n3A_818 = arith.select %eq3A_817, %div3A_14, %select_n3A_814 : vector<16xi1>, vector<16xf32>
    %mul3A_819 = arith.constant 16 : i32
    %mul3A_820 = arith.muli %scan3A_803, %mul3A_819 : i32
    %swap3A_821 = arith.index_cast %mul3A_820 : i32 to index
    %swap3A_822 = tpu.vector_load %arg9[%swap3A_821] {strides = array<i32>} : memref<1024xf32, #tpu.memory_space<vmem>>, vector<16xf32>,
    %swap3A_823 = vector.shape_cast %swap3A_822 : vector<16xf32> to vector<16xf32>
    %swap3A_824 = vector.shape_cast %select_n3A_818 : vector<16xf32> to vector<16xf32>
    tpu.vector_store %arg9[%swap3A_821], %swap3A_824 {strides = array<i32>} : memref<1024xf32, #tpu.memory_space<vmem>>, vector<16xf32>,
    %scan3A_825 = arith.constant 37 : i32
    %mul3A_826 = arith.constant 16 : i32
    %mul3A_827 = arith.muli %scan3A_825, %mul3A_826 : i32
    %get3A_828 = arith.index_cast %mul3A_827 : i32 to index
    %get3A_829 = tpu.vector_load %arg7[%get3A_828] {strides = array<i32>} : memref<1024xi32, #tpu.memory_space<vmem>>, vector<16xi32>,
    %get3A_830 = vector.shape_cast %get3A_829 : vector<16xi32> to vector<16xi32>
    %broadcast_in_dim3A_831 = arith.constant 0.000000e+00 : f32
    %broadcast_in_dim3A_832 = vector.broadcast %broadcast_in_dim3A_831 : f32 to vector<16xf32>
    %eq3A_833 = arith.constant 0 : i32
    %eq3A_834 = vector.broadcast %eq3A_833 : i32 to vector<16xi32>
    %eq3A_835 = arith.cmpi eq, %get3A_830, %eq3A_834 : vector<16xi32>
    %select_n3A_836 = arith.select %eq3A_835, %div3A_6, %broadcast_in_dim3A_832 : vector<16xi1>, vector<16xf32>
    %eq3A_837 = arith.constant 1 : i32
    %eq3A_838 = vector.broadcast %eq3A_837 : i32 to vector<16xi32>
    %eq3A_839 = arith.cmpi eq, %get3A_830, %eq3A_838 : vector<16xi32>
    %select_n3A_840 = arith.select %eq3A_839, %div3A_14, %select_n3A_836 : vector<16xi1>, vector<16xf32>
    %mul3A_841 = arith.constant 16 : i32
    %mul3A_842 = arith.muli %scan3A_825, %mul3A_841 : i32
    %swap3A_843 = arith.index_cast %mul3A_842 : i32 to index
    %swap3A_844 = tpu.vector_load %arg9[%swap3A_843] {strides = array<i32>} : memref<1024xf32, #tpu.memory_space<vmem>>, vector<16xf32>,
    %swap3A_845 = vector.shape_cast %swap3A_844 : vector<16xf32> to vector<16xf32>
    %swap3A_846 = vector.shape_cast %select_n3A_840 : vector<16xf32> to vector<16xf32>
    tpu.vector_store %arg9[%swap3A_843], %swap3A_846 {strides = array<i32>} : memref<1024xf32, #tpu.memory_space<vmem>>, vector<16xf32>,
    %scan3A_847 = arith.constant 38 : i32
    %mul3A_848 = arith.constant 16 : i32
    %mul3A_849 = arith.muli %scan3A_847, %mul3A_848 : i32
    %get3A_850 = arith.index_cast %mul3A_849 : i32 to index
    %get3A_851 = tpu.vector_load %arg7[%get3A_850] {strides = array<i32>} : memref<1024xi32, #tpu.memory_space<vmem>>, vector<16xi32>,
    %get3A_852 = vector.shape_cast %get3A_851 : vector<16xi32> to vector<16xi32>
    %broadcast_in_dim3A_853 = arith.constant 0.000000e+00 : f32
    %broadcast_in_dim3A_854 = vector.broadcast %broadcast_in_dim3A_853 : f32 to vector<16xf32>
    %eq3A_855 = arith.constant 0 : i32
    %eq3A_856 = vector.broadcast %eq3A_855 : i32 to vector<16xi32>
    %eq3A_857 = arith.cmpi eq, %get3A_852, %eq3A_856 : vector<16xi32>
    %select_n3A_858 = arith.select %eq3A_857, %div3A_6, %broadcast_in_dim3A_854 : vector<16xi1>, vector<16xf32>
    %eq3A_859 = arith.constant 1 : i32
    %eq3A_860 = vector.broadcast %eq3A_859 : i32 to vector<16xi32>
    %eq3A_861 = arith.cmpi eq, %get3A_852, %eq3A_860 : vector<16xi32>
    %select_n3A_862 = arith.select %eq3A_861, %div3A_14, %select_n3A_858 : vector<16xi1>, vector<16xf32>
    %mul3A_863 = arith.constant 16 : i32
    %mul3A_864 = arith.muli %scan3A_847, %mul3A_863 : i32
    %swap3A_865 = arith.index_cast %mul3A_864 : i32 to index
    %swap3A_866 = tpu.vector_load %arg9[%swap3A_865] {strides = array<i32>} : memref<1024xf32, #tpu.memory_space<vmem>>, vector<16xf32>,
    %swap3A_867 = vector.shape_cast %swap3A_866 : vector<16xf32> to vector<16xf32>
    %swap3A_868 = vector.shape_cast %select_n3A_862 : vector<16xf32> to vector<16xf32>
    tpu.vector_store %arg9[%swap3A_865], %swap3A_868 {strides = array<i32>} : memref<1024xf32, #tpu.memory_space<vmem>>, vector<16xf32>,
    %scan3A_869 = arith.constant 39 : i32
    %mul3A_870 = arith.constant 16 : i32
    %mul3A_871 = arith.muli %scan3A_869, %mul3A_870 : i32
    %get3A_872 = arith.index_cast %mul3A_871 : i32 to index
    %get3A_873 = tpu.vector_load %arg7[%get3A_872] {strides = array<i32>} : memref<1024xi32, #tpu.memory_space<vmem>>, vector<16xi32>,
    %get3A_874 = vector.shape_cast %get3A_873 : vector<16xi32> to vector<16xi32>
    %broadcast_in_dim3A_875 = arith.constant 0.000000e+00 : f32
    %broadcast_in_dim3A_876 = vector.broadcast %broadcast_in_dim3A_875 : f32 to vector<16xf32>
    %eq3A_877 = arith.constant 0 : i32
    %eq3A_878 = vector.broadcast %eq3A_877 : i32 to vector<16xi32>
    %eq3A_879 = arith.cmpi eq, %get3A_874, %eq3A_878 : vector<16xi32>
    %select_n3A_880 = arith.select %eq3A_879, %div3A_6, %broadcast_in_dim3A_876 : vector<16xi1>, vector<16xf32>
    %eq3A_881 = arith.constant 1 : i32
    %eq3A_882 = vector.broadcast %eq3A_881 : i32 to vector<16xi32>
    %eq3A_883 = arith.cmpi eq, %get3A_874, %eq3A_882 : vector<16xi32>
    %select_n3A_884 = arith.select %eq3A_883, %div3A_14, %select_n3A_880 : vector<16xi1>, vector<16xf32>
    %mul3A_885 = arith.constant 16 : i32
    %mul3A_886 = arith.muli %scan3A_869, %mul3A_885 : i32
    %swap3A_887 = arith.index_cast %mul3A_886 : i32 to index
    %swap3A_888 = tpu.vector_load %arg9[%swap3A_887] {strides = array<i32>} : memref<1024xf32, #tpu.memory_space<vmem>>, vector<16xf32>,
    %swap3A_889 = vector.shape_cast %swap3A_888 : vector<16xf32> to vector<16xf32>
    %swap3A_890 = vector.shape_cast %select_n3A_884 : vector<16xf32> to vector<16xf32>
    tpu.vector_store %arg9[%swap3A_887], %swap3A_890 {strides = array<i32>} : memref<1024xf32, #tpu.memory_space<vmem>>, vector<16xf32>,
    %scan3A_891 = arith.constant 40 : i32
    %mul3A_892 = arith.constant 16 : i32
    %mul3A_893 = arith.muli %scan3A_891, %mul3A_892 : i32
    %get3A_894 = arith.index_cast %mul3A_893 : i32 to index
    %get3A_895 = tpu.vector_load %arg7[%get3A_894] {strides = array<i32>} : memref<1024xi32, #tpu.memory_space<vmem>>, vector<16xi32>,
    %get3A_896 = vector.shape_cast %get3A_895 : vector<16xi32> to vector<16xi32>
    %broadcast_in_dim3A_897 = arith.constant 0.000000e+00 : f32
    %broadcast_in_dim3A_898 = vector.broadcast %broadcast_in_dim3A_897 : f32 to vector<16xf32>
    %eq3A_899 = arith.constant 0 : i32
    %eq3A_900 = vector.broadcast %eq3A_899 : i32 to vector<16xi32>
    %eq3A_901 = arith.cmpi eq, %get3A_896, %eq3A_900 : vector<16xi32>
    %select_n3A_902 = arith.select %eq3A_901, %div3A_6, %broadcast_in_dim3A_898 : vector<16xi1>, vector<16xf32>
    %eq3A_903 = arith.constant 1 : i32
    %eq3A_904 = vector.broadcast %eq3A_903 : i32 to vector<16xi32>
    %eq3A_905 = arith.cmpi eq, %get3A_896, %eq3A_904 : vector<16xi32>
    %select_n3A_906 = arith.select %eq3A_905, %div3A_14, %select_n3A_902 : vector<16xi1>, vector<16xf32>
    %mul3A_907 = arith.constant 16 : i32
    %mul3A_908 = arith.muli %scan3A_891, %mul3A_907 : i32
    %swap3A_909 = arith.index_cast %mul3A_908 : i32 to index
    %swap3A_910 = tpu.vector_load %arg9[%swap3A_909] {strides = array<i32>} : memref<1024xf32, #tpu.memory_space<vmem>>, vector<16xf32>,
    %swap3A_911 = vector.shape_cast %swap3A_910 : vector<16xf32> to vector<16xf32>
    %swap3A_912 = vector.shape_cast %select_n3A_906 : vector<16xf32> to vector<16xf32>
    tpu.vector_store %arg9[%swap3A_909], %swap3A_912 {strides = array<i32>} : memref<1024xf32, #tpu.memory_space<vmem>>, vector<16xf32>,
    %scan3A_913 = arith.constant 41 : i32
    %mul3A_914 = arith.constant 16 : i32
    %mul3A_915 = arith.muli %scan3A_913, %mul3A_914 : i32
    %get3A_916 = arith.index_cast %mul3A_915 : i32 to index
    %get3A_917 = tpu.vector_load %arg7[%get3A_916] {strides = array<i32>} : memref<1024xi32, #tpu.memory_space<vmem>>, vector<16xi32>,
    %get3A_918 = vector.shape_cast %get3A_917 : vector<16xi32> to vector<16xi32>
    %broadcast_in_dim3A_919 = arith.constant 0.000000e+00 : f32
    %broadcast_in_dim3A_920 = vector.broadcast %broadcast_in_dim3A_919 : f32 to vector<16xf32>
    %eq3A_921 = arith.constant 0 : i32
    %eq3A_922 = vector.broadcast %eq3A_921 : i32 to vector<16xi32>
    %eq3A_923 = arith.cmpi eq, %get3A_918, %eq3A_922 : vector<16xi32>
    %select_n3A_924 = arith.select %eq3A_923, %div3A_6, %broadcast_in_dim3A_920 : vector<16xi1>, vector<16xf32>
    %eq3A_925 = arith.constant 1 : i32
    %eq3A_926 = vector.broadcast %eq3A_925 : i32 to vector<16xi32>
    %eq3A_927 = arith.cmpi eq, %get3A_918, %eq3A_926 : vector<16xi32>
    %select_n3A_928 = arith.select %eq3A_927, %div3A_14, %select_n3A_924 : vector<16xi1>, vector<16xf32>
    %mul3A_929 = arith.constant 16 : i32
    %mul3A_930 = arith.muli %scan3A_913, %mul3A_929 : i32
    %swap3A_931 = arith.index_cast %mul3A_930 : i32 to index
    %swap3A_932 = tpu.vector_load %arg9[%swap3A_931] {strides = array<i32>} : memref<1024xf32, #tpu.memory_space<vmem>>, vector<16xf32>,
    %swap3A_933 = vector.shape_cast %swap3A_932 : vector<16xf32> to vector<16xf32>
    %swap3A_934 = vector.shape_cast %select_n3A_928 : vector<16xf32> to vector<16xf32>
    tpu.vector_store %arg9[%swap3A_931], %swap3A_934 {strides = array<i32>} : memref<1024xf32, #tpu.memory_space<vmem>>, vector<16xf32>,
    %scan3A_935 = arith.constant 42 : i32
    %mul3A_936 = arith.constant 16 : i32
    %mul3A_937 = arith.muli %scan3A_935, %mul3A_936 : i32
    %get3A_938 = arith.index_cast %mul3A_937 : i32 to index
    %get3A_939 = tpu.vector_load %arg7[%get3A_938] {strides = array<i32>} : memref<1024xi32, #tpu.memory_space<vmem>>, vector<16xi32>,
    %get3A_940 = vector.shape_cast %get3A_939 : vector<16xi32> to vector<16xi32>
    %broadcast_in_dim3A_941 = arith.constant 0.000000e+00 : f32
    %broadcast_in_dim3A_942 = vector.broadcast %broadcast_in_dim3A_941 : f32 to vector<16xf32>
    %eq3A_943 = arith.constant 0 : i32
    %eq3A_944 = vector.broadcast %eq3A_943 : i32 to vector<16xi32>
    %eq3A_945 = arith.cmpi eq, %get3A_940, %eq3A_944 : vector<16xi32>
    %select_n3A_946 = arith.select %eq3A_945, %div3A_6, %broadcast_in_dim3A_942 : vector<16xi1>, vector<16xf32>
    %eq3A_947 = arith.constant 1 : i32
    %eq3A_948 = vector.broadcast %eq3A_947 : i32 to vector<16xi32>
    %eq3A_949 = arith.cmpi eq, %get3A_940, %eq3A_948 : vector<16xi32>
    %select_n3A_950 = arith.select %eq3A_949, %div3A_14, %select_n3A_946 : vector<16xi1>, vector<16xf32>
    %mul3A_951 = arith.constant 16 : i32
    %mul3A_952 = arith.muli %scan3A_935, %mul3A_951 : i32
    %swap3A_953 = arith.index_cast %mul3A_952 : i32 to index
    %swap3A_954 = tpu.vector_load %arg9[%swap3A_953] {strides = array<i32>} : memref<1024xf32, #tpu.memory_space<vmem>>, vector<16xf32>,
    %swap3A_955 = vector.shape_cast %swap3A_954 : vector<16xf32> to vector<16xf32>
    %swap3A_956 = vector.shape_cast %select_n3A_950 : vector<16xf32> to vector<16xf32>
    tpu.vector_store %arg9[%swap3A_953], %swap3A_956 {strides = array<i32>} : memref<1024xf32, #tpu.memory_space<vmem>>, vector<16xf32>,
    %scan3A_957 = arith.constant 43 : i32
    %mul3A_958 = arith.constant 16 : i32
    %mul3A_959 = arith.muli %scan3A_957, %mul3A_958 : i32
    %get3A_960 = arith.index_cast %mul3A_959 : i32 to index
    %get3A_961 = tpu.vector_load %arg7[%get3A_960] {strides = array<i32>} : memref<1024xi32, #tpu.memory_space<vmem>>, vector<16xi32>,
    %get3A_962 = vector.shape_cast %get3A_961 : vector<16xi32> to vector<16xi32>
    %broadcast_in_dim3A_963 = arith.constant 0.000000e+00 : f32
    %broadcast_in_dim3A_964 = vector.broadcast %broadcast_in_dim3A_963 : f32 to vector<16xf32>
    %eq3A_965 = arith.constant 0 : i32
    %eq3A_966 = vector.broadcast %eq3A_965 : i32 to vector<16xi32>
    %eq3A_967 = arith.cmpi eq, %get3A_962, %eq3A_966 : vector<16xi32>
    %select_n3A_968 = arith.select %eq3A_967, %div3A_6, %broadcast_in_dim3A_964 : vector<16xi1>, vector<16xf32>
    %eq3A_969 = arith.constant 1 : i32
    %eq3A_970 = vector.broadcast %eq3A_969 : i32 to vector<16xi32>
    %eq3A_971 = arith.cmpi eq, %get3A_962, %eq3A_970 : vector<16xi32>
    %select_n3A_972 = arith.select %eq3A_971, %div3A_14, %select_n3A_968 : vector<16xi1>, vector<16xf32>
    %mul3A_973 = arith.constant 16 : i32
    %mul3A_974 = arith.muli %scan3A_957, %mul3A_973 : i32
    %swap3A_975 = arith.index_cast %mul3A_974 : i32 to index
    %swap3A_976 = tpu.vector_load %arg9[%swap3A_975] {strides = array<i32>} : memref<1024xf32, #tpu.memory_space<vmem>>, vector<16xf32>,
    %swap3A_977 = vector.shape_cast %swap3A_976 : vector<16xf32> to vector<16xf32>
    %swap3A_978 = vector.shape_cast %select_n3A_972 : vector<16xf32> to vector<16xf32>
    tpu.vector_store %arg9[%swap3A_975], %swap3A_978 {strides = array<i32>} : memref<1024xf32, #tpu.memory_space<vmem>>, vector<16xf32>,
    %scan3A_979 = arith.constant 44 : i32
    %mul3A_980 = arith.constant 16 : i32
    %mul3A_981 = arith.muli %scan3A_979, %mul3A_980 : i32
    %get3A_982 = arith.index_cast %mul3A_981 : i32 to index
    %get3A_983 = tpu.vector_load %arg7[%get3A_982] {strides = array<i32>} : memref<1024xi32, #tpu.memory_space<vmem>>, vector<16xi32>,
    %get3A_984 = vector.shape_cast %get3A_983 : vector<16xi32> to vector<16xi32>
    %broadcast_in_dim3A_985 = arith.constant 0.000000e+00 : f32
    %broadcast_in_dim3A_986 = vector.broadcast %broadcast_in_dim3A_985 : f32 to vector<16xf32>
    %eq3A_987 = arith.constant 0 : i32
    %eq3A_988 = vector.broadcast %eq3A_987 : i32 to vector<16xi32>
    %eq3A_989 = arith.cmpi eq, %get3A_984, %eq3A_988 : vector<16xi32>
    %select_n3A_990 = arith.select %eq3A_989, %div3A_6, %broadcast_in_dim3A_986 : vector<16xi1>, vector<16xf32>
    %eq3A_991 = arith.constant 1 : i32
    %eq3A_992 = vector.broadcast %eq3A_991 : i32 to vector<16xi32>
    %eq3A_993 = arith.cmpi eq, %get3A_984, %eq3A_992 : vector<16xi32>
    %select_n3A_994 = arith.select %eq3A_993, %div3A_14, %select_n3A_990 : vector<16xi1>, vector<16xf32>
    %mul3A_995 = arith.constant 16 : i32
    %mul3A_996 = arith.muli %scan3A_979, %mul3A_995 : i32
    %swap3A_997 = arith.index_cast %mul3A_996 : i32 to index
    %swap3A_998 = tpu.vector_load %arg9[%swap3A_997] {strides = array<i32>} : memref<1024xf32, #tpu.memory_space<vmem>>, vector<16xf32>,
    %swap3A_999 = vector.shape_cast %swap3A_998 : vector<16xf32> to vector<16xf32>
    %swap3A_1000 = vector.shape_cast %select_n3A_994 : vector<16xf32> to vector<16xf32>
    tpu.vector_store %arg9[%swap3A_997], %swap3A_1000 {strides = array<i32>} : memref<1024xf32, #tpu.memory_space<vmem>>, vector<16xf32>,
    %scan3A_1001 = arith.constant 45 : i32
    %mul3A_1002 = arith.constant 16 : i32
    %mul3A_1003 = arith.muli %scan3A_1001, %mul3A_1002 : i32
    %get3A_1004 = arith.index_cast %mul3A_1003 : i32 to index
    %get3A_1005 = tpu.vector_load %arg7[%get3A_1004] {strides = array<i32>} : memref<1024xi32, #tpu.memory_space<vmem>>, vector<16xi32>,
    %get3A_1006 = vector.shape_cast %get3A_1005 : vector<16xi32> to vector<16xi32>
    %broadcast_in_dim3A_1007 = arith.constant 0.000000e+00 : f32
    %broadcast_in_dim3A_1008 = vector.broadcast %broadcast_in_dim3A_1007 : f32 to vector<16xf32>
    %eq3A_1009 = arith.constant 0 : i32
    %eq3A_1010 = vector.broadcast %eq3A_1009 : i32 to vector<16xi32>
    %eq3A_1011 = arith.cmpi eq, %get3A_1006, %eq3A_1010 : vector<16xi32>
    %select_n3A_1012 = arith.select %eq3A_1011, %div3A_6, %broadcast_in_dim3A_1008 : vector<16xi1>, vector<16xf32>
    %eq3A_1013 = arith.constant 1 : i32
    %eq3A_1014 = vector.broadcast %eq3A_1013 : i32 to vector<16xi32>
    %eq3A_1015 = arith.cmpi eq, %get3A_1006, %eq3A_1014 : vector<16xi32>
    %select_n3A_1016 = arith.select %eq3A_1015, %div3A_14, %select_n3A_1012 : vector<16xi1>, vector<16xf32>
    %mul3A_1017 = arith.constant 16 : i32
    %mul3A_1018 = arith.muli %scan3A_1001, %mul3A_1017 : i32
    %swap3A_1019 = arith.index_cast %mul3A_1018 : i32 to index
    %swap3A_1020 = tpu.vector_load %arg9[%swap3A_1019] {strides = array<i32>} : memref<1024xf32, #tpu.memory_space<vmem>>, vector<16xf32>,
    %swap3A_1021 = vector.shape_cast %swap3A_1020 : vector<16xf32> to vector<16xf32>
    %swap3A_1022 = vector.shape_cast %select_n3A_1016 : vector<16xf32> to vector<16xf32>
    tpu.vector_store %arg9[%swap3A_1019], %swap3A_1022 {strides = array<i32>} : memref<1024xf32, #tpu.memory_space<vmem>>, vector<16xf32>,
    %scan3A_1023 = arith.constant 46 : i32
    %mul3A_1024 = arith.constant 16 : i32
    %mul3A_1025 = arith.muli %scan3A_1023, %mul3A_1024 : i32
    %get3A_1026 = arith.index_cast %mul3A_1025 : i32 to index
    %get3A_1027 = tpu.vector_load %arg7[%get3A_1026] {strides = array<i32>} : memref<1024xi32, #tpu.memory_space<vmem>>, vector<16xi32>,
    %get3A_1028 = vector.shape_cast %get3A_1027 : vector<16xi32> to vector<16xi32>
    %broadcast_in_dim3A_1029 = arith.constant 0.000000e+00 : f32
    %broadcast_in_dim3A_1030 = vector.broadcast %broadcast_in_dim3A_1029 : f32 to vector<16xf32>
    %eq3A_1031 = arith.constant 0 : i32
    %eq3A_1032 = vector.broadcast %eq3A_1031 : i32 to vector<16xi32>
    %eq3A_1033 = arith.cmpi eq, %get3A_1028, %eq3A_1032 : vector<16xi32>
    %select_n3A_1034 = arith.select %eq3A_1033, %div3A_6, %broadcast_in_dim3A_1030 : vector<16xi1>, vector<16xf32>
    %eq3A_1035 = arith.constant 1 : i32
    %eq3A_1036 = vector.broadcast %eq3A_1035 : i32 to vector<16xi32>
    %eq3A_1037 = arith.cmpi eq, %get3A_1028, %eq3A_1036 : vector<16xi32>
    %select_n3A_1038 = arith.select %eq3A_1037, %div3A_14, %select_n3A_1034 : vector<16xi1>, vector<16xf32>
    %mul3A_1039 = arith.constant 16 : i32
    %mul3A_1040 = arith.muli %scan3A_1023, %mul3A_1039 : i32
    %swap3A_1041 = arith.index_cast %mul3A_1040 : i32 to index
    %swap3A_1042 = tpu.vector_load %arg9[%swap3A_1041] {strides = array<i32>} : memref<1024xf32, #tpu.memory_space<vmem>>, vector<16xf32>,
    %swap3A_1043 = vector.shape_cast %swap3A_1042 : vector<16xf32> to vector<16xf32>
    %swap3A_1044 = vector.shape_cast %select_n3A_1038 : vector<16xf32> to vector<16xf32>
    tpu.vector_store %arg9[%swap3A_1041], %swap3A_1044 {strides = array<i32>} : memref<1024xf32, #tpu.memory_space<vmem>>, vector<16xf32>,
    %scan3A_1045 = arith.constant 47 : i32
    %mul3A_1046 = arith.constant 16 : i32
    %mul3A_1047 = arith.muli %scan3A_1045, %mul3A_1046 : i32
    %get3A_1048 = arith.index_cast %mul3A_1047 : i32 to index
    %get3A_1049 = tpu.vector_load %arg7[%get3A_1048] {strides = array<i32>} : memref<1024xi32, #tpu.memory_space<vmem>>, vector<16xi32>,
    %get3A_1050 = vector.shape_cast %get3A_1049 : vector<16xi32> to vector<16xi32>
    %broadcast_in_dim3A_1051 = arith.constant 0.000000e+00 : f32
    %broadcast_in_dim3A_1052 = vector.broadcast %broadcast_in_dim3A_1051 : f32 to vector<16xf32>
    %eq3A_1053 = arith.constant 0 : i32
    %eq3A_1054 = vector.broadcast %eq3A_1053 : i32 to vector<16xi32>
    %eq3A_1055 = arith.cmpi eq, %get3A_1050, %eq3A_1054 : vector<16xi32>
    %select_n3A_1056 = arith.select %eq3A_1055, %div3A_6, %broadcast_in_dim3A_1052 : vector<16xi1>, vector<16xf32>
    %eq3A_1057 = arith.constant 1 : i32
    %eq3A_1058 = vector.broadcast %eq3A_1057 : i32 to vector<16xi32>
    %eq3A_1059 = arith.cmpi eq, %get3A_1050, %eq3A_1058 : vector<16xi32>
    %select_n3A_1060 = arith.select %eq3A_1059, %div3A_14, %select_n3A_1056 : vector<16xi1>, vector<16xf32>
    %mul3A_1061 = arith.constant 16 : i32
    %mul3A_1062 = arith.muli %scan3A_1045, %mul3A_1061 : i32
    %swap3A_1063 = arith.index_cast %mul3A_1062 : i32 to index
    %swap3A_1064 = tpu.vector_load %arg9[%swap3A_1063] {strides = array<i32>} : memref<1024xf32, #tpu.memory_space<vmem>>, vector<16xf32>,
    %swap3A_1065 = vector.shape_cast %swap3A_1064 : vector<16xf32> to vector<16xf32>
    %swap3A_1066 = vector.shape_cast %select_n3A_1060 : vector<16xf32> to vector<16xf32>
    tpu.vector_store %arg9[%swap3A_1063], %swap3A_1066 {strides = array<i32>} : memref<1024xf32, #tpu.memory_space<vmem>>, vector<16xf32>,
    %scan3A_1067 = arith.constant 48 : i32
    %mul3A_1068 = arith.constant 16 : i32
    %mul3A_1069 = arith.muli %scan3A_1067, %mul3A_1068 : i32
    %get3A_1070 = arith.index_cast %mul3A_1069 : i32 to index
    %get3A_1071 = tpu.vector_load %arg7[%get3A_1070] {strides = array<i32>} : memref<1024xi32, #tpu.memory_space<vmem>>, vector<16xi32>,
    %get3A_1072 = vector.shape_cast %get3A_1071 : vector<16xi32> to vector<16xi32>
    %broadcast_in_dim3A_1073 = arith.constant 0.000000e+00 : f32
    %broadcast_in_dim3A_1074 = vector.broadcast %broadcast_in_dim3A_1073 : f32 to vector<16xf32>
    %eq3A_1075 = arith.constant 0 : i32
    %eq3A_1076 = vector.broadcast %eq3A_1075 : i32 to vector<16xi32>
    %eq3A_1077 = arith.cmpi eq, %get3A_1072, %eq3A_1076 : vector<16xi32>
    %select_n3A_1078 = arith.select %eq3A_1077, %div3A_6, %broadcast_in_dim3A_1074 : vector<16xi1>, vector<16xf32>
    %eq3A_1079 = arith.constant 1 : i32
    %eq3A_1080 = vector.broadcast %eq3A_1079 : i32 to vector<16xi32>
    %eq3A_1081 = arith.cmpi eq, %get3A_1072, %eq3A_1080 : vector<16xi32>
    %select_n3A_1082 = arith.select %eq3A_1081, %div3A_14, %select_n3A_1078 : vector<16xi1>, vector<16xf32>
    %mul3A_1083 = arith.constant 16 : i32
    %mul3A_1084 = arith.muli %scan3A_1067, %mul3A_1083 : i32
    %swap3A_1085 = arith.index_cast %mul3A_1084 : i32 to index
    %swap3A_1086 = tpu.vector_load %arg9[%swap3A_1085] {strides = array<i32>} : memref<1024xf32, #tpu.memory_space<vmem>>, vector<16xf32>,
    %swap3A_1087 = vector.shape_cast %swap3A_1086 : vector<16xf32> to vector<16xf32>
    %swap3A_1088 = vector.shape_cast %select_n3A_1082 : vector<16xf32> to vector<16xf32>
    tpu.vector_store %arg9[%swap3A_1085], %swap3A_1088 {strides = array<i32>} : memref<1024xf32, #tpu.memory_space<vmem>>, vector<16xf32>,
    %scan3A_1089 = arith.constant 49 : i32
    %mul3A_1090 = arith.constant 16 : i32
    %mul3A_1091 = arith.muli %scan3A_1089, %mul3A_1090 : i32
    %get3A_1092 = arith.index_cast %mul3A_1091 : i32 to index
    %get3A_1093 = tpu.vector_load %arg7[%get3A_1092] {strides = array<i32>} : memref<1024xi32, #tpu.memory_space<vmem>>, vector<16xi32>,
    %get3A_1094 = vector.shape_cast %get3A_1093 : vector<16xi32> to vector<16xi32>
    %broadcast_in_dim3A_1095 = arith.constant 0.000000e+00 : f32
    %broadcast_in_dim3A_1096 = vector.broadcast %broadcast_in_dim3A_1095 : f32 to vector<16xf32>
    %eq3A_1097 = arith.constant 0 : i32
    %eq3A_1098 = vector.broadcast %eq3A_1097 : i32 to vector<16xi32>
    %eq3A_1099 = arith.cmpi eq, %get3A_1094, %eq3A_1098 : vector<16xi32>
    %select_n3A_1100 = arith.select %eq3A_1099, %div3A_6, %broadcast_in_dim3A_1096 : vector<16xi1>, vector<16xf32>
    %eq3A_1101 = arith.constant 1 : i32
    %eq3A_1102 = vector.broadcast %eq3A_1101 : i32 to vector<16xi32>
    %eq3A_1103 = arith.cmpi eq, %get3A_1094, %eq3A_1102 : vector<16xi32>
    %select_n3A_1104 = arith.select %eq3A_1103, %div3A_14, %select_n3A_1100 : vector<16xi1>, vector<16xf32>
    %mul3A_1105 = arith.constant 16 : i32
    %mul3A_1106 = arith.muli %scan3A_1089, %mul3A_1105 : i32
    %swap3A_1107 = arith.index_cast %mul3A_1106 : i32 to index
    %swap3A_1108 = tpu.vector_load %arg9[%swap3A_1107] {strides = array<i32>} : memref<1024xf32, #tpu.memory_space<vmem>>, vector<16xf32>,
    %swap3A_1109 = vector.shape_cast %swap3A_1108 : vector<16xf32> to vector<16xf32>
    %swap3A_1110 = vector.shape_cast %select_n3A_1104 : vector<16xf32> to vector<16xf32>
    tpu.vector_store %arg9[%swap3A_1107], %swap3A_1110 {strides = array<i32>} : memref<1024xf32, #tpu.memory_space<vmem>>, vector<16xf32>,
    %scan3A_1111 = arith.constant 50 : i32
    %mul3A_1112 = arith.constant 16 : i32
    %mul3A_1113 = arith.muli %scan3A_1111, %mul3A_1112 : i32
    %get3A_1114 = arith.index_cast %mul3A_1113 : i32 to index
    %get3A_1115 = tpu.vector_load %arg7[%get3A_1114] {strides = array<i32>} : memref<1024xi32, #tpu.memory_space<vmem>>, vector<16xi32>,
    %get3A_1116 = vector.shape_cast %get3A_1115 : vector<16xi32> to vector<16xi32>
    %broadcast_in_dim3A_1117 = arith.constant 0.000000e+00 : f32
    %broadcast_in_dim3A_1118 = vector.broadcast %broadcast_in_dim3A_1117 : f32 to vector<16xf32>
    %eq3A_1119 = arith.constant 0 : i32
    %eq3A_1120 = vector.broadcast %eq3A_1119 : i32 to vector<16xi32>
    %eq3A_1121 = arith.cmpi eq, %get3A_1116, %eq3A_1120 : vector<16xi32>
    %select_n3A_1122 = arith.select %eq3A_1121, %div3A_6, %broadcast_in_dim3A_1118 : vector<16xi1>, vector<16xf32>
    %eq3A_1123 = arith.constant 1 : i32
    %eq3A_1124 = vector.broadcast %eq3A_1123 : i32 to vector<16xi32>
    %eq3A_1125 = arith.cmpi eq, %get3A_1116, %eq3A_1124 : vector<16xi32>
    %select_n3A_1126 = arith.select %eq3A_1125, %div3A_14, %select_n3A_1122 : vector<16xi1>, vector<16xf32>
    %mul3A_1127 = arith.constant 16 : i32
    %mul3A_1128 = arith.muli %scan3A_1111, %mul3A_1127 : i32
    %swap3A_1129 = arith.index_cast %mul3A_1128 : i32 to index
    %swap3A_1130 = tpu.vector_load %arg9[%swap3A_1129] {strides = array<i32>} : memref<1024xf32, #tpu.memory_space<vmem>>, vector<16xf32>,
    %swap3A_1131 = vector.shape_cast %swap3A_1130 : vector<16xf32> to vector<16xf32>
    %swap3A_1132 = vector.shape_cast %select_n3A_1126 : vector<16xf32> to vector<16xf32>
    tpu.vector_store %arg9[%swap3A_1129], %swap3A_1132 {strides = array<i32>} : memref<1024xf32, #tpu.memory_space<vmem>>, vector<16xf32>,
    %scan3A_1133 = arith.constant 51 : i32
    %mul3A_1134 = arith.constant 16 : i32
    %mul3A_1135 = arith.muli %scan3A_1133, %mul3A_1134 : i32
    %get3A_1136 = arith.index_cast %mul3A_1135 : i32 to index
    %get3A_1137 = tpu.vector_load %arg7[%get3A_1136] {strides = array<i32>} : memref<1024xi32, #tpu.memory_space<vmem>>, vector<16xi32>,
    %get3A_1138 = vector.shape_cast %get3A_1137 : vector<16xi32> to vector<16xi32>
    %broadcast_in_dim3A_1139 = arith.constant 0.000000e+00 : f32
    %broadcast_in_dim3A_1140 = vector.broadcast %broadcast_in_dim3A_1139 : f32 to vector<16xf32>
    %eq3A_1141 = arith.constant 0 : i32
    %eq3A_1142 = vector.broadcast %eq3A_1141 : i32 to vector<16xi32>
    %eq3A_1143 = arith.cmpi eq, %get3A_1138, %eq3A_1142 : vector<16xi32>
    %select_n3A_1144 = arith.select %eq3A_1143, %div3A_6, %broadcast_in_dim3A_1140 : vector<16xi1>, vector<16xf32>
    %eq3A_1145 = arith.constant 1 : i32
    %eq3A_1146 = vector.broadcast %eq3A_1145 : i32 to vector<16xi32>
    %eq3A_1147 = arith.cmpi eq, %get3A_1138, %eq3A_1146 : vector<16xi32>
    %select_n3A_1148 = arith.select %eq3A_1147, %div3A_14, %select_n3A_1144 : vector<16xi1>, vector<16xf32>
    %mul3A_1149 = arith.constant 16 : i32
    %mul3A_1150 = arith.muli %scan3A_1133, %mul3A_1149 : i32
    %swap3A_1151 = arith.index_cast %mul3A_1150 : i32 to index
    %swap3A_1152 = tpu.vector_load %arg9[%swap3A_1151] {strides = array<i32>} : memref<1024xf32, #tpu.memory_space<vmem>>, vector<16xf32>,
    %swap3A_1153 = vector.shape_cast %swap3A_1152 : vector<16xf32> to vector<16xf32>
    %swap3A_1154 = vector.shape_cast %select_n3A_1148 : vector<16xf32> to vector<16xf32>
    tpu.vector_store %arg9[%swap3A_1151], %swap3A_1154 {strides = array<i32>} : memref<1024xf32, #tpu.memory_space<vmem>>, vector<16xf32>,
    %scan3A_1155 = arith.constant 52 : i32
    %mul3A_1156 = arith.constant 16 : i32
    %mul3A_1157 = arith.muli %scan3A_1155, %mul3A_1156 : i32
    %get3A_1158 = arith.index_cast %mul3A_1157 : i32 to index
    %get3A_1159 = tpu.vector_load %arg7[%get3A_1158] {strides = array<i32>} : memref<1024xi32, #tpu.memory_space<vmem>>, vector<16xi32>,
    %get3A_1160 = vector.shape_cast %get3A_1159 : vector<16xi32> to vector<16xi32>
    %broadcast_in_dim3A_1161 = arith.constant 0.000000e+00 : f32
    %broadcast_in_dim3A_1162 = vector.broadcast %broadcast_in_dim3A_1161 : f32 to vector<16xf32>
    %eq3A_1163 = arith.constant 0 : i32
    %eq3A_1164 = vector.broadcast %eq3A_1163 : i32 to vector<16xi32>
    %eq3A_1165 = arith.cmpi eq, %get3A_1160, %eq3A_1164 : vector<16xi32>
    %select_n3A_1166 = arith.select %eq3A_1165, %div3A_6, %broadcast_in_dim3A_1162 : vector<16xi1>, vector<16xf32>
    %eq3A_1167 = arith.constant 1 : i32
    %eq3A_1168 = vector.broadcast %eq3A_1167 : i32 to vector<16xi32>
    %eq3A_1169 = arith.cmpi eq, %get3A_1160, %eq3A_1168 : vector<16xi32>
    %select_n3A_1170 = arith.select %eq3A_1169, %div3A_14, %select_n3A_1166 : vector<16xi1>, vector<16xf32>
    %mul3A_1171 = arith.constant 16 : i32
    %mul3A_1172 = arith.muli %scan3A_1155, %mul3A_1171 : i32
    %swap3A_1173 = arith.index_cast %mul3A_1172 : i32 to index
    %swap3A_1174 = tpu.vector_load %arg9[%swap3A_1173] {strides = array<i32>} : memref<1024xf32, #tpu.memory_space<vmem>>, vector<16xf32>,
    %swap3A_1175 = vector.shape_cast %swap3A_1174 : vector<16xf32> to vector<16xf32>
    %swap3A_1176 = vector.shape_cast %select_n3A_1170 : vector<16xf32> to vector<16xf32>
    tpu.vector_store %arg9[%swap3A_1173], %swap3A_1176 {strides = array<i32>} : memref<1024xf32, #tpu.memory_space<vmem>>, vector<16xf32>,
    %scan3A_1177 = arith.constant 53 : i32
    %mul3A_1178 = arith.constant 16 : i32
    %mul3A_1179 = arith.muli %scan3A_1177, %mul3A_1178 : i32
    %get3A_1180 = arith.index_cast %mul3A_1179 : i32 to index
    %get3A_1181 = tpu.vector_load %arg7[%get3A_1180] {strides = array<i32>} : memref<1024xi32, #tpu.memory_space<vmem>>, vector<16xi32>,
    %get3A_1182 = vector.shape_cast %get3A_1181 : vector<16xi32> to vector<16xi32>
    %broadcast_in_dim3A_1183 = arith.constant 0.000000e+00 : f32
    %broadcast_in_dim3A_1184 = vector.broadcast %broadcast_in_dim3A_1183 : f32 to vector<16xf32>
    %eq3A_1185 = arith.constant 0 : i32
    %eq3A_1186 = vector.broadcast %eq3A_1185 : i32 to vector<16xi32>
    %eq3A_1187 = arith.cmpi eq, %get3A_1182, %eq3A_1186 : vector<16xi32>
    %select_n3A_1188 = arith.select %eq3A_1187, %div3A_6, %broadcast_in_dim3A_1184 : vector<16xi1>, vector<16xf32>
    %eq3A_1189 = arith.constant 1 : i32
    %eq3A_1190 = vector.broadcast %eq3A_1189 : i32 to vector<16xi32>
    %eq3A_1191 = arith.cmpi eq, %get3A_1182, %eq3A_1190 : vector<16xi32>
    %select_n3A_1192 = arith.select %eq3A_1191, %div3A_14, %select_n3A_1188 : vector<16xi1>, vector<16xf32>
    %mul3A_1193 = arith.constant 16 : i32
    %mul3A_1194 = arith.muli %scan3A_1177, %mul3A_1193 : i32
    %swap3A_1195 = arith.index_cast %mul3A_1194 : i32 to index
    %swap3A_1196 = tpu.vector_load %arg9[%swap3A_1195] {strides = array<i32>} : memref<1024xf32, #tpu.memory_space<vmem>>, vector<16xf32>,
    %swap3A_1197 = vector.shape_cast %swap3A_1196 : vector<16xf32> to vector<16xf32>
    %swap3A_1198 = vector.shape_cast %select_n3A_1192 : vector<16xf32> to vector<16xf32>
    tpu.vector_store %arg9[%swap3A_1195], %swap3A_1198 {strides = array<i32>} : memref<1024xf32, #tpu.memory_space<vmem>>, vector<16xf32>,
    %scan3A_1199 = arith.constant 54 : i32
    %mul3A_1200 = arith.constant 16 : i32
    %mul3A_1201 = arith.muli %scan3A_1199, %mul3A_1200 : i32
    %get3A_1202 = arith.index_cast %mul3A_1201 : i32 to index
    %get3A_1203 = tpu.vector_load %arg7[%get3A_1202] {strides = array<i32>} : memref<1024xi32, #tpu.memory_space<vmem>>, vector<16xi32>,
    %get3A_1204 = vector.shape_cast %get3A_1203 : vector<16xi32> to vector<16xi32>
    %broadcast_in_dim3A_1205 = arith.constant 0.000000e+00 : f32
    %broadcast_in_dim3A_1206 = vector.broadcast %broadcast_in_dim3A_1205 : f32 to vector<16xf32>
    %eq3A_1207 = arith.constant 0 : i32
    %eq3A_1208 = vector.broadcast %eq3A_1207 : i32 to vector<16xi32>
    %eq3A_1209 = arith.cmpi eq, %get3A_1204, %eq3A_1208 : vector<16xi32>
    %select_n3A_1210 = arith.select %eq3A_1209, %div3A_6, %broadcast_in_dim3A_1206 : vector<16xi1>, vector<16xf32>
    %eq3A_1211 = arith.constant 1 : i32
    %eq3A_1212 = vector.broadcast %eq3A_1211 : i32 to vector<16xi32>
    %eq3A_1213 = arith.cmpi eq, %get3A_1204, %eq3A_1212 : vector<16xi32>
    %select_n3A_1214 = arith.select %eq3A_1213, %div3A_14, %select_n3A_1210 : vector<16xi1>, vector<16xf32>
    %mul3A_1215 = arith.constant 16 : i32
    %mul3A_1216 = arith.muli %scan3A_1199, %mul3A_1215 : i32
    %swap3A_1217 = arith.index_cast %mul3A_1216 : i32 to index
    %swap3A_1218 = tpu.vector_load %arg9[%swap3A_1217] {strides = array<i32>} : memref<1024xf32, #tpu.memory_space<vmem>>, vector<16xf32>,
    %swap3A_1219 = vector.shape_cast %swap3A_1218 : vector<16xf32> to vector<16xf32>
    %swap3A_1220 = vector.shape_cast %select_n3A_1214 : vector<16xf32> to vector<16xf32>
    tpu.vector_store %arg9[%swap3A_1217], %swap3A_1220 {strides = array<i32>} : memref<1024xf32, #tpu.memory_space<vmem>>, vector<16xf32>,
    %scan3A_1221 = arith.constant 55 : i32
    %mul3A_1222 = arith.constant 16 : i32
    %mul3A_1223 = arith.muli %scan3A_1221, %mul3A_1222 : i32
    %get3A_1224 = arith.index_cast %mul3A_1223 : i32 to index
    %get3A_1225 = tpu.vector_load %arg7[%get3A_1224] {strides = array<i32>} : memref<1024xi32, #tpu.memory_space<vmem>>, vector<16xi32>,
    %get3A_1226 = vector.shape_cast %get3A_1225 : vector<16xi32> to vector<16xi32>
    %broadcast_in_dim3A_1227 = arith.constant 0.000000e+00 : f32
    %broadcast_in_dim3A_1228 = vector.broadcast %broadcast_in_dim3A_1227 : f32 to vector<16xf32>
    %eq3A_1229 = arith.constant 0 : i32
    %eq3A_1230 = vector.broadcast %eq3A_1229 : i32 to vector<16xi32>
    %eq3A_1231 = arith.cmpi eq, %get3A_1226, %eq3A_1230 : vector<16xi32>
    %select_n3A_1232 = arith.select %eq3A_1231, %div3A_6, %broadcast_in_dim3A_1228 : vector<16xi1>, vector<16xf32>
    %eq3A_1233 = arith.constant 1 : i32
    %eq3A_1234 = vector.broadcast %eq3A_1233 : i32 to vector<16xi32>
    %eq3A_1235 = arith.cmpi eq, %get3A_1226, %eq3A_1234 : vector<16xi32>
    %select_n3A_1236 = arith.select %eq3A_1235, %div3A_14, %select_n3A_1232 : vector<16xi1>, vector<16xf32>
    %mul3A_1237 = arith.constant 16 : i32
    %mul3A_1238 = arith.muli %scan3A_1221, %mul3A_1237 : i32
    %swap3A_1239 = arith.index_cast %mul3A_1238 : i32 to index
    %swap3A_1240 = tpu.vector_load %arg9[%swap3A_1239] {strides = array<i32>} : memref<1024xf32, #tpu.memory_space<vmem>>, vector<16xf32>,
    %swap3A_1241 = vector.shape_cast %swap3A_1240 : vector<16xf32> to vector<16xf32>
    %swap3A_1242 = vector.shape_cast %select_n3A_1236 : vector<16xf32> to vector<16xf32>
    tpu.vector_store %arg9[%swap3A_1239], %swap3A_1242 {strides = array<i32>} : memref<1024xf32, #tpu.memory_space<vmem>>, vector<16xf32>,
    %scan3A_1243 = arith.constant 56 : i32
    %mul3A_1244 = arith.constant 16 : i32
    %mul3A_1245 = arith.muli %scan3A_1243, %mul3A_1244 : i32
    %get3A_1246 = arith.index_cast %mul3A_1245 : i32 to index
    %get3A_1247 = tpu.vector_load %arg7[%get3A_1246] {strides = array<i32>} : memref<1024xi32, #tpu.memory_space<vmem>>, vector<16xi32>,
    %get3A_1248 = vector.shape_cast %get3A_1247 : vector<16xi32> to vector<16xi32>
    %broadcast_in_dim3A_1249 = arith.constant 0.000000e+00 : f32
    %broadcast_in_dim3A_1250 = vector.broadcast %broadcast_in_dim3A_1249 : f32 to vector<16xf32>
    %eq3A_1251 = arith.constant 0 : i32
    %eq3A_1252 = vector.broadcast %eq3A_1251 : i32 to vector<16xi32>
    %eq3A_1253 = arith.cmpi eq, %get3A_1248, %eq3A_1252 : vector<16xi32>
    %select_n3A_1254 = arith.select %eq3A_1253, %div3A_6, %broadcast_in_dim3A_1250 : vector<16xi1>, vector<16xf32>
    %eq3A_1255 = arith.constant 1 : i32
    %eq3A_1256 = vector.broadcast %eq3A_1255 : i32 to vector<16xi32>
    %eq3A_1257 = arith.cmpi eq, %get3A_1248, %eq3A_1256 : vector<16xi32>
    %select_n3A_1258 = arith.select %eq3A_1257, %div3A_14, %select_n3A_1254 : vector<16xi1>, vector<16xf32>
    %mul3A_1259 = arith.constant 16 : i32
    %mul3A_1260 = arith.muli %scan3A_1243, %mul3A_1259 : i32
    %swap3A_1261 = arith.index_cast %mul3A_1260 : i32 to index
    %swap3A_1262 = tpu.vector_load %arg9[%swap3A_1261] {strides = array<i32>} : memref<1024xf32, #tpu.memory_space<vmem>>, vector<16xf32>,
    %swap3A_1263 = vector.shape_cast %swap3A_1262 : vector<16xf32> to vector<16xf32>
    %swap3A_1264 = vector.shape_cast %select_n3A_1258 : vector<16xf32> to vector<16xf32>
    tpu.vector_store %arg9[%swap3A_1261], %swap3A_1264 {strides = array<i32>} : memref<1024xf32, #tpu.memory_space<vmem>>, vector<16xf32>,
    %scan3A_1265 = arith.constant 57 : i32
    %mul3A_1266 = arith.constant 16 : i32
    %mul3A_1267 = arith.muli %scan3A_1265, %mul3A_1266 : i32
    %get3A_1268 = arith.index_cast %mul3A_1267 : i32 to index
    %get3A_1269 = tpu.vector_load %arg7[%get3A_1268] {strides = array<i32>} : memref<1024xi32, #tpu.memory_space<vmem>>, vector<16xi32>,
    %get3A_1270 = vector.shape_cast %get3A_1269 : vector<16xi32> to vector<16xi32>
    %broadcast_in_dim3A_1271 = arith.constant 0.000000e+00 : f32
    %broadcast_in_dim3A_1272 = vector.broadcast %broadcast_in_dim3A_1271 : f32 to vector<16xf32>
    %eq3A_1273 = arith.constant 0 : i32
    %eq3A_1274 = vector.broadcast %eq3A_1273 : i32 to vector<16xi32>
    %eq3A_1275 = arith.cmpi eq, %get3A_1270, %eq3A_1274 : vector<16xi32>
    %select_n3A_1276 = arith.select %eq3A_1275, %div3A_6, %broadcast_in_dim3A_1272 : vector<16xi1>, vector<16xf32>
    %eq3A_1277 = arith.constant 1 : i32
    %eq3A_1278 = vector.broadcast %eq3A_1277 : i32 to vector<16xi32>
    %eq3A_1279 = arith.cmpi eq, %get3A_1270, %eq3A_1278 : vector<16xi32>
    %select_n3A_1280 = arith.select %eq3A_1279, %div3A_14, %select_n3A_1276 : vector<16xi1>, vector<16xf32>
    %mul3A_1281 = arith.constant 16 : i32
    %mul3A_1282 = arith.muli %scan3A_1265, %mul3A_1281 : i32
    %swap3A_1283 = arith.index_cast %mul3A_1282 : i32 to index
    %swap3A_1284 = tpu.vector_load %arg9[%swap3A_1283] {strides = array<i32>} : memref<1024xf32, #tpu.memory_space<vmem>>, vector<16xf32>,
    %swap3A_1285 = vector.shape_cast %swap3A_1284 : vector<16xf32> to vector<16xf32>
    %swap3A_1286 = vector.shape_cast %select_n3A_1280 : vector<16xf32> to vector<16xf32>
    tpu.vector_store %arg9[%swap3A_1283], %swap3A_1286 {strides = array<i32>} : memref<1024xf32, #tpu.memory_space<vmem>>, vector<16xf32>,
    %scan3A_1287 = arith.constant 58 : i32
    %mul3A_1288 = arith.constant 16 : i32
    %mul3A_1289 = arith.muli %scan3A_1287, %mul3A_1288 : i32
    %get3A_1290 = arith.index_cast %mul3A_1289 : i32 to index
    %get3A_1291 = tpu.vector_load %arg7[%get3A_1290] {strides = array<i32>} : memref<1024xi32, #tpu.memory_space<vmem>>, vector<16xi32>,
    %get3A_1292 = vector.shape_cast %get3A_1291 : vector<16xi32> to vector<16xi32>
    %broadcast_in_dim3A_1293 = arith.constant 0.000000e+00 : f32
    %broadcast_in_dim3A_1294 = vector.broadcast %broadcast_in_dim3A_1293 : f32 to vector<16xf32>
    %eq3A_1295 = arith.constant 0 : i32
    %eq3A_1296 = vector.broadcast %eq3A_1295 : i32 to vector<16xi32>
    %eq3A_1297 = arith.cmpi eq, %get3A_1292, %eq3A_1296 : vector<16xi32>
    %select_n3A_1298 = arith.select %eq3A_1297, %div3A_6, %broadcast_in_dim3A_1294 : vector<16xi1>, vector<16xf32>
    %eq3A_1299 = arith.constant 1 : i32
    %eq3A_1300 = vector.broadcast %eq3A_1299 : i32 to vector<16xi32>
    %eq3A_1301 = arith.cmpi eq, %get3A_1292, %eq3A_1300 : vector<16xi32>
    %select_n3A_1302 = arith.select %eq3A_1301, %div3A_14, %select_n3A_1298 : vector<16xi1>, vector<16xf32>
    %mul3A_1303 = arith.constant 16 : i32
    %mul3A_1304 = arith.muli %scan3A_1287, %mul3A_1303 : i32
    %swap3A_1305 = arith.index_cast %mul3A_1304 : i32 to index
    %swap3A_1306 = tpu.vector_load %arg9[%swap3A_1305] {strides = array<i32>} : memref<1024xf32, #tpu.memory_space<vmem>>, vector<16xf32>,
    %swap3A_1307 = vector.shape_cast %swap3A_1306 : vector<16xf32> to vector<16xf32>
    %swap3A_1308 = vector.shape_cast %select_n3A_1302 : vector<16xf32> to vector<16xf32>
    tpu.vector_store %arg9[%swap3A_1305], %swap3A_1308 {strides = array<i32>} : memref<1024xf32, #tpu.memory_space<vmem>>, vector<16xf32>,
    %scan3A_1309 = arith.constant 59 : i32
    %mul3A_1310 = arith.constant 16 : i32
    %mul3A_1311 = arith.muli %scan3A_1309, %mul3A_1310 : i32
    %get3A_1312 = arith.index_cast %mul3A_1311 : i32 to index
    %get3A_1313 = tpu.vector_load %arg7[%get3A_1312] {strides = array<i32>} : memref<1024xi32, #tpu.memory_space<vmem>>, vector<16xi32>,
    %get3A_1314 = vector.shape_cast %get3A_1313 : vector<16xi32> to vector<16xi32>
    %broadcast_in_dim3A_1315 = arith.constant 0.000000e+00 : f32
    %broadcast_in_dim3A_1316 = vector.broadcast %broadcast_in_dim3A_1315 : f32 to vector<16xf32>
    %eq3A_1317 = arith.constant 0 : i32
    %eq3A_1318 = vector.broadcast %eq3A_1317 : i32 to vector<16xi32>
    %eq3A_1319 = arith.cmpi eq, %get3A_1314, %eq3A_1318 : vector<16xi32>
    %select_n3A_1320 = arith.select %eq3A_1319, %div3A_6, %broadcast_in_dim3A_1316 : vector<16xi1>, vector<16xf32>
    %eq3A_1321 = arith.constant 1 : i32
    %eq3A_1322 = vector.broadcast %eq3A_1321 : i32 to vector<16xi32>
    %eq3A_1323 = arith.cmpi eq, %get3A_1314, %eq3A_1322 : vector<16xi32>
    %select_n3A_1324 = arith.select %eq3A_1323, %div3A_14, %select_n3A_1320 : vector<16xi1>, vector<16xf32>
    %mul3A_1325 = arith.constant 16 : i32
    %mul3A_1326 = arith.muli %scan3A_1309, %mul3A_1325 : i32
    %swap3A_1327 = arith.index_cast %mul3A_1326 : i32 to index
    %swap3A_1328 = tpu.vector_load %arg9[%swap3A_1327] {strides = array<i32>} : memref<1024xf32, #tpu.memory_space<vmem>>, vector<16xf32>,
    %swap3A_1329 = vector.shape_cast %swap3A_1328 : vector<16xf32> to vector<16xf32>
    %swap3A_1330 = vector.shape_cast %select_n3A_1324 : vector<16xf32> to vector<16xf32>
    tpu.vector_store %arg9[%swap3A_1327], %swap3A_1330 {strides = array<i32>} : memref<1024xf32, #tpu.memory_space<vmem>>, vector<16xf32>,
    %scan3A_1331 = arith.constant 60 : i32
    %mul3A_1332 = arith.constant 16 : i32
    %mul3A_1333 = arith.muli %scan3A_1331, %mul3A_1332 : i32
    %get3A_1334 = arith.index_cast %mul3A_1333 : i32 to index
    %get3A_1335 = tpu.vector_load %arg7[%get3A_1334] {strides = array<i32>} : memref<1024xi32, #tpu.memory_space<vmem>>, vector<16xi32>,
    %get3A_1336 = vector.shape_cast %get3A_1335 : vector<16xi32> to vector<16xi32>
    %broadcast_in_dim3A_1337 = arith.constant 0.000000e+00 : f32
    %broadcast_in_dim3A_1338 = vector.broadcast %broadcast_in_dim3A_1337 : f32 to vector<16xf32>
    %eq3A_1339 = arith.constant 0 : i32
    %eq3A_1340 = vector.broadcast %eq3A_1339 : i32 to vector<16xi32>
    %eq3A_1341 = arith.cmpi eq, %get3A_1336, %eq3A_1340 : vector<16xi32>
    %select_n3A_1342 = arith.select %eq3A_1341, %div3A_6, %broadcast_in_dim3A_1338 : vector<16xi1>, vector<16xf32>
    %eq3A_1343 = arith.constant 1 : i32
    %eq3A_1344 = vector.broadcast %eq3A_1343 : i32 to vector<16xi32>
    %eq3A_1345 = arith.cmpi eq, %get3A_1336, %eq3A_1344 : vector<16xi32>
    %select_n3A_1346 = arith.select %eq3A_1345, %div3A_14, %select_n3A_1342 : vector<16xi1>, vector<16xf32>
    %mul3A_1347 = arith.constant 16 : i32
    %mul3A_1348 = arith.muli %scan3A_1331, %mul3A_1347 : i32
    %swap3A_1349 = arith.index_cast %mul3A_1348 : i32 to index
    %swap3A_1350 = tpu.vector_load %arg9[%swap3A_1349] {strides = array<i32>} : memref<1024xf32, #tpu.memory_space<vmem>>, vector<16xf32>,
    %swap3A_1351 = vector.shape_cast %swap3A_1350 : vector<16xf32> to vector<16xf32>
    %swap3A_1352 = vector.shape_cast %select_n3A_1346 : vector<16xf32> to vector<16xf32>
    tpu.vector_store %arg9[%swap3A_1349], %swap3A_1352 {strides = array<i32>} : memref<1024xf32, #tpu.memory_space<vmem>>, vector<16xf32>,
    %scan3A_1353 = arith.constant 61 : i32
    %mul3A_1354 = arith.constant 16 : i32
    %mul3A_1355 = arith.muli %scan3A_1353, %mul3A_1354 : i32
    %get3A_1356 = arith.index_cast %mul3A_1355 : i32 to index
    %get3A_1357 = tpu.vector_load %arg7[%get3A_1356] {strides = array<i32>} : memref<1024xi32, #tpu.memory_space<vmem>>, vector<16xi32>,
    %get3A_1358 = vector.shape_cast %get3A_1357 : vector<16xi32> to vector<16xi32>
    %broadcast_in_dim3A_1359 = arith.constant 0.000000e+00 : f32
    %broadcast_in_dim3A_1360 = vector.broadcast %broadcast_in_dim3A_1359 : f32 to vector<16xf32>
    %eq3A_1361 = arith.constant 0 : i32
    %eq3A_1362 = vector.broadcast %eq3A_1361 : i32 to vector<16xi32>
    %eq3A_1363 = arith.cmpi eq, %get3A_1358, %eq3A_1362 : vector<16xi32>
    %select_n3A_1364 = arith.select %eq3A_1363, %div3A_6, %broadcast_in_dim3A_1360 : vector<16xi1>, vector<16xf32>
    %eq3A_1365 = arith.constant 1 : i32
    %eq3A_1366 = vector.broadcast %eq3A_1365 : i32 to vector<16xi32>
    %eq3A_1367 = arith.cmpi eq, %get3A_1358, %eq3A_1366 : vector<16xi32>
    %select_n3A_1368 = arith.select %eq3A_1367, %div3A_14, %select_n3A_1364 : vector<16xi1>, vector<16xf32>
    %mul3A_1369 = arith.constant 16 : i32
    %mul3A_1370 = arith.muli %scan3A_1353, %mul3A_1369 : i32
    %swap3A_1371 = arith.index_cast %mul3A_1370 : i32 to index
    %swap3A_1372 = tpu.vector_load %arg9[%swap3A_1371] {strides = array<i32>} : memref<1024xf32, #tpu.memory_space<vmem>>, vector<16xf32>,
    %swap3A_1373 = vector.shape_cast %swap3A_1372 : vector<16xf32> to vector<16xf32>
    %swap3A_1374 = vector.shape_cast %select_n3A_1368 : vector<16xf32> to vector<16xf32>
    tpu.vector_store %arg9[%swap3A_1371], %swap3A_1374 {strides = array<i32>} : memref<1024xf32, #tpu.memory_space<vmem>>, vector<16xf32>,
    %scan3A_1375 = arith.constant 62 : i32
    %mul3A_1376 = arith.constant 16 : i32
    %mul3A_1377 = arith.muli %scan3A_1375, %mul3A_1376 : i32
    %get3A_1378 = arith.index_cast %mul3A_1377 : i32 to index
    %get3A_1379 = tpu.vector_load %arg7[%get3A_1378] {strides = array<i32>} : memref<1024xi32, #tpu.memory_space<vmem>>, vector<16xi32>,
    %get3A_1380 = vector.shape_cast %get3A_1379 : vector<16xi32> to vector<16xi32>
    %broadcast_in_dim3A_1381 = arith.constant 0.000000e+00 : f32
    %broadcast_in_dim3A_1382 = vector.broadcast %broadcast_in_dim3A_1381 : f32 to vector<16xf32>
    %eq3A_1383 = arith.constant 0 : i32
    %eq3A_1384 = vector.broadcast %eq3A_1383 : i32 to vector<16xi32>
    %eq3A_1385 = arith.cmpi eq, %get3A_1380, %eq3A_1384 : vector<16xi32>
    %select_n3A_1386 = arith.select %eq3A_1385, %div3A_6, %broadcast_in_dim3A_1382 : vector<16xi1>, vector<16xf32>
    %eq3A_1387 = arith.constant 1 : i32
    %eq3A_1388 = vector.broadcast %eq3A_1387 : i32 to vector<16xi32>
    %eq3A_1389 = arith.cmpi eq, %get3A_1380, %eq3A_1388 : vector<16xi32>
    %select_n3A_1390 = arith.select %eq3A_1389, %div3A_14, %select_n3A_1386 : vector<16xi1>, vector<16xf32>
    %mul3A_1391 = arith.constant 16 : i32
    %mul3A_1392 = arith.muli %scan3A_1375, %mul3A_1391 : i32
    %swap3A_1393 = arith.index_cast %mul3A_1392 : i32 to index
    %swap3A_1394 = tpu.vector_load %arg9[%swap3A_1393] {strides = array<i32>} : memref<1024xf32, #tpu.memory_space<vmem>>, vector<16xf32>,
    %swap3A_1395 = vector.shape_cast %swap3A_1394 : vector<16xf32> to vector<16xf32>
    %swap3A_1396 = vector.shape_cast %select_n3A_1390 : vector<16xf32> to vector<16xf32>
    tpu.vector_store %arg9[%swap3A_1393], %swap3A_1396 {strides = array<i32>} : memref<1024xf32, #tpu.memory_space<vmem>>, vector<16xf32>,
    %scan3A_1397 = arith.constant 63 : i32
    %mul3A_1398 = arith.constant 16 : i32
    %mul3A_1399 = arith.muli %scan3A_1397, %mul3A_1398 : i32
    %get3A_1400 = arith.index_cast %mul3A_1399 : i32 to index
    %get3A_1401 = tpu.vector_load %arg7[%get3A_1400] {strides = array<i32>} : memref<1024xi32, #tpu.memory_space<vmem>>, vector<16xi32>,
    %get3A_1402 = vector.shape_cast %get3A_1401 : vector<16xi32> to vector<16xi32>
    %broadcast_in_dim3A_1403 = arith.constant 0.000000e+00 : f32
    %broadcast_in_dim3A_1404 = vector.broadcast %broadcast_in_dim3A_1403 : f32 to vector<16xf32>
    %eq3A_1405 = arith.constant 0 : i32
    %eq3A_1406 = vector.broadcast %eq3A_1405 : i32 to vector<16xi32>
    %eq3A_1407 = arith.cmpi eq, %get3A_1402, %eq3A_1406 : vector<16xi32>
    %select_n3A_1408 = arith.select %eq3A_1407, %div3A_6, %broadcast_in_dim3A_1404 : vector<16xi1>, vector<16xf32>
    %eq3A_1409 = arith.constant 1 : i32
    %eq3A_1410 = vector.broadcast %eq3A_1409 : i32 to vector<16xi32>
    %eq3A_1411 = arith.cmpi eq, %get3A_1402, %eq3A_1410 : vector<16xi32>
    %select_n3A_1412 = arith.select %eq3A_1411, %div3A_14, %select_n3A_1408 : vector<16xi1>, vector<16xf32>
    %mul3A_1413 = arith.constant 16 : i32
    %mul3A_1414 = arith.muli %scan3A_1397, %mul3A_1413 : i32
    %swap3A_1415 = arith.index_cast %mul3A_1414 : i32 to index
    %swap3A_1416 = tpu.vector_load %arg9[%swap3A_1415] {strides = array<i32>} : memref<1024xf32, #tpu.memory_space<vmem>>, vector<16xf32>,
    %swap3A_1417 = vector.shape_cast %swap3A_1416 : vector<16xf32> to vector<16xf32>
    %swap3A_1418 = vector.shape_cast %select_n3A_1412 : vector<16xf32> to vector<16xf32>
    tpu.vector_store %arg9[%swap3A_1415], %swap3A_1418 {strides = array<i32>} : memref<1024xf32, #tpu.memory_space<vmem>>, vector<16xf32>,
    %scan3A_1419 = arith.constant 64 : i32
    %rem3A = arith.constant 0 : i32
    %rem3A_1420 = arith.constant 2 : i32
    %rem3A_1421 = arith.remsi %rem3A, %rem3A_1420 : i32
    %mul3A_1422 = arith.constant 32 : i32
    %mul3A_1423 = arith.constant 0 : i32
    %mul3A_1424 = arith.muli %mul3A_1422, %mul3A_1423 : i32
    %add3A_1425 = arith.addi %add3A, %mul3A_1424 : i32
    %mul3A_1426 = arith.constant 40 : i32
    %mul3A_1427 = arith.muli %add3A_1425, %mul3A_1426 : i32
    %dma_start3A = arith.constant 0 : i32
    %dma_start3A_1428 = arith.constant 0 : i32
    %dma_start3A_1429 = tpu.memref_slice %arg6[%rem3A_1421, %dma_start3A, %dma_start3A_1428] : memref<2x40x1024xf32, #tpu.memory_space<vmem>> -> memref<1x40x1024xf32, #tpu.memory_space<vmem>>
    %dma_start3A_1430 = tpu.memref_squeeze %dma_start3A_1429 : memref<1x40x1024xf32, #tpu.memory_space<vmem>> -> memref<40x1024xf32, #tpu.memory_space<vmem>>
    %dma_start3A_1431 = arith.constant 0 : i32
    %dma_start3A_1432 = tpu.memref_slice %arg2[%mul3A_1427, %dma_start3A_1431] : memref<100000x1024xf32, #tpu.memory_space<hbm>> -> memref<40x1024xf32, #tpu.memory_space<hbm>>
    %dma_start3A_1433 = tpu.memref_slice %arg10[%rem3A_1421] : memref<2x!tpu.dma_semaphore, #tpu.memory_space<semaphore_mem>> -> memref<1x!tpu.dma_semaphore, #tpu.memory_space<semaphore_mem>>
    %dma_start3A_1434 = tpu.memref_squeeze %dma_start3A_1433 : memref<1x!tpu.dma_semaphore, #tpu.memory_space<semaphore_mem>> -> memref<!tpu.dma_semaphore, #tpu.memory_space<semaphore_mem>>
    %dma_start3A_1435 = arith.constant 0 : i32
    %dma_start3A_1436 = arith.constant 0 : i32
    %dma_start3A_1437 = tpu.memref_slice %arg6[%rem3A_1421, %dma_start3A_1435, %dma_start3A_1436] : memref<2x40x1024xf32, #tpu.memory_space<vmem>> -> memref<1x40x1024xf32, #tpu.memory_space<vmem>>
    %dma_start3A_1438 = tpu.memref_squeeze %dma_start3A_1437 : memref<1x40x1024xf32, #tpu.memory_space<vmem>> -> memref<40x1024xf32, #tpu.memory_space<vmem>>
    %dma_start3A_1439 = arith.constant 0 : i32
    %dma_start3A_1440 = tpu.memref_slice %arg2[%mul3A_1427, %dma_start3A_1439] : memref<100000x1024xf32, #tpu.memory_space<hbm>> -> memref<40x1024xf32, #tpu.memory_space<hbm>>
    tpu.enqueue_dma source(%dma_start3A_1440 : memref<40x1024xf32, #tpu.memory_space<hbm>>) target(%dma_start3A_1438 : memref<40x1024xf32, #tpu.memory_space<vmem>>) target_semaphore(%dma_start3A_1434 : memref<!tpu.dma_semaphore, #tpu.memory_space<semaphore_mem>>)
    %while3A = arith.constant 0 : i32
    %while3A_1441 = arith.constant 0 : i32
    %while3A_1442 = arith.constant 79 : i32
    %while3A_1443 = arith.subi %while3A_1442, %while3A_1441 : i32
    %while3A_1444 = arith.addi %while3A_1441, %while3A_1443 : i32
    %while3A_1445 = arith.constant 1 : i32
    %while3A_1446 = arith.divsi %while3A_1443, %while3A_1445 : i32
    %while3A_1447 = arith.muli %while3A_1446, %while3A_1445 : i32
    %while3A_1448 = arith.addi %while3A_1441, %while3A_1447 : i32
    %while3A_1449 = arith.constant 1 : i32
    scf.for %while3A_1503 = %while3A_1441 to %while3A_1448 step %while3A_1449  : i32 {
      %mul3A_1504 = arith.constant 32 : i32
      %mul3A_1505 = arith.muli %mul3A_1504, %while3A_1503 : i32
      %add3A_1506 = arith.addi %add3A, %mul3A_1505 : i32
      %lt3A = arith.constant 2500 : i32
      %lt3A_1507 = arith.cmpi slt, %add3A_1506, %lt3A : i32
      %convert_element_type3A = arith.extui %lt3A_1507 : i1 to i32
      %cond3A = arith.constant 0 : i32
      %cond3A_1508 = arith.cmpi ne, %convert_element_type3A, %cond3A : i32
      scf.if %cond3A_1508 {
        %rem3A_1523 = arith.constant 2 : i32
        %rem3A_1524 = arith.remsi %while3A_1503, %rem3A_1523 : i32
        %rem3A_1525 = arith.constant 2 : i32
        %rem3A_1526 = arith.remsi %while3A_1503, %rem3A_1525 : i32
        %mul3A_1527 = arith.constant 32 : i32
        %mul3A_1528 = arith.muli %mul3A_1527, %while3A_1503 : i32
        %add3A_1529 = arith.addi %add3A, %mul3A_1528 : i32
        %mul3A_1530 = arith.constant 40 : i32
        %mul3A_1531 = arith.muli %add3A_1529, %mul3A_1530 : i32
        %dma_wait3A_1532 = arith.constant 0 : i32
        %dma_wait3A_1533 = arith.constant 0 : i32
        %dma_wait3A_1534 = tpu.memref_slice %arg6[%rem3A_1526, %dma_wait3A_1532, %dma_wait3A_1533] : memref<2x40x1024xf32, #tpu.memory_space<vmem>> -> memref<1x40x1024xf32, #tpu.memory_space<vmem>>
        %dma_wait3A_1535 = tpu.memref_squeeze %dma_wait3A_1534 : memref<1x40x1024xf32, #tpu.memory_space<vmem>> -> memref<40x1024xf32, #tpu.memory_space<vmem>>
        %dma_wait3A_1536 = arith.constant 0 : i32
        %dma_wait3A_1537 = tpu.memref_slice %arg2[%mul3A_1531, %dma_wait3A_1536] : memref<100000x1024xf32, #tpu.memory_space<hbm>> -> memref<40x1024xf32, #tpu.memory_space<hbm>>
        %dma_wait3A_1538 = tpu.memref_slice %arg10[%rem3A_1526] : memref<2x!tpu.dma_semaphore, #tpu.memory_space<semaphore_mem>> -> memref<1x!tpu.dma_semaphore, #tpu.memory_space<semaphore_mem>>
        %dma_wait3A_1539 = tpu.memref_squeeze %dma_wait3A_1538 : memref<1x!tpu.dma_semaphore, #tpu.memory_space<semaphore_mem>> -> memref<!tpu.dma_semaphore, #tpu.memory_space<semaphore_mem>>
        %dma_wait3A_1540 = arith.constant 0 : i32
        %dma_wait3A_1541 = arith.constant 0 : i32
        %dma_wait3A_1542 = tpu.memref_slice %arg6[%rem3A_1526, %dma_wait3A_1540, %dma_wait3A_1541] : memref<2x40x1024xf32, #tpu.memory_space<vmem>> -> memref<1x40x1024xf32, #tpu.memory_space<vmem>>
        %dma_wait3A_1543 = tpu.memref_squeeze %dma_wait3A_1542 : memref<1x40x1024xf32, #tpu.memory_space<vmem>> -> memref<40x1024xf32, #tpu.memory_space<vmem>>
        %dma_wait3A_1544 = arith.constant 0 : i32
        %dma_wait3A_1545 = tpu.memref_slice %arg2[%mul3A_1531, %dma_wait3A_1544] : memref<100000x1024xf32, #tpu.memory_space<hbm>> -> memref<40x1024xf32, #tpu.memory_space<hbm>>
        tpu.wait_dma2 semaphore(%dma_wait3A_1539 : memref<!tpu.dma_semaphore, #tpu.memory_space<semaphore_mem>>) src(%dma_wait3A_1545 : memref<40x1024xf32, #tpu.memory_space<hbm>>) dst(%dma_wait3A_1543 : memref<40x1024xf32, #tpu.memory_space<vmem>>)
        %scan3A_1546 = arith.constant 0 : i32
        %scan3A_1547 = arith.constant 0 : i32
        %scan3A_1548 = arith.constant 40 : i32
        %scan3A_1549 = arith.addi %scan3A_1547, %scan3A_1548 : i32
        %scan3A_1550 = arith.constant 1 : i32
        scf.for %scan3A_1573 = %scan3A_1547 to %scan3A_1549 step %scan3A_1550  : i32 {
          %get3A_1574 = arith.constant 0 : i32
          %get3A_1575 = tpu.memref_slice %arg6[%rem3A_1524, %scan3A_1573, %get3A_1574] : memref<2x40x1024xf32, #tpu.memory_space<vmem>> -> memref<1x1x1024xf32, #tpu.memory_space<vmem>>
          %get3A_1576 = tpu.memref_squeeze %get3A_1575 : memref<1x1x1024xf32, #tpu.memory_space<vmem>> -> memref<1024xf32, #tpu.memory_space<vmem>>
          %get3A_1577 = arith.constant 0 : index
          %get3A_1578 = tpu.vector_load %get3A_1576[%get3A_1577] {strides = array<i32>} : memref<1024xf32, #tpu.memory_space<vmem>>, vector<16xf32>,
          %get3A_1579 = vector.shape_cast %get3A_1578 : vector<16xf32> to vector<16xf32>
          %get3A_1580 = arith.constant 0 : index
          %get3A_1581 = tpu.vector_load %arg9[%get3A_1580] {strides = array<i32>} : memref<1024xf32, #tpu.memory_space<vmem>>, vector<16xf32>,
          %get3A_1582 = vector.shape_cast %get3A_1581 : vector<16xf32> to vector<16xf32>
          %mul3A_1583 = arith.mulf %get3A_1579, %get3A_1582 : vector<16xf32>
          %swap3A_1584 = arith.constant 0 : i32
          %swap3A_1585 = tpu.memref_slice %arg6[%rem3A_1524, %scan3A_1573, %swap3A_1584] : memref<2x40x1024xf32, #tpu.memory_space<vmem>> -> memref<1x1x1024xf32, #tpu.memory_space<vmem>>
          %swap3A_1586 = tpu.memref_squeeze %swap3A_1585 : memref<1x1x1024xf32, #tpu.memory_space<vmem>> -> memref<1024xf32, #tpu.memory_space<vmem>>
          %swap3A_1587 = arith.constant 0 : index
          %swap3A_1588 = tpu.vector_load %swap3A_1586[%swap3A_1587] {strides = array<i32>} : memref<1024xf32, #tpu.memory_space<vmem>>, vector<16xf32>,
          %swap3A_1589 = vector.shape_cast %swap3A_1588 : vector<16xf32> to vector<16xf32>
          %swap3A_1590 = vector.shape_cast %mul3A_1583 : vector<16xf32> to vector<16xf32>
          tpu.vector_store %swap3A_1586[%swap3A_1587], %swap3A_1590 {strides = array<i32>} : memref<1024xf32, #tpu.memory_space<vmem>>, vector<16xf32>,
          %get3A_1591 = arith.constant 0 : i32
          %get3A_1592 = tpu.memref_slice %arg6[%rem3A_1524, %scan3A_1573, %get3A_1591] : memref<2x40x1024xf32, #tpu.memory_space<vmem>> -> memref<1x1x1024xf32, #tpu.memory_space<vmem>>
          %get3A_1593 = tpu.memref_squeeze %get3A_1592 : memref<1x1x1024xf32, #tpu.memory_space<vmem>> -> memref<1024xf32, #tpu.memory_space<vmem>>
          %get3A_1594 = arith.constant 16 : index
          %get3A_1595 = tpu.vector_load %get3A_1593[%get3A_1594] {strides = array<i32>} : memref<1024xf32, #tpu.memory_space<vmem>>, vector<16xf32>,
          %get3A_1596 = vector.shape_cast %get3A_1595 : vector<16xf32> to vector<16xf32>
          %get3A_1597 = arith.constant 16 : index
          %get3A_1598 = tpu.vector_load %arg9[%get3A_1597] {strides = array<i32>} : memref<1024xf32, #tpu.memory_space<vmem>>, vector<16xf32>,
          %get3A_1599 = vector.shape_cast %get3A_1598 : vector<16xf32> to vector<16xf32>
          %mul3A_1600 = arith.mulf %get3A_1596, %get3A_1599 : vector<16xf32>
          %swap3A_1601 = arith.constant 0 : i32
          %swap3A_1602 = tpu.memref_slice %arg6[%rem3A_1524, %scan3A_1573, %swap3A_1601] : memref<2x40x1024xf32, #tpu.memory_space<vmem>> -> memref<1x1x1024xf32, #tpu.memory_space<vmem>>
          %swap3A_1603 = tpu.memref_squeeze %swap3A_1602 : memref<1x1x1024xf32, #tpu.memory_space<vmem>> -> memref<1024xf32, #tpu.memory_space<vmem>>
          %swap3A_1604 = arith.constant 16 : index
          %swap3A_1605 = tpu.vector_load %swap3A_1603[%swap3A_1604] {strides = array<i32>} : memref<1024xf32, #tpu.memory_space<vmem>>, vector<16xf32>,
          %swap3A_1606 = vector.shape_cast %swap3A_1605 : vector<16xf32> to vector<16xf32>
          %swap3A_1607 = vector.shape_cast %mul3A_1600 : vector<16xf32> to vector<16xf32>
          tpu.vector_store %swap3A_1603[%swap3A_1604], %swap3A_1607 {strides = array<i32>} : memref<1024xf32, #tpu.memory_space<vmem>>, vector<16xf32>,
          %get3A_1608 = arith.constant 0 : i32
          %get3A_1609 = tpu.memref_slice %arg6[%rem3A_1524, %scan3A_1573, %get3A_1608] : memref<2x40x1024xf32, #tpu.memory_space<vmem>> -> memref<1x1x1024xf32, #tpu.memory_space<vmem>>
          %get3A_1610 = tpu.memref_squeeze %get3A_1609 : memref<1x1x1024xf32, #tpu.memory_space<vmem>> -> memref<1024xf32, #tpu.memory_space<vmem>>
          %get3A_1611 = arith.constant 32 : index
          %get3A_1612 = tpu.vector_load %get3A_1610[%get3A_1611] {strides = array<i32>} : memref<1024xf32, #tpu.memory_space<vmem>>, vector<16xf32>,
          %get3A_1613 = vector.shape_cast %get3A_1612 : vector<16xf32> to vector<16xf32>
          %get3A_1614 = arith.constant 32 : index
          %get3A_1615 = tpu.vector_load %arg9[%get3A_1614] {strides = array<i32>} : memref<1024xf32, #tpu.memory_space<vmem>>, vector<16xf32>,
          %get3A_1616 = vector.shape_cast %get3A_1615 : vector<16xf32> to vector<16xf32>
          %mul3A_1617 = arith.mulf %get3A_1613, %get3A_1616 : vector<16xf32>
          %swap3A_1618 = arith.constant 0 : i32
          %swap3A_1619 = tpu.memref_slice %arg6[%rem3A_1524, %scan3A_1573, %swap3A_1618] : memref<2x40x1024xf32, #tpu.memory_space<vmem>> -> memref<1x1x1024xf32, #tpu.memory_space<vmem>>
          %swap3A_1620 = tpu.memref_squeeze %swap3A_1619 : memref<1x1x1024xf32, #tpu.memory_space<vmem>> -> memref<1024xf32, #tpu.memory_space<vmem>>
          %swap3A_1621 = arith.constant 32 : index
          %swap3A_1622 = tpu.vector_load %swap3A_1620[%swap3A_1621] {strides = array<i32>} : memref<1024xf32, #tpu.memory_space<vmem>>, vector<16xf32>,
          %swap3A_1623 = vector.shape_cast %swap3A_1622 : vector<16xf32> to vector<16xf32>
          %swap3A_1624 = vector.shape_cast %mul3A_1617 : vector<16xf32> to vector<16xf32>
          tpu.vector_store %swap3A_1620[%swap3A_1621], %swap3A_1624 {strides = array<i32>} : memref<1024xf32, #tpu.memory_space<vmem>>, vector<16xf32>,
          %get3A_1625 = arith.constant 0 : i32
          %get3A_1626 = tpu.memref_slice %arg6[%rem3A_1524, %scan3A_1573, %get3A_1625] : memref<2x40x1024xf32, #tpu.memory_space<vmem>> -> memref<1x1x1024xf32, #tpu.memory_space<vmem>>
          %get3A_1627 = tpu.memref_squeeze %get3A_1626 : memref<1x1x1024xf32, #tpu.memory_space<vmem>> -> memref<1024xf32, #tpu.memory_space<vmem>>
          %get3A_1628 = arith.constant 48 : index
          %get3A_1629 = tpu.vector_load %get3A_1627[%get3A_1628] {strides = array<i32>} : memref<1024xf32, #tpu.memory_space<vmem>>, vector<16xf32>,
          %get3A_1630 = vector.shape_cast %get3A_1629 : vector<16xf32> to vector<16xf32>
          %get3A_1631 = arith.constant 48 : index
          %get3A_1632 = tpu.vector_load %arg9[%get3A_1631] {strides = array<i32>} : memref<1024xf32, #tpu.memory_space<vmem>>, vector<16xf32>,
          %get3A_1633 = vector.shape_cast %get3A_1632 : vector<16xf32> to vector<16xf32>
          %mul3A_1634 = arith.mulf %get3A_1630, %get3A_1633 : vector<16xf32>
          %swap3A_1635 = arith.constant 0 : i32
          %swap3A_1636 = tpu.memref_slice %arg6[%rem3A_1524, %scan3A_1573, %swap3A_1635] : memref<2x40x1024xf32, #tpu.memory_space<vmem>> -> memref<1x1x1024xf32, #tpu.memory_space<vmem>>
          %swap3A_1637 = tpu.memref_squeeze %swap3A_1636 : memref<1x1x1024xf32, #tpu.memory_space<vmem>> -> memref<1024xf32, #tpu.memory_space<vmem>>
          %swap3A_1638 = arith.constant 48 : index
          %swap3A_1639 = tpu.vector_load %swap3A_1637[%swap3A_1638] {strides = array<i32>} : memref<1024xf32, #tpu.memory_space<vmem>>, vector<16xf32>,
          %swap3A_1640 = vector.shape_cast %swap3A_1639 : vector<16xf32> to vector<16xf32>
          %swap3A_1641 = vector.shape_cast %mul3A_1634 : vector<16xf32> to vector<16xf32>
          tpu.vector_store %swap3A_1637[%swap3A_1638], %swap3A_1641 {strides = array<i32>} : memref<1024xf32, #tpu.memory_space<vmem>>, vector<16xf32>,
          %get3A_1642 = arith.constant 0 : i32
          %get3A_1643 = tpu.memref_slice %arg6[%rem3A_1524, %scan3A_1573, %get3A_1642] : memref<2x40x1024xf32, #tpu.memory_space<vmem>> -> memref<1x1x1024xf32, #tpu.memory_space<vmem>>
          %get3A_1644 = tpu.memref_squeeze %get3A_1643 : memref<1x1x1024xf32, #tpu.memory_space<vmem>> -> memref<1024xf32, #tpu.memory_space<vmem>>
          %get3A_1645 = arith.constant 64 : index
          %get3A_1646 = tpu.vector_load %get3A_1644[%get3A_1645] {strides = array<i32>} : memref<1024xf32, #tpu.memory_space<vmem>>, vector<16xf32>,
          %get3A_1647 = vector.shape_cast %get3A_1646 : vector<16xf32> to vector<16xf32>
          %get3A_1648 = arith.constant 64 : index
          %get3A_1649 = tpu.vector_load %arg9[%get3A_1648] {strides = array<i32>} : memref<1024xf32, #tpu.memory_space<vmem>>, vector<16xf32>,
          %get3A_1650 = vector.shape_cast %get3A_1649 : vector<16xf32> to vector<16xf32>
          %mul3A_1651 = arith.mulf %get3A_1647, %get3A_1650 : vector<16xf32>
          %swap3A_1652 = arith.constant 0 : i32
          %swap3A_1653 = tpu.memref_slice %arg6[%rem3A_1524, %scan3A_1573, %swap3A_1652] : memref<2x40x1024xf32, #tpu.memory_space<vmem>> -> memref<1x1x1024xf32, #tpu.memory_space<vmem>>
          %swap3A_1654 = tpu.memref_squeeze %swap3A_1653 : memref<1x1x1024xf32, #tpu.memory_space<vmem>> -> memref<1024xf32, #tpu.memory_space<vmem>>
          %swap3A_1655 = arith.constant 64 : index
          %swap3A_1656 = tpu.vector_load %swap3A_1654[%swap3A_1655] {strides = array<i32>} : memref<1024xf32, #tpu.memory_space<vmem>>, vector<16xf32>,
          %swap3A_1657 = vector.shape_cast %swap3A_1656 : vector<16xf32> to vector<16xf32>
          %swap3A_1658 = vector.shape_cast %mul3A_1651 : vector<16xf32> to vector<16xf32>
          tpu.vector_store %swap3A_1654[%swap3A_1655], %swap3A_1658 {strides = array<i32>} : memref<1024xf32, #tpu.memory_space<vmem>>, vector<16xf32>,
          %get3A_1659 = arith.constant 0 : i32
          %get3A_1660 = tpu.memref_slice %arg6[%rem3A_1524, %scan3A_1573, %get3A_1659] : memref<2x40x1024xf32, #tpu.memory_space<vmem>> -> memref<1x1x1024xf32, #tpu.memory_space<vmem>>
          %get3A_1661 = tpu.memref_squeeze %get3A_1660 : memref<1x1x1024xf32, #tpu.memory_space<vmem>> -> memref<1024xf32, #tpu.memory_space<vmem>>
          %get3A_1662 = arith.constant 80 : index
          %get3A_1663 = tpu.vector_load %get3A_1661[%get3A_1662] {strides = array<i32>} : memref<1024xf32, #tpu.memory_space<vmem>>, vector<16xf32>,
          %get3A_1664 = vector.shape_cast %get3A_1663 : vector<16xf32> to vector<16xf32>
          %get3A_1665 = arith.constant 80 : index
          %get3A_1666 = tpu.vector_load %arg9[%get3A_1665] {strides = array<i32>} : memref<1024xf32, #tpu.memory_space<vmem>>, vector<16xf32>,
          %get3A_1667 = vector.shape_cast %get3A_1666 : vector<16xf32> to vector<16xf32>
          %mul3A_1668 = arith.mulf %get3A_1664, %get3A_1667 : vector<16xf32>
          %swap3A_1669 = arith.constant 0 : i32
          %swap3A_1670 = tpu.memref_slice %arg6[%rem3A_1524, %scan3A_1573, %swap3A_1669] : memref<2x40x1024xf32, #tpu.memory_space<vmem>> -> memref<1x1x1024xf32, #tpu.memory_space<vmem>>
          %swap3A_1671 = tpu.memref_squeeze %swap3A_1670 : memref<1x1x1024xf32, #tpu.memory_space<vmem>> -> memref<1024xf32, #tpu.memory_space<vmem>>
          %swap3A_1672 = arith.constant 80 : index
          %swap3A_1673 = tpu.vector_load %swap3A_1671[%swap3A_1672] {strides = array<i32>} : memref<1024xf32, #tpu.memory_space<vmem>>, vector<16xf32>,
          %swap3A_1674 = vector.shape_cast %swap3A_1673 : vector<16xf32> to vector<16xf32>
          %swap3A_1675 = vector.shape_cast %mul3A_1668 : vector<16xf32> to vector<16xf32>
          tpu.vector_store %swap3A_1671[%swap3A_1672], %swap3A_1675 {strides = array<i32>} : memref<1024xf32, #tpu.memory_space<vmem>>, vector<16xf32>,
          %get3A_1676 = arith.constant 0 : i32
          %get3A_1677 = tpu.memref_slice %arg6[%rem3A_1524, %scan3A_1573, %get3A_1676] : memref<2x40x1024xf32, #tpu.memory_space<vmem>> -> memref<1x1x1024xf32, #tpu.memory_space<vmem>>
          %get3A_1678 = tpu.memref_squeeze %get3A_1677 : memref<1x1x1024xf32, #tpu.memory_space<vmem>> -> memref<1024xf32, #tpu.memory_space<vmem>>
          %get3A_1679 = arith.constant 96 : index
          %get3A_1680 = tpu.vector_load %get3A_1678[%get3A_1679] {strides = array<i32>} : memref<1024xf32, #tpu.memory_space<vmem>>, vector<16xf32>,
          %get3A_1681 = vector.shape_cast %get3A_1680 : vector<16xf32> to vector<16xf32>
          %get3A_1682 = arith.constant 96 : index
          %get3A_1683 = tpu.vector_load %arg9[%get3A_1682] {strides = array<i32>} : memref<1024xf32, #tpu.memory_space<vmem>>, vector<16xf32>,
          %get3A_1684 = vector.shape_cast %get3A_1683 : vector<16xf32> to vector<16xf32>
          %mul3A_1685 = arith.mulf %get3A_1681, %get3A_1684 : vector<16xf32>
          %swap3A_1686 = arith.constant 0 : i32
          %swap3A_1687 = tpu.memref_slice %arg6[%rem3A_1524, %scan3A_1573, %swap3A_1686] : memref<2x40x1024xf32, #tpu.memory_space<vmem>> -> memref<1x1x1024xf32, #tpu.memory_space<vmem>>
          %swap3A_1688 = tpu.memref_squeeze %swap3A_1687 : memref<1x1x1024xf32, #tpu.memory_space<vmem>> -> memref<1024xf32, #tpu.memory_space<vmem>>
          %swap3A_1689 = arith.constant 96 : index
          %swap3A_1690 = tpu.vector_load %swap3A_1688[%swap3A_1689] {strides = array<i32>} : memref<1024xf32, #tpu.memory_space<vmem>>, vector<16xf32>,
          %swap3A_1691 = vector.shape_cast %swap3A_1690 : vector<16xf32> to vector<16xf32>
          %swap3A_1692 = vector.shape_cast %mul3A_1685 : vector<16xf32> to vector<16xf32>
          tpu.vector_store %swap3A_1688[%swap3A_1689], %swap3A_1692 {strides = array<i32>} : memref<1024xf32, #tpu.memory_space<vmem>>, vector<16xf32>,
          %get3A_1693 = arith.constant 0 : i32
          %get3A_1694 = tpu.memref_slice %arg6[%rem3A_1524, %scan3A_1573, %get3A_1693] : memref<2x40x1024xf32, #tpu.memory_space<vmem>> -> memref<1x1x1024xf32, #tpu.memory_space<vmem>>
          %get3A_1695 = tpu.memref_squeeze %get3A_1694 : memref<1x1x1024xf32, #tpu.memory_space<vmem>> -> memref<1024xf32, #tpu.memory_space<vmem>>
          %get3A_1696 = arith.constant 112 : index
          %get3A_1697 = tpu.vector_load %get3A_1695[%get3A_1696] {strides = array<i32>} : memref<1024xf32, #tpu.memory_space<vmem>>, vector<16xf32>,
          %get3A_1698 = vector.shape_cast %get3A_1697 : vector<16xf32> to vector<16xf32>
          %get3A_1699 = arith.constant 112 : index
          %get3A_1700 = tpu.vector_load %arg9[%get3A_1699] {strides = array<i32>} : memref<1024xf32, #tpu.memory_space<vmem>>, vector<16xf32>,
          %get3A_1701 = vector.shape_cast %get3A_1700 : vector<16xf32> to vector<16xf32>
          %mul3A_1702 = arith.mulf %get3A_1698, %get3A_1701 : vector<16xf32>
          %swap3A_1703 = arith.constant 0 : i32
          %swap3A_1704 = tpu.memref_slice %arg6[%rem3A_1524, %scan3A_1573, %swap3A_1703] : memref<2x40x1024xf32, #tpu.memory_space<vmem>> -> memref<1x1x1024xf32, #tpu.memory_space<vmem>>
          %swap3A_1705 = tpu.memref_squeeze %swap3A_1704 : memref<1x1x1024xf32, #tpu.memory_space<vmem>> -> memref<1024xf32, #tpu.memory_space<vmem>>
          %swap3A_1706 = arith.constant 112 : index
          %swap3A_1707 = tpu.vector_load %swap3A_1705[%swap3A_1706] {strides = array<i32>} : memref<1024xf32, #tpu.memory_space<vmem>>, vector<16xf32>,
          %swap3A_1708 = vector.shape_cast %swap3A_1707 : vector<16xf32> to vector<16xf32>
          %swap3A_1709 = vector.shape_cast %mul3A_1702 : vector<16xf32> to vector<16xf32>
          tpu.vector_store %swap3A_1705[%swap3A_1706], %swap3A_1709 {strides = array<i32>} : memref<1024xf32, #tpu.memory_space<vmem>>, vector<16xf32>,
          %get3A_1710 = arith.constant 0 : i32
          %get3A_1711 = tpu.memref_slice %arg6[%rem3A_1524, %scan3A_1573, %get3A_1710] : memref<2x40x1024xf32, #tpu.memory_space<vmem>> -> memref<1x1x1024xf32, #tpu.memory_space<vmem>>
          %get3A_1712 = tpu.memref_squeeze %get3A_1711 : memref<1x1x1024xf32, #tpu.memory_space<vmem>> -> memref<1024xf32, #tpu.memory_space<vmem>>
          %get3A_1713 = arith.constant 128 : index
          %get3A_1714 = tpu.vector_load %get3A_1712[%get3A_1713] {strides = array<i32>} : memref<1024xf32, #tpu.memory_space<vmem>>, vector<16xf32>,
          %get3A_1715 = vector.shape_cast %get3A_1714 : vector<16xf32> to vector<16xf32>
          %get3A_1716 = arith.constant 128 : index
          %get3A_1717 = tpu.vector_load %arg9[%get3A_1716] {strides = array<i32>} : memref<1024xf32, #tpu.memory_space<vmem>>, vector<16xf32>,
          %get3A_1718 = vector.shape_cast %get3A_1717 : vector<16xf32> to vector<16xf32>
          %mul3A_1719 = arith.mulf %get3A_1715, %get3A_1718 : vector<16xf32>
          %swap3A_1720 = arith.constant 0 : i32
          %swap3A_1721 = tpu.memref_slice %arg6[%rem3A_1524, %scan3A_1573, %swap3A_1720] : memref<2x40x1024xf32, #tpu.memory_space<vmem>> -> memref<1x1x1024xf32, #tpu.memory_space<vmem>>
          %swap3A_1722 = tpu.memref_squeeze %swap3A_1721 : memref<1x1x1024xf32, #tpu.memory_space<vmem>> -> memref<1024xf32, #tpu.memory_space<vmem>>
          %swap3A_1723 = arith.constant 128 : index
          %swap3A_1724 = tpu.vector_load %swap3A_1722[%swap3A_1723] {strides = array<i32>} : memref<1024xf32, #tpu.memory_space<vmem>>, vector<16xf32>,
          %swap3A_1725 = vector.shape_cast %swap3A_1724 : vector<16xf32> to vector<16xf32>
          %swap3A_1726 = vector.shape_cast %mul3A_1719 : vector<16xf32> to vector<16xf32>
          tpu.vector_store %swap3A_1722[%swap3A_1723], %swap3A_1726 {strides = array<i32>} : memref<1024xf32, #tpu.memory_space<vmem>>, vector<16xf32>,
          %get3A_1727 = arith.constant 0 : i32
          %get3A_1728 = tpu.memref_slice %arg6[%rem3A_1524, %scan3A_1573, %get3A_1727] : memref<2x40x1024xf32, #tpu.memory_space<vmem>> -> memref<1x1x1024xf32, #tpu.memory_space<vmem>>
          %get3A_1729 = tpu.memref_squeeze %get3A_1728 : memref<1x1x1024xf32, #tpu.memory_space<vmem>> -> memref<1024xf32, #tpu.memory_space<vmem>>
          %get3A_1730 = arith.constant 144 : index
          %get3A_1731 = tpu.vector_load %get3A_1729[%get3A_1730] {strides = array<i32>} : memref<1024xf32, #tpu.memory_space<vmem>>, vector<16xf32>,
          %get3A_1732 = vector.shape_cast %get3A_1731 : vector<16xf32> to vector<16xf32>
          %get3A_1733 = arith.constant 144 : index
          %get3A_1734 = tpu.vector_load %arg9[%get3A_1733] {strides = array<i32>} : memref<1024xf32, #tpu.memory_space<vmem>>, vector<16xf32>,
          %get3A_1735 = vector.shape_cast %get3A_1734 : vector<16xf32> to vector<16xf32>
          %mul3A_1736 = arith.mulf %get3A_1732, %get3A_1735 : vector<16xf32>
          %swap3A_1737 = arith.constant 0 : i32
          %swap3A_1738 = tpu.memref_slice %arg6[%rem3A_1524, %scan3A_1573, %swap3A_1737] : memref<2x40x1024xf32, #tpu.memory_space<vmem>> -> memref<1x1x1024xf32, #tpu.memory_space<vmem>>
          %swap3A_1739 = tpu.memref_squeeze %swap3A_1738 : memref<1x1x1024xf32, #tpu.memory_space<vmem>> -> memref<1024xf32, #tpu.memory_space<vmem>>
          %swap3A_1740 = arith.constant 144 : index
          %swap3A_1741 = tpu.vector_load %swap3A_1739[%swap3A_1740] {strides = array<i32>} : memref<1024xf32, #tpu.memory_space<vmem>>, vector<16xf32>,
          %swap3A_1742 = vector.shape_cast %swap3A_1741 : vector<16xf32> to vector<16xf32>
          %swap3A_1743 = vector.shape_cast %mul3A_1736 : vector<16xf32> to vector<16xf32>
          tpu.vector_store %swap3A_1739[%swap3A_1740], %swap3A_1743 {strides = array<i32>} : memref<1024xf32, #tpu.memory_space<vmem>>, vector<16xf32>,
          %get3A_1744 = arith.constant 0 : i32
          %get3A_1745 = tpu.memref_slice %arg6[%rem3A_1524, %scan3A_1573, %get3A_1744] : memref<2x40x1024xf32, #tpu.memory_space<vmem>> -> memref<1x1x1024xf32, #tpu.memory_space<vmem>>
          %get3A_1746 = tpu.memref_squeeze %get3A_1745 : memref<1x1x1024xf32, #tpu.memory_space<vmem>> -> memref<1024xf32, #tpu.memory_space<vmem>>
          %get3A_1747 = arith.constant 160 : index
          %get3A_1748 = tpu.vector_load %get3A_1746[%get3A_1747] {strides = array<i32>} : memref<1024xf32, #tpu.memory_space<vmem>>, vector<16xf32>,
          %get3A_1749 = vector.shape_cast %get3A_1748 : vector<16xf32> to vector<16xf32>
          %get3A_1750 = arith.constant 160 : index
          %get3A_1751 = tpu.vector_load %arg9[%get3A_1750] {strides = array<i32>} : memref<1024xf32, #tpu.memory_space<vmem>>, vector<16xf32>,
          %get3A_1752 = vector.shape_cast %get3A_1751 : vector<16xf32> to vector<16xf32>
          %mul3A_1753 = arith.mulf %get3A_1749, %get3A_1752 : vector<16xf32>
          %swap3A_1754 = arith.constant 0 : i32
          %swap3A_1755 = tpu.memref_slice %arg6[%rem3A_1524, %scan3A_1573, %swap3A_1754] : memref<2x40x1024xf32, #tpu.memory_space<vmem>> -> memref<1x1x1024xf32, #tpu.memory_space<vmem>>
          %swap3A_1756 = tpu.memref_squeeze %swap3A_1755 : memref<1x1x1024xf32, #tpu.memory_space<vmem>> -> memref<1024xf32, #tpu.memory_space<vmem>>
          %swap3A_1757 = arith.constant 160 : index
          %swap3A_1758 = tpu.vector_load %swap3A_1756[%swap3A_1757] {strides = array<i32>} : memref<1024xf32, #tpu.memory_space<vmem>>, vector<16xf32>,
          %swap3A_1759 = vector.shape_cast %swap3A_1758 : vector<16xf32> to vector<16xf32>
          %swap3A_1760 = vector.shape_cast %mul3A_1753 : vector<16xf32> to vector<16xf32>
          tpu.vector_store %swap3A_1756[%swap3A_1757], %swap3A_1760 {strides = array<i32>} : memref<1024xf32, #tpu.memory_space<vmem>>, vector<16xf32>,
          %get3A_1761 = arith.constant 0 : i32
          %get3A_1762 = tpu.memref_slice %arg6[%rem3A_1524, %scan3A_1573, %get3A_1761] : memref<2x40x1024xf32, #tpu.memory_space<vmem>> -> memref<1x1x1024xf32, #tpu.memory_space<vmem>>
          %get3A_1763 = tpu.memref_squeeze %get3A_1762 : memref<1x1x1024xf32, #tpu.memory_space<vmem>> -> memref<1024xf32, #tpu.memory_space<vmem>>
          %get3A_1764 = arith.constant 176 : index
          %get3A_1765 = tpu.vector_load %get3A_1763[%get3A_1764] {strides = array<i32>} : memref<1024xf32, #tpu.memory_space<vmem>>, vector<16xf32>,
          %get3A_1766 = vector.shape_cast %get3A_1765 : vector<16xf32> to vector<16xf32>
          %get3A_1767 = arith.constant 176 : index
          %get3A_1768 = tpu.vector_load %arg9[%get3A_1767] {strides = array<i32>} : memref<1024xf32, #tpu.memory_space<vmem>>, vector<16xf32>,
          %get3A_1769 = vector.shape_cast %get3A_1768 : vector<16xf32> to vector<16xf32>
          %mul3A_1770 = arith.mulf %get3A_1766, %get3A_1769 : vector<16xf32>
          %swap3A_1771 = arith.constant 0 : i32
          %swap3A_1772 = tpu.memref_slice %arg6[%rem3A_1524, %scan3A_1573, %swap3A_1771] : memref<2x40x1024xf32, #tpu.memory_space<vmem>> -> memref<1x1x1024xf32, #tpu.memory_space<vmem>>
          %swap3A_1773 = tpu.memref_squeeze %swap3A_1772 : memref<1x1x1024xf32, #tpu.memory_space<vmem>> -> memref<1024xf32, #tpu.memory_space<vmem>>
          %swap3A_1774 = arith.constant 176 : index
          %swap3A_1775 = tpu.vector_load %swap3A_1773[%swap3A_1774] {strides = array<i32>} : memref<1024xf32, #tpu.memory_space<vmem>>, vector<16xf32>,
          %swap3A_1776 = vector.shape_cast %swap3A_1775 : vector<16xf32> to vector<16xf32>
          %swap3A_1777 = vector.shape_cast %mul3A_1770 : vector<16xf32> to vector<16xf32>
          tpu.vector_store %swap3A_1773[%swap3A_1774], %swap3A_1777 {strides = array<i32>} : memref<1024xf32, #tpu.memory_space<vmem>>, vector<16xf32>,
          %get3A_1778 = arith.constant 0 : i32
          %get3A_1779 = tpu.memref_slice %arg6[%rem3A_1524, %scan3A_1573, %get3A_1778] : memref<2x40x1024xf32, #tpu.memory_space<vmem>> -> memref<1x1x1024xf32, #tpu.memory_space<vmem>>
          %get3A_1780 = tpu.memref_squeeze %get3A_1779 : memref<1x1x1024xf32, #tpu.memory_space<vmem>> -> memref<1024xf32, #tpu.memory_space<vmem>>
          %get3A_1781 = arith.constant 192 : index
          %get3A_1782 = tpu.vector_load %get3A_1780[%get3A_1781] {strides = array<i32>} : memref<1024xf32, #tpu.memory_space<vmem>>, vector<16xf32>,
          %get3A_1783 = vector.shape_cast %get3A_1782 : vector<16xf32> to vector<16xf32>
          %get3A_1784 = arith.constant 192 : index
          %get3A_1785 = tpu.vector_load %arg9[%get3A_1784] {strides = array<i32>} : memref<1024xf32, #tpu.memory_space<vmem>>, vector<16xf32>,
          %get3A_1786 = vector.shape_cast %get3A_1785 : vector<16xf32> to vector<16xf32>
          %mul3A_1787 = arith.mulf %get3A_1783, %get3A_1786 : vector<16xf32>
          %swap3A_1788 = arith.constant 0 : i32
          %swap3A_1789 = tpu.memref_slice %arg6[%rem3A_1524, %scan3A_1573, %swap3A_1788] : memref<2x40x1024xf32, #tpu.memory_space<vmem>> -> memref<1x1x1024xf32, #tpu.memory_space<vmem>>
          %swap3A_1790 = tpu.memref_squeeze %swap3A_1789 : memref<1x1x1024xf32, #tpu.memory_space<vmem>> -> memref<1024xf32, #tpu.memory_space<vmem>>
          %swap3A_1791 = arith.constant 192 : index
          %swap3A_1792 = tpu.vector_load %swap3A_1790[%swap3A_1791] {strides = array<i32>} : memref<1024xf32, #tpu.memory_space<vmem>>, vector<16xf32>,
          %swap3A_1793 = vector.shape_cast %swap3A_1792 : vector<16xf32> to vector<16xf32>
          %swap3A_1794 = vector.shape_cast %mul3A_1787 : vector<16xf32> to vector<16xf32>
          tpu.vector_store %swap3A_1790[%swap3A_1791], %swap3A_1794 {strides = array<i32>} : memref<1024xf32, #tpu.memory_space<vmem>>, vector<16xf32>,
          %get3A_1795 = arith.constant 0 : i32
          %get3A_1796 = tpu.memref_slice %arg6[%rem3A_1524, %scan3A_1573, %get3A_1795] : memref<2x40x1024xf32, #tpu.memory_space<vmem>> -> memref<1x1x1024xf32, #tpu.memory_space<vmem>>
          %get3A_1797 = tpu.memref_squeeze %get3A_1796 : memref<1x1x1024xf32, #tpu.memory_space<vmem>> -> memref<1024xf32, #tpu.memory_space<vmem>>
          %get3A_1798 = arith.constant 208 : index
          %get3A_1799 = tpu.vector_load %get3A_1797[%get3A_1798] {strides = array<i32>} : memref<1024xf32, #tpu.memory_space<vmem>>, vector<16xf32>,
          %get3A_1800 = vector.shape_cast %get3A_1799 : vector<16xf32> to vector<16xf32>
          %get3A_1801 = arith.constant 208 : index
          %get3A_1802 = tpu.vector_load %arg9[%get3A_1801] {strides = array<i32>} : memref<1024xf32, #tpu.memory_space<vmem>>, vector<16xf32>,
          %get3A_1803 = vector.shape_cast %get3A_1802 : vector<16xf32> to vector<16xf32>
          %mul3A_1804 = arith.mulf %get3A_1800, %get3A_1803 : vector<16xf32>
          %swap3A_1805 = arith.constant 0 : i32
          %swap3A_1806 = tpu.memref_slice %arg6[%rem3A_1524, %scan3A_1573, %swap3A_1805] : memref<2x40x1024xf32, #tpu.memory_space<vmem>> -> memref<1x1x1024xf32, #tpu.memory_space<vmem>>
          %swap3A_1807 = tpu.memref_squeeze %swap3A_1806 : memref<1x1x1024xf32, #tpu.memory_space<vmem>> -> memref<1024xf32, #tpu.memory_space<vmem>>
          %swap3A_1808 = arith.constant 208 : index
          %swap3A_1809 = tpu.vector_load %swap3A_1807[%swap3A_1808] {strides = array<i32>} : memref<1024xf32, #tpu.memory_space<vmem>>, vector<16xf32>,
          %swap3A_1810 = vector.shape_cast %swap3A_1809 : vector<16xf32> to vector<16xf32>
          %swap3A_1811 = vector.shape_cast %mul3A_1804 : vector<16xf32> to vector<16xf32>
          tpu.vector_store %swap3A_1807[%swap3A_1808], %swap3A_1811 {strides = array<i32>} : memref<1024xf32, #tpu.memory_space<vmem>>, vector<16xf32>,
          %get3A_1812 = arith.constant 0 : i32
          %get3A_1813 = tpu.memref_slice %arg6[%rem3A_1524, %scan3A_1573, %get3A_1812] : memref<2x40x1024xf32, #tpu.memory_space<vmem>> -> memref<1x1x1024xf32, #tpu.memory_space<vmem>>
          %get3A_1814 = tpu.memref_squeeze %get3A_1813 : memref<1x1x1024xf32, #tpu.memory_space<vmem>> -> memref<1024xf32, #tpu.memory_space<vmem>>
          %get3A_1815 = arith.constant 224 : index
          %get3A_1816 = tpu.vector_load %get3A_1814[%get3A_1815] {strides = array<i32>} : memref<1024xf32, #tpu.memory_space<vmem>>, vector<16xf32>,
          %get3A_1817 = vector.shape_cast %get3A_1816 : vector<16xf32> to vector<16xf32>
          %get3A_1818 = arith.constant 224 : index
          %get3A_1819 = tpu.vector_load %arg9[%get3A_1818] {strides = array<i32>} : memref<1024xf32, #tpu.memory_space<vmem>>, vector<16xf32>,
          %get3A_1820 = vector.shape_cast %get3A_1819 : vector<16xf32> to vector<16xf32>
          %mul3A_1821 = arith.mulf %get3A_1817, %get3A_1820 : vector<16xf32>
          %swap3A_1822 = arith.constant 0 : i32
          %swap3A_1823 = tpu.memref_slice %arg6[%rem3A_1524, %scan3A_1573, %swap3A_1822] : memref<2x40x1024xf32, #tpu.memory_space<vmem>> -> memref<1x1x1024xf32, #tpu.memory_space<vmem>>
          %swap3A_1824 = tpu.memref_squeeze %swap3A_1823 : memref<1x1x1024xf32, #tpu.memory_space<vmem>> -> memref<1024xf32, #tpu.memory_space<vmem>>
          %swap3A_1825 = arith.constant 224 : index
          %swap3A_1826 = tpu.vector_load %swap3A_1824[%swap3A_1825] {strides = array<i32>} : memref<1024xf32, #tpu.memory_space<vmem>>, vector<16xf32>,
          %swap3A_1827 = vector.shape_cast %swap3A_1826 : vector<16xf32> to vector<16xf32>
          %swap3A_1828 = vector.shape_cast %mul3A_1821 : vector<16xf32> to vector<16xf32>
          tpu.vector_store %swap3A_1824[%swap3A_1825], %swap3A_1828 {strides = array<i32>} : memref<1024xf32, #tpu.memory_space<vmem>>, vector<16xf32>,
          %get3A_1829 = arith.constant 0 : i32
          %get3A_1830 = tpu.memref_slice %arg6[%rem3A_1524, %scan3A_1573, %get3A_1829] : memref<2x40x1024xf32, #tpu.memory_space<vmem>> -> memref<1x1x1024xf32, #tpu.memory_space<vmem>>
          %get3A_1831 = tpu.memref_squeeze %get3A_1830 : memref<1x1x1024xf32, #tpu.memory_space<vmem>> -> memref<1024xf32, #tpu.memory_space<vmem>>
          %get3A_1832 = arith.constant 240 : index
          %get3A_1833 = tpu.vector_load %get3A_1831[%get3A_1832] {strides = array<i32>} : memref<1024xf32, #tpu.memory_space<vmem>>, vector<16xf32>,
          %get3A_1834 = vector.shape_cast %get3A_1833 : vector<16xf32> to vector<16xf32>
          %get3A_1835 = arith.constant 240 : index
          %get3A_1836 = tpu.vector_load %arg9[%get3A_1835] {strides = array<i32>} : memref<1024xf32, #tpu.memory_space<vmem>>, vector<16xf32>,
          %get3A_1837 = vector.shape_cast %get3A_1836 : vector<16xf32> to vector<16xf32>
          %mul3A_1838 = arith.mulf %get3A_1834, %get3A_1837 : vector<16xf32>
          %swap3A_1839 = arith.constant 0 : i32
          %swap3A_1840 = tpu.memref_slice %arg6[%rem3A_1524, %scan3A_1573, %swap3A_1839] : memref<2x40x1024xf32, #tpu.memory_space<vmem>> -> memref<1x1x1024xf32, #tpu.memory_space<vmem>>
          %swap3A_1841 = tpu.memref_squeeze %swap3A_1840 : memref<1x1x1024xf32, #tpu.memory_space<vmem>> -> memref<1024xf32, #tpu.memory_space<vmem>>
          %swap3A_1842 = arith.constant 240 : index
          %swap3A_1843 = tpu.vector_load %swap3A_1841[%swap3A_1842] {strides = array<i32>} : memref<1024xf32, #tpu.memory_space<vmem>>, vector<16xf32>,
          %swap3A_1844 = vector.shape_cast %swap3A_1843 : vector<16xf32> to vector<16xf32>
          %swap3A_1845 = vector.shape_cast %mul3A_1838 : vector<16xf32> to vector<16xf32>
          tpu.vector_store %swap3A_1841[%swap3A_1842], %swap3A_1845 {strides = array<i32>} : memref<1024xf32, #tpu.memory_space<vmem>>, vector<16xf32>,
          %get3A_1846 = arith.constant 0 : i32
          %get3A_1847 = tpu.memref_slice %arg6[%rem3A_1524, %scan3A_1573, %get3A_1846] : memref<2x40x1024xf32, #tpu.memory_space<vmem>> -> memref<1x1x1024xf32, #tpu.memory_space<vmem>>
          %get3A_1848 = tpu.memref_squeeze %get3A_1847 : memref<1x1x1024xf32, #tpu.memory_space<vmem>> -> memref<1024xf32, #tpu.memory_space<vmem>>
          %get3A_1849 = arith.constant 256 : index
          %get3A_1850 = tpu.vector_load %get3A_1848[%get3A_1849] {strides = array<i32>} : memref<1024xf32, #tpu.memory_space<vmem>>, vector<16xf32>,
          %get3A_1851 = vector.shape_cast %get3A_1850 : vector<16xf32> to vector<16xf32>
          %get3A_1852 = arith.constant 256 : index
          %get3A_1853 = tpu.vector_load %arg9[%get3A_1852] {strides = array<i32>} : memref<1024xf32, #tpu.memory_space<vmem>>, vector<16xf32>,
          %get3A_1854 = vector.shape_cast %get3A_1853 : vector<16xf32> to vector<16xf32>
          %mul3A_1855 = arith.mulf %get3A_1851, %get3A_1854 : vector<16xf32>
          %swap3A_1856 = arith.constant 0 : i32
          %swap3A_1857 = tpu.memref_slice %arg6[%rem3A_1524, %scan3A_1573, %swap3A_1856] : memref<2x40x1024xf32, #tpu.memory_space<vmem>> -> memref<1x1x1024xf32, #tpu.memory_space<vmem>>
          %swap3A_1858 = tpu.memref_squeeze %swap3A_1857 : memref<1x1x1024xf32, #tpu.memory_space<vmem>> -> memref<1024xf32, #tpu.memory_space<vmem>>
          %swap3A_1859 = arith.constant 256 : index
          %swap3A_1860 = tpu.vector_load %swap3A_1858[%swap3A_1859] {strides = array<i32>} : memref<1024xf32, #tpu.memory_space<vmem>>, vector<16xf32>,
          %swap3A_1861 = vector.shape_cast %swap3A_1860 : vector<16xf32> to vector<16xf32>
          %swap3A_1862 = vector.shape_cast %mul3A_1855 : vector<16xf32> to vector<16xf32>
          tpu.vector_store %swap3A_1858[%swap3A_1859], %swap3A_1862 {strides = array<i32>} : memref<1024xf32, #tpu.memory_space<vmem>>, vector<16xf32>,
          %get3A_1863 = arith.constant 0 : i32
          %get3A_1864 = tpu.memref_slice %arg6[%rem3A_1524, %scan3A_1573, %get3A_1863] : memref<2x40x1024xf32, #tpu.memory_space<vmem>> -> memref<1x1x1024xf32, #tpu.memory_space<vmem>>
          %get3A_1865 = tpu.memref_squeeze %get3A_1864 : memref<1x1x1024xf32, #tpu.memory_space<vmem>> -> memref<1024xf32, #tpu.memory_space<vmem>>
          %get3A_1866 = arith.constant 272 : index
          %get3A_1867 = tpu.vector_load %get3A_1865[%get3A_1866] {strides = array<i32>} : memref<1024xf32, #tpu.memory_space<vmem>>, vector<16xf32>,
          %get3A_1868 = vector.shape_cast %get3A_1867 : vector<16xf32> to vector<16xf32>
          %get3A_1869 = arith.constant 272 : index
          %get3A_1870 = tpu.vector_load %arg9[%get3A_1869] {strides = array<i32>} : memref<1024xf32, #tpu.memory_space<vmem>>, vector<16xf32>,
          %get3A_1871 = vector.shape_cast %get3A_1870 : vector<16xf32> to vector<16xf32>
          %mul3A_1872 = arith.mulf %get3A_1868, %get3A_1871 : vector<16xf32>
          %swap3A_1873 = arith.constant 0 : i32
          %swap3A_1874 = tpu.memref_slice %arg6[%rem3A_1524, %scan3A_1573, %swap3A_1873] : memref<2x40x1024xf32, #tpu.memory_space<vmem>> -> memref<1x1x1024xf32, #tpu.memory_space<vmem>>
          %swap3A_1875 = tpu.memref_squeeze %swap3A_1874 : memref<1x1x1024xf32, #tpu.memory_space<vmem>> -> memref<1024xf32, #tpu.memory_space<vmem>>
          %swap3A_1876 = arith.constant 272 : index
          %swap3A_1877 = tpu.vector_load %swap3A_1875[%swap3A_1876] {strides = array<i32>} : memref<1024xf32, #tpu.memory_space<vmem>>, vector<16xf32>,
          %swap3A_1878 = vector.shape_cast %swap3A_1877 : vector<16xf32> to vector<16xf32>
          %swap3A_1879 = vector.shape_cast %mul3A_1872 : vector<16xf32> to vector<16xf32>
          tpu.vector_store %swap3A_1875[%swap3A_1876], %swap3A_1879 {strides = array<i32>} : memref<1024xf32, #tpu.memory_space<vmem>>, vector<16xf32>,
          %get3A_1880 = arith.constant 0 : i32
          %get3A_1881 = tpu.memref_slice %arg6[%rem3A_1524, %scan3A_1573, %get3A_1880] : memref<2x40x1024xf32, #tpu.memory_space<vmem>> -> memref<1x1x1024xf32, #tpu.memory_space<vmem>>
          %get3A_1882 = tpu.memref_squeeze %get3A_1881 : memref<1x1x1024xf32, #tpu.memory_space<vmem>> -> memref<1024xf32, #tpu.memory_space<vmem>>
          %get3A_1883 = arith.constant 288 : index
          %get3A_1884 = tpu.vector_load %get3A_1882[%get3A_1883] {strides = array<i32>} : memref<1024xf32, #tpu.memory_space<vmem>>, vector<16xf32>,
          %get3A_1885 = vector.shape_cast %get3A_1884 : vector<16xf32> to vector<16xf32>
          %get3A_1886 = arith.constant 288 : index
          %get3A_1887 = tpu.vector_load %arg9[%get3A_1886] {strides = array<i32>} : memref<1024xf32, #tpu.memory_space<vmem>>, vector<16xf32>,
          %get3A_1888 = vector.shape_cast %get3A_1887 : vector<16xf32> to vector<16xf32>
          %mul3A_1889 = arith.mulf %get3A_1885, %get3A_1888 : vector<16xf32>
          %swap3A_1890 = arith.constant 0 : i32
          %swap3A_1891 = tpu.memref_slice %arg6[%rem3A_1524, %scan3A_1573, %swap3A_1890] : memref<2x40x1024xf32, #tpu.memory_space<vmem>> -> memref<1x1x1024xf32, #tpu.memory_space<vmem>>
          %swap3A_1892 = tpu.memref_squeeze %swap3A_1891 : memref<1x1x1024xf32, #tpu.memory_space<vmem>> -> memref<1024xf32, #tpu.memory_space<vmem>>
          %swap3A_1893 = arith.constant 288 : index
          %swap3A_1894 = tpu.vector_load %swap3A_1892[%swap3A_1893] {strides = array<i32>} : memref<1024xf32, #tpu.memory_space<vmem>>, vector<16xf32>,
          %swap3A_1895 = vector.shape_cast %swap3A_1894 : vector<16xf32> to vector<16xf32>
          %swap3A_1896 = vector.shape_cast %mul3A_1889 : vector<16xf32> to vector<16xf32>
          tpu.vector_store %swap3A_1892[%swap3A_1893], %swap3A_1896 {strides = array<i32>} : memref<1024xf32, #tpu.memory_space<vmem>>, vector<16xf32>,
          %get3A_1897 = arith.constant 0 : i32
          %get3A_1898 = tpu.memref_slice %arg6[%rem3A_1524, %scan3A_1573, %get3A_1897] : memref<2x40x1024xf32, #tpu.memory_space<vmem>> -> memref<1x1x1024xf32, #tpu.memory_space<vmem>>
          %get3A_1899 = tpu.memref_squeeze %get3A_1898 : memref<1x1x1024xf32, #tpu.memory_space<vmem>> -> memref<1024xf32, #tpu.memory_space<vmem>>
          %get3A_1900 = arith.constant 304 : index
          %get3A_1901 = tpu.vector_load %get3A_1899[%get3A_1900] {strides = array<i32>} : memref<1024xf32, #tpu.memory_space<vmem>>, vector<16xf32>,
          %get3A_1902 = vector.shape_cast %get3A_1901 : vector<16xf32> to vector<16xf32>
          %get3A_1903 = arith.constant 304 : index
          %get3A_1904 = tpu.vector_load %arg9[%get3A_1903] {strides = array<i32>} : memref<1024xf32, #tpu.memory_space<vmem>>, vector<16xf32>,
          %get3A_1905 = vector.shape_cast %get3A_1904 : vector<16xf32> to vector<16xf32>
          %mul3A_1906 = arith.mulf %get3A_1902, %get3A_1905 : vector<16xf32>
          %swap3A_1907 = arith.constant 0 : i32
          %swap3A_1908 = tpu.memref_slice %arg6[%rem3A_1524, %scan3A_1573, %swap3A_1907] : memref<2x40x1024xf32, #tpu.memory_space<vmem>> -> memref<1x1x1024xf32, #tpu.memory_space<vmem>>
          %swap3A_1909 = tpu.memref_squeeze %swap3A_1908 : memref<1x1x1024xf32, #tpu.memory_space<vmem>> -> memref<1024xf32, #tpu.memory_space<vmem>>
          %swap3A_1910 = arith.constant 304 : index
          %swap3A_1911 = tpu.vector_load %swap3A_1909[%swap3A_1910] {strides = array<i32>} : memref<1024xf32, #tpu.memory_space<vmem>>, vector<16xf32>,
          %swap3A_1912 = vector.shape_cast %swap3A_1911 : vector<16xf32> to vector<16xf32>
          %swap3A_1913 = vector.shape_cast %mul3A_1906 : vector<16xf32> to vector<16xf32>
          tpu.vector_store %swap3A_1909[%swap3A_1910], %swap3A_1913 {strides = array<i32>} : memref<1024xf32, #tpu.memory_space<vmem>>, vector<16xf32>,
          %get3A_1914 = arith.constant 0 : i32
          %get3A_1915 = tpu.memref_slice %arg6[%rem3A_1524, %scan3A_1573, %get3A_1914] : memref<2x40x1024xf32, #tpu.memory_space<vmem>> -> memref<1x1x1024xf32, #tpu.memory_space<vmem>>
          %get3A_1916 = tpu.memref_squeeze %get3A_1915 : memref<1x1x1024xf32, #tpu.memory_space<vmem>> -> memref<1024xf32, #tpu.memory_space<vmem>>
          %get3A_1917 = arith.constant 320 : index
          %get3A_1918 = tpu.vector_load %get3A_1916[%get3A_1917] {strides = array<i32>} : memref<1024xf32, #tpu.memory_space<vmem>>, vector<16xf32>,
          %get3A_1919 = vector.shape_cast %get3A_1918 : vector<16xf32> to vector<16xf32>
          %get3A_1920 = arith.constant 320 : index
          %get3A_1921 = tpu.vector_load %arg9[%get3A_1920] {strides = array<i32>} : memref<1024xf32, #tpu.memory_space<vmem>>, vector<16xf32>,
          %get3A_1922 = vector.shape_cast %get3A_1921 : vector<16xf32> to vector<16xf32>
          %mul3A_1923 = arith.mulf %get3A_1919, %get3A_1922 : vector<16xf32>
          %swap3A_1924 = arith.constant 0 : i32
          %swap3A_1925 = tpu.memref_slice %arg6[%rem3A_1524, %scan3A_1573, %swap3A_1924] : memref<2x40x1024xf32, #tpu.memory_space<vmem>> -> memref<1x1x1024xf32, #tpu.memory_space<vmem>>
          %swap3A_1926 = tpu.memref_squeeze %swap3A_1925 : memref<1x1x1024xf32, #tpu.memory_space<vmem>> -> memref<1024xf32, #tpu.memory_space<vmem>>
          %swap3A_1927 = arith.constant 320 : index
          %swap3A_1928 = tpu.vector_load %swap3A_1926[%swap3A_1927] {strides = array<i32>} : memref<1024xf32, #tpu.memory_space<vmem>>, vector<16xf32>,
          %swap3A_1929 = vector.shape_cast %swap3A_1928 : vector<16xf32> to vector<16xf32>
          %swap3A_1930 = vector.shape_cast %mul3A_1923 : vector<16xf32> to vector<16xf32>
          tpu.vector_store %swap3A_1926[%swap3A_1927], %swap3A_1930 {strides = array<i32>} : memref<1024xf32, #tpu.memory_space<vmem>>, vector<16xf32>,
          %get3A_1931 = arith.constant 0 : i32
          %get3A_1932 = tpu.memref_slice %arg6[%rem3A_1524, %scan3A_1573, %get3A_1931] : memref<2x40x1024xf32, #tpu.memory_space<vmem>> -> memref<1x1x1024xf32, #tpu.memory_space<vmem>>
          %get3A_1933 = tpu.memref_squeeze %get3A_1932 : memref<1x1x1024xf32, #tpu.memory_space<vmem>> -> memref<1024xf32, #tpu.memory_space<vmem>>
          %get3A_1934 = arith.constant 336 : index
          %get3A_1935 = tpu.vector_load %get3A_1933[%get3A_1934] {strides = array<i32>} : memref<1024xf32, #tpu.memory_space<vmem>>, vector<16xf32>,
          %get3A_1936 = vector.shape_cast %get3A_1935 : vector<16xf32> to vector<16xf32>
          %get3A_1937 = arith.constant 336 : index
          %get3A_1938 = tpu.vector_load %arg9[%get3A_1937] {strides = array<i32>} : memref<1024xf32, #tpu.memory_space<vmem>>, vector<16xf32>,
          %get3A_1939 = vector.shape_cast %get3A_1938 : vector<16xf32> to vector<16xf32>
          %mul3A_1940 = arith.mulf %get3A_1936, %get3A_1939 : vector<16xf32>
          %swap3A_1941 = arith.constant 0 : i32
          %swap3A_1942 = tpu.memref_slice %arg6[%rem3A_1524, %scan3A_1573, %swap3A_1941] : memref<2x40x1024xf32, #tpu.memory_space<vmem>> -> memref<1x1x1024xf32, #tpu.memory_space<vmem>>
          %swap3A_1943 = tpu.memref_squeeze %swap3A_1942 : memref<1x1x1024xf32, #tpu.memory_space<vmem>> -> memref<1024xf32, #tpu.memory_space<vmem>>
          %swap3A_1944 = arith.constant 336 : index
          %swap3A_1945 = tpu.vector_load %swap3A_1943[%swap3A_1944] {strides = array<i32>} : memref<1024xf32, #tpu.memory_space<vmem>>, vector<16xf32>,
          %swap3A_1946 = vector.shape_cast %swap3A_1945 : vector<16xf32> to vector<16xf32>
          %swap3A_1947 = vector.shape_cast %mul3A_1940 : vector<16xf32> to vector<16xf32>
          tpu.vector_store %swap3A_1943[%swap3A_1944], %swap3A_1947 {strides = array<i32>} : memref<1024xf32, #tpu.memory_space<vmem>>, vector<16xf32>,
          %get3A_1948 = arith.constant 0 : i32
          %get3A_1949 = tpu.memref_slice %arg6[%rem3A_1524, %scan3A_1573, %get3A_1948] : memref<2x40x1024xf32, #tpu.memory_space<vmem>> -> memref<1x1x1024xf32, #tpu.memory_space<vmem>>
          %get3A_1950 = tpu.memref_squeeze %get3A_1949 : memref<1x1x1024xf32, #tpu.memory_space<vmem>> -> memref<1024xf32, #tpu.memory_space<vmem>>
          %get3A_1951 = arith.constant 352 : index
          %get3A_1952 = tpu.vector_load %get3A_1950[%get3A_1951] {strides = array<i32>} : memref<1024xf32, #tpu.memory_space<vmem>>, vector<16xf32>,
          %get3A_1953 = vector.shape_cast %get3A_1952 : vector<16xf32> to vector<16xf32>
          %get3A_1954 = arith.constant 352 : index
          %get3A_1955 = tpu.vector_load %arg9[%get3A_1954] {strides = array<i32>} : memref<1024xf32, #tpu.memory_space<vmem>>, vector<16xf32>,
          %get3A_1956 = vector.shape_cast %get3A_1955 : vector<16xf32> to vector<16xf32>
          %mul3A_1957 = arith.mulf %get3A_1953, %get3A_1956 : vector<16xf32>
          %swap3A_1958 = arith.constant 0 : i32
          %swap3A_1959 = tpu.memref_slice %arg6[%rem3A_1524, %scan3A_1573, %swap3A_1958] : memref<2x40x1024xf32, #tpu.memory_space<vmem>> -> memref<1x1x1024xf32, #tpu.memory_space<vmem>>
          %swap3A_1960 = tpu.memref_squeeze %swap3A_1959 : memref<1x1x1024xf32, #tpu.memory_space<vmem>> -> memref<1024xf32, #tpu.memory_space<vmem>>
          %swap3A_1961 = arith.constant 352 : index
          %swap3A_1962 = tpu.vector_load %swap3A_1960[%swap3A_1961] {strides = array<i32>} : memref<1024xf32, #tpu.memory_space<vmem>>, vector<16xf32>,
          %swap3A_1963 = vector.shape_cast %swap3A_1962 : vector<16xf32> to vector<16xf32>
          %swap3A_1964 = vector.shape_cast %mul3A_1957 : vector<16xf32> to vector<16xf32>
          tpu.vector_store %swap3A_1960[%swap3A_1961], %swap3A_1964 {strides = array<i32>} : memref<1024xf32, #tpu.memory_space<vmem>>, vector<16xf32>,
          %get3A_1965 = arith.constant 0 : i32
          %get3A_1966 = tpu.memref_slice %arg6[%rem3A_1524, %scan3A_1573, %get3A_1965] : memref<2x40x1024xf32, #tpu.memory_space<vmem>> -> memref<1x1x1024xf32, #tpu.memory_space<vmem>>
          %get3A_1967 = tpu.memref_squeeze %get3A_1966 : memref<1x1x1024xf32, #tpu.memory_space<vmem>> -> memref<1024xf32, #tpu.memory_space<vmem>>
          %get3A_1968 = arith.constant 368 : index
          %get3A_1969 = tpu.vector_load %get3A_1967[%get3A_1968] {strides = array<i32>} : memref<1024xf32, #tpu.memory_space<vmem>>, vector<16xf32>,
          %get3A_1970 = vector.shape_cast %get3A_1969 : vector<16xf32> to vector<16xf32>
          %get3A_1971 = arith.constant 368 : index
          %get3A_1972 = tpu.vector_load %arg9[%get3A_1971] {strides = array<i32>} : memref<1024xf32, #tpu.memory_space<vmem>>, vector<16xf32>,
          %get3A_1973 = vector.shape_cast %get3A_1972 : vector<16xf32> to vector<16xf32>
          %mul3A_1974 = arith.mulf %get3A_1970, %get3A_1973 : vector<16xf32>
          %swap3A_1975 = arith.constant 0 : i32
          %swap3A_1976 = tpu.memref_slice %arg6[%rem3A_1524, %scan3A_1573, %swap3A_1975] : memref<2x40x1024xf32, #tpu.memory_space<vmem>> -> memref<1x1x1024xf32, #tpu.memory_space<vmem>>
          %swap3A_1977 = tpu.memref_squeeze %swap3A_1976 : memref<1x1x1024xf32, #tpu.memory_space<vmem>> -> memref<1024xf32, #tpu.memory_space<vmem>>
          %swap3A_1978 = arith.constant 368 : index
          %swap3A_1979 = tpu.vector_load %swap3A_1977[%swap3A_1978] {strides = array<i32>} : memref<1024xf32, #tpu.memory_space<vmem>>, vector<16xf32>,
          %swap3A_1980 = vector.shape_cast %swap3A_1979 : vector<16xf32> to vector<16xf32>
          %swap3A_1981 = vector.shape_cast %mul3A_1974 : vector<16xf32> to vector<16xf32>
          tpu.vector_store %swap3A_1977[%swap3A_1978], %swap3A_1981 {strides = array<i32>} : memref<1024xf32, #tpu.memory_space<vmem>>, vector<16xf32>,
          %get3A_1982 = arith.constant 0 : i32
          %get3A_1983 = tpu.memref_slice %arg6[%rem3A_1524, %scan3A_1573, %get3A_1982] : memref<2x40x1024xf32, #tpu.memory_space<vmem>> -> memref<1x1x1024xf32, #tpu.memory_space<vmem>>
          %get3A_1984 = tpu.memref_squeeze %get3A_1983 : memref<1x1x1024xf32, #tpu.memory_space<vmem>> -> memref<1024xf32, #tpu.memory_space<vmem>>
          %get3A_1985 = arith.constant 384 : index
          %get3A_1986 = tpu.vector_load %get3A_1984[%get3A_1985] {strides = array<i32>} : memref<1024xf32, #tpu.memory_space<vmem>>, vector<16xf32>,
          %get3A_1987 = vector.shape_cast %get3A_1986 : vector<16xf32> to vector<16xf32>
          %get3A_1988 = arith.constant 384 : index
          %get3A_1989 = tpu.vector_load %arg9[%get3A_1988] {strides = array<i32>} : memref<1024xf32, #tpu.memory_space<vmem>>, vector<16xf32>,
          %get3A_1990 = vector.shape_cast %get3A_1989 : vector<16xf32> to vector<16xf32>
          %mul3A_1991 = arith.mulf %get3A_1987, %get3A_1990 : vector<16xf32>
          %swap3A_1992 = arith.constant 0 : i32
          %swap3A_1993 = tpu.memref_slice %arg6[%rem3A_1524, %scan3A_1573, %swap3A_1992] : memref<2x40x1024xf32, #tpu.memory_space<vmem>> -> memref<1x1x1024xf32, #tpu.memory_space<vmem>>
          %swap3A_1994 = tpu.memref_squeeze %swap3A_1993 : memref<1x1x1024xf32, #tpu.memory_space<vmem>> -> memref<1024xf32, #tpu.memory_space<vmem>>
          %swap3A_1995 = arith.constant 384 : index
          %swap3A_1996 = tpu.vector_load %swap3A_1994[%swap3A_1995] {strides = array<i32>} : memref<1024xf32, #tpu.memory_space<vmem>>, vector<16xf32>,
          %swap3A_1997 = vector.shape_cast %swap3A_1996 : vector<16xf32> to vector<16xf32>
          %swap3A_1998 = vector.shape_cast %mul3A_1991 : vector<16xf32> to vector<16xf32>
          tpu.vector_store %swap3A_1994[%swap3A_1995], %swap3A_1998 {strides = array<i32>} : memref<1024xf32, #tpu.memory_space<vmem>>, vector<16xf32>,
          %get3A_1999 = arith.constant 0 : i32
          %get3A_2000 = tpu.memref_slice %arg6[%rem3A_1524, %scan3A_1573, %get3A_1999] : memref<2x40x1024xf32, #tpu.memory_space<vmem>> -> memref<1x1x1024xf32, #tpu.memory_space<vmem>>
          %get3A_2001 = tpu.memref_squeeze %get3A_2000 : memref<1x1x1024xf32, #tpu.memory_space<vmem>> -> memref<1024xf32, #tpu.memory_space<vmem>>
          %get3A_2002 = arith.constant 400 : index
          %get3A_2003 = tpu.vector_load %get3A_2001[%get3A_2002] {strides = array<i32>} : memref<1024xf32, #tpu.memory_space<vmem>>, vector<16xf32>,
          %get3A_2004 = vector.shape_cast %get3A_2003 : vector<16xf32> to vector<16xf32>
          %get3A_2005 = arith.constant 400 : index
          %get3A_2006 = tpu.vector_load %arg9[%get3A_2005] {strides = array<i32>} : memref<1024xf32, #tpu.memory_space<vmem>>, vector<16xf32>,
          %get3A_2007 = vector.shape_cast %get3A_2006 : vector<16xf32> to vector<16xf32>
          %mul3A_2008 = arith.mulf %get3A_2004, %get3A_2007 : vector<16xf32>
          %swap3A_2009 = arith.constant 0 : i32
          %swap3A_2010 = tpu.memref_slice %arg6[%rem3A_1524, %scan3A_1573, %swap3A_2009] : memref<2x40x1024xf32, #tpu.memory_space<vmem>> -> memref<1x1x1024xf32, #tpu.memory_space<vmem>>
          %swap3A_2011 = tpu.memref_squeeze %swap3A_2010 : memref<1x1x1024xf32, #tpu.memory_space<vmem>> -> memref<1024xf32, #tpu.memory_space<vmem>>
          %swap3A_2012 = arith.constant 400 : index
          %swap3A_2013 = tpu.vector_load %swap3A_2011[%swap3A_2012] {strides = array<i32>} : memref<1024xf32, #tpu.memory_space<vmem>>, vector<16xf32>,
          %swap3A_2014 = vector.shape_cast %swap3A_2013 : vector<16xf32> to vector<16xf32>
          %swap3A_2015 = vector.shape_cast %mul3A_2008 : vector<16xf32> to vector<16xf32>
          tpu.vector_store %swap3A_2011[%swap3A_2012], %swap3A_2015 {strides = array<i32>} : memref<1024xf32, #tpu.memory_space<vmem>>, vector<16xf32>,
          %get3A_2016 = arith.constant 0 : i32
          %get3A_2017 = tpu.memref_slice %arg6[%rem3A_1524, %scan3A_1573, %get3A_2016] : memref<2x40x1024xf32, #tpu.memory_space<vmem>> -> memref<1x1x1024xf32, #tpu.memory_space<vmem>>
          %get3A_2018 = tpu.memref_squeeze %get3A_2017 : memref<1x1x1024xf32, #tpu.memory_space<vmem>> -> memref<1024xf32, #tpu.memory_space<vmem>>
          %get3A_2019 = arith.constant 416 : index
          %get3A_2020 = tpu.vector_load %get3A_2018[%get3A_2019] {strides = array<i32>} : memref<1024xf32, #tpu.memory_space<vmem>>, vector<16xf32>,
          %get3A_2021 = vector.shape_cast %get3A_2020 : vector<16xf32> to vector<16xf32>
          %get3A_2022 = arith.constant 416 : index
          %get3A_2023 = tpu.vector_load %arg9[%get3A_2022] {strides = array<i32>} : memref<1024xf32, #tpu.memory_space<vmem>>, vector<16xf32>,
          %get3A_2024 = vector.shape_cast %get3A_2023 : vector<16xf32> to vector<16xf32>
          %mul3A_2025 = arith.mulf %get3A_2021, %get3A_2024 : vector<16xf32>
          %swap3A_2026 = arith.constant 0 : i32
          %swap3A_2027 = tpu.memref_slice %arg6[%rem3A_1524, %scan3A_1573, %swap3A_2026] : memref<2x40x1024xf32, #tpu.memory_space<vmem>> -> memref<1x1x1024xf32, #tpu.memory_space<vmem>>
          %swap3A_2028 = tpu.memref_squeeze %swap3A_2027 : memref<1x1x1024xf32, #tpu.memory_space<vmem>> -> memref<1024xf32, #tpu.memory_space<vmem>>
          %swap3A_2029 = arith.constant 416 : index
          %swap3A_2030 = tpu.vector_load %swap3A_2028[%swap3A_2029] {strides = array<i32>} : memref<1024xf32, #tpu.memory_space<vmem>>, vector<16xf32>,
          %swap3A_2031 = vector.shape_cast %swap3A_2030 : vector<16xf32> to vector<16xf32>
          %swap3A_2032 = vector.shape_cast %mul3A_2025 : vector<16xf32> to vector<16xf32>
          tpu.vector_store %swap3A_2028[%swap3A_2029], %swap3A_2032 {strides = array<i32>} : memref<1024xf32, #tpu.memory_space<vmem>>, vector<16xf32>,
          %get3A_2033 = arith.constant 0 : i32
          %get3A_2034 = tpu.memref_slice %arg6[%rem3A_1524, %scan3A_1573, %get3A_2033] : memref<2x40x1024xf32, #tpu.memory_space<vmem>> -> memref<1x1x1024xf32, #tpu.memory_space<vmem>>
          %get3A_2035 = tpu.memref_squeeze %get3A_2034 : memref<1x1x1024xf32, #tpu.memory_space<vmem>> -> memref<1024xf32, #tpu.memory_space<vmem>>
          %get3A_2036 = arith.constant 432 : index
          %get3A_2037 = tpu.vector_load %get3A_2035[%get3A_2036] {strides = array<i32>} : memref<1024xf32, #tpu.memory_space<vmem>>, vector<16xf32>,
          %get3A_2038 = vector.shape_cast %get3A_2037 : vector<16xf32> to vector<16xf32>
          %get3A_2039 = arith.constant 432 : index
          %get3A_2040 = tpu.vector_load %arg9[%get3A_2039] {strides = array<i32>} : memref<1024xf32, #tpu.memory_space<vmem>>, vector<16xf32>,
          %get3A_2041 = vector.shape_cast %get3A_2040 : vector<16xf32> to vector<16xf32>
          %mul3A_2042 = arith.mulf %get3A_2038, %get3A_2041 : vector<16xf32>
          %swap3A_2043 = arith.constant 0 : i32
          %swap3A_2044 = tpu.memref_slice %arg6[%rem3A_1524, %scan3A_1573, %swap3A_2043] : memref<2x40x1024xf32, #tpu.memory_space<vmem>> -> memref<1x1x1024xf32, #tpu.memory_space<vmem>>
          %swap3A_2045 = tpu.memref_squeeze %swap3A_2044 : memref<1x1x1024xf32, #tpu.memory_space<vmem>> -> memref<1024xf32, #tpu.memory_space<vmem>>
          %swap3A_2046 = arith.constant 432 : index
          %swap3A_2047 = tpu.vector_load %swap3A_2045[%swap3A_2046] {strides = array<i32>} : memref<1024xf32, #tpu.memory_space<vmem>>, vector<16xf32>,
          %swap3A_2048 = vector.shape_cast %swap3A_2047 : vector<16xf32> to vector<16xf32>
          %swap3A_2049 = vector.shape_cast %mul3A_2042 : vector<16xf32> to vector<16xf32>
          tpu.vector_store %swap3A_2045[%swap3A_2046], %swap3A_2049 {strides = array<i32>} : memref<1024xf32, #tpu.memory_space<vmem>>, vector<16xf32>,
          %get3A_2050 = arith.constant 0 : i32
          %get3A_2051 = tpu.memref_slice %arg6[%rem3A_1524, %scan3A_1573, %get3A_2050] : memref<2x40x1024xf32, #tpu.memory_space<vmem>> -> memref<1x1x1024xf32, #tpu.memory_space<vmem>>
          %get3A_2052 = tpu.memref_squeeze %get3A_2051 : memref<1x1x1024xf32, #tpu.memory_space<vmem>> -> memref<1024xf32, #tpu.memory_space<vmem>>
          %get3A_2053 = arith.constant 448 : index
          %get3A_2054 = tpu.vector_load %get3A_2052[%get3A_2053] {strides = array<i32>} : memref<1024xf32, #tpu.memory_space<vmem>>, vector<16xf32>,
          %get3A_2055 = vector.shape_cast %get3A_2054 : vector<16xf32> to vector<16xf32>
          %get3A_2056 = arith.constant 448 : index
          %get3A_2057 = tpu.vector_load %arg9[%get3A_2056] {strides = array<i32>} : memref<1024xf32, #tpu.memory_space<vmem>>, vector<16xf32>,
          %get3A_2058 = vector.shape_cast %get3A_2057 : vector<16xf32> to vector<16xf32>
          %mul3A_2059 = arith.mulf %get3A_2055, %get3A_2058 : vector<16xf32>
          %swap3A_2060 = arith.constant 0 : i32
          %swap3A_2061 = tpu.memref_slice %arg6[%rem3A_1524, %scan3A_1573, %swap3A_2060] : memref<2x40x1024xf32, #tpu.memory_space<vmem>> -> memref<1x1x1024xf32, #tpu.memory_space<vmem>>
          %swap3A_2062 = tpu.memref_squeeze %swap3A_2061 : memref<1x1x1024xf32, #tpu.memory_space<vmem>> -> memref<1024xf32, #tpu.memory_space<vmem>>
          %swap3A_2063 = arith.constant 448 : index
          %swap3A_2064 = tpu.vector_load %swap3A_2062[%swap3A_2063] {strides = array<i32>} : memref<1024xf32, #tpu.memory_space<vmem>>, vector<16xf32>,
          %swap3A_2065 = vector.shape_cast %swap3A_2064 : vector<16xf32> to vector<16xf32>
          %swap3A_2066 = vector.shape_cast %mul3A_2059 : vector<16xf32> to vector<16xf32>
          tpu.vector_store %swap3A_2062[%swap3A_2063], %swap3A_2066 {strides = array<i32>} : memref<1024xf32, #tpu.memory_space<vmem>>, vector<16xf32>,
          %get3A_2067 = arith.constant 0 : i32
          %get3A_2068 = tpu.memref_slice %arg6[%rem3A_1524, %scan3A_1573, %get3A_2067] : memref<2x40x1024xf32, #tpu.memory_space<vmem>> -> memref<1x1x1024xf32, #tpu.memory_space<vmem>>
          %get3A_2069 = tpu.memref_squeeze %get3A_2068 : memref<1x1x1024xf32, #tpu.memory_space<vmem>> -> memref<1024xf32, #tpu.memory_space<vmem>>
          %get3A_2070 = arith.constant 464 : index
          %get3A_2071 = tpu.vector_load %get3A_2069[%get3A_2070] {strides = array<i32>} : memref<1024xf32, #tpu.memory_space<vmem>>, vector<16xf32>,
          %get3A_2072 = vector.shape_cast %get3A_2071 : vector<16xf32> to vector<16xf32>
          %get3A_2073 = arith.constant 464 : index
          %get3A_2074 = tpu.vector_load %arg9[%get3A_2073] {strides = array<i32>} : memref<1024xf32, #tpu.memory_space<vmem>>, vector<16xf32>,
          %get3A_2075 = vector.shape_cast %get3A_2074 : vector<16xf32> to vector<16xf32>
          %mul3A_2076 = arith.mulf %get3A_2072, %get3A_2075 : vector<16xf32>
          %swap3A_2077 = arith.constant 0 : i32
          %swap3A_2078 = tpu.memref_slice %arg6[%rem3A_1524, %scan3A_1573, %swap3A_2077] : memref<2x40x1024xf32, #tpu.memory_space<vmem>> -> memref<1x1x1024xf32, #tpu.memory_space<vmem>>
          %swap3A_2079 = tpu.memref_squeeze %swap3A_2078 : memref<1x1x1024xf32, #tpu.memory_space<vmem>> -> memref<1024xf32, #tpu.memory_space<vmem>>
          %swap3A_2080 = arith.constant 464 : index
          %swap3A_2081 = tpu.vector_load %swap3A_2079[%swap3A_2080] {strides = array<i32>} : memref<1024xf32, #tpu.memory_space<vmem>>, vector<16xf32>,
          %swap3A_2082 = vector.shape_cast %swap3A_2081 : vector<16xf32> to vector<16xf32>
          %swap3A_2083 = vector.shape_cast %mul3A_2076 : vector<16xf32> to vector<16xf32>
          tpu.vector_store %swap3A_2079[%swap3A_2080], %swap3A_2083 {strides = array<i32>} : memref<1024xf32, #tpu.memory_space<vmem>>, vector<16xf32>,
          %get3A_2084 = arith.constant 0 : i32
          %get3A_2085 = tpu.memref_slice %arg6[%rem3A_1524, %scan3A_1573, %get3A_2084] : memref<2x40x1024xf32, #tpu.memory_space<vmem>> -> memref<1x1x1024xf32, #tpu.memory_space<vmem>>
          %get3A_2086 = tpu.memref_squeeze %get3A_2085 : memref<1x1x1024xf32, #tpu.memory_space<vmem>> -> memref<1024xf32, #tpu.memory_space<vmem>>
          %get3A_2087 = arith.constant 480 : index
          %get3A_2088 = tpu.vector_load %get3A_2086[%get3A_2087] {strides = array<i32>} : memref<1024xf32, #tpu.memory_space<vmem>>, vector<16xf32>,
          %get3A_2089 = vector.shape_cast %get3A_2088 : vector<16xf32> to vector<16xf32>
          %get3A_2090 = arith.constant 480 : index
          %get3A_2091 = tpu.vector_load %arg9[%get3A_2090] {strides = array<i32>} : memref<1024xf32, #tpu.memory_space<vmem>>, vector<16xf32>,
          %get3A_2092 = vector.shape_cast %get3A_2091 : vector<16xf32> to vector<16xf32>
          %mul3A_2093 = arith.mulf %get3A_2089, %get3A_2092 : vector<16xf32>
          %swap3A_2094 = arith.constant 0 : i32
          %swap3A_2095 = tpu.memref_slice %arg6[%rem3A_1524, %scan3A_1573, %swap3A_2094] : memref<2x40x1024xf32, #tpu.memory_space<vmem>> -> memref<1x1x1024xf32, #tpu.memory_space<vmem>>
          %swap3A_2096 = tpu.memref_squeeze %swap3A_2095 : memref<1x1x1024xf32, #tpu.memory_space<vmem>> -> memref<1024xf32, #tpu.memory_space<vmem>>
          %swap3A_2097 = arith.constant 480 : index
          %swap3A_2098 = tpu.vector_load %swap3A_2096[%swap3A_2097] {strides = array<i32>} : memref<1024xf32, #tpu.memory_space<vmem>>, vector<16xf32>,
          %swap3A_2099 = vector.shape_cast %swap3A_2098 : vector<16xf32> to vector<16xf32>
          %swap3A_2100 = vector.shape_cast %mul3A_2093 : vector<16xf32> to vector<16xf32>
          tpu.vector_store %swap3A_2096[%swap3A_2097], %swap3A_2100 {strides = array<i32>} : memref<1024xf32, #tpu.memory_space<vmem>>, vector<16xf32>,
          %get3A_2101 = arith.constant 0 : i32
          %get3A_2102 = tpu.memref_slice %arg6[%rem3A_1524, %scan3A_1573, %get3A_2101] : memref<2x40x1024xf32, #tpu.memory_space<vmem>> -> memref<1x1x1024xf32, #tpu.memory_space<vmem>>
          %get3A_2103 = tpu.memref_squeeze %get3A_2102 : memref<1x1x1024xf32, #tpu.memory_space<vmem>> -> memref<1024xf32, #tpu.memory_space<vmem>>
          %get3A_2104 = arith.constant 496 : index
          %get3A_2105 = tpu.vector_load %get3A_2103[%get3A_2104] {strides = array<i32>} : memref<1024xf32, #tpu.memory_space<vmem>>, vector<16xf32>,
          %get3A_2106 = vector.shape_cast %get3A_2105 : vector<16xf32> to vector<16xf32>
          %get3A_2107 = arith.constant 496 : index
          %get3A_2108 = tpu.vector_load %arg9[%get3A_2107] {strides = array<i32>} : memref<1024xf32, #tpu.memory_space<vmem>>, vector<16xf32>,
          %get3A_2109 = vector.shape_cast %get3A_2108 : vector<16xf32> to vector<16xf32>
          %mul3A_2110 = arith.mulf %get3A_2106, %get3A_2109 : vector<16xf32>
          %swap3A_2111 = arith.constant 0 : i32
          %swap3A_2112 = tpu.memref_slice %arg6[%rem3A_1524, %scan3A_1573, %swap3A_2111] : memref<2x40x1024xf32, #tpu.memory_space<vmem>> -> memref<1x1x1024xf32, #tpu.memory_space<vmem>>
          %swap3A_2113 = tpu.memref_squeeze %swap3A_2112 : memref<1x1x1024xf32, #tpu.memory_space<vmem>> -> memref<1024xf32, #tpu.memory_space<vmem>>
          %swap3A_2114 = arith.constant 496 : index
          %swap3A_2115 = tpu.vector_load %swap3A_2113[%swap3A_2114] {strides = array<i32>} : memref<1024xf32, #tpu.memory_space<vmem>>, vector<16xf32>,
          %swap3A_2116 = vector.shape_cast %swap3A_2115 : vector<16xf32> to vector<16xf32>
          %swap3A_2117 = vector.shape_cast %mul3A_2110 : vector<16xf32> to vector<16xf32>
          tpu.vector_store %swap3A_2113[%swap3A_2114], %swap3A_2117 {strides = array<i32>} : memref<1024xf32, #tpu.memory_space<vmem>>, vector<16xf32>,
          %get3A_2118 = arith.constant 0 : i32
          %get3A_2119 = tpu.memref_slice %arg6[%rem3A_1524, %scan3A_1573, %get3A_2118] : memref<2x40x1024xf32, #tpu.memory_space<vmem>> -> memref<1x1x1024xf32, #tpu.memory_space<vmem>>
          %get3A_2120 = tpu.memref_squeeze %get3A_2119 : memref<1x1x1024xf32, #tpu.memory_space<vmem>> -> memref<1024xf32, #tpu.memory_space<vmem>>
          %get3A_2121 = arith.constant 512 : index
          %get3A_2122 = tpu.vector_load %get3A_2120[%get3A_2121] {strides = array<i32>} : memref<1024xf32, #tpu.memory_space<vmem>>, vector<16xf32>,
          %get3A_2123 = vector.shape_cast %get3A_2122 : vector<16xf32> to vector<16xf32>
          %get3A_2124 = arith.constant 512 : index
          %get3A_2125 = tpu.vector_load %arg9[%get3A_2124] {strides = array<i32>} : memref<1024xf32, #tpu.memory_space<vmem>>, vector<16xf32>,
          %get3A_2126 = vector.shape_cast %get3A_2125 : vector<16xf32> to vector<16xf32>
          %mul3A_2127 = arith.mulf %get3A_2123, %get3A_2126 : vector<16xf32>
          %swap3A_2128 = arith.constant 0 : i32
          %swap3A_2129 = tpu.memref_slice %arg6[%rem3A_1524, %scan3A_1573, %swap3A_2128] : memref<2x40x1024xf32, #tpu.memory_space<vmem>> -> memref<1x1x1024xf32, #tpu.memory_space<vmem>>
          %swap3A_2130 = tpu.memref_squeeze %swap3A_2129 : memref<1x1x1024xf32, #tpu.memory_space<vmem>> -> memref<1024xf32, #tpu.memory_space<vmem>>
          %swap3A_2131 = arith.constant 512 : index
          %swap3A_2132 = tpu.vector_load %swap3A_2130[%swap3A_2131] {strides = array<i32>} : memref<1024xf32, #tpu.memory_space<vmem>>, vector<16xf32>,
          %swap3A_2133 = vector.shape_cast %swap3A_2132 : vector<16xf32> to vector<16xf32>
          %swap3A_2134 = vector.shape_cast %mul3A_2127 : vector<16xf32> to vector<16xf32>
          tpu.vector_store %swap3A_2130[%swap3A_2131], %swap3A_2134 {strides = array<i32>} : memref<1024xf32, #tpu.memory_space<vmem>>, vector<16xf32>,
          %get3A_2135 = arith.constant 0 : i32
          %get3A_2136 = tpu.memref_slice %arg6[%rem3A_1524, %scan3A_1573, %get3A_2135] : memref<2x40x1024xf32, #tpu.memory_space<vmem>> -> memref<1x1x1024xf32, #tpu.memory_space<vmem>>
          %get3A_2137 = tpu.memref_squeeze %get3A_2136 : memref<1x1x1024xf32, #tpu.memory_space<vmem>> -> memref<1024xf32, #tpu.memory_space<vmem>>
          %get3A_2138 = arith.constant 528 : index
          %get3A_2139 = tpu.vector_load %get3A_2137[%get3A_2138] {strides = array<i32>} : memref<1024xf32, #tpu.memory_space<vmem>>, vector<16xf32>,
          %get3A_2140 = vector.shape_cast %get3A_2139 : vector<16xf32> to vector<16xf32>
          %get3A_2141 = arith.constant 528 : index
          %get3A_2142 = tpu.vector_load %arg9[%get3A_2141] {strides = array<i32>} : memref<1024xf32, #tpu.memory_space<vmem>>, vector<16xf32>,
          %get3A_2143 = vector.shape_cast %get3A_2142 : vector<16xf32> to vector<16xf32>
          %mul3A_2144 = arith.mulf %get3A_2140, %get3A_2143 : vector<16xf32>
          %swap3A_2145 = arith.constant 0 : i32
          %swap3A_2146 = tpu.memref_slice %arg6[%rem3A_1524, %scan3A_1573, %swap3A_2145] : memref<2x40x1024xf32, #tpu.memory_space<vmem>> -> memref<1x1x1024xf32, #tpu.memory_space<vmem>>
          %swap3A_2147 = tpu.memref_squeeze %swap3A_2146 : memref<1x1x1024xf32, #tpu.memory_space<vmem>> -> memref<1024xf32, #tpu.memory_space<vmem>>
          %swap3A_2148 = arith.constant 528 : index
          %swap3A_2149 = tpu.vector_load %swap3A_2147[%swap3A_2148] {strides = array<i32>} : memref<1024xf32, #tpu.memory_space<vmem>>, vector<16xf32>,
          %swap3A_2150 = vector.shape_cast %swap3A_2149 : vector<16xf32> to vector<16xf32>
          %swap3A_2151 = vector.shape_cast %mul3A_2144 : vector<16xf32> to vector<16xf32>
          tpu.vector_store %swap3A_2147[%swap3A_2148], %swap3A_2151 {strides = array<i32>} : memref<1024xf32, #tpu.memory_space<vmem>>, vector<16xf32>,
          %get3A_2152 = arith.constant 0 : i32
          %get3A_2153 = tpu.memref_slice %arg6[%rem3A_1524, %scan3A_1573, %get3A_2152] : memref<2x40x1024xf32, #tpu.memory_space<vmem>> -> memref<1x1x1024xf32, #tpu.memory_space<vmem>>
          %get3A_2154 = tpu.memref_squeeze %get3A_2153 : memref<1x1x1024xf32, #tpu.memory_space<vmem>> -> memref<1024xf32, #tpu.memory_space<vmem>>
          %get3A_2155 = arith.constant 544 : index
          %get3A_2156 = tpu.vector_load %get3A_2154[%get3A_2155] {strides = array<i32>} : memref<1024xf32, #tpu.memory_space<vmem>>, vector<16xf32>,
          %get3A_2157 = vector.shape_cast %get3A_2156 : vector<16xf32> to vector<16xf32>
          %get3A_2158 = arith.constant 544 : index
          %get3A_2159 = tpu.vector_load %arg9[%get3A_2158] {strides = array<i32>} : memref<1024xf32, #tpu.memory_space<vmem>>, vector<16xf32>,
          %get3A_2160 = vector.shape_cast %get3A_2159 : vector<16xf32> to vector<16xf32>
          %mul3A_2161 = arith.mulf %get3A_2157, %get3A_2160 : vector<16xf32>
          %swap3A_2162 = arith.constant 0 : i32
          %swap3A_2163 = tpu.memref_slice %arg6[%rem3A_1524, %scan3A_1573, %swap3A_2162] : memref<2x40x1024xf32, #tpu.memory_space<vmem>> -> memref<1x1x1024xf32, #tpu.memory_space<vmem>>
          %swap3A_2164 = tpu.memref_squeeze %swap3A_2163 : memref<1x1x1024xf32, #tpu.memory_space<vmem>> -> memref<1024xf32, #tpu.memory_space<vmem>>
          %swap3A_2165 = arith.constant 544 : index
          %swap3A_2166 = tpu.vector_load %swap3A_2164[%swap3A_2165] {strides = array<i32>} : memref<1024xf32, #tpu.memory_space<vmem>>, vector<16xf32>,
          %swap3A_2167 = vector.shape_cast %swap3A_2166 : vector<16xf32> to vector<16xf32>
          %swap3A_2168 = vector.shape_cast %mul3A_2161 : vector<16xf32> to vector<16xf32>
          tpu.vector_store %swap3A_2164[%swap3A_2165], %swap3A_2168 {strides = array<i32>} : memref<1024xf32, #tpu.memory_space<vmem>>, vector<16xf32>,
          %get3A_2169 = arith.constant 0 : i32
          %get3A_2170 = tpu.memref_slice %arg6[%rem3A_1524, %scan3A_1573, %get3A_2169] : memref<2x40x1024xf32, #tpu.memory_space<vmem>> -> memref<1x1x1024xf32, #tpu.memory_space<vmem>>
          %get3A_2171 = tpu.memref_squeeze %get3A_2170 : memref<1x1x1024xf32, #tpu.memory_space<vmem>> -> memref<1024xf32, #tpu.memory_space<vmem>>
          %get3A_2172 = arith.constant 560 : index
          %get3A_2173 = tpu.vector_load %get3A_2171[%get3A_2172] {strides = array<i32>} : memref<1024xf32, #tpu.memory_space<vmem>>, vector<16xf32>,
          %get3A_2174 = vector.shape_cast %get3A_2173 : vector<16xf32> to vector<16xf32>
          %get3A_2175 = arith.constant 560 : index
          %get3A_2176 = tpu.vector_load %arg9[%get3A_2175] {strides = array<i32>} : memref<1024xf32, #tpu.memory_space<vmem>>, vector<16xf32>,
          %get3A_2177 = vector.shape_cast %get3A_2176 : vector<16xf32> to vector<16xf32>
          %mul3A_2178 = arith.mulf %get3A_2174, %get3A_2177 : vector<16xf32>
          %swap3A_2179 = arith.constant 0 : i32
          %swap3A_2180 = tpu.memref_slice %arg6[%rem3A_1524, %scan3A_1573, %swap3A_2179] : memref<2x40x1024xf32, #tpu.memory_space<vmem>> -> memref<1x1x1024xf32, #tpu.memory_space<vmem>>
          %swap3A_2181 = tpu.memref_squeeze %swap3A_2180 : memref<1x1x1024xf32, #tpu.memory_space<vmem>> -> memref<1024xf32, #tpu.memory_space<vmem>>
          %swap3A_2182 = arith.constant 560 : index
          %swap3A_2183 = tpu.vector_load %swap3A_2181[%swap3A_2182] {strides = array<i32>} : memref<1024xf32, #tpu.memory_space<vmem>>, vector<16xf32>,
          %swap3A_2184 = vector.shape_cast %swap3A_2183 : vector<16xf32> to vector<16xf32>
          %swap3A_2185 = vector.shape_cast %mul3A_2178 : vector<16xf32> to vector<16xf32>
          tpu.vector_store %swap3A_2181[%swap3A_2182], %swap3A_2185 {strides = array<i32>} : memref<1024xf32, #tpu.memory_space<vmem>>, vector<16xf32>,
          %get3A_2186 = arith.constant 0 : i32
          %get3A_2187 = tpu.memref_slice %arg6[%rem3A_1524, %scan3A_1573, %get3A_2186] : memref<2x40x1024xf32, #tpu.memory_space<vmem>> -> memref<1x1x1024xf32, #tpu.memory_space<vmem>>
          %get3A_2188 = tpu.memref_squeeze %get3A_2187 : memref<1x1x1024xf32, #tpu.memory_space<vmem>> -> memref<1024xf32, #tpu.memory_space<vmem>>
          %get3A_2189 = arith.constant 576 : index
          %get3A_2190 = tpu.vector_load %get3A_2188[%get3A_2189] {strides = array<i32>} : memref<1024xf32, #tpu.memory_space<vmem>>, vector<16xf32>,
          %get3A_2191 = vector.shape_cast %get3A_2190 : vector<16xf32> to vector<16xf32>
          %get3A_2192 = arith.constant 576 : index
          %get3A_2193 = tpu.vector_load %arg9[%get3A_2192] {strides = array<i32>} : memref<1024xf32, #tpu.memory_space<vmem>>, vector<16xf32>,
          %get3A_2194 = vector.shape_cast %get3A_2193 : vector<16xf32> to vector<16xf32>
          %mul3A_2195 = arith.mulf %get3A_2191, %get3A_2194 : vector<16xf32>
          %swap3A_2196 = arith.constant 0 : i32
          %swap3A_2197 = tpu.memref_slice %arg6[%rem3A_1524, %scan3A_1573, %swap3A_2196] : memref<2x40x1024xf32, #tpu.memory_space<vmem>> -> memref<1x1x1024xf32, #tpu.memory_space<vmem>>
          %swap3A_2198 = tpu.memref_squeeze %swap3A_2197 : memref<1x1x1024xf32, #tpu.memory_space<vmem>> -> memref<1024xf32, #tpu.memory_space<vmem>>
          %swap3A_2199 = arith.constant 576 : index
          %swap3A_2200 = tpu.vector_load %swap3A_2198[%swap3A_2199] {strides = array<i32>} : memref<1024xf32, #tpu.memory_space<vmem>>, vector<16xf32>,
          %swap3A_2201 = vector.shape_cast %swap3A_2200 : vector<16xf32> to vector<16xf32>
          %swap3A_2202 = vector.shape_cast %mul3A_2195 : vector<16xf32> to vector<16xf32>
          tpu.vector_store %swap3A_2198[%swap3A_2199], %swap3A_2202 {strides = array<i32>} : memref<1024xf32, #tpu.memory_space<vmem>>, vector<16xf32>,
          %get3A_2203 = arith.constant 0 : i32
          %get3A_2204 = tpu.memref_slice %arg6[%rem3A_1524, %scan3A_1573, %get3A_2203] : memref<2x40x1024xf32, #tpu.memory_space<vmem>> -> memref<1x1x1024xf32, #tpu.memory_space<vmem>>
          %get3A_2205 = tpu.memref_squeeze %get3A_2204 : memref<1x1x1024xf32, #tpu.memory_space<vmem>> -> memref<1024xf32, #tpu.memory_space<vmem>>
          %get3A_2206 = arith.constant 592 : index
          %get3A_2207 = tpu.vector_load %get3A_2205[%get3A_2206] {strides = array<i32>} : memref<1024xf32, #tpu.memory_space<vmem>>, vector<16xf32>,
          %get3A_2208 = vector.shape_cast %get3A_2207 : vector<16xf32> to vector<16xf32>
          %get3A_2209 = arith.constant 592 : index
          %get3A_2210 = tpu.vector_load %arg9[%get3A_2209] {strides = array<i32>} : memref<1024xf32, #tpu.memory_space<vmem>>, vector<16xf32>,
          %get3A_2211 = vector.shape_cast %get3A_2210 : vector<16xf32> to vector<16xf32>
          %mul3A_2212 = arith.mulf %get3A_2208, %get3A_2211 : vector<16xf32>
          %swap3A_2213 = arith.constant 0 : i32
          %swap3A_2214 = tpu.memref_slice %arg6[%rem3A_1524, %scan3A_1573, %swap3A_2213] : memref<2x40x1024xf32, #tpu.memory_space<vmem>> -> memref<1x1x1024xf32, #tpu.memory_space<vmem>>
          %swap3A_2215 = tpu.memref_squeeze %swap3A_2214 : memref<1x1x1024xf32, #tpu.memory_space<vmem>> -> memref<1024xf32, #tpu.memory_space<vmem>>
          %swap3A_2216 = arith.constant 592 : index
          %swap3A_2217 = tpu.vector_load %swap3A_2215[%swap3A_2216] {strides = array<i32>} : memref<1024xf32, #tpu.memory_space<vmem>>, vector<16xf32>,
          %swap3A_2218 = vector.shape_cast %swap3A_2217 : vector<16xf32> to vector<16xf32>
          %swap3A_2219 = vector.shape_cast %mul3A_2212 : vector<16xf32> to vector<16xf32>
          tpu.vector_store %swap3A_2215[%swap3A_2216], %swap3A_2219 {strides = array<i32>} : memref<1024xf32, #tpu.memory_space<vmem>>, vector<16xf32>,
          %get3A_2220 = arith.constant 0 : i32
          %get3A_2221 = tpu.memref_slice %arg6[%rem3A_1524, %scan3A_1573, %get3A_2220] : memref<2x40x1024xf32, #tpu.memory_space<vmem>> -> memref<1x1x1024xf32, #tpu.memory_space<vmem>>
          %get3A_2222 = tpu.memref_squeeze %get3A_2221 : memref<1x1x1024xf32, #tpu.memory_space<vmem>> -> memref<1024xf32, #tpu.memory_space<vmem>>
          %get3A_2223 = arith.constant 608 : index
          %get3A_2224 = tpu.vector_load %get3A_2222[%get3A_2223] {strides = array<i32>} : memref<1024xf32, #tpu.memory_space<vmem>>, vector<16xf32>,
          %get3A_2225 = vector.shape_cast %get3A_2224 : vector<16xf32> to vector<16xf32>
          %get3A_2226 = arith.constant 608 : index
          %get3A_2227 = tpu.vector_load %arg9[%get3A_2226] {strides = array<i32>} : memref<1024xf32, #tpu.memory_space<vmem>>, vector<16xf32>,
          %get3A_2228 = vector.shape_cast %get3A_2227 : vector<16xf32> to vector<16xf32>
          %mul3A_2229 = arith.mulf %get3A_2225, %get3A_2228 : vector<16xf32>
          %swap3A_2230 = arith.constant 0 : i32
          %swap3A_2231 = tpu.memref_slice %arg6[%rem3A_1524, %scan3A_1573, %swap3A_2230] : memref<2x40x1024xf32, #tpu.memory_space<vmem>> -> memref<1x1x1024xf32, #tpu.memory_space<vmem>>
          %swap3A_2232 = tpu.memref_squeeze %swap3A_2231 : memref<1x1x1024xf32, #tpu.memory_space<vmem>> -> memref<1024xf32, #tpu.memory_space<vmem>>
          %swap3A_2233 = arith.constant 608 : index
          %swap3A_2234 = tpu.vector_load %swap3A_2232[%swap3A_2233] {strides = array<i32>} : memref<1024xf32, #tpu.memory_space<vmem>>, vector<16xf32>,
          %swap3A_2235 = vector.shape_cast %swap3A_2234 : vector<16xf32> to vector<16xf32>
          %swap3A_2236 = vector.shape_cast %mul3A_2229 : vector<16xf32> to vector<16xf32>
          tpu.vector_store %swap3A_2232[%swap3A_2233], %swap3A_2236 {strides = array<i32>} : memref<1024xf32, #tpu.memory_space<vmem>>, vector<16xf32>,
          %get3A_2237 = arith.constant 0 : i32
          %get3A_2238 = tpu.memref_slice %arg6[%rem3A_1524, %scan3A_1573, %get3A_2237] : memref<2x40x1024xf32, #tpu.memory_space<vmem>> -> memref<1x1x1024xf32, #tpu.memory_space<vmem>>
          %get3A_2239 = tpu.memref_squeeze %get3A_2238 : memref<1x1x1024xf32, #tpu.memory_space<vmem>> -> memref<1024xf32, #tpu.memory_space<vmem>>
          %get3A_2240 = arith.constant 624 : index
          %get3A_2241 = tpu.vector_load %get3A_2239[%get3A_2240] {strides = array<i32>} : memref<1024xf32, #tpu.memory_space<vmem>>, vector<16xf32>,
          %get3A_2242 = vector.shape_cast %get3A_2241 : vector<16xf32> to vector<16xf32>
          %get3A_2243 = arith.constant 624 : index
          %get3A_2244 = tpu.vector_load %arg9[%get3A_2243] {strides = array<i32>} : memref<1024xf32, #tpu.memory_space<vmem>>, vector<16xf32>,
          %get3A_2245 = vector.shape_cast %get3A_2244 : vector<16xf32> to vector<16xf32>
          %mul3A_2246 = arith.mulf %get3A_2242, %get3A_2245 : vector<16xf32>
          %swap3A_2247 = arith.constant 0 : i32
          %swap3A_2248 = tpu.memref_slice %arg6[%rem3A_1524, %scan3A_1573, %swap3A_2247] : memref<2x40x1024xf32, #tpu.memory_space<vmem>> -> memref<1x1x1024xf32, #tpu.memory_space<vmem>>
          %swap3A_2249 = tpu.memref_squeeze %swap3A_2248 : memref<1x1x1024xf32, #tpu.memory_space<vmem>> -> memref<1024xf32, #tpu.memory_space<vmem>>
          %swap3A_2250 = arith.constant 624 : index
          %swap3A_2251 = tpu.vector_load %swap3A_2249[%swap3A_2250] {strides = array<i32>} : memref<1024xf32, #tpu.memory_space<vmem>>, vector<16xf32>,
          %swap3A_2252 = vector.shape_cast %swap3A_2251 : vector<16xf32> to vector<16xf32>
          %swap3A_2253 = vector.shape_cast %mul3A_2246 : vector<16xf32> to vector<16xf32>
          tpu.vector_store %swap3A_2249[%swap3A_2250], %swap3A_2253 {strides = array<i32>} : memref<1024xf32, #tpu.memory_space<vmem>>, vector<16xf32>,
          %get3A_2254 = arith.constant 0 : i32
          %get3A_2255 = tpu.memref_slice %arg6[%rem3A_1524, %scan3A_1573, %get3A_2254] : memref<2x40x1024xf32, #tpu.memory_space<vmem>> -> memref<1x1x1024xf32, #tpu.memory_space<vmem>>
          %get3A_2256 = tpu.memref_squeeze %get3A_2255 : memref<1x1x1024xf32, #tpu.memory_space<vmem>> -> memref<1024xf32, #tpu.memory_space<vmem>>
          %get3A_2257 = arith.constant 640 : index
          %get3A_2258 = tpu.vector_load %get3A_2256[%get3A_2257] {strides = array<i32>} : memref<1024xf32, #tpu.memory_space<vmem>>, vector<16xf32>,
          %get3A_2259 = vector.shape_cast %get3A_2258 : vector<16xf32> to vector<16xf32>
          %get3A_2260 = arith.constant 640 : index
          %get3A_2261 = tpu.vector_load %arg9[%get3A_2260] {strides = array<i32>} : memref<1024xf32, #tpu.memory_space<vmem>>, vector<16xf32>,
          %get3A_2262 = vector.shape_cast %get3A_2261 : vector<16xf32> to vector<16xf32>
          %mul3A_2263 = arith.mulf %get3A_2259, %get3A_2262 : vector<16xf32>
          %swap3A_2264 = arith.constant 0 : i32
          %swap3A_2265 = tpu.memref_slice %arg6[%rem3A_1524, %scan3A_1573, %swap3A_2264] : memref<2x40x1024xf32, #tpu.memory_space<vmem>> -> memref<1x1x1024xf32, #tpu.memory_space<vmem>>
          %swap3A_2266 = tpu.memref_squeeze %swap3A_2265 : memref<1x1x1024xf32, #tpu.memory_space<vmem>> -> memref<1024xf32, #tpu.memory_space<vmem>>
          %swap3A_2267 = arith.constant 640 : index
          %swap3A_2268 = tpu.vector_load %swap3A_2266[%swap3A_2267] {strides = array<i32>} : memref<1024xf32, #tpu.memory_space<vmem>>, vector<16xf32>,
          %swap3A_2269 = vector.shape_cast %swap3A_2268 : vector<16xf32> to vector<16xf32>
          %swap3A_2270 = vector.shape_cast %mul3A_2263 : vector<16xf32> to vector<16xf32>
          tpu.vector_store %swap3A_2266[%swap3A_2267], %swap3A_2270 {strides = array<i32>} : memref<1024xf32, #tpu.memory_space<vmem>>, vector<16xf32>,
          %get3A_2271 = arith.constant 0 : i32
          %get3A_2272 = tpu.memref_slice %arg6[%rem3A_1524, %scan3A_1573, %get3A_2271] : memref<2x40x1024xf32, #tpu.memory_space<vmem>> -> memref<1x1x1024xf32, #tpu.memory_space<vmem>>
          %get3A_2273 = tpu.memref_squeeze %get3A_2272 : memref<1x1x1024xf32, #tpu.memory_space<vmem>> -> memref<1024xf32, #tpu.memory_space<vmem>>
          %get3A_2274 = arith.constant 656 : index
          %get3A_2275 = tpu.vector_load %get3A_2273[%get3A_2274] {strides = array<i32>} : memref<1024xf32, #tpu.memory_space<vmem>>, vector<16xf32>,
          %get3A_2276 = vector.shape_cast %get3A_2275 : vector<16xf32> to vector<16xf32>
          %get3A_2277 = arith.constant 656 : index
          %get3A_2278 = tpu.vector_load %arg9[%get3A_2277] {strides = array<i32>} : memref<1024xf32, #tpu.memory_space<vmem>>, vector<16xf32>,
          %get3A_2279 = vector.shape_cast %get3A_2278 : vector<16xf32> to vector<16xf32>
          %mul3A_2280 = arith.mulf %get3A_2276, %get3A_2279 : vector<16xf32>
          %swap3A_2281 = arith.constant 0 : i32
          %swap3A_2282 = tpu.memref_slice %arg6[%rem3A_1524, %scan3A_1573, %swap3A_2281] : memref<2x40x1024xf32, #tpu.memory_space<vmem>> -> memref<1x1x1024xf32, #tpu.memory_space<vmem>>
          %swap3A_2283 = tpu.memref_squeeze %swap3A_2282 : memref<1x1x1024xf32, #tpu.memory_space<vmem>> -> memref<1024xf32, #tpu.memory_space<vmem>>
          %swap3A_2284 = arith.constant 656 : index
          %swap3A_2285 = tpu.vector_load %swap3A_2283[%swap3A_2284] {strides = array<i32>} : memref<1024xf32, #tpu.memory_space<vmem>>, vector<16xf32>,
          %swap3A_2286 = vector.shape_cast %swap3A_2285 : vector<16xf32> to vector<16xf32>
          %swap3A_2287 = vector.shape_cast %mul3A_2280 : vector<16xf32> to vector<16xf32>
          tpu.vector_store %swap3A_2283[%swap3A_2284], %swap3A_2287 {strides = array<i32>} : memref<1024xf32, #tpu.memory_space<vmem>>, vector<16xf32>,
          %get3A_2288 = arith.constant 0 : i32
          %get3A_2289 = tpu.memref_slice %arg6[%rem3A_1524, %scan3A_1573, %get3A_2288] : memref<2x40x1024xf32, #tpu.memory_space<vmem>> -> memref<1x1x1024xf32, #tpu.memory_space<vmem>>
          %get3A_2290 = tpu.memref_squeeze %get3A_2289 : memref<1x1x1024xf32, #tpu.memory_space<vmem>> -> memref<1024xf32, #tpu.memory_space<vmem>>
          %get3A_2291 = arith.constant 672 : index
          %get3A_2292 = tpu.vector_load %get3A_2290[%get3A_2291] {strides = array<i32>} : memref<1024xf32, #tpu.memory_space<vmem>>, vector<16xf32>,
          %get3A_2293 = vector.shape_cast %get3A_2292 : vector<16xf32> to vector<16xf32>
          %get3A_2294 = arith.constant 672 : index
          %get3A_2295 = tpu.vector_load %arg9[%get3A_2294] {strides = array<i32>} : memref<1024xf32, #tpu.memory_space<vmem>>, vector<16xf32>,
          %get3A_2296 = vector.shape_cast %get3A_2295 : vector<16xf32> to vector<16xf32>
          %mul3A_2297 = arith.mulf %get3A_2293, %get3A_2296 : vector<16xf32>
          %swap3A_2298 = arith.constant 0 : i32
          %swap3A_2299 = tpu.memref_slice %arg6[%rem3A_1524, %scan3A_1573, %swap3A_2298] : memref<2x40x1024xf32, #tpu.memory_space<vmem>> -> memref<1x1x1024xf32, #tpu.memory_space<vmem>>
          %swap3A_2300 = tpu.memref_squeeze %swap3A_2299 : memref<1x1x1024xf32, #tpu.memory_space<vmem>> -> memref<1024xf32, #tpu.memory_space<vmem>>
          %swap3A_2301 = arith.constant 672 : index
          %swap3A_2302 = tpu.vector_load %swap3A_2300[%swap3A_2301] {strides = array<i32>} : memref<1024xf32, #tpu.memory_space<vmem>>, vector<16xf32>,
          %swap3A_2303 = vector.shape_cast %swap3A_2302 : vector<16xf32> to vector<16xf32>
          %swap3A_2304 = vector.shape_cast %mul3A_2297 : vector<16xf32> to vector<16xf32>
          tpu.vector_store %swap3A_2300[%swap3A_2301], %swap3A_2304 {strides = array<i32>} : memref<1024xf32, #tpu.memory_space<vmem>>, vector<16xf32>,
          %get3A_2305 = arith.constant 0 : i32
          %get3A_2306 = tpu.memref_slice %arg6[%rem3A_1524, %scan3A_1573, %get3A_2305] : memref<2x40x1024xf32, #tpu.memory_space<vmem>> -> memref<1x1x1024xf32, #tpu.memory_space<vmem>>
          %get3A_2307 = tpu.memref_squeeze %get3A_2306 : memref<1x1x1024xf32, #tpu.memory_space<vmem>> -> memref<1024xf32, #tpu.memory_space<vmem>>
          %get3A_2308 = arith.constant 688 : index
          %get3A_2309 = tpu.vector_load %get3A_2307[%get3A_2308] {strides = array<i32>} : memref<1024xf32, #tpu.memory_space<vmem>>, vector<16xf32>,
          %get3A_2310 = vector.shape_cast %get3A_2309 : vector<16xf32> to vector<16xf32>
          %get3A_2311 = arith.constant 688 : index
          %get3A_2312 = tpu.vector_load %arg9[%get3A_2311] {strides = array<i32>} : memref<1024xf32, #tpu.memory_space<vmem>>, vector<16xf32>,
          %get3A_2313 = vector.shape_cast %get3A_2312 : vector<16xf32> to vector<16xf32>
          %mul3A_2314 = arith.mulf %get3A_2310, %get3A_2313 : vector<16xf32>
          %swap3A_2315 = arith.constant 0 : i32
          %swap3A_2316 = tpu.memref_slice %arg6[%rem3A_1524, %scan3A_1573, %swap3A_2315] : memref<2x40x1024xf32, #tpu.memory_space<vmem>> -> memref<1x1x1024xf32, #tpu.memory_space<vmem>>
          %swap3A_2317 = tpu.memref_squeeze %swap3A_2316 : memref<1x1x1024xf32, #tpu.memory_space<vmem>> -> memref<1024xf32, #tpu.memory_space<vmem>>
          %swap3A_2318 = arith.constant 688 : index
          %swap3A_2319 = tpu.vector_load %swap3A_2317[%swap3A_2318] {strides = array<i32>} : memref<1024xf32, #tpu.memory_space<vmem>>, vector<16xf32>,
          %swap3A_2320 = vector.shape_cast %swap3A_2319 : vector<16xf32> to vector<16xf32>
          %swap3A_2321 = vector.shape_cast %mul3A_2314 : vector<16xf32> to vector<16xf32>
          tpu.vector_store %swap3A_2317[%swap3A_2318], %swap3A_2321 {strides = array<i32>} : memref<1024xf32, #tpu.memory_space<vmem>>, vector<16xf32>,
          %get3A_2322 = arith.constant 0 : i32
          %get3A_2323 = tpu.memref_slice %arg6[%rem3A_1524, %scan3A_1573, %get3A_2322] : memref<2x40x1024xf32, #tpu.memory_space<vmem>> -> memref<1x1x1024xf32, #tpu.memory_space<vmem>>
          %get3A_2324 = tpu.memref_squeeze %get3A_2323 : memref<1x1x1024xf32, #tpu.memory_space<vmem>> -> memref<1024xf32, #tpu.memory_space<vmem>>
          %get3A_2325 = arith.constant 704 : index
          %get3A_2326 = tpu.vector_load %get3A_2324[%get3A_2325] {strides = array<i32>} : memref<1024xf32, #tpu.memory_space<vmem>>, vector<16xf32>,
          %get3A_2327 = vector.shape_cast %get3A_2326 : vector<16xf32> to vector<16xf32>
          %get3A_2328 = arith.constant 704 : index
          %get3A_2329 = tpu.vector_load %arg9[%get3A_2328] {strides = array<i32>} : memref<1024xf32, #tpu.memory_space<vmem>>, vector<16xf32>,
          %get3A_2330 = vector.shape_cast %get3A_2329 : vector<16xf32> to vector<16xf32>
          %mul3A_2331 = arith.mulf %get3A_2327, %get3A_2330 : vector<16xf32>
          %swap3A_2332 = arith.constant 0 : i32
          %swap3A_2333 = tpu.memref_slice %arg6[%rem3A_1524, %scan3A_1573, %swap3A_2332] : memref<2x40x1024xf32, #tpu.memory_space<vmem>> -> memref<1x1x1024xf32, #tpu.memory_space<vmem>>
          %swap3A_2334 = tpu.memref_squeeze %swap3A_2333 : memref<1x1x1024xf32, #tpu.memory_space<vmem>> -> memref<1024xf32, #tpu.memory_space<vmem>>
          %swap3A_2335 = arith.constant 704 : index
          %swap3A_2336 = tpu.vector_load %swap3A_2334[%swap3A_2335] {strides = array<i32>} : memref<1024xf32, #tpu.memory_space<vmem>>, vector<16xf32>,
          %swap3A_2337 = vector.shape_cast %swap3A_2336 : vector<16xf32> to vector<16xf32>
          %swap3A_2338 = vector.shape_cast %mul3A_2331 : vector<16xf32> to vector<16xf32>
          tpu.vector_store %swap3A_2334[%swap3A_2335], %swap3A_2338 {strides = array<i32>} : memref<1024xf32, #tpu.memory_space<vmem>>, vector<16xf32>,
          %get3A_2339 = arith.constant 0 : i32
          %get3A_2340 = tpu.memref_slice %arg6[%rem3A_1524, %scan3A_1573, %get3A_2339] : memref<2x40x1024xf32, #tpu.memory_space<vmem>> -> memref<1x1x1024xf32, #tpu.memory_space<vmem>>
          %get3A_2341 = tpu.memref_squeeze %get3A_2340 : memref<1x1x1024xf32, #tpu.memory_space<vmem>> -> memref<1024xf32, #tpu.memory_space<vmem>>
          %get3A_2342 = arith.constant 720 : index
          %get3A_2343 = tpu.vector_load %get3A_2341[%get3A_2342] {strides = array<i32>} : memref<1024xf32, #tpu.memory_space<vmem>>, vector<16xf32>,
          %get3A_2344 = vector.shape_cast %get3A_2343 : vector<16xf32> to vector<16xf32>
          %get3A_2345 = arith.constant 720 : index
          %get3A_2346 = tpu.vector_load %arg9[%get3A_2345] {strides = array<i32>} : memref<1024xf32, #tpu.memory_space<vmem>>, vector<16xf32>,
          %get3A_2347 = vector.shape_cast %get3A_2346 : vector<16xf32> to vector<16xf32>
          %mul3A_2348 = arith.mulf %get3A_2344, %get3A_2347 : vector<16xf32>
          %swap3A_2349 = arith.constant 0 : i32
          %swap3A_2350 = tpu.memref_slice %arg6[%rem3A_1524, %scan3A_1573, %swap3A_2349] : memref<2x40x1024xf32, #tpu.memory_space<vmem>> -> memref<1x1x1024xf32, #tpu.memory_space<vmem>>
          %swap3A_2351 = tpu.memref_squeeze %swap3A_2350 : memref<1x1x1024xf32, #tpu.memory_space<vmem>> -> memref<1024xf32, #tpu.memory_space<vmem>>
          %swap3A_2352 = arith.constant 720 : index
          %swap3A_2353 = tpu.vector_load %swap3A_2351[%swap3A_2352] {strides = array<i32>} : memref<1024xf32, #tpu.memory_space<vmem>>, vector<16xf32>,
          %swap3A_2354 = vector.shape_cast %swap3A_2353 : vector<16xf32> to vector<16xf32>
          %swap3A_2355 = vector.shape_cast %mul3A_2348 : vector<16xf32> to vector<16xf32>
          tpu.vector_store %swap3A_2351[%swap3A_2352], %swap3A_2355 {strides = array<i32>} : memref<1024xf32, #tpu.memory_space<vmem>>, vector<16xf32>,
          %get3A_2356 = arith.constant 0 : i32
          %get3A_2357 = tpu.memref_slice %arg6[%rem3A_1524, %scan3A_1573, %get3A_2356] : memref<2x40x1024xf32, #tpu.memory_space<vmem>> -> memref<1x1x1024xf32, #tpu.memory_space<vmem>>
          %get3A_2358 = tpu.memref_squeeze %get3A_2357 : memref<1x1x1024xf32, #tpu.memory_space<vmem>> -> memref<1024xf32, #tpu.memory_space<vmem>>
          %get3A_2359 = arith.constant 736 : index
          %get3A_2360 = tpu.vector_load %get3A_2358[%get3A_2359] {strides = array<i32>} : memref<1024xf32, #tpu.memory_space<vmem>>, vector<16xf32>,
          %get3A_2361 = vector.shape_cast %get3A_2360 : vector<16xf32> to vector<16xf32>
          %get3A_2362 = arith.constant 736 : index
          %get3A_2363 = tpu.vector_load %arg9[%get3A_2362] {strides = array<i32>} : memref<1024xf32, #tpu.memory_space<vmem>>, vector<16xf32>,
          %get3A_2364 = vector.shape_cast %get3A_2363 : vector<16xf32> to vector<16xf32>
          %mul3A_2365 = arith.mulf %get3A_2361, %get3A_2364 : vector<16xf32>
          %swap3A_2366 = arith.constant 0 : i32
          %swap3A_2367 = tpu.memref_slice %arg6[%rem3A_1524, %scan3A_1573, %swap3A_2366] : memref<2x40x1024xf32, #tpu.memory_space<vmem>> -> memref<1x1x1024xf32, #tpu.memory_space<vmem>>
          %swap3A_2368 = tpu.memref_squeeze %swap3A_2367 : memref<1x1x1024xf32, #tpu.memory_space<vmem>> -> memref<1024xf32, #tpu.memory_space<vmem>>
          %swap3A_2369 = arith.constant 736 : index
          %swap3A_2370 = tpu.vector_load %swap3A_2368[%swap3A_2369] {strides = array<i32>} : memref<1024xf32, #tpu.memory_space<vmem>>, vector<16xf32>,
          %swap3A_2371 = vector.shape_cast %swap3A_2370 : vector<16xf32> to vector<16xf32>
          %swap3A_2372 = vector.shape_cast %mul3A_2365 : vector<16xf32> to vector<16xf32>
          tpu.vector_store %swap3A_2368[%swap3A_2369], %swap3A_2372 {strides = array<i32>} : memref<1024xf32, #tpu.memory_space<vmem>>, vector<16xf32>,
          %get3A_2373 = arith.constant 0 : i32
          %get3A_2374 = tpu.memref_slice %arg6[%rem3A_1524, %scan3A_1573, %get3A_2373] : memref<2x40x1024xf32, #tpu.memory_space<vmem>> -> memref<1x1x1024xf32, #tpu.memory_space<vmem>>
          %get3A_2375 = tpu.memref_squeeze %get3A_2374 : memref<1x1x1024xf32, #tpu.memory_space<vmem>> -> memref<1024xf32, #tpu.memory_space<vmem>>
          %get3A_2376 = arith.constant 752 : index
          %get3A_2377 = tpu.vector_load %get3A_2375[%get3A_2376] {strides = array<i32>} : memref<1024xf32, #tpu.memory_space<vmem>>, vector<16xf32>,
          %get3A_2378 = vector.shape_cast %get3A_2377 : vector<16xf32> to vector<16xf32>
          %get3A_2379 = arith.constant 752 : index
          %get3A_2380 = tpu.vector_load %arg9[%get3A_2379] {strides = array<i32>} : memref<1024xf32, #tpu.memory_space<vmem>>, vector<16xf32>,
          %get3A_2381 = vector.shape_cast %get3A_2380 : vector<16xf32> to vector<16xf32>
          %mul3A_2382 = arith.mulf %get3A_2378, %get3A_2381 : vector<16xf32>
          %swap3A_2383 = arith.constant 0 : i32
          %swap3A_2384 = tpu.memref_slice %arg6[%rem3A_1524, %scan3A_1573, %swap3A_2383] : memref<2x40x1024xf32, #tpu.memory_space<vmem>> -> memref<1x1x1024xf32, #tpu.memory_space<vmem>>
          %swap3A_2385 = tpu.memref_squeeze %swap3A_2384 : memref<1x1x1024xf32, #tpu.memory_space<vmem>> -> memref<1024xf32, #tpu.memory_space<vmem>>
          %swap3A_2386 = arith.constant 752 : index
          %swap3A_2387 = tpu.vector_load %swap3A_2385[%swap3A_2386] {strides = array<i32>} : memref<1024xf32, #tpu.memory_space<vmem>>, vector<16xf32>,
          %swap3A_2388 = vector.shape_cast %swap3A_2387 : vector<16xf32> to vector<16xf32>
          %swap3A_2389 = vector.shape_cast %mul3A_2382 : vector<16xf32> to vector<16xf32>
          tpu.vector_store %swap3A_2385[%swap3A_2386], %swap3A_2389 {strides = array<i32>} : memref<1024xf32, #tpu.memory_space<vmem>>, vector<16xf32>,
          %get3A_2390 = arith.constant 0 : i32
          %get3A_2391 = tpu.memref_slice %arg6[%rem3A_1524, %scan3A_1573, %get3A_2390] : memref<2x40x1024xf32, #tpu.memory_space<vmem>> -> memref<1x1x1024xf32, #tpu.memory_space<vmem>>
          %get3A_2392 = tpu.memref_squeeze %get3A_2391 : memref<1x1x1024xf32, #tpu.memory_space<vmem>> -> memref<1024xf32, #tpu.memory_space<vmem>>
          %get3A_2393 = arith.constant 768 : index
          %get3A_2394 = tpu.vector_load %get3A_2392[%get3A_2393] {strides = array<i32>} : memref<1024xf32, #tpu.memory_space<vmem>>, vector<16xf32>,
          %get3A_2395 = vector.shape_cast %get3A_2394 : vector<16xf32> to vector<16xf32>
          %get3A_2396 = arith.constant 768 : index
          %get3A_2397 = tpu.vector_load %arg9[%get3A_2396] {strides = array<i32>} : memref<1024xf32, #tpu.memory_space<vmem>>, vector<16xf32>,
          %get3A_2398 = vector.shape_cast %get3A_2397 : vector<16xf32> to vector<16xf32>
          %mul3A_2399 = arith.mulf %get3A_2395, %get3A_2398 : vector<16xf32>
          %swap3A_2400 = arith.constant 0 : i32
          %swap3A_2401 = tpu.memref_slice %arg6[%rem3A_1524, %scan3A_1573, %swap3A_2400] : memref<2x40x1024xf32, #tpu.memory_space<vmem>> -> memref<1x1x1024xf32, #tpu.memory_space<vmem>>
          %swap3A_2402 = tpu.memref_squeeze %swap3A_2401 : memref<1x1x1024xf32, #tpu.memory_space<vmem>> -> memref<1024xf32, #tpu.memory_space<vmem>>
          %swap3A_2403 = arith.constant 768 : index
          %swap3A_2404 = tpu.vector_load %swap3A_2402[%swap3A_2403] {strides = array<i32>} : memref<1024xf32, #tpu.memory_space<vmem>>, vector<16xf32>,
          %swap3A_2405 = vector.shape_cast %swap3A_2404 : vector<16xf32> to vector<16xf32>
          %swap3A_2406 = vector.shape_cast %mul3A_2399 : vector<16xf32> to vector<16xf32>
          tpu.vector_store %swap3A_2402[%swap3A_2403], %swap3A_2406 {strides = array<i32>} : memref<1024xf32, #tpu.memory_space<vmem>>, vector<16xf32>,
          %get3A_2407 = arith.constant 0 : i32
          %get3A_2408 = tpu.memref_slice %arg6[%rem3A_1524, %scan3A_1573, %get3A_2407] : memref<2x40x1024xf32, #tpu.memory_space<vmem>> -> memref<1x1x1024xf32, #tpu.memory_space<vmem>>
          %get3A_2409 = tpu.memref_squeeze %get3A_2408 : memref<1x1x1024xf32, #tpu.memory_space<vmem>> -> memref<1024xf32, #tpu.memory_space<vmem>>
          %get3A_2410 = arith.constant 784 : index
          %get3A_2411 = tpu.vector_load %get3A_2409[%get3A_2410] {strides = array<i32>} : memref<1024xf32, #tpu.memory_space<vmem>>, vector<16xf32>,
          %get3A_2412 = vector.shape_cast %get3A_2411 : vector<16xf32> to vector<16xf32>
          %get3A_2413 = arith.constant 784 : index
          %get3A_2414 = tpu.vector_load %arg9[%get3A_2413] {strides = array<i32>} : memref<1024xf32, #tpu.memory_space<vmem>>, vector<16xf32>,
          %get3A_2415 = vector.shape_cast %get3A_2414 : vector<16xf32> to vector<16xf32>
          %mul3A_2416 = arith.mulf %get3A_2412, %get3A_2415 : vector<16xf32>
          %swap3A_2417 = arith.constant 0 : i32
          %swap3A_2418 = tpu.memref_slice %arg6[%rem3A_1524, %scan3A_1573, %swap3A_2417] : memref<2x40x1024xf32, #tpu.memory_space<vmem>> -> memref<1x1x1024xf32, #tpu.memory_space<vmem>>
          %swap3A_2419 = tpu.memref_squeeze %swap3A_2418 : memref<1x1x1024xf32, #tpu.memory_space<vmem>> -> memref<1024xf32, #tpu.memory_space<vmem>>
          %swap3A_2420 = arith.constant 784 : index
          %swap3A_2421 = tpu.vector_load %swap3A_2419[%swap3A_2420] {strides = array<i32>} : memref<1024xf32, #tpu.memory_space<vmem>>, vector<16xf32>,
          %swap3A_2422 = vector.shape_cast %swap3A_2421 : vector<16xf32> to vector<16xf32>
          %swap3A_2423 = vector.shape_cast %mul3A_2416 : vector<16xf32> to vector<16xf32>
          tpu.vector_store %swap3A_2419[%swap3A_2420], %swap3A_2423 {strides = array<i32>} : memref<1024xf32, #tpu.memory_space<vmem>>, vector<16xf32>,
          %get3A_2424 = arith.constant 0 : i32
          %get3A_2425 = tpu.memref_slice %arg6[%rem3A_1524, %scan3A_1573, %get3A_2424] : memref<2x40x1024xf32, #tpu.memory_space<vmem>> -> memref<1x1x1024xf32, #tpu.memory_space<vmem>>
          %get3A_2426 = tpu.memref_squeeze %get3A_2425 : memref<1x1x1024xf32, #tpu.memory_space<vmem>> -> memref<1024xf32, #tpu.memory_space<vmem>>
          %get3A_2427 = arith.constant 800 : index
          %get3A_2428 = tpu.vector_load %get3A_2426[%get3A_2427] {strides = array<i32>} : memref<1024xf32, #tpu.memory_space<vmem>>, vector<16xf32>,
          %get3A_2429 = vector.shape_cast %get3A_2428 : vector<16xf32> to vector<16xf32>
          %get3A_2430 = arith.constant 800 : index
          %get3A_2431 = tpu.vector_load %arg9[%get3A_2430] {strides = array<i32>} : memref<1024xf32, #tpu.memory_space<vmem>>, vector<16xf32>,
          %get3A_2432 = vector.shape_cast %get3A_2431 : vector<16xf32> to vector<16xf32>
          %mul3A_2433 = arith.mulf %get3A_2429, %get3A_2432 : vector<16xf32>
          %swap3A_2434 = arith.constant 0 : i32
          %swap3A_2435 = tpu.memref_slice %arg6[%rem3A_1524, %scan3A_1573, %swap3A_2434] : memref<2x40x1024xf32, #tpu.memory_space<vmem>> -> memref<1x1x1024xf32, #tpu.memory_space<vmem>>
          %swap3A_2436 = tpu.memref_squeeze %swap3A_2435 : memref<1x1x1024xf32, #tpu.memory_space<vmem>> -> memref<1024xf32, #tpu.memory_space<vmem>>
          %swap3A_2437 = arith.constant 800 : index
          %swap3A_2438 = tpu.vector_load %swap3A_2436[%swap3A_2437] {strides = array<i32>} : memref<1024xf32, #tpu.memory_space<vmem>>, vector<16xf32>,
          %swap3A_2439 = vector.shape_cast %swap3A_2438 : vector<16xf32> to vector<16xf32>
          %swap3A_2440 = vector.shape_cast %mul3A_2433 : vector<16xf32> to vector<16xf32>
          tpu.vector_store %swap3A_2436[%swap3A_2437], %swap3A_2440 {strides = array<i32>} : memref<1024xf32, #tpu.memory_space<vmem>>, vector<16xf32>,
          %get3A_2441 = arith.constant 0 : i32
          %get3A_2442 = tpu.memref_slice %arg6[%rem3A_1524, %scan3A_1573, %get3A_2441] : memref<2x40x1024xf32, #tpu.memory_space<vmem>> -> memref<1x1x1024xf32, #tpu.memory_space<vmem>>
          %get3A_2443 = tpu.memref_squeeze %get3A_2442 : memref<1x1x1024xf32, #tpu.memory_space<vmem>> -> memref<1024xf32, #tpu.memory_space<vmem>>
          %get3A_2444 = arith.constant 816 : index
          %get3A_2445 = tpu.vector_load %get3A_2443[%get3A_2444] {strides = array<i32>} : memref<1024xf32, #tpu.memory_space<vmem>>, vector<16xf32>,
          %get3A_2446 = vector.shape_cast %get3A_2445 : vector<16xf32> to vector<16xf32>
          %get3A_2447 = arith.constant 816 : index
          %get3A_2448 = tpu.vector_load %arg9[%get3A_2447] {strides = array<i32>} : memref<1024xf32, #tpu.memory_space<vmem>>, vector<16xf32>,
          %get3A_2449 = vector.shape_cast %get3A_2448 : vector<16xf32> to vector<16xf32>
          %mul3A_2450 = arith.mulf %get3A_2446, %get3A_2449 : vector<16xf32>
          %swap3A_2451 = arith.constant 0 : i32
          %swap3A_2452 = tpu.memref_slice %arg6[%rem3A_1524, %scan3A_1573, %swap3A_2451] : memref<2x40x1024xf32, #tpu.memory_space<vmem>> -> memref<1x1x1024xf32, #tpu.memory_space<vmem>>
          %swap3A_2453 = tpu.memref_squeeze %swap3A_2452 : memref<1x1x1024xf32, #tpu.memory_space<vmem>> -> memref<1024xf32, #tpu.memory_space<vmem>>
          %swap3A_2454 = arith.constant 816 : index
          %swap3A_2455 = tpu.vector_load %swap3A_2453[%swap3A_2454] {strides = array<i32>} : memref<1024xf32, #tpu.memory_space<vmem>>, vector<16xf32>,
          %swap3A_2456 = vector.shape_cast %swap3A_2455 : vector<16xf32> to vector<16xf32>
          %swap3A_2457 = vector.shape_cast %mul3A_2450 : vector<16xf32> to vector<16xf32>
          tpu.vector_store %swap3A_2453[%swap3A_2454], %swap3A_2457 {strides = array<i32>} : memref<1024xf32, #tpu.memory_space<vmem>>, vector<16xf32>,
          %get3A_2458 = arith.constant 0 : i32
          %get3A_2459 = tpu.memref_slice %arg6[%rem3A_1524, %scan3A_1573, %get3A_2458] : memref<2x40x1024xf32, #tpu.memory_space<vmem>> -> memref<1x1x1024xf32, #tpu.memory_space<vmem>>
          %get3A_2460 = tpu.memref_squeeze %get3A_2459 : memref<1x1x1024xf32, #tpu.memory_space<vmem>> -> memref<1024xf32, #tpu.memory_space<vmem>>
          %get3A_2461 = arith.constant 832 : index
          %get3A_2462 = tpu.vector_load %get3A_2460[%get3A_2461] {strides = array<i32>} : memref<1024xf32, #tpu.memory_space<vmem>>, vector<16xf32>,
          %get3A_2463 = vector.shape_cast %get3A_2462 : vector<16xf32> to vector<16xf32>
          %get3A_2464 = arith.constant 832 : index
          %get3A_2465 = tpu.vector_load %arg9[%get3A_2464] {strides = array<i32>} : memref<1024xf32, #tpu.memory_space<vmem>>, vector<16xf32>,
          %get3A_2466 = vector.shape_cast %get3A_2465 : vector<16xf32> to vector<16xf32>
          %mul3A_2467 = arith.mulf %get3A_2463, %get3A_2466 : vector<16xf32>
          %swap3A_2468 = arith.constant 0 : i32
          %swap3A_2469 = tpu.memref_slice %arg6[%rem3A_1524, %scan3A_1573, %swap3A_2468] : memref<2x40x1024xf32, #tpu.memory_space<vmem>> -> memref<1x1x1024xf32, #tpu.memory_space<vmem>>
          %swap3A_2470 = tpu.memref_squeeze %swap3A_2469 : memref<1x1x1024xf32, #tpu.memory_space<vmem>> -> memref<1024xf32, #tpu.memory_space<vmem>>
          %swap3A_2471 = arith.constant 832 : index
          %swap3A_2472 = tpu.vector_load %swap3A_2470[%swap3A_2471] {strides = array<i32>} : memref<1024xf32, #tpu.memory_space<vmem>>, vector<16xf32>,
          %swap3A_2473 = vector.shape_cast %swap3A_2472 : vector<16xf32> to vector<16xf32>
          %swap3A_2474 = vector.shape_cast %mul3A_2467 : vector<16xf32> to vector<16xf32>
          tpu.vector_store %swap3A_2470[%swap3A_2471], %swap3A_2474 {strides = array<i32>} : memref<1024xf32, #tpu.memory_space<vmem>>, vector<16xf32>,
          %get3A_2475 = arith.constant 0 : i32
          %get3A_2476 = tpu.memref_slice %arg6[%rem3A_1524, %scan3A_1573, %get3A_2475] : memref<2x40x1024xf32, #tpu.memory_space<vmem>> -> memref<1x1x1024xf32, #tpu.memory_space<vmem>>
          %get3A_2477 = tpu.memref_squeeze %get3A_2476 : memref<1x1x1024xf32, #tpu.memory_space<vmem>> -> memref<1024xf32, #tpu.memory_space<vmem>>
          %get3A_2478 = arith.constant 848 : index
          %get3A_2479 = tpu.vector_load %get3A_2477[%get3A_2478] {strides = array<i32>} : memref<1024xf32, #tpu.memory_space<vmem>>, vector<16xf32>,
          %get3A_2480 = vector.shape_cast %get3A_2479 : vector<16xf32> to vector<16xf32>
          %get3A_2481 = arith.constant 848 : index
          %get3A_2482 = tpu.vector_load %arg9[%get3A_2481] {strides = array<i32>} : memref<1024xf32, #tpu.memory_space<vmem>>, vector<16xf32>,
          %get3A_2483 = vector.shape_cast %get3A_2482 : vector<16xf32> to vector<16xf32>
          %mul3A_2484 = arith.mulf %get3A_2480, %get3A_2483 : vector<16xf32>
          %swap3A_2485 = arith.constant 0 : i32
          %swap3A_2486 = tpu.memref_slice %arg6[%rem3A_1524, %scan3A_1573, %swap3A_2485] : memref<2x40x1024xf32, #tpu.memory_space<vmem>> -> memref<1x1x1024xf32, #tpu.memory_space<vmem>>
          %swap3A_2487 = tpu.memref_squeeze %swap3A_2486 : memref<1x1x1024xf32, #tpu.memory_space<vmem>> -> memref<1024xf32, #tpu.memory_space<vmem>>
          %swap3A_2488 = arith.constant 848 : index
          %swap3A_2489 = tpu.vector_load %swap3A_2487[%swap3A_2488] {strides = array<i32>} : memref<1024xf32, #tpu.memory_space<vmem>>, vector<16xf32>,
          %swap3A_2490 = vector.shape_cast %swap3A_2489 : vector<16xf32> to vector<16xf32>
          %swap3A_2491 = vector.shape_cast %mul3A_2484 : vector<16xf32> to vector<16xf32>
          tpu.vector_store %swap3A_2487[%swap3A_2488], %swap3A_2491 {strides = array<i32>} : memref<1024xf32, #tpu.memory_space<vmem>>, vector<16xf32>,
          %get3A_2492 = arith.constant 0 : i32
          %get3A_2493 = tpu.memref_slice %arg6[%rem3A_1524, %scan3A_1573, %get3A_2492] : memref<2x40x1024xf32, #tpu.memory_space<vmem>> -> memref<1x1x1024xf32, #tpu.memory_space<vmem>>
          %get3A_2494 = tpu.memref_squeeze %get3A_2493 : memref<1x1x1024xf32, #tpu.memory_space<vmem>> -> memref<1024xf32, #tpu.memory_space<vmem>>
          %get3A_2495 = arith.constant 864 : index
          %get3A_2496 = tpu.vector_load %get3A_2494[%get3A_2495] {strides = array<i32>} : memref<1024xf32, #tpu.memory_space<vmem>>, vector<16xf32>,
          %get3A_2497 = vector.shape_cast %get3A_2496 : vector<16xf32> to vector<16xf32>
          %get3A_2498 = arith.constant 864 : index
          %get3A_2499 = tpu.vector_load %arg9[%get3A_2498] {strides = array<i32>} : memref<1024xf32, #tpu.memory_space<vmem>>, vector<16xf32>,
          %get3A_2500 = vector.shape_cast %get3A_2499 : vector<16xf32> to vector<16xf32>
          %mul3A_2501 = arith.mulf %get3A_2497, %get3A_2500 : vector<16xf32>
          %swap3A_2502 = arith.constant 0 : i32
          %swap3A_2503 = tpu.memref_slice %arg6[%rem3A_1524, %scan3A_1573, %swap3A_2502] : memref<2x40x1024xf32, #tpu.memory_space<vmem>> -> memref<1x1x1024xf32, #tpu.memory_space<vmem>>
          %swap3A_2504 = tpu.memref_squeeze %swap3A_2503 : memref<1x1x1024xf32, #tpu.memory_space<vmem>> -> memref<1024xf32, #tpu.memory_space<vmem>>
          %swap3A_2505 = arith.constant 864 : index
          %swap3A_2506 = tpu.vector_load %swap3A_2504[%swap3A_2505] {strides = array<i32>} : memref<1024xf32, #tpu.memory_space<vmem>>, vector<16xf32>,
          %swap3A_2507 = vector.shape_cast %swap3A_2506 : vector<16xf32> to vector<16xf32>
          %swap3A_2508 = vector.shape_cast %mul3A_2501 : vector<16xf32> to vector<16xf32>
          tpu.vector_store %swap3A_2504[%swap3A_2505], %swap3A_2508 {strides = array<i32>} : memref<1024xf32, #tpu.memory_space<vmem>>, vector<16xf32>,
          %get3A_2509 = arith.constant 0 : i32
          %get3A_2510 = tpu.memref_slice %arg6[%rem3A_1524, %scan3A_1573, %get3A_2509] : memref<2x40x1024xf32, #tpu.memory_space<vmem>> -> memref<1x1x1024xf32, #tpu.memory_space<vmem>>
          %get3A_2511 = tpu.memref_squeeze %get3A_2510 : memref<1x1x1024xf32, #tpu.memory_space<vmem>> -> memref<1024xf32, #tpu.memory_space<vmem>>
          %get3A_2512 = arith.constant 880 : index
          %get3A_2513 = tpu.vector_load %get3A_2511[%get3A_2512] {strides = array<i32>} : memref<1024xf32, #tpu.memory_space<vmem>>, vector<16xf32>,
          %get3A_2514 = vector.shape_cast %get3A_2513 : vector<16xf32> to vector<16xf32>
          %get3A_2515 = arith.constant 880 : index
          %get3A_2516 = tpu.vector_load %arg9[%get3A_2515] {strides = array<i32>} : memref<1024xf32, #tpu.memory_space<vmem>>, vector<16xf32>,
          %get3A_2517 = vector.shape_cast %get3A_2516 : vector<16xf32> to vector<16xf32>
          %mul3A_2518 = arith.mulf %get3A_2514, %get3A_2517 : vector<16xf32>
          %swap3A_2519 = arith.constant 0 : i32
          %swap3A_2520 = tpu.memref_slice %arg6[%rem3A_1524, %scan3A_1573, %swap3A_2519] : memref<2x40x1024xf32, #tpu.memory_space<vmem>> -> memref<1x1x1024xf32, #tpu.memory_space<vmem>>
          %swap3A_2521 = tpu.memref_squeeze %swap3A_2520 : memref<1x1x1024xf32, #tpu.memory_space<vmem>> -> memref<1024xf32, #tpu.memory_space<vmem>>
          %swap3A_2522 = arith.constant 880 : index
          %swap3A_2523 = tpu.vector_load %swap3A_2521[%swap3A_2522] {strides = array<i32>} : memref<1024xf32, #tpu.memory_space<vmem>>, vector<16xf32>,
          %swap3A_2524 = vector.shape_cast %swap3A_2523 : vector<16xf32> to vector<16xf32>
          %swap3A_2525 = vector.shape_cast %mul3A_2518 : vector<16xf32> to vector<16xf32>
          tpu.vector_store %swap3A_2521[%swap3A_2522], %swap3A_2525 {strides = array<i32>} : memref<1024xf32, #tpu.memory_space<vmem>>, vector<16xf32>,
          %get3A_2526 = arith.constant 0 : i32
          %get3A_2527 = tpu.memref_slice %arg6[%rem3A_1524, %scan3A_1573, %get3A_2526] : memref<2x40x1024xf32, #tpu.memory_space<vmem>> -> memref<1x1x1024xf32, #tpu.memory_space<vmem>>
          %get3A_2528 = tpu.memref_squeeze %get3A_2527 : memref<1x1x1024xf32, #tpu.memory_space<vmem>> -> memref<1024xf32, #tpu.memory_space<vmem>>
          %get3A_2529 = arith.constant 896 : index
          %get3A_2530 = tpu.vector_load %get3A_2528[%get3A_2529] {strides = array<i32>} : memref<1024xf32, #tpu.memory_space<vmem>>, vector<16xf32>,
          %get3A_2531 = vector.shape_cast %get3A_2530 : vector<16xf32> to vector<16xf32>
          %get3A_2532 = arith.constant 896 : index
          %get3A_2533 = tpu.vector_load %arg9[%get3A_2532] {strides = array<i32>} : memref<1024xf32, #tpu.memory_space<vmem>>, vector<16xf32>,
          %get3A_2534 = vector.shape_cast %get3A_2533 : vector<16xf32> to vector<16xf32>
          %mul3A_2535 = arith.mulf %get3A_2531, %get3A_2534 : vector<16xf32>
          %swap3A_2536 = arith.constant 0 : i32
          %swap3A_2537 = tpu.memref_slice %arg6[%rem3A_1524, %scan3A_1573, %swap3A_2536] : memref<2x40x1024xf32, #tpu.memory_space<vmem>> -> memref<1x1x1024xf32, #tpu.memory_space<vmem>>
          %swap3A_2538 = tpu.memref_squeeze %swap3A_2537 : memref<1x1x1024xf32, #tpu.memory_space<vmem>> -> memref<1024xf32, #tpu.memory_space<vmem>>
          %swap3A_2539 = arith.constant 896 : index
          %swap3A_2540 = tpu.vector_load %swap3A_2538[%swap3A_2539] {strides = array<i32>} : memref<1024xf32, #tpu.memory_space<vmem>>, vector<16xf32>,
          %swap3A_2541 = vector.shape_cast %swap3A_2540 : vector<16xf32> to vector<16xf32>
          %swap3A_2542 = vector.shape_cast %mul3A_2535 : vector<16xf32> to vector<16xf32>
          tpu.vector_store %swap3A_2538[%swap3A_2539], %swap3A_2542 {strides = array<i32>} : memref<1024xf32, #tpu.memory_space<vmem>>, vector<16xf32>,
          %get3A_2543 = arith.constant 0 : i32
          %get3A_2544 = tpu.memref_slice %arg6[%rem3A_1524, %scan3A_1573, %get3A_2543] : memref<2x40x1024xf32, #tpu.memory_space<vmem>> -> memref<1x1x1024xf32, #tpu.memory_space<vmem>>
          %get3A_2545 = tpu.memref_squeeze %get3A_2544 : memref<1x1x1024xf32, #tpu.memory_space<vmem>> -> memref<1024xf32, #tpu.memory_space<vmem>>
          %get3A_2546 = arith.constant 912 : index
          %get3A_2547 = tpu.vector_load %get3A_2545[%get3A_2546] {strides = array<i32>} : memref<1024xf32, #tpu.memory_space<vmem>>, vector<16xf32>,
          %get3A_2548 = vector.shape_cast %get3A_2547 : vector<16xf32> to vector<16xf32>
          %get3A_2549 = arith.constant 912 : index
          %get3A_2550 = tpu.vector_load %arg9[%get3A_2549] {strides = array<i32>} : memref<1024xf32, #tpu.memory_space<vmem>>, vector<16xf32>,
          %get3A_2551 = vector.shape_cast %get3A_2550 : vector<16xf32> to vector<16xf32>
          %mul3A_2552 = arith.mulf %get3A_2548, %get3A_2551 : vector<16xf32>
          %swap3A_2553 = arith.constant 0 : i32
          %swap3A_2554 = tpu.memref_slice %arg6[%rem3A_1524, %scan3A_1573, %swap3A_2553] : memref<2x40x1024xf32, #tpu.memory_space<vmem>> -> memref<1x1x1024xf32, #tpu.memory_space<vmem>>
          %swap3A_2555 = tpu.memref_squeeze %swap3A_2554 : memref<1x1x1024xf32, #tpu.memory_space<vmem>> -> memref<1024xf32, #tpu.memory_space<vmem>>
          %swap3A_2556 = arith.constant 912 : index
          %swap3A_2557 = tpu.vector_load %swap3A_2555[%swap3A_2556] {strides = array<i32>} : memref<1024xf32, #tpu.memory_space<vmem>>, vector<16xf32>,
          %swap3A_2558 = vector.shape_cast %swap3A_2557 : vector<16xf32> to vector<16xf32>
          %swap3A_2559 = vector.shape_cast %mul3A_2552 : vector<16xf32> to vector<16xf32>
          tpu.vector_store %swap3A_2555[%swap3A_2556], %swap3A_2559 {strides = array<i32>} : memref<1024xf32, #tpu.memory_space<vmem>>, vector<16xf32>,
          %get3A_2560 = arith.constant 0 : i32
          %get3A_2561 = tpu.memref_slice %arg6[%rem3A_1524, %scan3A_1573, %get3A_2560] : memref<2x40x1024xf32, #tpu.memory_space<vmem>> -> memref<1x1x1024xf32, #tpu.memory_space<vmem>>
          %get3A_2562 = tpu.memref_squeeze %get3A_2561 : memref<1x1x1024xf32, #tpu.memory_space<vmem>> -> memref<1024xf32, #tpu.memory_space<vmem>>
          %get3A_2563 = arith.constant 928 : index
          %get3A_2564 = tpu.vector_load %get3A_2562[%get3A_2563] {strides = array<i32>} : memref<1024xf32, #tpu.memory_space<vmem>>, vector<16xf32>,
          %get3A_2565 = vector.shape_cast %get3A_2564 : vector<16xf32> to vector<16xf32>
          %get3A_2566 = arith.constant 928 : index
          %get3A_2567 = tpu.vector_load %arg9[%get3A_2566] {strides = array<i32>} : memref<1024xf32, #tpu.memory_space<vmem>>, vector<16xf32>,
          %get3A_2568 = vector.shape_cast %get3A_2567 : vector<16xf32> to vector<16xf32>
          %mul3A_2569 = arith.mulf %get3A_2565, %get3A_2568 : vector<16xf32>
          %swap3A_2570 = arith.constant 0 : i32
          %swap3A_2571 = tpu.memref_slice %arg6[%rem3A_1524, %scan3A_1573, %swap3A_2570] : memref<2x40x1024xf32, #tpu.memory_space<vmem>> -> memref<1x1x1024xf32, #tpu.memory_space<vmem>>
          %swap3A_2572 = tpu.memref_squeeze %swap3A_2571 : memref<1x1x1024xf32, #tpu.memory_space<vmem>> -> memref<1024xf32, #tpu.memory_space<vmem>>
          %swap3A_2573 = arith.constant 928 : index
          %swap3A_2574 = tpu.vector_load %swap3A_2572[%swap3A_2573] {strides = array<i32>} : memref<1024xf32, #tpu.memory_space<vmem>>, vector<16xf32>,
          %swap3A_2575 = vector.shape_cast %swap3A_2574 : vector<16xf32> to vector<16xf32>
          %swap3A_2576 = vector.shape_cast %mul3A_2569 : vector<16xf32> to vector<16xf32>
          tpu.vector_store %swap3A_2572[%swap3A_2573], %swap3A_2576 {strides = array<i32>} : memref<1024xf32, #tpu.memory_space<vmem>>, vector<16xf32>,
          %get3A_2577 = arith.constant 0 : i32
          %get3A_2578 = tpu.memref_slice %arg6[%rem3A_1524, %scan3A_1573, %get3A_2577] : memref<2x40x1024xf32, #tpu.memory_space<vmem>> -> memref<1x1x1024xf32, #tpu.memory_space<vmem>>
          %get3A_2579 = tpu.memref_squeeze %get3A_2578 : memref<1x1x1024xf32, #tpu.memory_space<vmem>> -> memref<1024xf32, #tpu.memory_space<vmem>>
          %get3A_2580 = arith.constant 944 : index
          %get3A_2581 = tpu.vector_load %get3A_2579[%get3A_2580] {strides = array<i32>} : memref<1024xf32, #tpu.memory_space<vmem>>, vector<16xf32>,
          %get3A_2582 = vector.shape_cast %get3A_2581 : vector<16xf32> to vector<16xf32>
          %get3A_2583 = arith.constant 944 : index
          %get3A_2584 = tpu.vector_load %arg9[%get3A_2583] {strides = array<i32>} : memref<1024xf32, #tpu.memory_space<vmem>>, vector<16xf32>,
          %get3A_2585 = vector.shape_cast %get3A_2584 : vector<16xf32> to vector<16xf32>
          %mul3A_2586 = arith.mulf %get3A_2582, %get3A_2585 : vector<16xf32>
          %swap3A_2587 = arith.constant 0 : i32
          %swap3A_2588 = tpu.memref_slice %arg6[%rem3A_1524, %scan3A_1573, %swap3A_2587] : memref<2x40x1024xf32, #tpu.memory_space<vmem>> -> memref<1x1x1024xf32, #tpu.memory_space<vmem>>
          %swap3A_2589 = tpu.memref_squeeze %swap3A_2588 : memref<1x1x1024xf32, #tpu.memory_space<vmem>> -> memref<1024xf32, #tpu.memory_space<vmem>>
          %swap3A_2590 = arith.constant 944 : index
          %swap3A_2591 = tpu.vector_load %swap3A_2589[%swap3A_2590] {strides = array<i32>} : memref<1024xf32, #tpu.memory_space<vmem>>, vector<16xf32>,
          %swap3A_2592 = vector.shape_cast %swap3A_2591 : vector<16xf32> to vector<16xf32>
          %swap3A_2593 = vector.shape_cast %mul3A_2586 : vector<16xf32> to vector<16xf32>
          tpu.vector_store %swap3A_2589[%swap3A_2590], %swap3A_2593 {strides = array<i32>} : memref<1024xf32, #tpu.memory_space<vmem>>, vector<16xf32>,
          %get3A_2594 = arith.constant 0 : i32
          %get3A_2595 = tpu.memref_slice %arg6[%rem3A_1524, %scan3A_1573, %get3A_2594] : memref<2x40x1024xf32, #tpu.memory_space<vmem>> -> memref<1x1x1024xf32, #tpu.memory_space<vmem>>
          %get3A_2596 = tpu.memref_squeeze %get3A_2595 : memref<1x1x1024xf32, #tpu.memory_space<vmem>> -> memref<1024xf32, #tpu.memory_space<vmem>>
          %get3A_2597 = arith.constant 960 : index
          %get3A_2598 = tpu.vector_load %get3A_2596[%get3A_2597] {strides = array<i32>} : memref<1024xf32, #tpu.memory_space<vmem>>, vector<16xf32>,
          %get3A_2599 = vector.shape_cast %get3A_2598 : vector<16xf32> to vector<16xf32>
          %get3A_2600 = arith.constant 960 : index
          %get3A_2601 = tpu.vector_load %arg9[%get3A_2600] {strides = array<i32>} : memref<1024xf32, #tpu.memory_space<vmem>>, vector<16xf32>,
          %get3A_2602 = vector.shape_cast %get3A_2601 : vector<16xf32> to vector<16xf32>
          %mul3A_2603 = arith.mulf %get3A_2599, %get3A_2602 : vector<16xf32>
          %swap3A_2604 = arith.constant 0 : i32
          %swap3A_2605 = tpu.memref_slice %arg6[%rem3A_1524, %scan3A_1573, %swap3A_2604] : memref<2x40x1024xf32, #tpu.memory_space<vmem>> -> memref<1x1x1024xf32, #tpu.memory_space<vmem>>
          %swap3A_2606 = tpu.memref_squeeze %swap3A_2605 : memref<1x1x1024xf32, #tpu.memory_space<vmem>> -> memref<1024xf32, #tpu.memory_space<vmem>>
          %swap3A_2607 = arith.constant 960 : index
          %swap3A_2608 = tpu.vector_load %swap3A_2606[%swap3A_2607] {strides = array<i32>} : memref<1024xf32, #tpu.memory_space<vmem>>, vector<16xf32>,
          %swap3A_2609 = vector.shape_cast %swap3A_2608 : vector<16xf32> to vector<16xf32>
          %swap3A_2610 = vector.shape_cast %mul3A_2603 : vector<16xf32> to vector<16xf32>
          tpu.vector_store %swap3A_2606[%swap3A_2607], %swap3A_2610 {strides = array<i32>} : memref<1024xf32, #tpu.memory_space<vmem>>, vector<16xf32>,
          %get3A_2611 = arith.constant 0 : i32
          %get3A_2612 = tpu.memref_slice %arg6[%rem3A_1524, %scan3A_1573, %get3A_2611] : memref<2x40x1024xf32, #tpu.memory_space<vmem>> -> memref<1x1x1024xf32, #tpu.memory_space<vmem>>
          %get3A_2613 = tpu.memref_squeeze %get3A_2612 : memref<1x1x1024xf32, #tpu.memory_space<vmem>> -> memref<1024xf32, #tpu.memory_space<vmem>>
          %get3A_2614 = arith.constant 976 : index
          %get3A_2615 = tpu.vector_load %get3A_2613[%get3A_2614] {strides = array<i32>} : memref<1024xf32, #tpu.memory_space<vmem>>, vector<16xf32>,
          %get3A_2616 = vector.shape_cast %get3A_2615 : vector<16xf32> to vector<16xf32>
          %get3A_2617 = arith.constant 976 : index
          %get3A_2618 = tpu.vector_load %arg9[%get3A_2617] {strides = array<i32>} : memref<1024xf32, #tpu.memory_space<vmem>>, vector<16xf32>,
          %get3A_2619 = vector.shape_cast %get3A_2618 : vector<16xf32> to vector<16xf32>
          %mul3A_2620 = arith.mulf %get3A_2616, %get3A_2619 : vector<16xf32>
          %swap3A_2621 = arith.constant 0 : i32
          %swap3A_2622 = tpu.memref_slice %arg6[%rem3A_1524, %scan3A_1573, %swap3A_2621] : memref<2x40x1024xf32, #tpu.memory_space<vmem>> -> memref<1x1x1024xf32, #tpu.memory_space<vmem>>
          %swap3A_2623 = tpu.memref_squeeze %swap3A_2622 : memref<1x1x1024xf32, #tpu.memory_space<vmem>> -> memref<1024xf32, #tpu.memory_space<vmem>>
          %swap3A_2624 = arith.constant 976 : index
          %swap3A_2625 = tpu.vector_load %swap3A_2623[%swap3A_2624] {strides = array<i32>} : memref<1024xf32, #tpu.memory_space<vmem>>, vector<16xf32>,
          %swap3A_2626 = vector.shape_cast %swap3A_2625 : vector<16xf32> to vector<16xf32>
          %swap3A_2627 = vector.shape_cast %mul3A_2620 : vector<16xf32> to vector<16xf32>
          tpu.vector_store %swap3A_2623[%swap3A_2624], %swap3A_2627 {strides = array<i32>} : memref<1024xf32, #tpu.memory_space<vmem>>, vector<16xf32>,
          %get3A_2628 = arith.constant 0 : i32
          %get3A_2629 = tpu.memref_slice %arg6[%rem3A_1524, %scan3A_1573, %get3A_2628] : memref<2x40x1024xf32, #tpu.memory_space<vmem>> -> memref<1x1x1024xf32, #tpu.memory_space<vmem>>
          %get3A_2630 = tpu.memref_squeeze %get3A_2629 : memref<1x1x1024xf32, #tpu.memory_space<vmem>> -> memref<1024xf32, #tpu.memory_space<vmem>>
          %get3A_2631 = arith.constant 992 : index
          %get3A_2632 = tpu.vector_load %get3A_2630[%get3A_2631] {strides = array<i32>} : memref<1024xf32, #tpu.memory_space<vmem>>, vector<16xf32>,
          %get3A_2633 = vector.shape_cast %get3A_2632 : vector<16xf32> to vector<16xf32>
          %get3A_2634 = arith.constant 992 : index
          %get3A_2635 = tpu.vector_load %arg9[%get3A_2634] {strides = array<i32>} : memref<1024xf32, #tpu.memory_space<vmem>>, vector<16xf32>,
          %get3A_2636 = vector.shape_cast %get3A_2635 : vector<16xf32> to vector<16xf32>
          %mul3A_2637 = arith.mulf %get3A_2633, %get3A_2636 : vector<16xf32>
          %swap3A_2638 = arith.constant 0 : i32
          %swap3A_2639 = tpu.memref_slice %arg6[%rem3A_1524, %scan3A_1573, %swap3A_2638] : memref<2x40x1024xf32, #tpu.memory_space<vmem>> -> memref<1x1x1024xf32, #tpu.memory_space<vmem>>
          %swap3A_2640 = tpu.memref_squeeze %swap3A_2639 : memref<1x1x1024xf32, #tpu.memory_space<vmem>> -> memref<1024xf32, #tpu.memory_space<vmem>>
          %swap3A_2641 = arith.constant 992 : index
          %swap3A_2642 = tpu.vector_load %swap3A_2640[%swap3A_2641] {strides = array<i32>} : memref<1024xf32, #tpu.memory_space<vmem>>, vector<16xf32>,
          %swap3A_2643 = vector.shape_cast %swap3A_2642 : vector<16xf32> to vector<16xf32>
          %swap3A_2644 = vector.shape_cast %mul3A_2637 : vector<16xf32> to vector<16xf32>
          tpu.vector_store %swap3A_2640[%swap3A_2641], %swap3A_2644 {strides = array<i32>} : memref<1024xf32, #tpu.memory_space<vmem>>, vector<16xf32>,
          %get3A_2645 = arith.constant 0 : i32
          %get3A_2646 = tpu.memref_slice %arg6[%rem3A_1524, %scan3A_1573, %get3A_2645] : memref<2x40x1024xf32, #tpu.memory_space<vmem>> -> memref<1x1x1024xf32, #tpu.memory_space<vmem>>
          %get3A_2647 = tpu.memref_squeeze %get3A_2646 : memref<1x1x1024xf32, #tpu.memory_space<vmem>> -> memref<1024xf32, #tpu.memory_space<vmem>>
          %get3A_2648 = arith.constant 1008 : index
          %get3A_2649 = tpu.vector_load %get3A_2647[%get3A_2648] {strides = array<i32>} : memref<1024xf32, #tpu.memory_space<vmem>>, vector<16xf32>,
          %get3A_2650 = vector.shape_cast %get3A_2649 : vector<16xf32> to vector<16xf32>
          %get3A_2651 = arith.constant 1008 : index
          %get3A_2652 = tpu.vector_load %arg9[%get3A_2651] {strides = array<i32>} : memref<1024xf32, #tpu.memory_space<vmem>>, vector<16xf32>,
          %get3A_2653 = vector.shape_cast %get3A_2652 : vector<16xf32> to vector<16xf32>
          %mul3A_2654 = arith.mulf %get3A_2650, %get3A_2653 : vector<16xf32>
          %swap3A_2655 = arith.constant 0 : i32
          %swap3A_2656 = tpu.memref_slice %arg6[%rem3A_1524, %scan3A_1573, %swap3A_2655] : memref<2x40x1024xf32, #tpu.memory_space<vmem>> -> memref<1x1x1024xf32, #tpu.memory_space<vmem>>
          %swap3A_2657 = tpu.memref_squeeze %swap3A_2656 : memref<1x1x1024xf32, #tpu.memory_space<vmem>> -> memref<1024xf32, #tpu.memory_space<vmem>>
          %swap3A_2658 = arith.constant 1008 : index
          %swap3A_2659 = tpu.vector_load %swap3A_2657[%swap3A_2658] {strides = array<i32>} : memref<1024xf32, #tpu.memory_space<vmem>>, vector<16xf32>,
          %swap3A_2660 = vector.shape_cast %swap3A_2659 : vector<16xf32> to vector<16xf32>
          %swap3A_2661 = vector.shape_cast %mul3A_2654 : vector<16xf32> to vector<16xf32>
          tpu.vector_store %swap3A_2657[%swap3A_2658], %swap3A_2661 {strides = array<i32>} : memref<1024xf32, #tpu.memory_space<vmem>>, vector<16xf32>,
        }
        %scan3A_1551 = arith.constant 40 : i32
        %rem3A_1552 = arith.constant 2 : i32
        %rem3A_1553 = arith.remsi %while3A_1503, %rem3A_1552 : i32
        %mul3A_1554 = arith.constant 32 : i32
        %mul3A_1555 = arith.muli %mul3A_1554, %while3A_1503 : i32
        %add3A_1556 = arith.addi %add3A, %mul3A_1555 : i32
        %mul3A_1557 = arith.constant 40 : i32
        %mul3A_1558 = arith.muli %add3A_1556, %mul3A_1557 : i32
        %dma_start3A_1559 = arith.constant 0 : i32
        %dma_start3A_1560 = arith.constant 0 : i32
        %dma_start3A_1561 = tpu.memref_slice %arg6[%rem3A_1553, %dma_start3A_1559, %dma_start3A_1560] : memref<2x40x1024xf32, #tpu.memory_space<vmem>> -> memref<1x40x1024xf32, #tpu.memory_space<vmem>>
        %dma_start3A_1562 = tpu.memref_squeeze %dma_start3A_1561 : memref<1x40x1024xf32, #tpu.memory_space<vmem>> -> memref<40x1024xf32, #tpu.memory_space<vmem>>
        %dma_start3A_1563 = arith.constant 0 : i32
        %dma_start3A_1564 = tpu.memref_slice %arg5[%mul3A_1558, %dma_start3A_1563] : memref<100000x1024xf32, #tpu.memory_space<hbm>> -> memref<40x1024xf32, #tpu.memory_space<hbm>>
        %dma_start3A_1565 = tpu.memref_slice %arg11[%rem3A_1553] : memref<2x!tpu.dma_semaphore, #tpu.memory_space<semaphore_mem>> -> memref<1x!tpu.dma_semaphore, #tpu.memory_space<semaphore_mem>>
        %dma_start3A_1566 = tpu.memref_squeeze %dma_start3A_1565 : memref<1x!tpu.dma_semaphore, #tpu.memory_space<semaphore_mem>> -> memref<!tpu.dma_semaphore, #tpu.memory_space<semaphore_mem>>
        %dma_start3A_1567 = arith.constant 0 : i32
        %dma_start3A_1568 = tpu.memref_slice %arg5[%mul3A_1558, %dma_start3A_1567] : memref<100000x1024xf32, #tpu.memory_space<hbm>> -> memref<40x1024xf32, #tpu.memory_space<hbm>>
        %dma_start3A_1569 = arith.constant 0 : i32
        %dma_start3A_1570 = arith.constant 0 : i32
        %dma_start3A_1571 = tpu.memref_slice %arg6[%rem3A_1553, %dma_start3A_1569, %dma_start3A_1570] : memref<2x40x1024xf32, #tpu.memory_space<vmem>> -> memref<1x40x1024xf32, #tpu.memory_space<vmem>>
        %dma_start3A_1572 = tpu.memref_squeeze %dma_start3A_1571 : memref<1x40x1024xf32, #tpu.memory_space<vmem>> -> memref<40x1024xf32, #tpu.memory_space<vmem>>
        tpu.enqueue_dma source(%dma_start3A_1572 : memref<40x1024xf32, #tpu.memory_space<vmem>>) target(%dma_start3A_1568 : memref<40x1024xf32, #tpu.memory_space<hbm>>) target_semaphore(%dma_start3A_1566 : memref<!tpu.dma_semaphore, #tpu.memory_space<semaphore_mem>>)
      } else {
      }
      %add3A_1509 = arith.constant 1 : i32
      %add3A_1510 = arith.addi %while3A_1503, %add3A_1509 : i32
      %mul3A_1511 = arith.constant 32 : i32
      %mul3A_1512 = arith.muli %mul3A_1511, %add3A_1510 : i32
      %add3A_1513 = arith.addi %add3A, %mul3A_1512 : i32
      %lt3A_1514 = arith.constant 2500 : i32
      %lt3A_1515 = arith.cmpi slt, %add3A_1513, %lt3A_1514 : i32
      %ge3A = arith.constant 1 : i32
      %ge3A_1516 = arith.cmpi sge, %while3A_1503, %ge3A : i32
      %and3A = arith.andi %ge3A_1516, %lt3A_1515 : i1
      %convert_element_type3A_1517 = arith.extui %and3A : i1 to i32
      %cond3A_1518 = arith.constant 0 : i32
      %cond3A_1519 = arith.cmpi ne, %convert_element_type3A_1517, %cond3A_1518 : i32
      scf.if %cond3A_1519 {
        %sub3A_1523 = arith.constant 1 : i32
        %sub3A_1524 = arith.subi %while3A_1503, %sub3A_1523 : i32
        %rem3A_1525 = arith.constant 2 : i32
        %rem3A_1526 = arith.remsi %sub3A_1524, %rem3A_1525 : i32
        %mul3A_1527 = arith.constant 32 : i32
        %mul3A_1528 = arith.muli %mul3A_1527, %sub3A_1524 : i32
        %add3A_1529 = arith.addi %add3A, %mul3A_1528 : i32
        %mul3A_1530 = arith.constant 40 : i32
        %mul3A_1531 = arith.muli %add3A_1529, %mul3A_1530 : i32
        %dma_wait3A_1532 = arith.constant 0 : i32
        %dma_wait3A_1533 = arith.constant 0 : i32
        %dma_wait3A_1534 = tpu.memref_slice %arg6[%rem3A_1526, %dma_wait3A_1532, %dma_wait3A_1533] : memref<2x40x1024xf32, #tpu.memory_space<vmem>> -> memref<1x40x1024xf32, #tpu.memory_space<vmem>>
        %dma_wait3A_1535 = tpu.memref_squeeze %dma_wait3A_1534 : memref<1x40x1024xf32, #tpu.memory_space<vmem>> -> memref<40x1024xf32, #tpu.memory_space<vmem>>
        %dma_wait3A_1536 = arith.constant 0 : i32
        %dma_wait3A_1537 = tpu.memref_slice %arg5[%mul3A_1531, %dma_wait3A_1536] : memref<100000x1024xf32, #tpu.memory_space<hbm>> -> memref<40x1024xf32, #tpu.memory_space<hbm>>
        %dma_wait3A_1538 = tpu.memref_slice %arg11[%rem3A_1526] : memref<2x!tpu.dma_semaphore, #tpu.memory_space<semaphore_mem>> -> memref<1x!tpu.dma_semaphore, #tpu.memory_space<semaphore_mem>>
        %dma_wait3A_1539 = tpu.memref_squeeze %dma_wait3A_1538 : memref<1x!tpu.dma_semaphore, #tpu.memory_space<semaphore_mem>> -> memref<!tpu.dma_semaphore, #tpu.memory_space<semaphore_mem>>
        %dma_wait3A_1540 = arith.constant 0 : i32
        %dma_wait3A_1541 = tpu.memref_slice %arg5[%mul3A_1531, %dma_wait3A_1540] : memref<100000x1024xf32, #tpu.memory_space<hbm>> -> memref<40x1024xf32, #tpu.memory_space<hbm>>
        %dma_wait3A_1542 = arith.constant 0 : i32
        %dma_wait3A_1543 = arith.constant 0 : i32
        %dma_wait3A_1544 = tpu.memref_slice %arg6[%rem3A_1526, %dma_wait3A_1542, %dma_wait3A_1543] : memref<2x40x1024xf32, #tpu.memory_space<vmem>> -> memref<1x40x1024xf32, #tpu.memory_space<vmem>>
        %dma_wait3A_1545 = tpu.memref_squeeze %dma_wait3A_1544 : memref<1x40x1024xf32, #tpu.memory_space<vmem>> -> memref<40x1024xf32, #tpu.memory_space<vmem>>
        tpu.wait_dma2 semaphore(%dma_wait3A_1539 : memref<!tpu.dma_semaphore, #tpu.memory_space<semaphore_mem>>) src(%dma_wait3A_1545 : memref<40x1024xf32, #tpu.memory_space<vmem>>) dst(%dma_wait3A_1541 : memref<40x1024xf32, #tpu.memory_space<hbm>>)
      } else {
      }
      %convert_element_type3A_1520 = arith.extui %lt3A_1515 : i1 to i32
      %cond3A_1521 = arith.constant 0 : i32
      %cond3A_1522 = arith.cmpi ne, %convert_element_type3A_1520, %cond3A_1521 : i32
      scf.if %cond3A_1522 {
        %add3A_1523 = arith.constant 1 : i32
        %add3A_1524 = arith.addi %while3A_1503, %add3A_1523 : i32
        %rem3A_1525 = arith.constant 2 : i32
        %rem3A_1526 = arith.remsi %add3A_1524, %rem3A_1525 : i32
        %mul3A_1527 = arith.constant 32 : i32
        %mul3A_1528 = arith.muli %mul3A_1527, %add3A_1524 : i32
        %add3A_1529 = arith.addi %add3A, %mul3A_1528 : i32
        %mul3A_1530 = arith.constant 40 : i32
        %mul3A_1531 = arith.muli %add3A_1529, %mul3A_1530 : i32
        %dma_start3A_1532 = arith.constant 0 : i32
        %dma_start3A_1533 = arith.constant 0 : i32
        %dma_start3A_1534 = tpu.memref_slice %arg6[%rem3A_1526, %dma_start3A_1532, %dma_start3A_1533] : memref<2x40x1024xf32, #tpu.memory_space<vmem>> -> memref<1x40x1024xf32, #tpu.memory_space<vmem>>
        %dma_start3A_1535 = tpu.memref_squeeze %dma_start3A_1534 : memref<1x40x1024xf32, #tpu.memory_space<vmem>> -> memref<40x1024xf32, #tpu.memory_space<vmem>>
        %dma_start3A_1536 = arith.constant 0 : i32
        %dma_start3A_1537 = tpu.memref_slice %arg2[%mul3A_1531, %dma_start3A_1536] : memref<100000x1024xf32, #tpu.memory_space<hbm>> -> memref<40x1024xf32, #tpu.memory_space<hbm>>
        %dma_start3A_1538 = tpu.memref_slice %arg10[%rem3A_1526] : memref<2x!tpu.dma_semaphore, #tpu.memory_space<semaphore_mem>> -> memref<1x!tpu.dma_semaphore, #tpu.memory_space<semaphore_mem>>
        %dma_start3A_1539 = tpu.memref_squeeze %dma_start3A_1538 : memref<1x!tpu.dma_semaphore, #tpu.memory_space<semaphore_mem>> -> memref<!tpu.dma_semaphore, #tpu.memory_space<semaphore_mem>>
        %dma_start3A_1540 = arith.constant 0 : i32
        %dma_start3A_1541 = arith.constant 0 : i32
        %dma_start3A_1542 = tpu.memref_slice %arg6[%rem3A_1526, %dma_start3A_1540, %dma_start3A_1541] : memref<2x40x1024xf32, #tpu.memory_space<vmem>> -> memref<1x40x1024xf32, #tpu.memory_space<vmem>>
        %dma_start3A_1543 = tpu.memref_squeeze %dma_start3A_1542 : memref<1x40x1024xf32, #tpu.memory_space<vmem>> -> memref<40x1024xf32, #tpu.memory_space<vmem>>
        %dma_start3A_1544 = arith.constant 0 : i32
        %dma_start3A_1545 = tpu.memref_slice %arg2[%mul3A_1531, %dma_start3A_1544] : memref<100000x1024xf32, #tpu.memory_space<hbm>> -> memref<40x1024xf32, #tpu.memory_space<hbm>>
        tpu.enqueue_dma source(%dma_start3A_1545 : memref<40x1024xf32, #tpu.memory_space<hbm>>) target(%dma_start3A_1543 : memref<40x1024xf32, #tpu.memory_space<vmem>>) target_semaphore(%dma_start3A_1539 : memref<!tpu.dma_semaphore, #tpu.memory_space<semaphore_mem>>)
      } else {
      }
    }
    %while3A_1450 = arith.constant 1 : i32
    scf.for %while3A_1503 = %while3A_1448 to %while3A_1444 step %while3A_1450  : i32 {
      %mul3A_1504 = arith.constant 32 : i32
      %mul3A_1505 = arith.muli %mul3A_1504, %while3A_1503 : i32
      %add3A_1506 = arith.addi %add3A, %mul3A_1505 : i32
      %lt3A = arith.constant 2500 : i32
      %lt3A_1507 = arith.cmpi slt, %add3A_1506, %lt3A : i32
      %convert_element_type3A = arith.extui %lt3A_1507 : i1 to i32
      %cond3A = arith.constant 0 : i32
      %cond3A_1508 = arith.cmpi ne, %convert_element_type3A, %cond3A : i32
      scf.if %cond3A_1508 {
        %rem3A_1523 = arith.constant 2 : i32
        %rem3A_1524 = arith.remsi %while3A_1503, %rem3A_1523 : i32
        %rem3A_1525 = arith.constant 2 : i32
        %rem3A_1526 = arith.remsi %while3A_1503, %rem3A_1525 : i32
        %mul3A_1527 = arith.constant 32 : i32
        %mul3A_1528 = arith.muli %mul3A_1527, %while3A_1503 : i32
        %add3A_1529 = arith.addi %add3A, %mul3A_1528 : i32
        %mul3A_1530 = arith.constant 40 : i32
        %mul3A_1531 = arith.muli %add3A_1529, %mul3A_1530 : i32
        %dma_wait3A_1532 = arith.constant 0 : i32
        %dma_wait3A_1533 = arith.constant 0 : i32
        %dma_wait3A_1534 = tpu.memref_slice %arg6[%rem3A_1526, %dma_wait3A_1532, %dma_wait3A_1533] : memref<2x40x1024xf32, #tpu.memory_space<vmem>> -> memref<1x40x1024xf32, #tpu.memory_space<vmem>>
        %dma_wait3A_1535 = tpu.memref_squeeze %dma_wait3A_1534 : memref<1x40x1024xf32, #tpu.memory_space<vmem>> -> memref<40x1024xf32, #tpu.memory_space<vmem>>
        %dma_wait3A_1536 = arith.constant 0 : i32
        %dma_wait3A_1537 = tpu.memref_slice %arg2[%mul3A_1531, %dma_wait3A_1536] : memref<100000x1024xf32, #tpu.memory_space<hbm>> -> memref<40x1024xf32, #tpu.memory_space<hbm>>
        %dma_wait3A_1538 = tpu.memref_slice %arg10[%rem3A_1526] : memref<2x!tpu.dma_semaphore, #tpu.memory_space<semaphore_mem>> -> memref<1x!tpu.dma_semaphore, #tpu.memory_space<semaphore_mem>>
        %dma_wait3A_1539 = tpu.memref_squeeze %dma_wait3A_1538 : memref<1x!tpu.dma_semaphore, #tpu.memory_space<semaphore_mem>> -> memref<!tpu.dma_semaphore, #tpu.memory_space<semaphore_mem>>
        %dma_wait3A_1540 = arith.constant 0 : i32
        %dma_wait3A_1541 = arith.constant 0 : i32
        %dma_wait3A_1542 = tpu.memref_slice %arg6[%rem3A_1526, %dma_wait3A_1540, %dma_wait3A_1541] : memref<2x40x1024xf32, #tpu.memory_space<vmem>> -> memref<1x40x1024xf32, #tpu.memory_space<vmem>>
        %dma_wait3A_1543 = tpu.memref_squeeze %dma_wait3A_1542 : memref<1x40x1024xf32, #tpu.memory_space<vmem>> -> memref<40x1024xf32, #tpu.memory_space<vmem>>
        %dma_wait3A_1544 = arith.constant 0 : i32
        %dma_wait3A_1545 = tpu.memref_slice %arg2[%mul3A_1531, %dma_wait3A_1544] : memref<100000x1024xf32, #tpu.memory_space<hbm>> -> memref<40x1024xf32, #tpu.memory_space<hbm>>
        tpu.wait_dma2 semaphore(%dma_wait3A_1539 : memref<!tpu.dma_semaphore, #tpu.memory_space<semaphore_mem>>) src(%dma_wait3A_1545 : memref<40x1024xf32, #tpu.memory_space<hbm>>) dst(%dma_wait3A_1543 : memref<40x1024xf32, #tpu.memory_space<vmem>>)
        %scan3A_1546 = arith.constant 0 : i32
        %scan3A_1547 = arith.constant 0 : i32
        %scan3A_1548 = arith.constant 40 : i32
        %scan3A_1549 = arith.addi %scan3A_1547, %scan3A_1548 : i32
        %scan3A_1550 = arith.constant 1 : i32
        scf.for %scan3A_1573 = %scan3A_1547 to %scan3A_1549 step %scan3A_1550  : i32 {
          %get3A_1574 = arith.constant 0 : i32
          %get3A_1575 = tpu.memref_slice %arg6[%rem3A_1524, %scan3A_1573, %get3A_1574] : memref<2x40x1024xf32, #tpu.memory_space<vmem>> -> memref<1x1x1024xf32, #tpu.memory_space<vmem>>
          %get3A_1576 = tpu.memref_squeeze %get3A_1575 : memref<1x1x1024xf32, #tpu.memory_space<vmem>> -> memref<1024xf32, #tpu.memory_space<vmem>>
          %get3A_1577 = arith.constant 0 : index
          %get3A_1578 = tpu.vector_load %get3A_1576[%get3A_1577] {strides = array<i32>} : memref<1024xf32, #tpu.memory_space<vmem>>, vector<16xf32>,
          %get3A_1579 = vector.shape_cast %get3A_1578 : vector<16xf32> to vector<16xf32>
          %get3A_1580 = arith.constant 0 : index
          %get3A_1581 = tpu.vector_load %arg9[%get3A_1580] {strides = array<i32>} : memref<1024xf32, #tpu.memory_space<vmem>>, vector<16xf32>,
          %get3A_1582 = vector.shape_cast %get3A_1581 : vector<16xf32> to vector<16xf32>
          %mul3A_1583 = arith.mulf %get3A_1579, %get3A_1582 : vector<16xf32>
          %swap3A_1584 = arith.constant 0 : i32
          %swap3A_1585 = tpu.memref_slice %arg6[%rem3A_1524, %scan3A_1573, %swap3A_1584] : memref<2x40x1024xf32, #tpu.memory_space<vmem>> -> memref<1x1x1024xf32, #tpu.memory_space<vmem>>
          %swap3A_1586 = tpu.memref_squeeze %swap3A_1585 : memref<1x1x1024xf32, #tpu.memory_space<vmem>> -> memref<1024xf32, #tpu.memory_space<vmem>>
          %swap3A_1587 = arith.constant 0 : index
          %swap3A_1588 = tpu.vector_load %swap3A_1586[%swap3A_1587] {strides = array<i32>} : memref<1024xf32, #tpu.memory_space<vmem>>, vector<16xf32>,
          %swap3A_1589 = vector.shape_cast %swap3A_1588 : vector<16xf32> to vector<16xf32>
          %swap3A_1590 = vector.shape_cast %mul3A_1583 : vector<16xf32> to vector<16xf32>
          tpu.vector_store %swap3A_1586[%swap3A_1587], %swap3A_1590 {strides = array<i32>} : memref<1024xf32, #tpu.memory_space<vmem>>, vector<16xf32>,
          %get3A_1591 = arith.constant 0 : i32
          %get3A_1592 = tpu.memref_slice %arg6[%rem3A_1524, %scan3A_1573, %get3A_1591] : memref<2x40x1024xf32, #tpu.memory_space<vmem>> -> memref<1x1x1024xf32, #tpu.memory_space<vmem>>
          %get3A_1593 = tpu.memref_squeeze %get3A_1592 : memref<1x1x1024xf32, #tpu.memory_space<vmem>> -> memref<1024xf32, #tpu.memory_space<vmem>>
          %get3A_1594 = arith.constant 16 : index
          %get3A_1595 = tpu.vector_load %get3A_1593[%get3A_1594] {strides = array<i32>} : memref<1024xf32, #tpu.memory_space<vmem>>, vector<16xf32>,
          %get3A_1596 = vector.shape_cast %get3A_1595 : vector<16xf32> to vector<16xf32>
          %get3A_1597 = arith.constant 16 : index
          %get3A_1598 = tpu.vector_load %arg9[%get3A_1597] {strides = array<i32>} : memref<1024xf32, #tpu.memory_space<vmem>>, vector<16xf32>,
          %get3A_1599 = vector.shape_cast %get3A_1598 : vector<16xf32> to vector<16xf32>
          %mul3A_1600 = arith.mulf %get3A_1596, %get3A_1599 : vector<16xf32>
          %swap3A_1601 = arith.constant 0 : i32
          %swap3A_1602 = tpu.memref_slice %arg6[%rem3A_1524, %scan3A_1573, %swap3A_1601] : memref<2x40x1024xf32, #tpu.memory_space<vmem>> -> memref<1x1x1024xf32, #tpu.memory_space<vmem>>
          %swap3A_1603 = tpu.memref_squeeze %swap3A_1602 : memref<1x1x1024xf32, #tpu.memory_space<vmem>> -> memref<1024xf32, #tpu.memory_space<vmem>>
          %swap3A_1604 = arith.constant 16 : index
          %swap3A_1605 = tpu.vector_load %swap3A_1603[%swap3A_1604] {strides = array<i32>} : memref<1024xf32, #tpu.memory_space<vmem>>, vector<16xf32>,
          %swap3A_1606 = vector.shape_cast %swap3A_1605 : vector<16xf32> to vector<16xf32>
          %swap3A_1607 = vector.shape_cast %mul3A_1600 : vector<16xf32> to vector<16xf32>
          tpu.vector_store %swap3A_1603[%swap3A_1604], %swap3A_1607 {strides = array<i32>} : memref<1024xf32, #tpu.memory_space<vmem>>, vector<16xf32>,
          %get3A_1608 = arith.constant 0 : i32
          %get3A_1609 = tpu.memref_slice %arg6[%rem3A_1524, %scan3A_1573, %get3A_1608] : memref<2x40x1024xf32, #tpu.memory_space<vmem>> -> memref<1x1x1024xf32, #tpu.memory_space<vmem>>
          %get3A_1610 = tpu.memref_squeeze %get3A_1609 : memref<1x1x1024xf32, #tpu.memory_space<vmem>> -> memref<1024xf32, #tpu.memory_space<vmem>>
          %get3A_1611 = arith.constant 32 : index
          %get3A_1612 = tpu.vector_load %get3A_1610[%get3A_1611] {strides = array<i32>} : memref<1024xf32, #tpu.memory_space<vmem>>, vector<16xf32>,
          %get3A_1613 = vector.shape_cast %get3A_1612 : vector<16xf32> to vector<16xf32>
          %get3A_1614 = arith.constant 32 : index
          %get3A_1615 = tpu.vector_load %arg9[%get3A_1614] {strides = array<i32>} : memref<1024xf32, #tpu.memory_space<vmem>>, vector<16xf32>,
          %get3A_1616 = vector.shape_cast %get3A_1615 : vector<16xf32> to vector<16xf32>
          %mul3A_1617 = arith.mulf %get3A_1613, %get3A_1616 : vector<16xf32>
          %swap3A_1618 = arith.constant 0 : i32
          %swap3A_1619 = tpu.memref_slice %arg6[%rem3A_1524, %scan3A_1573, %swap3A_1618] : memref<2x40x1024xf32, #tpu.memory_space<vmem>> -> memref<1x1x1024xf32, #tpu.memory_space<vmem>>
          %swap3A_1620 = tpu.memref_squeeze %swap3A_1619 : memref<1x1x1024xf32, #tpu.memory_space<vmem>> -> memref<1024xf32, #tpu.memory_space<vmem>>
          %swap3A_1621 = arith.constant 32 : index
          %swap3A_1622 = tpu.vector_load %swap3A_1620[%swap3A_1621] {strides = array<i32>} : memref<1024xf32, #tpu.memory_space<vmem>>, vector<16xf32>,
          %swap3A_1623 = vector.shape_cast %swap3A_1622 : vector<16xf32> to vector<16xf32>
          %swap3A_1624 = vector.shape_cast %mul3A_1617 : vector<16xf32> to vector<16xf32>
          tpu.vector_store %swap3A_1620[%swap3A_1621], %swap3A_1624 {strides = array<i32>} : memref<1024xf32, #tpu.memory_space<vmem>>, vector<16xf32>,
          %get3A_1625 = arith.constant 0 : i32
          %get3A_1626 = tpu.memref_slice %arg6[%rem3A_1524, %scan3A_1573, %get3A_1625] : memref<2x40x1024xf32, #tpu.memory_space<vmem>> -> memref<1x1x1024xf32, #tpu.memory_space<vmem>>
          %get3A_1627 = tpu.memref_squeeze %get3A_1626 : memref<1x1x1024xf32, #tpu.memory_space<vmem>> -> memref<1024xf32, #tpu.memory_space<vmem>>
          %get3A_1628 = arith.constant 48 : index
          %get3A_1629 = tpu.vector_load %get3A_1627[%get3A_1628] {strides = array<i32>} : memref<1024xf32, #tpu.memory_space<vmem>>, vector<16xf32>,
          %get3A_1630 = vector.shape_cast %get3A_1629 : vector<16xf32> to vector<16xf32>
          %get3A_1631 = arith.constant 48 : index
          %get3A_1632 = tpu.vector_load %arg9[%get3A_1631] {strides = array<i32>} : memref<1024xf32, #tpu.memory_space<vmem>>, vector<16xf32>,
          %get3A_1633 = vector.shape_cast %get3A_1632 : vector<16xf32> to vector<16xf32>
          %mul3A_1634 = arith.mulf %get3A_1630, %get3A_1633 : vector<16xf32>
          %swap3A_1635 = arith.constant 0 : i32
          %swap3A_1636 = tpu.memref_slice %arg6[%rem3A_1524, %scan3A_1573, %swap3A_1635] : memref<2x40x1024xf32, #tpu.memory_space<vmem>> -> memref<1x1x1024xf32, #tpu.memory_space<vmem>>
          %swap3A_1637 = tpu.memref_squeeze %swap3A_1636 : memref<1x1x1024xf32, #tpu.memory_space<vmem>> -> memref<1024xf32, #tpu.memory_space<vmem>>
          %swap3A_1638 = arith.constant 48 : index
          %swap3A_1639 = tpu.vector_load %swap3A_1637[%swap3A_1638] {strides = array<i32>} : memref<1024xf32, #tpu.memory_space<vmem>>, vector<16xf32>,
          %swap3A_1640 = vector.shape_cast %swap3A_1639 : vector<16xf32> to vector<16xf32>
          %swap3A_1641 = vector.shape_cast %mul3A_1634 : vector<16xf32> to vector<16xf32>
          tpu.vector_store %swap3A_1637[%swap3A_1638], %swap3A_1641 {strides = array<i32>} : memref<1024xf32, #tpu.memory_space<vmem>>, vector<16xf32>,
          %get3A_1642 = arith.constant 0 : i32
          %get3A_1643 = tpu.memref_slice %arg6[%rem3A_1524, %scan3A_1573, %get3A_1642] : memref<2x40x1024xf32, #tpu.memory_space<vmem>> -> memref<1x1x1024xf32, #tpu.memory_space<vmem>>
          %get3A_1644 = tpu.memref_squeeze %get3A_1643 : memref<1x1x1024xf32, #tpu.memory_space<vmem>> -> memref<1024xf32, #tpu.memory_space<vmem>>
          %get3A_1645 = arith.constant 64 : index
          %get3A_1646 = tpu.vector_load %get3A_1644[%get3A_1645] {strides = array<i32>} : memref<1024xf32, #tpu.memory_space<vmem>>, vector<16xf32>,
          %get3A_1647 = vector.shape_cast %get3A_1646 : vector<16xf32> to vector<16xf32>
          %get3A_1648 = arith.constant 64 : index
          %get3A_1649 = tpu.vector_load %arg9[%get3A_1648] {strides = array<i32>} : memref<1024xf32, #tpu.memory_space<vmem>>, vector<16xf32>,
          %get3A_1650 = vector.shape_cast %get3A_1649 : vector<16xf32> to vector<16xf32>
          %mul3A_1651 = arith.mulf %get3A_1647, %get3A_1650 : vector<16xf32>
          %swap3A_1652 = arith.constant 0 : i32
          %swap3A_1653 = tpu.memref_slice %arg6[%rem3A_1524, %scan3A_1573, %swap3A_1652] : memref<2x40x1024xf32, #tpu.memory_space<vmem>> -> memref<1x1x1024xf32, #tpu.memory_space<vmem>>
          %swap3A_1654 = tpu.memref_squeeze %swap3A_1653 : memref<1x1x1024xf32, #tpu.memory_space<vmem>> -> memref<1024xf32, #tpu.memory_space<vmem>>
          %swap3A_1655 = arith.constant 64 : index
          %swap3A_1656 = tpu.vector_load %swap3A_1654[%swap3A_1655] {strides = array<i32>} : memref<1024xf32, #tpu.memory_space<vmem>>, vector<16xf32>,
          %swap3A_1657 = vector.shape_cast %swap3A_1656 : vector<16xf32> to vector<16xf32>
          %swap3A_1658 = vector.shape_cast %mul3A_1651 : vector<16xf32> to vector<16xf32>
          tpu.vector_store %swap3A_1654[%swap3A_1655], %swap3A_1658 {strides = array<i32>} : memref<1024xf32, #tpu.memory_space<vmem>>, vector<16xf32>,
          %get3A_1659 = arith.constant 0 : i32
          %get3A_1660 = tpu.memref_slice %arg6[%rem3A_1524, %scan3A_1573, %get3A_1659] : memref<2x40x1024xf32, #tpu.memory_space<vmem>> -> memref<1x1x1024xf32, #tpu.memory_space<vmem>>
          %get3A_1661 = tpu.memref_squeeze %get3A_1660 : memref<1x1x1024xf32, #tpu.memory_space<vmem>> -> memref<1024xf32, #tpu.memory_space<vmem>>
          %get3A_1662 = arith.constant 80 : index
          %get3A_1663 = tpu.vector_load %get3A_1661[%get3A_1662] {strides = array<i32>} : memref<1024xf32, #tpu.memory_space<vmem>>, vector<16xf32>,
          %get3A_1664 = vector.shape_cast %get3A_1663 : vector<16xf32> to vector<16xf32>
          %get3A_1665 = arith.constant 80 : index
          %get3A_1666 = tpu.vector_load %arg9[%get3A_1665] {strides = array<i32>} : memref<1024xf32, #tpu.memory_space<vmem>>, vector<16xf32>,
          %get3A_1667 = vector.shape_cast %get3A_1666 : vector<16xf32> to vector<16xf32>
          %mul3A_1668 = arith.mulf %get3A_1664, %get3A_1667 : vector<16xf32>
          %swap3A_1669 = arith.constant 0 : i32
          %swap3A_1670 = tpu.memref_slice %arg6[%rem3A_1524, %scan3A_1573, %swap3A_1669] : memref<2x40x1024xf32, #tpu.memory_space<vmem>> -> memref<1x1x1024xf32, #tpu.memory_space<vmem>>
          %swap3A_1671 = tpu.memref_squeeze %swap3A_1670 : memref<1x1x1024xf32, #tpu.memory_space<vmem>> -> memref<1024xf32, #tpu.memory_space<vmem>>
          %swap3A_1672 = arith.constant 80 : index
          %swap3A_1673 = tpu.vector_load %swap3A_1671[%swap3A_1672] {strides = array<i32>} : memref<1024xf32, #tpu.memory_space<vmem>>, vector<16xf32>,
          %swap3A_1674 = vector.shape_cast %swap3A_1673 : vector<16xf32> to vector<16xf32>
          %swap3A_1675 = vector.shape_cast %mul3A_1668 : vector<16xf32> to vector<16xf32>
          tpu.vector_store %swap3A_1671[%swap3A_1672], %swap3A_1675 {strides = array<i32>} : memref<1024xf32, #tpu.memory_space<vmem>>, vector<16xf32>,
          %get3A_1676 = arith.constant 0 : i32
          %get3A_1677 = tpu.memref_slice %arg6[%rem3A_1524, %scan3A_1573, %get3A_1676] : memref<2x40x1024xf32, #tpu.memory_space<vmem>> -> memref<1x1x1024xf32, #tpu.memory_space<vmem>>
          %get3A_1678 = tpu.memref_squeeze %get3A_1677 : memref<1x1x1024xf32, #tpu.memory_space<vmem>> -> memref<1024xf32, #tpu.memory_space<vmem>>
          %get3A_1679 = arith.constant 96 : index
          %get3A_1680 = tpu.vector_load %get3A_1678[%get3A_1679] {strides = array<i32>} : memref<1024xf32, #tpu.memory_space<vmem>>, vector<16xf32>,
          %get3A_1681 = vector.shape_cast %get3A_1680 : vector<16xf32> to vector<16xf32>
          %get3A_1682 = arith.constant 96 : index
          %get3A_1683 = tpu.vector_load %arg9[%get3A_1682] {strides = array<i32>} : memref<1024xf32, #tpu.memory_space<vmem>>, vector<16xf32>,
          %get3A_1684 = vector.shape_cast %get3A_1683 : vector<16xf32> to vector<16xf32>
          %mul3A_1685 = arith.mulf %get3A_1681, %get3A_1684 : vector<16xf32>
          %swap3A_1686 = arith.constant 0 : i32
          %swap3A_1687 = tpu.memref_slice %arg6[%rem3A_1524, %scan3A_1573, %swap3A_1686] : memref<2x40x1024xf32, #tpu.memory_space<vmem>> -> memref<1x1x1024xf32, #tpu.memory_space<vmem>>
          %swap3A_1688 = tpu.memref_squeeze %swap3A_1687 : memref<1x1x1024xf32, #tpu.memory_space<vmem>> -> memref<1024xf32, #tpu.memory_space<vmem>>
          %swap3A_1689 = arith.constant 96 : index
          %swap3A_1690 = tpu.vector_load %swap3A_1688[%swap3A_1689] {strides = array<i32>} : memref<1024xf32, #tpu.memory_space<vmem>>, vector<16xf32>,
          %swap3A_1691 = vector.shape_cast %swap3A_1690 : vector<16xf32> to vector<16xf32>
          %swap3A_1692 = vector.shape_cast %mul3A_1685 : vector<16xf32> to vector<16xf32>
          tpu.vector_store %swap3A_1688[%swap3A_1689], %swap3A_1692 {strides = array<i32>} : memref<1024xf32, #tpu.memory_space<vmem>>, vector<16xf32>,
          %get3A_1693 = arith.constant 0 : i32
          %get3A_1694 = tpu.memref_slice %arg6[%rem3A_1524, %scan3A_1573, %get3A_1693] : memref<2x40x1024xf32, #tpu.memory_space<vmem>> -> memref<1x1x1024xf32, #tpu.memory_space<vmem>>
          %get3A_1695 = tpu.memref_squeeze %get3A_1694 : memref<1x1x1024xf32, #tpu.memory_space<vmem>> -> memref<1024xf32, #tpu.memory_space<vmem>>
          %get3A_1696 = arith.constant 112 : index
          %get3A_1697 = tpu.vector_load %get3A_1695[%get3A_1696] {strides = array<i32>} : memref<1024xf32, #tpu.memory_space<vmem>>, vector<16xf32>,
          %get3A_1698 = vector.shape_cast %get3A_1697 : vector<16xf32> to vector<16xf32>
          %get3A_1699 = arith.constant 112 : index
          %get3A_1700 = tpu.vector_load %arg9[%get3A_1699] {strides = array<i32>} : memref<1024xf32, #tpu.memory_space<vmem>>, vector<16xf32>,
          %get3A_1701 = vector.shape_cast %get3A_1700 : vector<16xf32> to vector<16xf32>
          %mul3A_1702 = arith.mulf %get3A_1698, %get3A_1701 : vector<16xf32>
          %swap3A_1703 = arith.constant 0 : i32
          %swap3A_1704 = tpu.memref_slice %arg6[%rem3A_1524, %scan3A_1573, %swap3A_1703] : memref<2x40x1024xf32, #tpu.memory_space<vmem>> -> memref<1x1x1024xf32, #tpu.memory_space<vmem>>
          %swap3A_1705 = tpu.memref_squeeze %swap3A_1704 : memref<1x1x1024xf32, #tpu.memory_space<vmem>> -> memref<1024xf32, #tpu.memory_space<vmem>>
          %swap3A_1706 = arith.constant 112 : index
          %swap3A_1707 = tpu.vector_load %swap3A_1705[%swap3A_1706] {strides = array<i32>} : memref<1024xf32, #tpu.memory_space<vmem>>, vector<16xf32>,
          %swap3A_1708 = vector.shape_cast %swap3A_1707 : vector<16xf32> to vector<16xf32>
          %swap3A_1709 = vector.shape_cast %mul3A_1702 : vector<16xf32> to vector<16xf32>
          tpu.vector_store %swap3A_1705[%swap3A_1706], %swap3A_1709 {strides = array<i32>} : memref<1024xf32, #tpu.memory_space<vmem>>, vector<16xf32>,
          %get3A_1710 = arith.constant 0 : i32
          %get3A_1711 = tpu.memref_slice %arg6[%rem3A_1524, %scan3A_1573, %get3A_1710] : memref<2x40x1024xf32, #tpu.memory_space<vmem>> -> memref<1x1x1024xf32, #tpu.memory_space<vmem>>
          %get3A_1712 = tpu.memref_squeeze %get3A_1711 : memref<1x1x1024xf32, #tpu.memory_space<vmem>> -> memref<1024xf32, #tpu.memory_space<vmem>>
          %get3A_1713 = arith.constant 128 : index
          %get3A_1714 = tpu.vector_load %get3A_1712[%get3A_1713] {strides = array<i32>} : memref<1024xf32, #tpu.memory_space<vmem>>, vector<16xf32>,
          %get3A_1715 = vector.shape_cast %get3A_1714 : vector<16xf32> to vector<16xf32>
          %get3A_1716 = arith.constant 128 : index
          %get3A_1717 = tpu.vector_load %arg9[%get3A_1716] {strides = array<i32>} : memref<1024xf32, #tpu.memory_space<vmem>>, vector<16xf32>,
          %get3A_1718 = vector.shape_cast %get3A_1717 : vector<16xf32> to vector<16xf32>
          %mul3A_1719 = arith.mulf %get3A_1715, %get3A_1718 : vector<16xf32>
          %swap3A_1720 = arith.constant 0 : i32
          %swap3A_1721 = tpu.memref_slice %arg6[%rem3A_1524, %scan3A_1573, %swap3A_1720] : memref<2x40x1024xf32, #tpu.memory_space<vmem>> -> memref<1x1x1024xf32, #tpu.memory_space<vmem>>
          %swap3A_1722 = tpu.memref_squeeze %swap3A_1721 : memref<1x1x1024xf32, #tpu.memory_space<vmem>> -> memref<1024xf32, #tpu.memory_space<vmem>>
          %swap3A_1723 = arith.constant 128 : index
          %swap3A_1724 = tpu.vector_load %swap3A_1722[%swap3A_1723] {strides = array<i32>} : memref<1024xf32, #tpu.memory_space<vmem>>, vector<16xf32>,
          %swap3A_1725 = vector.shape_cast %swap3A_1724 : vector<16xf32> to vector<16xf32>
          %swap3A_1726 = vector.shape_cast %mul3A_1719 : vector<16xf32> to vector<16xf32>
          tpu.vector_store %swap3A_1722[%swap3A_1723], %swap3A_1726 {strides = array<i32>} : memref<1024xf32, #tpu.memory_space<vmem>>, vector<16xf32>,
          %get3A_1727 = arith.constant 0 : i32
          %get3A_1728 = tpu.memref_slice %arg6[%rem3A_1524, %scan3A_1573, %get3A_1727] : memref<2x40x1024xf32, #tpu.memory_space<vmem>> -> memref<1x1x1024xf32, #tpu.memory_space<vmem>>
          %get3A_1729 = tpu.memref_squeeze %get3A_1728 : memref<1x1x1024xf32, #tpu.memory_space<vmem>> -> memref<1024xf32, #tpu.memory_space<vmem>>
          %get3A_1730 = arith.constant 144 : index
          %get3A_1731 = tpu.vector_load %get3A_1729[%get3A_1730] {strides = array<i32>} : memref<1024xf32, #tpu.memory_space<vmem>>, vector<16xf32>,
          %get3A_1732 = vector.shape_cast %get3A_1731 : vector<16xf32> to vector<16xf32>
          %get3A_1733 = arith.constant 144 : index
          %get3A_1734 = tpu.vector_load %arg9[%get3A_1733] {strides = array<i32>} : memref<1024xf32, #tpu.memory_space<vmem>>, vector<16xf32>,
          %get3A_1735 = vector.shape_cast %get3A_1734 : vector<16xf32> to vector<16xf32>
          %mul3A_1736 = arith.mulf %get3A_1732, %get3A_1735 : vector<16xf32>
          %swap3A_1737 = arith.constant 0 : i32
          %swap3A_1738 = tpu.memref_slice %arg6[%rem3A_1524, %scan3A_1573, %swap3A_1737] : memref<2x40x1024xf32, #tpu.memory_space<vmem>> -> memref<1x1x1024xf32, #tpu.memory_space<vmem>>
          %swap3A_1739 = tpu.memref_squeeze %swap3A_1738 : memref<1x1x1024xf32, #tpu.memory_space<vmem>> -> memref<1024xf32, #tpu.memory_space<vmem>>
          %swap3A_1740 = arith.constant 144 : index
          %swap3A_1741 = tpu.vector_load %swap3A_1739[%swap3A_1740] {strides = array<i32>} : memref<1024xf32, #tpu.memory_space<vmem>>, vector<16xf32>,
          %swap3A_1742 = vector.shape_cast %swap3A_1741 : vector<16xf32> to vector<16xf32>
          %swap3A_1743 = vector.shape_cast %mul3A_1736 : vector<16xf32> to vector<16xf32>
          tpu.vector_store %swap3A_1739[%swap3A_1740], %swap3A_1743 {strides = array<i32>} : memref<1024xf32, #tpu.memory_space<vmem>>, vector<16xf32>,
          %get3A_1744 = arith.constant 0 : i32
          %get3A_1745 = tpu.memref_slice %arg6[%rem3A_1524, %scan3A_1573, %get3A_1744] : memref<2x40x1024xf32, #tpu.memory_space<vmem>> -> memref<1x1x1024xf32, #tpu.memory_space<vmem>>
          %get3A_1746 = tpu.memref_squeeze %get3A_1745 : memref<1x1x1024xf32, #tpu.memory_space<vmem>> -> memref<1024xf32, #tpu.memory_space<vmem>>
          %get3A_1747 = arith.constant 160 : index
          %get3A_1748 = tpu.vector_load %get3A_1746[%get3A_1747] {strides = array<i32>} : memref<1024xf32, #tpu.memory_space<vmem>>, vector<16xf32>,
          %get3A_1749 = vector.shape_cast %get3A_1748 : vector<16xf32> to vector<16xf32>
          %get3A_1750 = arith.constant 160 : index
          %get3A_1751 = tpu.vector_load %arg9[%get3A_1750] {strides = array<i32>} : memref<1024xf32, #tpu.memory_space<vmem>>, vector<16xf32>,
          %get3A_1752 = vector.shape_cast %get3A_1751 : vector<16xf32> to vector<16xf32>
          %mul3A_1753 = arith.mulf %get3A_1749, %get3A_1752 : vector<16xf32>
          %swap3A_1754 = arith.constant 0 : i32
          %swap3A_1755 = tpu.memref_slice %arg6[%rem3A_1524, %scan3A_1573, %swap3A_1754] : memref<2x40x1024xf32, #tpu.memory_space<vmem>> -> memref<1x1x1024xf32, #tpu.memory_space<vmem>>
          %swap3A_1756 = tpu.memref_squeeze %swap3A_1755 : memref<1x1x1024xf32, #tpu.memory_space<vmem>> -> memref<1024xf32, #tpu.memory_space<vmem>>
          %swap3A_1757 = arith.constant 160 : index
          %swap3A_1758 = tpu.vector_load %swap3A_1756[%swap3A_1757] {strides = array<i32>} : memref<1024xf32, #tpu.memory_space<vmem>>, vector<16xf32>,
          %swap3A_1759 = vector.shape_cast %swap3A_1758 : vector<16xf32> to vector<16xf32>
          %swap3A_1760 = vector.shape_cast %mul3A_1753 : vector<16xf32> to vector<16xf32>
          tpu.vector_store %swap3A_1756[%swap3A_1757], %swap3A_1760 {strides = array<i32>} : memref<1024xf32, #tpu.memory_space<vmem>>, vector<16xf32>,
          %get3A_1761 = arith.constant 0 : i32
          %get3A_1762 = tpu.memref_slice %arg6[%rem3A_1524, %scan3A_1573, %get3A_1761] : memref<2x40x1024xf32, #tpu.memory_space<vmem>> -> memref<1x1x1024xf32, #tpu.memory_space<vmem>>
          %get3A_1763 = tpu.memref_squeeze %get3A_1762 : memref<1x1x1024xf32, #tpu.memory_space<vmem>> -> memref<1024xf32, #tpu.memory_space<vmem>>
          %get3A_1764 = arith.constant 176 : index
          %get3A_1765 = tpu.vector_load %get3A_1763[%get3A_1764] {strides = array<i32>} : memref<1024xf32, #tpu.memory_space<vmem>>, vector<16xf32>,
          %get3A_1766 = vector.shape_cast %get3A_1765 : vector<16xf32> to vector<16xf32>
          %get3A_1767 = arith.constant 176 : index
          %get3A_1768 = tpu.vector_load %arg9[%get3A_1767] {strides = array<i32>} : memref<1024xf32, #tpu.memory_space<vmem>>, vector<16xf32>,
          %get3A_1769 = vector.shape_cast %get3A_1768 : vector<16xf32> to vector<16xf32>
          %mul3A_1770 = arith.mulf %get3A_1766, %get3A_1769 : vector<16xf32>
          %swap3A_1771 = arith.constant 0 : i32
          %swap3A_1772 = tpu.memref_slice %arg6[%rem3A_1524, %scan3A_1573, %swap3A_1771] : memref<2x40x1024xf32, #tpu.memory_space<vmem>> -> memref<1x1x1024xf32, #tpu.memory_space<vmem>>
          %swap3A_1773 = tpu.memref_squeeze %swap3A_1772 : memref<1x1x1024xf32, #tpu.memory_space<vmem>> -> memref<1024xf32, #tpu.memory_space<vmem>>
          %swap3A_1774 = arith.constant 176 : index
          %swap3A_1775 = tpu.vector_load %swap3A_1773[%swap3A_1774] {strides = array<i32>} : memref<1024xf32, #tpu.memory_space<vmem>>, vector<16xf32>,
          %swap3A_1776 = vector.shape_cast %swap3A_1775 : vector<16xf32> to vector<16xf32>
          %swap3A_1777 = vector.shape_cast %mul3A_1770 : vector<16xf32> to vector<16xf32>
          tpu.vector_store %swap3A_1773[%swap3A_1774], %swap3A_1777 {strides = array<i32>} : memref<1024xf32, #tpu.memory_space<vmem>>, vector<16xf32>,
          %get3A_1778 = arith.constant 0 : i32
          %get3A_1779 = tpu.memref_slice %arg6[%rem3A_1524, %scan3A_1573, %get3A_1778] : memref<2x40x1024xf32, #tpu.memory_space<vmem>> -> memref<1x1x1024xf32, #tpu.memory_space<vmem>>
          %get3A_1780 = tpu.memref_squeeze %get3A_1779 : memref<1x1x1024xf32, #tpu.memory_space<vmem>> -> memref<1024xf32, #tpu.memory_space<vmem>>
          %get3A_1781 = arith.constant 192 : index
          %get3A_1782 = tpu.vector_load %get3A_1780[%get3A_1781] {strides = array<i32>} : memref<1024xf32, #tpu.memory_space<vmem>>, vector<16xf32>,
          %get3A_1783 = vector.shape_cast %get3A_1782 : vector<16xf32> to vector<16xf32>
          %get3A_1784 = arith.constant 192 : index
          %get3A_1785 = tpu.vector_load %arg9[%get3A_1784] {strides = array<i32>} : memref<1024xf32, #tpu.memory_space<vmem>>, vector<16xf32>,
          %get3A_1786 = vector.shape_cast %get3A_1785 : vector<16xf32> to vector<16xf32>
          %mul3A_1787 = arith.mulf %get3A_1783, %get3A_1786 : vector<16xf32>
          %swap3A_1788 = arith.constant 0 : i32
          %swap3A_1789 = tpu.memref_slice %arg6[%rem3A_1524, %scan3A_1573, %swap3A_1788] : memref<2x40x1024xf32, #tpu.memory_space<vmem>> -> memref<1x1x1024xf32, #tpu.memory_space<vmem>>
          %swap3A_1790 = tpu.memref_squeeze %swap3A_1789 : memref<1x1x1024xf32, #tpu.memory_space<vmem>> -> memref<1024xf32, #tpu.memory_space<vmem>>
          %swap3A_1791 = arith.constant 192 : index
          %swap3A_1792 = tpu.vector_load %swap3A_1790[%swap3A_1791] {strides = array<i32>} : memref<1024xf32, #tpu.memory_space<vmem>>, vector<16xf32>,
          %swap3A_1793 = vector.shape_cast %swap3A_1792 : vector<16xf32> to vector<16xf32>
          %swap3A_1794 = vector.shape_cast %mul3A_1787 : vector<16xf32> to vector<16xf32>
          tpu.vector_store %swap3A_1790[%swap3A_1791], %swap3A_1794 {strides = array<i32>} : memref<1024xf32, #tpu.memory_space<vmem>>, vector<16xf32>,
          %get3A_1795 = arith.constant 0 : i32
          %get3A_1796 = tpu.memref_slice %arg6[%rem3A_1524, %scan3A_1573, %get3A_1795] : memref<2x40x1024xf32, #tpu.memory_space<vmem>> -> memref<1x1x1024xf32, #tpu.memory_space<vmem>>
          %get3A_1797 = tpu.memref_squeeze %get3A_1796 : memref<1x1x1024xf32, #tpu.memory_space<vmem>> -> memref<1024xf32, #tpu.memory_space<vmem>>
          %get3A_1798 = arith.constant 208 : index
          %get3A_1799 = tpu.vector_load %get3A_1797[%get3A_1798] {strides = array<i32>} : memref<1024xf32, #tpu.memory_space<vmem>>, vector<16xf32>,
          %get3A_1800 = vector.shape_cast %get3A_1799 : vector<16xf32> to vector<16xf32>
          %get3A_1801 = arith.constant 208 : index
          %get3A_1802 = tpu.vector_load %arg9[%get3A_1801] {strides = array<i32>} : memref<1024xf32, #tpu.memory_space<vmem>>, vector<16xf32>,
          %get3A_1803 = vector.shape_cast %get3A_1802 : vector<16xf32> to vector<16xf32>
          %mul3A_1804 = arith.mulf %get3A_1800, %get3A_1803 : vector<16xf32>
          %swap3A_1805 = arith.constant 0 : i32
          %swap3A_1806 = tpu.memref_slice %arg6[%rem3A_1524, %scan3A_1573, %swap3A_1805] : memref<2x40x1024xf32, #tpu.memory_space<vmem>> -> memref<1x1x1024xf32, #tpu.memory_space<vmem>>
          %swap3A_1807 = tpu.memref_squeeze %swap3A_1806 : memref<1x1x1024xf32, #tpu.memory_space<vmem>> -> memref<1024xf32, #tpu.memory_space<vmem>>
          %swap3A_1808 = arith.constant 208 : index
          %swap3A_1809 = tpu.vector_load %swap3A_1807[%swap3A_1808] {strides = array<i32>} : memref<1024xf32, #tpu.memory_space<vmem>>, vector<16xf32>,
          %swap3A_1810 = vector.shape_cast %swap3A_1809 : vector<16xf32> to vector<16xf32>
          %swap3A_1811 = vector.shape_cast %mul3A_1804 : vector<16xf32> to vector<16xf32>
          tpu.vector_store %swap3A_1807[%swap3A_1808], %swap3A_1811 {strides = array<i32>} : memref<1024xf32, #tpu.memory_space<vmem>>, vector<16xf32>,
          %get3A_1812 = arith.constant 0 : i32
          %get3A_1813 = tpu.memref_slice %arg6[%rem3A_1524, %scan3A_1573, %get3A_1812] : memref<2x40x1024xf32, #tpu.memory_space<vmem>> -> memref<1x1x1024xf32, #tpu.memory_space<vmem>>
          %get3A_1814 = tpu.memref_squeeze %get3A_1813 : memref<1x1x1024xf32, #tpu.memory_space<vmem>> -> memref<1024xf32, #tpu.memory_space<vmem>>
          %get3A_1815 = arith.constant 224 : index
          %get3A_1816 = tpu.vector_load %get3A_1814[%get3A_1815] {strides = array<i32>} : memref<1024xf32, #tpu.memory_space<vmem>>, vector<16xf32>,
          %get3A_1817 = vector.shape_cast %get3A_1816 : vector<16xf32> to vector<16xf32>
          %get3A_1818 = arith.constant 224 : index
          %get3A_1819 = tpu.vector_load %arg9[%get3A_1818] {strides = array<i32>} : memref<1024xf32, #tpu.memory_space<vmem>>, vector<16xf32>,
          %get3A_1820 = vector.shape_cast %get3A_1819 : vector<16xf32> to vector<16xf32>
          %mul3A_1821 = arith.mulf %get3A_1817, %get3A_1820 : vector<16xf32>
          %swap3A_1822 = arith.constant 0 : i32
          %swap3A_1823 = tpu.memref_slice %arg6[%rem3A_1524, %scan3A_1573, %swap3A_1822] : memref<2x40x1024xf32, #tpu.memory_space<vmem>> -> memref<1x1x1024xf32, #tpu.memory_space<vmem>>
          %swap3A_1824 = tpu.memref_squeeze %swap3A_1823 : memref<1x1x1024xf32, #tpu.memory_space<vmem>> -> memref<1024xf32, #tpu.memory_space<vmem>>
          %swap3A_1825 = arith.constant 224 : index
          %swap3A_1826 = tpu.vector_load %swap3A_1824[%swap3A_1825] {strides = array<i32>} : memref<1024xf32, #tpu.memory_space<vmem>>, vector<16xf32>,
          %swap3A_1827 = vector.shape_cast %swap3A_1826 : vector<16xf32> to vector<16xf32>
          %swap3A_1828 = vector.shape_cast %mul3A_1821 : vector<16xf32> to vector<16xf32>
          tpu.vector_store %swap3A_1824[%swap3A_1825], %swap3A_1828 {strides = array<i32>} : memref<1024xf32, #tpu.memory_space<vmem>>, vector<16xf32>,
          %get3A_1829 = arith.constant 0 : i32
          %get3A_1830 = tpu.memref_slice %arg6[%rem3A_1524, %scan3A_1573, %get3A_1829] : memref<2x40x1024xf32, #tpu.memory_space<vmem>> -> memref<1x1x1024xf32, #tpu.memory_space<vmem>>
          %get3A_1831 = tpu.memref_squeeze %get3A_1830 : memref<1x1x1024xf32, #tpu.memory_space<vmem>> -> memref<1024xf32, #tpu.memory_space<vmem>>
          %get3A_1832 = arith.constant 240 : index
          %get3A_1833 = tpu.vector_load %get3A_1831[%get3A_1832] {strides = array<i32>} : memref<1024xf32, #tpu.memory_space<vmem>>, vector<16xf32>,
          %get3A_1834 = vector.shape_cast %get3A_1833 : vector<16xf32> to vector<16xf32>
          %get3A_1835 = arith.constant 240 : index
          %get3A_1836 = tpu.vector_load %arg9[%get3A_1835] {strides = array<i32>} : memref<1024xf32, #tpu.memory_space<vmem>>, vector<16xf32>,
          %get3A_1837 = vector.shape_cast %get3A_1836 : vector<16xf32> to vector<16xf32>
          %mul3A_1838 = arith.mulf %get3A_1834, %get3A_1837 : vector<16xf32>
          %swap3A_1839 = arith.constant 0 : i32
          %swap3A_1840 = tpu.memref_slice %arg6[%rem3A_1524, %scan3A_1573, %swap3A_1839] : memref<2x40x1024xf32, #tpu.memory_space<vmem>> -> memref<1x1x1024xf32, #tpu.memory_space<vmem>>
          %swap3A_1841 = tpu.memref_squeeze %swap3A_1840 : memref<1x1x1024xf32, #tpu.memory_space<vmem>> -> memref<1024xf32, #tpu.memory_space<vmem>>
          %swap3A_1842 = arith.constant 240 : index
          %swap3A_1843 = tpu.vector_load %swap3A_1841[%swap3A_1842] {strides = array<i32>} : memref<1024xf32, #tpu.memory_space<vmem>>, vector<16xf32>,
          %swap3A_1844 = vector.shape_cast %swap3A_1843 : vector<16xf32> to vector<16xf32>
          %swap3A_1845 = vector.shape_cast %mul3A_1838 : vector<16xf32> to vector<16xf32>
          tpu.vector_store %swap3A_1841[%swap3A_1842], %swap3A_1845 {strides = array<i32>} : memref<1024xf32, #tpu.memory_space<vmem>>, vector<16xf32>,
          %get3A_1846 = arith.constant 0 : i32
          %get3A_1847 = tpu.memref_slice %arg6[%rem3A_1524, %scan3A_1573, %get3A_1846] : memref<2x40x1024xf32, #tpu.memory_space<vmem>> -> memref<1x1x1024xf32, #tpu.memory_space<vmem>>
          %get3A_1848 = tpu.memref_squeeze %get3A_1847 : memref<1x1x1024xf32, #tpu.memory_space<vmem>> -> memref<1024xf32, #tpu.memory_space<vmem>>
          %get3A_1849 = arith.constant 256 : index
          %get3A_1850 = tpu.vector_load %get3A_1848[%get3A_1849] {strides = array<i32>} : memref<1024xf32, #tpu.memory_space<vmem>>, vector<16xf32>,
          %get3A_1851 = vector.shape_cast %get3A_1850 : vector<16xf32> to vector<16xf32>
          %get3A_1852 = arith.constant 256 : index
          %get3A_1853 = tpu.vector_load %arg9[%get3A_1852] {strides = array<i32>} : memref<1024xf32, #tpu.memory_space<vmem>>, vector<16xf32>,
          %get3A_1854 = vector.shape_cast %get3A_1853 : vector<16xf32> to vector<16xf32>
          %mul3A_1855 = arith.mulf %get3A_1851, %get3A_1854 : vector<16xf32>
          %swap3A_1856 = arith.constant 0 : i32
          %swap3A_1857 = tpu.memref_slice %arg6[%rem3A_1524, %scan3A_1573, %swap3A_1856] : memref<2x40x1024xf32, #tpu.memory_space<vmem>> -> memref<1x1x1024xf32, #tpu.memory_space<vmem>>
          %swap3A_1858 = tpu.memref_squeeze %swap3A_1857 : memref<1x1x1024xf32, #tpu.memory_space<vmem>> -> memref<1024xf32, #tpu.memory_space<vmem>>
          %swap3A_1859 = arith.constant 256 : index
          %swap3A_1860 = tpu.vector_load %swap3A_1858[%swap3A_1859] {strides = array<i32>} : memref<1024xf32, #tpu.memory_space<vmem>>, vector<16xf32>,
          %swap3A_1861 = vector.shape_cast %swap3A_1860 : vector<16xf32> to vector<16xf32>
          %swap3A_1862 = vector.shape_cast %mul3A_1855 : vector<16xf32> to vector<16xf32>
          tpu.vector_store %swap3A_1858[%swap3A_1859], %swap3A_1862 {strides = array<i32>} : memref<1024xf32, #tpu.memory_space<vmem>>, vector<16xf32>,
          %get3A_1863 = arith.constant 0 : i32
          %get3A_1864 = tpu.memref_slice %arg6[%rem3A_1524, %scan3A_1573, %get3A_1863] : memref<2x40x1024xf32, #tpu.memory_space<vmem>> -> memref<1x1x1024xf32, #tpu.memory_space<vmem>>
          %get3A_1865 = tpu.memref_squeeze %get3A_1864 : memref<1x1x1024xf32, #tpu.memory_space<vmem>> -> memref<1024xf32, #tpu.memory_space<vmem>>
          %get3A_1866 = arith.constant 272 : index
          %get3A_1867 = tpu.vector_load %get3A_1865[%get3A_1866] {strides = array<i32>} : memref<1024xf32, #tpu.memory_space<vmem>>, vector<16xf32>,
          %get3A_1868 = vector.shape_cast %get3A_1867 : vector<16xf32> to vector<16xf32>
          %get3A_1869 = arith.constant 272 : index
          %get3A_1870 = tpu.vector_load %arg9[%get3A_1869] {strides = array<i32>} : memref<1024xf32, #tpu.memory_space<vmem>>, vector<16xf32>,
          %get3A_1871 = vector.shape_cast %get3A_1870 : vector<16xf32> to vector<16xf32>
          %mul3A_1872 = arith.mulf %get3A_1868, %get3A_1871 : vector<16xf32>
          %swap3A_1873 = arith.constant 0 : i32
          %swap3A_1874 = tpu.memref_slice %arg6[%rem3A_1524, %scan3A_1573, %swap3A_1873] : memref<2x40x1024xf32, #tpu.memory_space<vmem>> -> memref<1x1x1024xf32, #tpu.memory_space<vmem>>
          %swap3A_1875 = tpu.memref_squeeze %swap3A_1874 : memref<1x1x1024xf32, #tpu.memory_space<vmem>> -> memref<1024xf32, #tpu.memory_space<vmem>>
          %swap3A_1876 = arith.constant 272 : index
          %swap3A_1877 = tpu.vector_load %swap3A_1875[%swap3A_1876] {strides = array<i32>} : memref<1024xf32, #tpu.memory_space<vmem>>, vector<16xf32>,
          %swap3A_1878 = vector.shape_cast %swap3A_1877 : vector<16xf32> to vector<16xf32>
          %swap3A_1879 = vector.shape_cast %mul3A_1872 : vector<16xf32> to vector<16xf32>
          tpu.vector_store %swap3A_1875[%swap3A_1876], %swap3A_1879 {strides = array<i32>} : memref<1024xf32, #tpu.memory_space<vmem>>, vector<16xf32>,
          %get3A_1880 = arith.constant 0 : i32
          %get3A_1881 = tpu.memref_slice %arg6[%rem3A_1524, %scan3A_1573, %get3A_1880] : memref<2x40x1024xf32, #tpu.memory_space<vmem>> -> memref<1x1x1024xf32, #tpu.memory_space<vmem>>
          %get3A_1882 = tpu.memref_squeeze %get3A_1881 : memref<1x1x1024xf32, #tpu.memory_space<vmem>> -> memref<1024xf32, #tpu.memory_space<vmem>>
          %get3A_1883 = arith.constant 288 : index
          %get3A_1884 = tpu.vector_load %get3A_1882[%get3A_1883] {strides = array<i32>} : memref<1024xf32, #tpu.memory_space<vmem>>, vector<16xf32>,
          %get3A_1885 = vector.shape_cast %get3A_1884 : vector<16xf32> to vector<16xf32>
          %get3A_1886 = arith.constant 288 : index
          %get3A_1887 = tpu.vector_load %arg9[%get3A_1886] {strides = array<i32>} : memref<1024xf32, #tpu.memory_space<vmem>>, vector<16xf32>,
          %get3A_1888 = vector.shape_cast %get3A_1887 : vector<16xf32> to vector<16xf32>
          %mul3A_1889 = arith.mulf %get3A_1885, %get3A_1888 : vector<16xf32>
          %swap3A_1890 = arith.constant 0 : i32
          %swap3A_1891 = tpu.memref_slice %arg6[%rem3A_1524, %scan3A_1573, %swap3A_1890] : memref<2x40x1024xf32, #tpu.memory_space<vmem>> -> memref<1x1x1024xf32, #tpu.memory_space<vmem>>
          %swap3A_1892 = tpu.memref_squeeze %swap3A_1891 : memref<1x1x1024xf32, #tpu.memory_space<vmem>> -> memref<1024xf32, #tpu.memory_space<vmem>>
          %swap3A_1893 = arith.constant 288 : index
          %swap3A_1894 = tpu.vector_load %swap3A_1892[%swap3A_1893] {strides = array<i32>} : memref<1024xf32, #tpu.memory_space<vmem>>, vector<16xf32>,
          %swap3A_1895 = vector.shape_cast %swap3A_1894 : vector<16xf32> to vector<16xf32>
          %swap3A_1896 = vector.shape_cast %mul3A_1889 : vector<16xf32> to vector<16xf32>
          tpu.vector_store %swap3A_1892[%swap3A_1893], %swap3A_1896 {strides = array<i32>} : memref<1024xf32, #tpu.memory_space<vmem>>, vector<16xf32>,
          %get3A_1897 = arith.constant 0 : i32
          %get3A_1898 = tpu.memref_slice %arg6[%rem3A_1524, %scan3A_1573, %get3A_1897] : memref<2x40x1024xf32, #tpu.memory_space<vmem>> -> memref<1x1x1024xf32, #tpu.memory_space<vmem>>
          %get3A_1899 = tpu.memref_squeeze %get3A_1898 : memref<1x1x1024xf32, #tpu.memory_space<vmem>> -> memref<1024xf32, #tpu.memory_space<vmem>>
          %get3A_1900 = arith.constant 304 : index
          %get3A_1901 = tpu.vector_load %get3A_1899[%get3A_1900] {strides = array<i32>} : memref<1024xf32, #tpu.memory_space<vmem>>, vector<16xf32>,
          %get3A_1902 = vector.shape_cast %get3A_1901 : vector<16xf32> to vector<16xf32>
          %get3A_1903 = arith.constant 304 : index
          %get3A_1904 = tpu.vector_load %arg9[%get3A_1903] {strides = array<i32>} : memref<1024xf32, #tpu.memory_space<vmem>>, vector<16xf32>,
          %get3A_1905 = vector.shape_cast %get3A_1904 : vector<16xf32> to vector<16xf32>
          %mul3A_1906 = arith.mulf %get3A_1902, %get3A_1905 : vector<16xf32>
          %swap3A_1907 = arith.constant 0 : i32
          %swap3A_1908 = tpu.memref_slice %arg6[%rem3A_1524, %scan3A_1573, %swap3A_1907] : memref<2x40x1024xf32, #tpu.memory_space<vmem>> -> memref<1x1x1024xf32, #tpu.memory_space<vmem>>
          %swap3A_1909 = tpu.memref_squeeze %swap3A_1908 : memref<1x1x1024xf32, #tpu.memory_space<vmem>> -> memref<1024xf32, #tpu.memory_space<vmem>>
          %swap3A_1910 = arith.constant 304 : index
          %swap3A_1911 = tpu.vector_load %swap3A_1909[%swap3A_1910] {strides = array<i32>} : memref<1024xf32, #tpu.memory_space<vmem>>, vector<16xf32>,
          %swap3A_1912 = vector.shape_cast %swap3A_1911 : vector<16xf32> to vector<16xf32>
          %swap3A_1913 = vector.shape_cast %mul3A_1906 : vector<16xf32> to vector<16xf32>
          tpu.vector_store %swap3A_1909[%swap3A_1910], %swap3A_1913 {strides = array<i32>} : memref<1024xf32, #tpu.memory_space<vmem>>, vector<16xf32>,
          %get3A_1914 = arith.constant 0 : i32
          %get3A_1915 = tpu.memref_slice %arg6[%rem3A_1524, %scan3A_1573, %get3A_1914] : memref<2x40x1024xf32, #tpu.memory_space<vmem>> -> memref<1x1x1024xf32, #tpu.memory_space<vmem>>
          %get3A_1916 = tpu.memref_squeeze %get3A_1915 : memref<1x1x1024xf32, #tpu.memory_space<vmem>> -> memref<1024xf32, #tpu.memory_space<vmem>>
          %get3A_1917 = arith.constant 320 : index
          %get3A_1918 = tpu.vector_load %get3A_1916[%get3A_1917] {strides = array<i32>} : memref<1024xf32, #tpu.memory_space<vmem>>, vector<16xf32>,
          %get3A_1919 = vector.shape_cast %get3A_1918 : vector<16xf32> to vector<16xf32>
          %get3A_1920 = arith.constant 320 : index
          %get3A_1921 = tpu.vector_load %arg9[%get3A_1920] {strides = array<i32>} : memref<1024xf32, #tpu.memory_space<vmem>>, vector<16xf32>,
          %get3A_1922 = vector.shape_cast %get3A_1921 : vector<16xf32> to vector<16xf32>
          %mul3A_1923 = arith.mulf %get3A_1919, %get3A_1922 : vector<16xf32>
          %swap3A_1924 = arith.constant 0 : i32
          %swap3A_1925 = tpu.memref_slice %arg6[%rem3A_1524, %scan3A_1573, %swap3A_1924] : memref<2x40x1024xf32, #tpu.memory_space<vmem>> -> memref<1x1x1024xf32, #tpu.memory_space<vmem>>
          %swap3A_1926 = tpu.memref_squeeze %swap3A_1925 : memref<1x1x1024xf32, #tpu.memory_space<vmem>> -> memref<1024xf32, #tpu.memory_space<vmem>>
          %swap3A_1927 = arith.constant 320 : index
          %swap3A_1928 = tpu.vector_load %swap3A_1926[%swap3A_1927] {strides = array<i32>} : memref<1024xf32, #tpu.memory_space<vmem>>, vector<16xf32>,
          %swap3A_1929 = vector.shape_cast %swap3A_1928 : vector<16xf32> to vector<16xf32>
          %swap3A_1930 = vector.shape_cast %mul3A_1923 : vector<16xf32> to vector<16xf32>
          tpu.vector_store %swap3A_1926[%swap3A_1927], %swap3A_1930 {strides = array<i32>} : memref<1024xf32, #tpu.memory_space<vmem>>, vector<16xf32>,
          %get3A_1931 = arith.constant 0 : i32
          %get3A_1932 = tpu.memref_slice %arg6[%rem3A_1524, %scan3A_1573, %get3A_1931] : memref<2x40x1024xf32, #tpu.memory_space<vmem>> -> memref<1x1x1024xf32, #tpu.memory_space<vmem>>
          %get3A_1933 = tpu.memref_squeeze %get3A_1932 : memref<1x1x1024xf32, #tpu.memory_space<vmem>> -> memref<1024xf32, #tpu.memory_space<vmem>>
          %get3A_1934 = arith.constant 336 : index
          %get3A_1935 = tpu.vector_load %get3A_1933[%get3A_1934] {strides = array<i32>} : memref<1024xf32, #tpu.memory_space<vmem>>, vector<16xf32>,
          %get3A_1936 = vector.shape_cast %get3A_1935 : vector<16xf32> to vector<16xf32>
          %get3A_1937 = arith.constant 336 : index
          %get3A_1938 = tpu.vector_load %arg9[%get3A_1937] {strides = array<i32>} : memref<1024xf32, #tpu.memory_space<vmem>>, vector<16xf32>,
          %get3A_1939 = vector.shape_cast %get3A_1938 : vector<16xf32> to vector<16xf32>
          %mul3A_1940 = arith.mulf %get3A_1936, %get3A_1939 : vector<16xf32>
          %swap3A_1941 = arith.constant 0 : i32
          %swap3A_1942 = tpu.memref_slice %arg6[%rem3A_1524, %scan3A_1573, %swap3A_1941] : memref<2x40x1024xf32, #tpu.memory_space<vmem>> -> memref<1x1x1024xf32, #tpu.memory_space<vmem>>
          %swap3A_1943 = tpu.memref_squeeze %swap3A_1942 : memref<1x1x1024xf32, #tpu.memory_space<vmem>> -> memref<1024xf32, #tpu.memory_space<vmem>>
          %swap3A_1944 = arith.constant 336 : index
          %swap3A_1945 = tpu.vector_load %swap3A_1943[%swap3A_1944] {strides = array<i32>} : memref<1024xf32, #tpu.memory_space<vmem>>, vector<16xf32>,
          %swap3A_1946 = vector.shape_cast %swap3A_1945 : vector<16xf32> to vector<16xf32>
          %swap3A_1947 = vector.shape_cast %mul3A_1940 : vector<16xf32> to vector<16xf32>
          tpu.vector_store %swap3A_1943[%swap3A_1944], %swap3A_1947 {strides = array<i32>} : memref<1024xf32, #tpu.memory_space<vmem>>, vector<16xf32>,
          %get3A_1948 = arith.constant 0 : i32
          %get3A_1949 = tpu.memref_slice %arg6[%rem3A_1524, %scan3A_1573, %get3A_1948] : memref<2x40x1024xf32, #tpu.memory_space<vmem>> -> memref<1x1x1024xf32, #tpu.memory_space<vmem>>
          %get3A_1950 = tpu.memref_squeeze %get3A_1949 : memref<1x1x1024xf32, #tpu.memory_space<vmem>> -> memref<1024xf32, #tpu.memory_space<vmem>>
          %get3A_1951 = arith.constant 352 : index
          %get3A_1952 = tpu.vector_load %get3A_1950[%get3A_1951] {strides = array<i32>} : memref<1024xf32, #tpu.memory_space<vmem>>, vector<16xf32>,
          %get3A_1953 = vector.shape_cast %get3A_1952 : vector<16xf32> to vector<16xf32>
          %get3A_1954 = arith.constant 352 : index
          %get3A_1955 = tpu.vector_load %arg9[%get3A_1954] {strides = array<i32>} : memref<1024xf32, #tpu.memory_space<vmem>>, vector<16xf32>,
          %get3A_1956 = vector.shape_cast %get3A_1955 : vector<16xf32> to vector<16xf32>
          %mul3A_1957 = arith.mulf %get3A_1953, %get3A_1956 : vector<16xf32>
          %swap3A_1958 = arith.constant 0 : i32
          %swap3A_1959 = tpu.memref_slice %arg6[%rem3A_1524, %scan3A_1573, %swap3A_1958] : memref<2x40x1024xf32, #tpu.memory_space<vmem>> -> memref<1x1x1024xf32, #tpu.memory_space<vmem>>
          %swap3A_1960 = tpu.memref_squeeze %swap3A_1959 : memref<1x1x1024xf32, #tpu.memory_space<vmem>> -> memref<1024xf32, #tpu.memory_space<vmem>>
          %swap3A_1961 = arith.constant 352 : index
          %swap3A_1962 = tpu.vector_load %swap3A_1960[%swap3A_1961] {strides = array<i32>} : memref<1024xf32, #tpu.memory_space<vmem>>, vector<16xf32>,
          %swap3A_1963 = vector.shape_cast %swap3A_1962 : vector<16xf32> to vector<16xf32>
          %swap3A_1964 = vector.shape_cast %mul3A_1957 : vector<16xf32> to vector<16xf32>
          tpu.vector_store %swap3A_1960[%swap3A_1961], %swap3A_1964 {strides = array<i32>} : memref<1024xf32, #tpu.memory_space<vmem>>, vector<16xf32>,
          %get3A_1965 = arith.constant 0 : i32
          %get3A_1966 = tpu.memref_slice %arg6[%rem3A_1524, %scan3A_1573, %get3A_1965] : memref<2x40x1024xf32, #tpu.memory_space<vmem>> -> memref<1x1x1024xf32, #tpu.memory_space<vmem>>
          %get3A_1967 = tpu.memref_squeeze %get3A_1966 : memref<1x1x1024xf32, #tpu.memory_space<vmem>> -> memref<1024xf32, #tpu.memory_space<vmem>>
          %get3A_1968 = arith.constant 368 : index
          %get3A_1969 = tpu.vector_load %get3A_1967[%get3A_1968] {strides = array<i32>} : memref<1024xf32, #tpu.memory_space<vmem>>, vector<16xf32>,
          %get3A_1970 = vector.shape_cast %get3A_1969 : vector<16xf32> to vector<16xf32>
          %get3A_1971 = arith.constant 368 : index
          %get3A_1972 = tpu.vector_load %arg9[%get3A_1971] {strides = array<i32>} : memref<1024xf32, #tpu.memory_space<vmem>>, vector<16xf32>,
          %get3A_1973 = vector.shape_cast %get3A_1972 : vector<16xf32> to vector<16xf32>
          %mul3A_1974 = arith.mulf %get3A_1970, %get3A_1973 : vector<16xf32>
          %swap3A_1975 = arith.constant 0 : i32
          %swap3A_1976 = tpu.memref_slice %arg6[%rem3A_1524, %scan3A_1573, %swap3A_1975] : memref<2x40x1024xf32, #tpu.memory_space<vmem>> -> memref<1x1x1024xf32, #tpu.memory_space<vmem>>
          %swap3A_1977 = tpu.memref_squeeze %swap3A_1976 : memref<1x1x1024xf32, #tpu.memory_space<vmem>> -> memref<1024xf32, #tpu.memory_space<vmem>>
          %swap3A_1978 = arith.constant 368 : index
          %swap3A_1979 = tpu.vector_load %swap3A_1977[%swap3A_1978] {strides = array<i32>} : memref<1024xf32, #tpu.memory_space<vmem>>, vector<16xf32>,
          %swap3A_1980 = vector.shape_cast %swap3A_1979 : vector<16xf32> to vector<16xf32>
          %swap3A_1981 = vector.shape_cast %mul3A_1974 : vector<16xf32> to vector<16xf32>
          tpu.vector_store %swap3A_1977[%swap3A_1978], %swap3A_1981 {strides = array<i32>} : memref<1024xf32, #tpu.memory_space<vmem>>, vector<16xf32>,
          %get3A_1982 = arith.constant 0 : i32
          %get3A_1983 = tpu.memref_slice %arg6[%rem3A_1524, %scan3A_1573, %get3A_1982] : memref<2x40x1024xf32, #tpu.memory_space<vmem>> -> memref<1x1x1024xf32, #tpu.memory_space<vmem>>
          %get3A_1984 = tpu.memref_squeeze %get3A_1983 : memref<1x1x1024xf32, #tpu.memory_space<vmem>> -> memref<1024xf32, #tpu.memory_space<vmem>>
          %get3A_1985 = arith.constant 384 : index
          %get3A_1986 = tpu.vector_load %get3A_1984[%get3A_1985] {strides = array<i32>} : memref<1024xf32, #tpu.memory_space<vmem>>, vector<16xf32>,
          %get3A_1987 = vector.shape_cast %get3A_1986 : vector<16xf32> to vector<16xf32>
          %get3A_1988 = arith.constant 384 : index
          %get3A_1989 = tpu.vector_load %arg9[%get3A_1988] {strides = array<i32>} : memref<1024xf32, #tpu.memory_space<vmem>>, vector<16xf32>,
          %get3A_1990 = vector.shape_cast %get3A_1989 : vector<16xf32> to vector<16xf32>
          %mul3A_1991 = arith.mulf %get3A_1987, %get3A_1990 : vector<16xf32>
          %swap3A_1992 = arith.constant 0 : i32
          %swap3A_1993 = tpu.memref_slice %arg6[%rem3A_1524, %scan3A_1573, %swap3A_1992] : memref<2x40x1024xf32, #tpu.memory_space<vmem>> -> memref<1x1x1024xf32, #tpu.memory_space<vmem>>
          %swap3A_1994 = tpu.memref_squeeze %swap3A_1993 : memref<1x1x1024xf32, #tpu.memory_space<vmem>> -> memref<1024xf32, #tpu.memory_space<vmem>>
          %swap3A_1995 = arith.constant 384 : index
          %swap3A_1996 = tpu.vector_load %swap3A_1994[%swap3A_1995] {strides = array<i32>} : memref<1024xf32, #tpu.memory_space<vmem>>, vector<16xf32>,
          %swap3A_1997 = vector.shape_cast %swap3A_1996 : vector<16xf32> to vector<16xf32>
          %swap3A_1998 = vector.shape_cast %mul3A_1991 : vector<16xf32> to vector<16xf32>
          tpu.vector_store %swap3A_1994[%swap3A_1995], %swap3A_1998 {strides = array<i32>} : memref<1024xf32, #tpu.memory_space<vmem>>, vector<16xf32>,
          %get3A_1999 = arith.constant 0 : i32
          %get3A_2000 = tpu.memref_slice %arg6[%rem3A_1524, %scan3A_1573, %get3A_1999] : memref<2x40x1024xf32, #tpu.memory_space<vmem>> -> memref<1x1x1024xf32, #tpu.memory_space<vmem>>
          %get3A_2001 = tpu.memref_squeeze %get3A_2000 : memref<1x1x1024xf32, #tpu.memory_space<vmem>> -> memref<1024xf32, #tpu.memory_space<vmem>>
          %get3A_2002 = arith.constant 400 : index
          %get3A_2003 = tpu.vector_load %get3A_2001[%get3A_2002] {strides = array<i32>} : memref<1024xf32, #tpu.memory_space<vmem>>, vector<16xf32>,
          %get3A_2004 = vector.shape_cast %get3A_2003 : vector<16xf32> to vector<16xf32>
          %get3A_2005 = arith.constant 400 : index
          %get3A_2006 = tpu.vector_load %arg9[%get3A_2005] {strides = array<i32>} : memref<1024xf32, #tpu.memory_space<vmem>>, vector<16xf32>,
          %get3A_2007 = vector.shape_cast %get3A_2006 : vector<16xf32> to vector<16xf32>
          %mul3A_2008 = arith.mulf %get3A_2004, %get3A_2007 : vector<16xf32>
          %swap3A_2009 = arith.constant 0 : i32
          %swap3A_2010 = tpu.memref_slice %arg6[%rem3A_1524, %scan3A_1573, %swap3A_2009] : memref<2x40x1024xf32, #tpu.memory_space<vmem>> -> memref<1x1x1024xf32, #tpu.memory_space<vmem>>
          %swap3A_2011 = tpu.memref_squeeze %swap3A_2010 : memref<1x1x1024xf32, #tpu.memory_space<vmem>> -> memref<1024xf32, #tpu.memory_space<vmem>>
          %swap3A_2012 = arith.constant 400 : index
          %swap3A_2013 = tpu.vector_load %swap3A_2011[%swap3A_2012] {strides = array<i32>} : memref<1024xf32, #tpu.memory_space<vmem>>, vector<16xf32>,
          %swap3A_2014 = vector.shape_cast %swap3A_2013 : vector<16xf32> to vector<16xf32>
          %swap3A_2015 = vector.shape_cast %mul3A_2008 : vector<16xf32> to vector<16xf32>
          tpu.vector_store %swap3A_2011[%swap3A_2012], %swap3A_2015 {strides = array<i32>} : memref<1024xf32, #tpu.memory_space<vmem>>, vector<16xf32>,
          %get3A_2016 = arith.constant 0 : i32
          %get3A_2017 = tpu.memref_slice %arg6[%rem3A_1524, %scan3A_1573, %get3A_2016] : memref<2x40x1024xf32, #tpu.memory_space<vmem>> -> memref<1x1x1024xf32, #tpu.memory_space<vmem>>
          %get3A_2018 = tpu.memref_squeeze %get3A_2017 : memref<1x1x1024xf32, #tpu.memory_space<vmem>> -> memref<1024xf32, #tpu.memory_space<vmem>>
          %get3A_2019 = arith.constant 416 : index
          %get3A_2020 = tpu.vector_load %get3A_2018[%get3A_2019] {strides = array<i32>} : memref<1024xf32, #tpu.memory_space<vmem>>, vector<16xf32>,
          %get3A_2021 = vector.shape_cast %get3A_2020 : vector<16xf32> to vector<16xf32>
          %get3A_2022 = arith.constant 416 : index
          %get3A_2023 = tpu.vector_load %arg9[%get3A_2022] {strides = array<i32>} : memref<1024xf32, #tpu.memory_space<vmem>>, vector<16xf32>,
          %get3A_2024 = vector.shape_cast %get3A_2023 : vector<16xf32> to vector<16xf32>
          %mul3A_2025 = arith.mulf %get3A_2021, %get3A_2024 : vector<16xf32>
          %swap3A_2026 = arith.constant 0 : i32
          %swap3A_2027 = tpu.memref_slice %arg6[%rem3A_1524, %scan3A_1573, %swap3A_2026] : memref<2x40x1024xf32, #tpu.memory_space<vmem>> -> memref<1x1x1024xf32, #tpu.memory_space<vmem>>
          %swap3A_2028 = tpu.memref_squeeze %swap3A_2027 : memref<1x1x1024xf32, #tpu.memory_space<vmem>> -> memref<1024xf32, #tpu.memory_space<vmem>>
          %swap3A_2029 = arith.constant 416 : index
          %swap3A_2030 = tpu.vector_load %swap3A_2028[%swap3A_2029] {strides = array<i32>} : memref<1024xf32, #tpu.memory_space<vmem>>, vector<16xf32>,
          %swap3A_2031 = vector.shape_cast %swap3A_2030 : vector<16xf32> to vector<16xf32>
          %swap3A_2032 = vector.shape_cast %mul3A_2025 : vector<16xf32> to vector<16xf32>
          tpu.vector_store %swap3A_2028[%swap3A_2029], %swap3A_2032 {strides = array<i32>} : memref<1024xf32, #tpu.memory_space<vmem>>, vector<16xf32>,
          %get3A_2033 = arith.constant 0 : i32
          %get3A_2034 = tpu.memref_slice %arg6[%rem3A_1524, %scan3A_1573, %get3A_2033] : memref<2x40x1024xf32, #tpu.memory_space<vmem>> -> memref<1x1x1024xf32, #tpu.memory_space<vmem>>
          %get3A_2035 = tpu.memref_squeeze %get3A_2034 : memref<1x1x1024xf32, #tpu.memory_space<vmem>> -> memref<1024xf32, #tpu.memory_space<vmem>>
          %get3A_2036 = arith.constant 432 : index
          %get3A_2037 = tpu.vector_load %get3A_2035[%get3A_2036] {strides = array<i32>} : memref<1024xf32, #tpu.memory_space<vmem>>, vector<16xf32>,
          %get3A_2038 = vector.shape_cast %get3A_2037 : vector<16xf32> to vector<16xf32>
          %get3A_2039 = arith.constant 432 : index
          %get3A_2040 = tpu.vector_load %arg9[%get3A_2039] {strides = array<i32>} : memref<1024xf32, #tpu.memory_space<vmem>>, vector<16xf32>,
          %get3A_2041 = vector.shape_cast %get3A_2040 : vector<16xf32> to vector<16xf32>
          %mul3A_2042 = arith.mulf %get3A_2038, %get3A_2041 : vector<16xf32>
          %swap3A_2043 = arith.constant 0 : i32
          %swap3A_2044 = tpu.memref_slice %arg6[%rem3A_1524, %scan3A_1573, %swap3A_2043] : memref<2x40x1024xf32, #tpu.memory_space<vmem>> -> memref<1x1x1024xf32, #tpu.memory_space<vmem>>
          %swap3A_2045 = tpu.memref_squeeze %swap3A_2044 : memref<1x1x1024xf32, #tpu.memory_space<vmem>> -> memref<1024xf32, #tpu.memory_space<vmem>>
          %swap3A_2046 = arith.constant 432 : index
          %swap3A_2047 = tpu.vector_load %swap3A_2045[%swap3A_2046] {strides = array<i32>} : memref<1024xf32, #tpu.memory_space<vmem>>, vector<16xf32>,
          %swap3A_2048 = vector.shape_cast %swap3A_2047 : vector<16xf32> to vector<16xf32>
          %swap3A_2049 = vector.shape_cast %mul3A_2042 : vector<16xf32> to vector<16xf32>
          tpu.vector_store %swap3A_2045[%swap3A_2046], %swap3A_2049 {strides = array<i32>} : memref<1024xf32, #tpu.memory_space<vmem>>, vector<16xf32>,
          %get3A_2050 = arith.constant 0 : i32
          %get3A_2051 = tpu.memref_slice %arg6[%rem3A_1524, %scan3A_1573, %get3A_2050] : memref<2x40x1024xf32, #tpu.memory_space<vmem>> -> memref<1x1x1024xf32, #tpu.memory_space<vmem>>
          %get3A_2052 = tpu.memref_squeeze %get3A_2051 : memref<1x1x1024xf32, #tpu.memory_space<vmem>> -> memref<1024xf32, #tpu.memory_space<vmem>>
          %get3A_2053 = arith.constant 448 : index
          %get3A_2054 = tpu.vector_load %get3A_2052[%get3A_2053] {strides = array<i32>} : memref<1024xf32, #tpu.memory_space<vmem>>, vector<16xf32>,
          %get3A_2055 = vector.shape_cast %get3A_2054 : vector<16xf32> to vector<16xf32>
          %get3A_2056 = arith.constant 448 : index
          %get3A_2057 = tpu.vector_load %arg9[%get3A_2056] {strides = array<i32>} : memref<1024xf32, #tpu.memory_space<vmem>>, vector<16xf32>,
          %get3A_2058 = vector.shape_cast %get3A_2057 : vector<16xf32> to vector<16xf32>
          %mul3A_2059 = arith.mulf %get3A_2055, %get3A_2058 : vector<16xf32>
          %swap3A_2060 = arith.constant 0 : i32
          %swap3A_2061 = tpu.memref_slice %arg6[%rem3A_1524, %scan3A_1573, %swap3A_2060] : memref<2x40x1024xf32, #tpu.memory_space<vmem>> -> memref<1x1x1024xf32, #tpu.memory_space<vmem>>
          %swap3A_2062 = tpu.memref_squeeze %swap3A_2061 : memref<1x1x1024xf32, #tpu.memory_space<vmem>> -> memref<1024xf32, #tpu.memory_space<vmem>>
          %swap3A_2063 = arith.constant 448 : index
          %swap3A_2064 = tpu.vector_load %swap3A_2062[%swap3A_2063] {strides = array<i32>} : memref<1024xf32, #tpu.memory_space<vmem>>, vector<16xf32>,
          %swap3A_2065 = vector.shape_cast %swap3A_2064 : vector<16xf32> to vector<16xf32>
          %swap3A_2066 = vector.shape_cast %mul3A_2059 : vector<16xf32> to vector<16xf32>
          tpu.vector_store %swap3A_2062[%swap3A_2063], %swap3A_2066 {strides = array<i32>} : memref<1024xf32, #tpu.memory_space<vmem>>, vector<16xf32>,
          %get3A_2067 = arith.constant 0 : i32
          %get3A_2068 = tpu.memref_slice %arg6[%rem3A_1524, %scan3A_1573, %get3A_2067] : memref<2x40x1024xf32, #tpu.memory_space<vmem>> -> memref<1x1x1024xf32, #tpu.memory_space<vmem>>
          %get3A_2069 = tpu.memref_squeeze %get3A_2068 : memref<1x1x1024xf32, #tpu.memory_space<vmem>> -> memref<1024xf32, #tpu.memory_space<vmem>>
          %get3A_2070 = arith.constant 464 : index
          %get3A_2071 = tpu.vector_load %get3A_2069[%get3A_2070] {strides = array<i32>} : memref<1024xf32, #tpu.memory_space<vmem>>, vector<16xf32>,
          %get3A_2072 = vector.shape_cast %get3A_2071 : vector<16xf32> to vector<16xf32>
          %get3A_2073 = arith.constant 464 : index
          %get3A_2074 = tpu.vector_load %arg9[%get3A_2073] {strides = array<i32>} : memref<1024xf32, #tpu.memory_space<vmem>>, vector<16xf32>,
          %get3A_2075 = vector.shape_cast %get3A_2074 : vector<16xf32> to vector<16xf32>
          %mul3A_2076 = arith.mulf %get3A_2072, %get3A_2075 : vector<16xf32>
          %swap3A_2077 = arith.constant 0 : i32
          %swap3A_2078 = tpu.memref_slice %arg6[%rem3A_1524, %scan3A_1573, %swap3A_2077] : memref<2x40x1024xf32, #tpu.memory_space<vmem>> -> memref<1x1x1024xf32, #tpu.memory_space<vmem>>
          %swap3A_2079 = tpu.memref_squeeze %swap3A_2078 : memref<1x1x1024xf32, #tpu.memory_space<vmem>> -> memref<1024xf32, #tpu.memory_space<vmem>>
          %swap3A_2080 = arith.constant 464 : index
          %swap3A_2081 = tpu.vector_load %swap3A_2079[%swap3A_2080] {strides = array<i32>} : memref<1024xf32, #tpu.memory_space<vmem>>, vector<16xf32>,
          %swap3A_2082 = vector.shape_cast %swap3A_2081 : vector<16xf32> to vector<16xf32>
          %swap3A_2083 = vector.shape_cast %mul3A_2076 : vector<16xf32> to vector<16xf32>
          tpu.vector_store %swap3A_2079[%swap3A_2080], %swap3A_2083 {strides = array<i32>} : memref<1024xf32, #tpu.memory_space<vmem>>, vector<16xf32>,
          %get3A_2084 = arith.constant 0 : i32
          %get3A_2085 = tpu.memref_slice %arg6[%rem3A_1524, %scan3A_1573, %get3A_2084] : memref<2x40x1024xf32, #tpu.memory_space<vmem>> -> memref<1x1x1024xf32, #tpu.memory_space<vmem>>
          %get3A_2086 = tpu.memref_squeeze %get3A_2085 : memref<1x1x1024xf32, #tpu.memory_space<vmem>> -> memref<1024xf32, #tpu.memory_space<vmem>>
          %get3A_2087 = arith.constant 480 : index
          %get3A_2088 = tpu.vector_load %get3A_2086[%get3A_2087] {strides = array<i32>} : memref<1024xf32, #tpu.memory_space<vmem>>, vector<16xf32>,
          %get3A_2089 = vector.shape_cast %get3A_2088 : vector<16xf32> to vector<16xf32>
          %get3A_2090 = arith.constant 480 : index
          %get3A_2091 = tpu.vector_load %arg9[%get3A_2090] {strides = array<i32>} : memref<1024xf32, #tpu.memory_space<vmem>>, vector<16xf32>,
          %get3A_2092 = vector.shape_cast %get3A_2091 : vector<16xf32> to vector<16xf32>
          %mul3A_2093 = arith.mulf %get3A_2089, %get3A_2092 : vector<16xf32>
          %swap3A_2094 = arith.constant 0 : i32
          %swap3A_2095 = tpu.memref_slice %arg6[%rem3A_1524, %scan3A_1573, %swap3A_2094] : memref<2x40x1024xf32, #tpu.memory_space<vmem>> -> memref<1x1x1024xf32, #tpu.memory_space<vmem>>
          %swap3A_2096 = tpu.memref_squeeze %swap3A_2095 : memref<1x1x1024xf32, #tpu.memory_space<vmem>> -> memref<1024xf32, #tpu.memory_space<vmem>>
          %swap3A_2097 = arith.constant 480 : index
          %swap3A_2098 = tpu.vector_load %swap3A_2096[%swap3A_2097] {strides = array<i32>} : memref<1024xf32, #tpu.memory_space<vmem>>, vector<16xf32>,
          %swap3A_2099 = vector.shape_cast %swap3A_2098 : vector<16xf32> to vector<16xf32>
          %swap3A_2100 = vector.shape_cast %mul3A_2093 : vector<16xf32> to vector<16xf32>
          tpu.vector_store %swap3A_2096[%swap3A_2097], %swap3A_2100 {strides = array<i32>} : memref<1024xf32, #tpu.memory_space<vmem>>, vector<16xf32>,
          %get3A_2101 = arith.constant 0 : i32
          %get3A_2102 = tpu.memref_slice %arg6[%rem3A_1524, %scan3A_1573, %get3A_2101] : memref<2x40x1024xf32, #tpu.memory_space<vmem>> -> memref<1x1x1024xf32, #tpu.memory_space<vmem>>
          %get3A_2103 = tpu.memref_squeeze %get3A_2102 : memref<1x1x1024xf32, #tpu.memory_space<vmem>> -> memref<1024xf32, #tpu.memory_space<vmem>>
          %get3A_2104 = arith.constant 496 : index
          %get3A_2105 = tpu.vector_load %get3A_2103[%get3A_2104] {strides = array<i32>} : memref<1024xf32, #tpu.memory_space<vmem>>, vector<16xf32>,
          %get3A_2106 = vector.shape_cast %get3A_2105 : vector<16xf32> to vector<16xf32>
          %get3A_2107 = arith.constant 496 : index
          %get3A_2108 = tpu.vector_load %arg9[%get3A_2107] {strides = array<i32>} : memref<1024xf32, #tpu.memory_space<vmem>>, vector<16xf32>,
          %get3A_2109 = vector.shape_cast %get3A_2108 : vector<16xf32> to vector<16xf32>
          %mul3A_2110 = arith.mulf %get3A_2106, %get3A_2109 : vector<16xf32>
          %swap3A_2111 = arith.constant 0 : i32
          %swap3A_2112 = tpu.memref_slice %arg6[%rem3A_1524, %scan3A_1573, %swap3A_2111] : memref<2x40x1024xf32, #tpu.memory_space<vmem>> -> memref<1x1x1024xf32, #tpu.memory_space<vmem>>
          %swap3A_2113 = tpu.memref_squeeze %swap3A_2112 : memref<1x1x1024xf32, #tpu.memory_space<vmem>> -> memref<1024xf32, #tpu.memory_space<vmem>>
          %swap3A_2114 = arith.constant 496 : index
          %swap3A_2115 = tpu.vector_load %swap3A_2113[%swap3A_2114] {strides = array<i32>} : memref<1024xf32, #tpu.memory_space<vmem>>, vector<16xf32>,
          %swap3A_2116 = vector.shape_cast %swap3A_2115 : vector<16xf32> to vector<16xf32>
          %swap3A_2117 = vector.shape_cast %mul3A_2110 : vector<16xf32> to vector<16xf32>
          tpu.vector_store %swap3A_2113[%swap3A_2114], %swap3A_2117 {strides = array<i32>} : memref<1024xf32, #tpu.memory_space<vmem>>, vector<16xf32>,
          %get3A_2118 = arith.constant 0 : i32
          %get3A_2119 = tpu.memref_slice %arg6[%rem3A_1524, %scan3A_1573, %get3A_2118] : memref<2x40x1024xf32, #tpu.memory_space<vmem>> -> memref<1x1x1024xf32, #tpu.memory_space<vmem>>
          %get3A_2120 = tpu.memref_squeeze %get3A_2119 : memref<1x1x1024xf32, #tpu.memory_space<vmem>> -> memref<1024xf32, #tpu.memory_space<vmem>>
          %get3A_2121 = arith.constant 512 : index
          %get3A_2122 = tpu.vector_load %get3A_2120[%get3A_2121] {strides = array<i32>} : memref<1024xf32, #tpu.memory_space<vmem>>, vector<16xf32>,
          %get3A_2123 = vector.shape_cast %get3A_2122 : vector<16xf32> to vector<16xf32>
          %get3A_2124 = arith.constant 512 : index
          %get3A_2125 = tpu.vector_load %arg9[%get3A_2124] {strides = array<i32>} : memref<1024xf32, #tpu.memory_space<vmem>>, vector<16xf32>,
          %get3A_2126 = vector.shape_cast %get3A_2125 : vector<16xf32> to vector<16xf32>
          %mul3A_2127 = arith.mulf %get3A_2123, %get3A_2126 : vector<16xf32>
          %swap3A_2128 = arith.constant 0 : i32
          %swap3A_2129 = tpu.memref_slice %arg6[%rem3A_1524, %scan3A_1573, %swap3A_2128] : memref<2x40x1024xf32, #tpu.memory_space<vmem>> -> memref<1x1x1024xf32, #tpu.memory_space<vmem>>
          %swap3A_2130 = tpu.memref_squeeze %swap3A_2129 : memref<1x1x1024xf32, #tpu.memory_space<vmem>> -> memref<1024xf32, #tpu.memory_space<vmem>>
          %swap3A_2131 = arith.constant 512 : index
          %swap3A_2132 = tpu.vector_load %swap3A_2130[%swap3A_2131] {strides = array<i32>} : memref<1024xf32, #tpu.memory_space<vmem>>, vector<16xf32>,
          %swap3A_2133 = vector.shape_cast %swap3A_2132 : vector<16xf32> to vector<16xf32>
          %swap3A_2134 = vector.shape_cast %mul3A_2127 : vector<16xf32> to vector<16xf32>
          tpu.vector_store %swap3A_2130[%swap3A_2131], %swap3A_2134 {strides = array<i32>} : memref<1024xf32, #tpu.memory_space<vmem>>, vector<16xf32>,
          %get3A_2135 = arith.constant 0 : i32
          %get3A_2136 = tpu.memref_slice %arg6[%rem3A_1524, %scan3A_1573, %get3A_2135] : memref<2x40x1024xf32, #tpu.memory_space<vmem>> -> memref<1x1x1024xf32, #tpu.memory_space<vmem>>
          %get3A_2137 = tpu.memref_squeeze %get3A_2136 : memref<1x1x1024xf32, #tpu.memory_space<vmem>> -> memref<1024xf32, #tpu.memory_space<vmem>>
          %get3A_2138 = arith.constant 528 : index
          %get3A_2139 = tpu.vector_load %get3A_2137[%get3A_2138] {strides = array<i32>} : memref<1024xf32, #tpu.memory_space<vmem>>, vector<16xf32>,
          %get3A_2140 = vector.shape_cast %get3A_2139 : vector<16xf32> to vector<16xf32>
          %get3A_2141 = arith.constant 528 : index
          %get3A_2142 = tpu.vector_load %arg9[%get3A_2141] {strides = array<i32>} : memref<1024xf32, #tpu.memory_space<vmem>>, vector<16xf32>,
          %get3A_2143 = vector.shape_cast %get3A_2142 : vector<16xf32> to vector<16xf32>
          %mul3A_2144 = arith.mulf %get3A_2140, %get3A_2143 : vector<16xf32>
          %swap3A_2145 = arith.constant 0 : i32
          %swap3A_2146 = tpu.memref_slice %arg6[%rem3A_1524, %scan3A_1573, %swap3A_2145] : memref<2x40x1024xf32, #tpu.memory_space<vmem>> -> memref<1x1x1024xf32, #tpu.memory_space<vmem>>
          %swap3A_2147 = tpu.memref_squeeze %swap3A_2146 : memref<1x1x1024xf32, #tpu.memory_space<vmem>> -> memref<1024xf32, #tpu.memory_space<vmem>>
          %swap3A_2148 = arith.constant 528 : index
          %swap3A_2149 = tpu.vector_load %swap3A_2147[%swap3A_2148] {strides = array<i32>} : memref<1024xf32, #tpu.memory_space<vmem>>, vector<16xf32>,
          %swap3A_2150 = vector.shape_cast %swap3A_2149 : vector<16xf32> to vector<16xf32>
          %swap3A_2151 = vector.shape_cast %mul3A_2144 : vector<16xf32> to vector<16xf32>
          tpu.vector_store %swap3A_2147[%swap3A_2148], %swap3A_2151 {strides = array<i32>} : memref<1024xf32, #tpu.memory_space<vmem>>, vector<16xf32>,
          %get3A_2152 = arith.constant 0 : i32
          %get3A_2153 = tpu.memref_slice %arg6[%rem3A_1524, %scan3A_1573, %get3A_2152] : memref<2x40x1024xf32, #tpu.memory_space<vmem>> -> memref<1x1x1024xf32, #tpu.memory_space<vmem>>
          %get3A_2154 = tpu.memref_squeeze %get3A_2153 : memref<1x1x1024xf32, #tpu.memory_space<vmem>> -> memref<1024xf32, #tpu.memory_space<vmem>>
          %get3A_2155 = arith.constant 544 : index
          %get3A_2156 = tpu.vector_load %get3A_2154[%get3A_2155] {strides = array<i32>} : memref<1024xf32, #tpu.memory_space<vmem>>, vector<16xf32>,
          %get3A_2157 = vector.shape_cast %get3A_2156 : vector<16xf32> to vector<16xf32>
          %get3A_2158 = arith.constant 544 : index
          %get3A_2159 = tpu.vector_load %arg9[%get3A_2158] {strides = array<i32>} : memref<1024xf32, #tpu.memory_space<vmem>>, vector<16xf32>,
          %get3A_2160 = vector.shape_cast %get3A_2159 : vector<16xf32> to vector<16xf32>
          %mul3A_2161 = arith.mulf %get3A_2157, %get3A_2160 : vector<16xf32>
          %swap3A_2162 = arith.constant 0 : i32
          %swap3A_2163 = tpu.memref_slice %arg6[%rem3A_1524, %scan3A_1573, %swap3A_2162] : memref<2x40x1024xf32, #tpu.memory_space<vmem>> -> memref<1x1x1024xf32, #tpu.memory_space<vmem>>
          %swap3A_2164 = tpu.memref_squeeze %swap3A_2163 : memref<1x1x1024xf32, #tpu.memory_space<vmem>> -> memref<1024xf32, #tpu.memory_space<vmem>>
          %swap3A_2165 = arith.constant 544 : index
          %swap3A_2166 = tpu.vector_load %swap3A_2164[%swap3A_2165] {strides = array<i32>} : memref<1024xf32, #tpu.memory_space<vmem>>, vector<16xf32>,
          %swap3A_2167 = vector.shape_cast %swap3A_2166 : vector<16xf32> to vector<16xf32>
          %swap3A_2168 = vector.shape_cast %mul3A_2161 : vector<16xf32> to vector<16xf32>
          tpu.vector_store %swap3A_2164[%swap3A_2165], %swap3A_2168 {strides = array<i32>} : memref<1024xf32, #tpu.memory_space<vmem>>, vector<16xf32>,
          %get3A_2169 = arith.constant 0 : i32
          %get3A_2170 = tpu.memref_slice %arg6[%rem3A_1524, %scan3A_1573, %get3A_2169] : memref<2x40x1024xf32, #tpu.memory_space<vmem>> -> memref<1x1x1024xf32, #tpu.memory_space<vmem>>
          %get3A_2171 = tpu.memref_squeeze %get3A_2170 : memref<1x1x1024xf32, #tpu.memory_space<vmem>> -> memref<1024xf32, #tpu.memory_space<vmem>>
          %get3A_2172 = arith.constant 560 : index
          %get3A_2173 = tpu.vector_load %get3A_2171[%get3A_2172] {strides = array<i32>} : memref<1024xf32, #tpu.memory_space<vmem>>, vector<16xf32>,
          %get3A_2174 = vector.shape_cast %get3A_2173 : vector<16xf32> to vector<16xf32>
          %get3A_2175 = arith.constant 560 : index
          %get3A_2176 = tpu.vector_load %arg9[%get3A_2175] {strides = array<i32>} : memref<1024xf32, #tpu.memory_space<vmem>>, vector<16xf32>,
          %get3A_2177 = vector.shape_cast %get3A_2176 : vector<16xf32> to vector<16xf32>
          %mul3A_2178 = arith.mulf %get3A_2174, %get3A_2177 : vector<16xf32>
          %swap3A_2179 = arith.constant 0 : i32
          %swap3A_2180 = tpu.memref_slice %arg6[%rem3A_1524, %scan3A_1573, %swap3A_2179] : memref<2x40x1024xf32, #tpu.memory_space<vmem>> -> memref<1x1x1024xf32, #tpu.memory_space<vmem>>
          %swap3A_2181 = tpu.memref_squeeze %swap3A_2180 : memref<1x1x1024xf32, #tpu.memory_space<vmem>> -> memref<1024xf32, #tpu.memory_space<vmem>>
          %swap3A_2182 = arith.constant 560 : index
          %swap3A_2183 = tpu.vector_load %swap3A_2181[%swap3A_2182] {strides = array<i32>} : memref<1024xf32, #tpu.memory_space<vmem>>, vector<16xf32>,
          %swap3A_2184 = vector.shape_cast %swap3A_2183 : vector<16xf32> to vector<16xf32>
          %swap3A_2185 = vector.shape_cast %mul3A_2178 : vector<16xf32> to vector<16xf32>
          tpu.vector_store %swap3A_2181[%swap3A_2182], %swap3A_2185 {strides = array<i32>} : memref<1024xf32, #tpu.memory_space<vmem>>, vector<16xf32>,
          %get3A_2186 = arith.constant 0 : i32
          %get3A_2187 = tpu.memref_slice %arg6[%rem3A_1524, %scan3A_1573, %get3A_2186] : memref<2x40x1024xf32, #tpu.memory_space<vmem>> -> memref<1x1x1024xf32, #tpu.memory_space<vmem>>
          %get3A_2188 = tpu.memref_squeeze %get3A_2187 : memref<1x1x1024xf32, #tpu.memory_space<vmem>> -> memref<1024xf32, #tpu.memory_space<vmem>>
          %get3A_2189 = arith.constant 576 : index
          %get3A_2190 = tpu.vector_load %get3A_2188[%get3A_2189] {strides = array<i32>} : memref<1024xf32, #tpu.memory_space<vmem>>, vector<16xf32>,
          %get3A_2191 = vector.shape_cast %get3A_2190 : vector<16xf32> to vector<16xf32>
          %get3A_2192 = arith.constant 576 : index
          %get3A_2193 = tpu.vector_load %arg9[%get3A_2192] {strides = array<i32>} : memref<1024xf32, #tpu.memory_space<vmem>>, vector<16xf32>,
          %get3A_2194 = vector.shape_cast %get3A_2193 : vector<16xf32> to vector<16xf32>
          %mul3A_2195 = arith.mulf %get3A_2191, %get3A_2194 : vector<16xf32>
          %swap3A_2196 = arith.constant 0 : i32
          %swap3A_2197 = tpu.memref_slice %arg6[%rem3A_1524, %scan3A_1573, %swap3A_2196] : memref<2x40x1024xf32, #tpu.memory_space<vmem>> -> memref<1x1x1024xf32, #tpu.memory_space<vmem>>
          %swap3A_2198 = tpu.memref_squeeze %swap3A_2197 : memref<1x1x1024xf32, #tpu.memory_space<vmem>> -> memref<1024xf32, #tpu.memory_space<vmem>>
          %swap3A_2199 = arith.constant 576 : index
          %swap3A_2200 = tpu.vector_load %swap3A_2198[%swap3A_2199] {strides = array<i32>} : memref<1024xf32, #tpu.memory_space<vmem>>, vector<16xf32>,
          %swap3A_2201 = vector.shape_cast %swap3A_2200 : vector<16xf32> to vector<16xf32>
          %swap3A_2202 = vector.shape_cast %mul3A_2195 : vector<16xf32> to vector<16xf32>
          tpu.vector_store %swap3A_2198[%swap3A_2199], %swap3A_2202 {strides = array<i32>} : memref<1024xf32, #tpu.memory_space<vmem>>, vector<16xf32>,
          %get3A_2203 = arith.constant 0 : i32
          %get3A_2204 = tpu.memref_slice %arg6[%rem3A_1524, %scan3A_1573, %get3A_2203] : memref<2x40x1024xf32, #tpu.memory_space<vmem>> -> memref<1x1x1024xf32, #tpu.memory_space<vmem>>
          %get3A_2205 = tpu.memref_squeeze %get3A_2204 : memref<1x1x1024xf32, #tpu.memory_space<vmem>> -> memref<1024xf32, #tpu.memory_space<vmem>>
          %get3A_2206 = arith.constant 592 : index
          %get3A_2207 = tpu.vector_load %get3A_2205[%get3A_2206] {strides = array<i32>} : memref<1024xf32, #tpu.memory_space<vmem>>, vector<16xf32>,
          %get3A_2208 = vector.shape_cast %get3A_2207 : vector<16xf32> to vector<16xf32>
          %get3A_2209 = arith.constant 592 : index
          %get3A_2210 = tpu.vector_load %arg9[%get3A_2209] {strides = array<i32>} : memref<1024xf32, #tpu.memory_space<vmem>>, vector<16xf32>,
          %get3A_2211 = vector.shape_cast %get3A_2210 : vector<16xf32> to vector<16xf32>
          %mul3A_2212 = arith.mulf %get3A_2208, %get3A_2211 : vector<16xf32>
          %swap3A_2213 = arith.constant 0 : i32
          %swap3A_2214 = tpu.memref_slice %arg6[%rem3A_1524, %scan3A_1573, %swap3A_2213] : memref<2x40x1024xf32, #tpu.memory_space<vmem>> -> memref<1x1x1024xf32, #tpu.memory_space<vmem>>
          %swap3A_2215 = tpu.memref_squeeze %swap3A_2214 : memref<1x1x1024xf32, #tpu.memory_space<vmem>> -> memref<1024xf32, #tpu.memory_space<vmem>>
          %swap3A_2216 = arith.constant 592 : index
          %swap3A_2217 = tpu.vector_load %swap3A_2215[%swap3A_2216] {strides = array<i32>} : memref<1024xf32, #tpu.memory_space<vmem>>, vector<16xf32>,
          %swap3A_2218 = vector.shape_cast %swap3A_2217 : vector<16xf32> to vector<16xf32>
          %swap3A_2219 = vector.shape_cast %mul3A_2212 : vector<16xf32> to vector<16xf32>
          tpu.vector_store %swap3A_2215[%swap3A_2216], %swap3A_2219 {strides = array<i32>} : memref<1024xf32, #tpu.memory_space<vmem>>, vector<16xf32>,
          %get3A_2220 = arith.constant 0 : i32
          %get3A_2221 = tpu.memref_slice %arg6[%rem3A_1524, %scan3A_1573, %get3A_2220] : memref<2x40x1024xf32, #tpu.memory_space<vmem>> -> memref<1x1x1024xf32, #tpu.memory_space<vmem>>
          %get3A_2222 = tpu.memref_squeeze %get3A_2221 : memref<1x1x1024xf32, #tpu.memory_space<vmem>> -> memref<1024xf32, #tpu.memory_space<vmem>>
          %get3A_2223 = arith.constant 608 : index
          %get3A_2224 = tpu.vector_load %get3A_2222[%get3A_2223] {strides = array<i32>} : memref<1024xf32, #tpu.memory_space<vmem>>, vector<16xf32>,
          %get3A_2225 = vector.shape_cast %get3A_2224 : vector<16xf32> to vector<16xf32>
          %get3A_2226 = arith.constant 608 : index
          %get3A_2227 = tpu.vector_load %arg9[%get3A_2226] {strides = array<i32>} : memref<1024xf32, #tpu.memory_space<vmem>>, vector<16xf32>,
          %get3A_2228 = vector.shape_cast %get3A_2227 : vector<16xf32> to vector<16xf32>
          %mul3A_2229 = arith.mulf %get3A_2225, %get3A_2228 : vector<16xf32>
          %swap3A_2230 = arith.constant 0 : i32
          %swap3A_2231 = tpu.memref_slice %arg6[%rem3A_1524, %scan3A_1573, %swap3A_2230] : memref<2x40x1024xf32, #tpu.memory_space<vmem>> -> memref<1x1x1024xf32, #tpu.memory_space<vmem>>
          %swap3A_2232 = tpu.memref_squeeze %swap3A_2231 : memref<1x1x1024xf32, #tpu.memory_space<vmem>> -> memref<1024xf32, #tpu.memory_space<vmem>>
          %swap3A_2233 = arith.constant 608 : index
          %swap3A_2234 = tpu.vector_load %swap3A_2232[%swap3A_2233] {strides = array<i32>} : memref<1024xf32, #tpu.memory_space<vmem>>, vector<16xf32>,
          %swap3A_2235 = vector.shape_cast %swap3A_2234 : vector<16xf32> to vector<16xf32>
          %swap3A_2236 = vector.shape_cast %mul3A_2229 : vector<16xf32> to vector<16xf32>
          tpu.vector_store %swap3A_2232[%swap3A_2233], %swap3A_2236 {strides = array<i32>} : memref<1024xf32, #tpu.memory_space<vmem>>, vector<16xf32>,
          %get3A_2237 = arith.constant 0 : i32
          %get3A_2238 = tpu.memref_slice %arg6[%rem3A_1524, %scan3A_1573, %get3A_2237] : memref<2x40x1024xf32, #tpu.memory_space<vmem>> -> memref<1x1x1024xf32, #tpu.memory_space<vmem>>
          %get3A_2239 = tpu.memref_squeeze %get3A_2238 : memref<1x1x1024xf32, #tpu.memory_space<vmem>> -> memref<1024xf32, #tpu.memory_space<vmem>>
          %get3A_2240 = arith.constant 624 : index
          %get3A_2241 = tpu.vector_load %get3A_2239[%get3A_2240] {strides = array<i32>} : memref<1024xf32, #tpu.memory_space<vmem>>, vector<16xf32>,
          %get3A_2242 = vector.shape_cast %get3A_2241 : vector<16xf32> to vector<16xf32>
          %get3A_2243 = arith.constant 624 : index
          %get3A_2244 = tpu.vector_load %arg9[%get3A_2243] {strides = array<i32>} : memref<1024xf32, #tpu.memory_space<vmem>>, vector<16xf32>,
          %get3A_2245 = vector.shape_cast %get3A_2244 : vector<16xf32> to vector<16xf32>
          %mul3A_2246 = arith.mulf %get3A_2242, %get3A_2245 : vector<16xf32>
          %swap3A_2247 = arith.constant 0 : i32
          %swap3A_2248 = tpu.memref_slice %arg6[%rem3A_1524, %scan3A_1573, %swap3A_2247] : memref<2x40x1024xf32, #tpu.memory_space<vmem>> -> memref<1x1x1024xf32, #tpu.memory_space<vmem>>
          %swap3A_2249 = tpu.memref_squeeze %swap3A_2248 : memref<1x1x1024xf32, #tpu.memory_space<vmem>> -> memref<1024xf32, #tpu.memory_space<vmem>>
          %swap3A_2250 = arith.constant 624 : index
          %swap3A_2251 = tpu.vector_load %swap3A_2249[%swap3A_2250] {strides = array<i32>} : memref<1024xf32, #tpu.memory_space<vmem>>, vector<16xf32>,
          %swap3A_2252 = vector.shape_cast %swap3A_2251 : vector<16xf32> to vector<16xf32>
          %swap3A_2253 = vector.shape_cast %mul3A_2246 : vector<16xf32> to vector<16xf32>
          tpu.vector_store %swap3A_2249[%swap3A_2250], %swap3A_2253 {strides = array<i32>} : memref<1024xf32, #tpu.memory_space<vmem>>, vector<16xf32>,
          %get3A_2254 = arith.constant 0 : i32
          %get3A_2255 = tpu.memref_slice %arg6[%rem3A_1524, %scan3A_1573, %get3A_2254] : memref<2x40x1024xf32, #tpu.memory_space<vmem>> -> memref<1x1x1024xf32, #tpu.memory_space<vmem>>
          %get3A_2256 = tpu.memref_squeeze %get3A_2255 : memref<1x1x1024xf32, #tpu.memory_space<vmem>> -> memref<1024xf32, #tpu.memory_space<vmem>>
          %get3A_2257 = arith.constant 640 : index
          %get3A_2258 = tpu.vector_load %get3A_2256[%get3A_2257] {strides = array<i32>} : memref<1024xf32, #tpu.memory_space<vmem>>, vector<16xf32>,
          %get3A_2259 = vector.shape_cast %get3A_2258 : vector<16xf32> to vector<16xf32>
          %get3A_2260 = arith.constant 640 : index
          %get3A_2261 = tpu.vector_load %arg9[%get3A_2260] {strides = array<i32>} : memref<1024xf32, #tpu.memory_space<vmem>>, vector<16xf32>,
          %get3A_2262 = vector.shape_cast %get3A_2261 : vector<16xf32> to vector<16xf32>
          %mul3A_2263 = arith.mulf %get3A_2259, %get3A_2262 : vector<16xf32>
          %swap3A_2264 = arith.constant 0 : i32
          %swap3A_2265 = tpu.memref_slice %arg6[%rem3A_1524, %scan3A_1573, %swap3A_2264] : memref<2x40x1024xf32, #tpu.memory_space<vmem>> -> memref<1x1x1024xf32, #tpu.memory_space<vmem>>
          %swap3A_2266 = tpu.memref_squeeze %swap3A_2265 : memref<1x1x1024xf32, #tpu.memory_space<vmem>> -> memref<1024xf32, #tpu.memory_space<vmem>>
          %swap3A_2267 = arith.constant 640 : index
          %swap3A_2268 = tpu.vector_load %swap3A_2266[%swap3A_2267] {strides = array<i32>} : memref<1024xf32, #tpu.memory_space<vmem>>, vector<16xf32>,
          %swap3A_2269 = vector.shape_cast %swap3A_2268 : vector<16xf32> to vector<16xf32>
          %swap3A_2270 = vector.shape_cast %mul3A_2263 : vector<16xf32> to vector<16xf32>
          tpu.vector_store %swap3A_2266[%swap3A_2267], %swap3A_2270 {strides = array<i32>} : memref<1024xf32, #tpu.memory_space<vmem>>, vector<16xf32>,
          %get3A_2271 = arith.constant 0 : i32
          %get3A_2272 = tpu.memref_slice %arg6[%rem3A_1524, %scan3A_1573, %get3A_2271] : memref<2x40x1024xf32, #tpu.memory_space<vmem>> -> memref<1x1x1024xf32, #tpu.memory_space<vmem>>
          %get3A_2273 = tpu.memref_squeeze %get3A_2272 : memref<1x1x1024xf32, #tpu.memory_space<vmem>> -> memref<1024xf32, #tpu.memory_space<vmem>>
          %get3A_2274 = arith.constant 656 : index
          %get3A_2275 = tpu.vector_load %get3A_2273[%get3A_2274] {strides = array<i32>} : memref<1024xf32, #tpu.memory_space<vmem>>, vector<16xf32>,
          %get3A_2276 = vector.shape_cast %get3A_2275 : vector<16xf32> to vector<16xf32>
          %get3A_2277 = arith.constant 656 : index
          %get3A_2278 = tpu.vector_load %arg9[%get3A_2277] {strides = array<i32>} : memref<1024xf32, #tpu.memory_space<vmem>>, vector<16xf32>,
          %get3A_2279 = vector.shape_cast %get3A_2278 : vector<16xf32> to vector<16xf32>
          %mul3A_2280 = arith.mulf %get3A_2276, %get3A_2279 : vector<16xf32>
          %swap3A_2281 = arith.constant 0 : i32
          %swap3A_2282 = tpu.memref_slice %arg6[%rem3A_1524, %scan3A_1573, %swap3A_2281] : memref<2x40x1024xf32, #tpu.memory_space<vmem>> -> memref<1x1x1024xf32, #tpu.memory_space<vmem>>
          %swap3A_2283 = tpu.memref_squeeze %swap3A_2282 : memref<1x1x1024xf32, #tpu.memory_space<vmem>> -> memref<1024xf32, #tpu.memory_space<vmem>>
          %swap3A_2284 = arith.constant 656 : index
          %swap3A_2285 = tpu.vector_load %swap3A_2283[%swap3A_2284] {strides = array<i32>} : memref<1024xf32, #tpu.memory_space<vmem>>, vector<16xf32>,
          %swap3A_2286 = vector.shape_cast %swap3A_2285 : vector<16xf32> to vector<16xf32>
          %swap3A_2287 = vector.shape_cast %mul3A_2280 : vector<16xf32> to vector<16xf32>
          tpu.vector_store %swap3A_2283[%swap3A_2284], %swap3A_2287 {strides = array<i32>} : memref<1024xf32, #tpu.memory_space<vmem>>, vector<16xf32>,
          %get3A_2288 = arith.constant 0 : i32
          %get3A_2289 = tpu.memref_slice %arg6[%rem3A_1524, %scan3A_1573, %get3A_2288] : memref<2x40x1024xf32, #tpu.memory_space<vmem>> -> memref<1x1x1024xf32, #tpu.memory_space<vmem>>
          %get3A_2290 = tpu.memref_squeeze %get3A_2289 : memref<1x1x1024xf32, #tpu.memory_space<vmem>> -> memref<1024xf32, #tpu.memory_space<vmem>>
          %get3A_2291 = arith.constant 672 : index
          %get3A_2292 = tpu.vector_load %get3A_2290[%get3A_2291] {strides = array<i32>} : memref<1024xf32, #tpu.memory_space<vmem>>, vector<16xf32>,
          %get3A_2293 = vector.shape_cast %get3A_2292 : vector<16xf32> to vector<16xf32>
          %get3A_2294 = arith.constant 672 : index
          %get3A_2295 = tpu.vector_load %arg9[%get3A_2294] {strides = array<i32>} : memref<1024xf32, #tpu.memory_space<vmem>>, vector<16xf32>,
          %get3A_2296 = vector.shape_cast %get3A_2295 : vector<16xf32> to vector<16xf32>
          %mul3A_2297 = arith.mulf %get3A_2293, %get3A_2296 : vector<16xf32>
          %swap3A_2298 = arith.constant 0 : i32
          %swap3A_2299 = tpu.memref_slice %arg6[%rem3A_1524, %scan3A_1573, %swap3A_2298] : memref<2x40x1024xf32, #tpu.memory_space<vmem>> -> memref<1x1x1024xf32, #tpu.memory_space<vmem>>
          %swap3A_2300 = tpu.memref_squeeze %swap3A_2299 : memref<1x1x1024xf32, #tpu.memory_space<vmem>> -> memref<1024xf32, #tpu.memory_space<vmem>>
          %swap3A_2301 = arith.constant 672 : index
          %swap3A_2302 = tpu.vector_load %swap3A_2300[%swap3A_2301] {strides = array<i32>} : memref<1024xf32, #tpu.memory_space<vmem>>, vector<16xf32>,
          %swap3A_2303 = vector.shape_cast %swap3A_2302 : vector<16xf32> to vector<16xf32>
          %swap3A_2304 = vector.shape_cast %mul3A_2297 : vector<16xf32> to vector<16xf32>
          tpu.vector_store %swap3A_2300[%swap3A_2301], %swap3A_2304 {strides = array<i32>} : memref<1024xf32, #tpu.memory_space<vmem>>, vector<16xf32>,
          %get3A_2305 = arith.constant 0 : i32
          %get3A_2306 = tpu.memref_slice %arg6[%rem3A_1524, %scan3A_1573, %get3A_2305] : memref<2x40x1024xf32, #tpu.memory_space<vmem>> -> memref<1x1x1024xf32, #tpu.memory_space<vmem>>
          %get3A_2307 = tpu.memref_squeeze %get3A_2306 : memref<1x1x1024xf32, #tpu.memory_space<vmem>> -> memref<1024xf32, #tpu.memory_space<vmem>>
          %get3A_2308 = arith.constant 688 : index
          %get3A_2309 = tpu.vector_load %get3A_2307[%get3A_2308] {strides = array<i32>} : memref<1024xf32, #tpu.memory_space<vmem>>, vector<16xf32>,
          %get3A_2310 = vector.shape_cast %get3A_2309 : vector<16xf32> to vector<16xf32>
          %get3A_2311 = arith.constant 688 : index
          %get3A_2312 = tpu.vector_load %arg9[%get3A_2311] {strides = array<i32>} : memref<1024xf32, #tpu.memory_space<vmem>>, vector<16xf32>,
          %get3A_2313 = vector.shape_cast %get3A_2312 : vector<16xf32> to vector<16xf32>
          %mul3A_2314 = arith.mulf %get3A_2310, %get3A_2313 : vector<16xf32>
          %swap3A_2315 = arith.constant 0 : i32
          %swap3A_2316 = tpu.memref_slice %arg6[%rem3A_1524, %scan3A_1573, %swap3A_2315] : memref<2x40x1024xf32, #tpu.memory_space<vmem>> -> memref<1x1x1024xf32, #tpu.memory_space<vmem>>
          %swap3A_2317 = tpu.memref_squeeze %swap3A_2316 : memref<1x1x1024xf32, #tpu.memory_space<vmem>> -> memref<1024xf32, #tpu.memory_space<vmem>>
          %swap3A_2318 = arith.constant 688 : index
          %swap3A_2319 = tpu.vector_load %swap3A_2317[%swap3A_2318] {strides = array<i32>} : memref<1024xf32, #tpu.memory_space<vmem>>, vector<16xf32>,
          %swap3A_2320 = vector.shape_cast %swap3A_2319 : vector<16xf32> to vector<16xf32>
          %swap3A_2321 = vector.shape_cast %mul3A_2314 : vector<16xf32> to vector<16xf32>
          tpu.vector_store %swap3A_2317[%swap3A_2318], %swap3A_2321 {strides = array<i32>} : memref<1024xf32, #tpu.memory_space<vmem>>, vector<16xf32>,
          %get3A_2322 = arith.constant 0 : i32
          %get3A_2323 = tpu.memref_slice %arg6[%rem3A_1524, %scan3A_1573, %get3A_2322] : memref<2x40x1024xf32, #tpu.memory_space<vmem>> -> memref<1x1x1024xf32, #tpu.memory_space<vmem>>
          %get3A_2324 = tpu.memref_squeeze %get3A_2323 : memref<1x1x1024xf32, #tpu.memory_space<vmem>> -> memref<1024xf32, #tpu.memory_space<vmem>>
          %get3A_2325 = arith.constant 704 : index
          %get3A_2326 = tpu.vector_load %get3A_2324[%get3A_2325] {strides = array<i32>} : memref<1024xf32, #tpu.memory_space<vmem>>, vector<16xf32>,
          %get3A_2327 = vector.shape_cast %get3A_2326 : vector<16xf32> to vector<16xf32>
          %get3A_2328 = arith.constant 704 : index
          %get3A_2329 = tpu.vector_load %arg9[%get3A_2328] {strides = array<i32>} : memref<1024xf32, #tpu.memory_space<vmem>>, vector<16xf32>,
          %get3A_2330 = vector.shape_cast %get3A_2329 : vector<16xf32> to vector<16xf32>
          %mul3A_2331 = arith.mulf %get3A_2327, %get3A_2330 : vector<16xf32>
          %swap3A_2332 = arith.constant 0 : i32
          %swap3A_2333 = tpu.memref_slice %arg6[%rem3A_1524, %scan3A_1573, %swap3A_2332] : memref<2x40x1024xf32, #tpu.memory_space<vmem>> -> memref<1x1x1024xf32, #tpu.memory_space<vmem>>
          %swap3A_2334 = tpu.memref_squeeze %swap3A_2333 : memref<1x1x1024xf32, #tpu.memory_space<vmem>> -> memref<1024xf32, #tpu.memory_space<vmem>>
          %swap3A_2335 = arith.constant 704 : index
          %swap3A_2336 = tpu.vector_load %swap3A_2334[%swap3A_2335] {strides = array<i32>} : memref<1024xf32, #tpu.memory_space<vmem>>, vector<16xf32>,
          %swap3A_2337 = vector.shape_cast %swap3A_2336 : vector<16xf32> to vector<16xf32>
          %swap3A_2338 = vector.shape_cast %mul3A_2331 : vector<16xf32> to vector<16xf32>
          tpu.vector_store %swap3A_2334[%swap3A_2335], %swap3A_2338 {strides = array<i32>} : memref<1024xf32, #tpu.memory_space<vmem>>, vector<16xf32>,
          %get3A_2339 = arith.constant 0 : i32
          %get3A_2340 = tpu.memref_slice %arg6[%rem3A_1524, %scan3A_1573, %get3A_2339] : memref<2x40x1024xf32, #tpu.memory_space<vmem>> -> memref<1x1x1024xf32, #tpu.memory_space<vmem>>
          %get3A_2341 = tpu.memref_squeeze %get3A_2340 : memref<1x1x1024xf32, #tpu.memory_space<vmem>> -> memref<1024xf32, #tpu.memory_space<vmem>>
          %get3A_2342 = arith.constant 720 : index
          %get3A_2343 = tpu.vector_load %get3A_2341[%get3A_2342] {strides = array<i32>} : memref<1024xf32, #tpu.memory_space<vmem>>, vector<16xf32>,
          %get3A_2344 = vector.shape_cast %get3A_2343 : vector<16xf32> to vector<16xf32>
          %get3A_2345 = arith.constant 720 : index
          %get3A_2346 = tpu.vector_load %arg9[%get3A_2345] {strides = array<i32>} : memref<1024xf32, #tpu.memory_space<vmem>>, vector<16xf32>,
          %get3A_2347 = vector.shape_cast %get3A_2346 : vector<16xf32> to vector<16xf32>
          %mul3A_2348 = arith.mulf %get3A_2344, %get3A_2347 : vector<16xf32>
          %swap3A_2349 = arith.constant 0 : i32
          %swap3A_2350 = tpu.memref_slice %arg6[%rem3A_1524, %scan3A_1573, %swap3A_2349] : memref<2x40x1024xf32, #tpu.memory_space<vmem>> -> memref<1x1x1024xf32, #tpu.memory_space<vmem>>
          %swap3A_2351 = tpu.memref_squeeze %swap3A_2350 : memref<1x1x1024xf32, #tpu.memory_space<vmem>> -> memref<1024xf32, #tpu.memory_space<vmem>>
          %swap3A_2352 = arith.constant 720 : index
          %swap3A_2353 = tpu.vector_load %swap3A_2351[%swap3A_2352] {strides = array<i32>} : memref<1024xf32, #tpu.memory_space<vmem>>, vector<16xf32>,
          %swap3A_2354 = vector.shape_cast %swap3A_2353 : vector<16xf32> to vector<16xf32>
          %swap3A_2355 = vector.shape_cast %mul3A_2348 : vector<16xf32> to vector<16xf32>
          tpu.vector_store %swap3A_2351[%swap3A_2352], %swap3A_2355 {strides = array<i32>} : memref<1024xf32, #tpu.memory_space<vmem>>, vector<16xf32>,
          %get3A_2356 = arith.constant 0 : i32
          %get3A_2357 = tpu.memref_slice %arg6[%rem3A_1524, %scan3A_1573, %get3A_2356] : memref<2x40x1024xf32, #tpu.memory_space<vmem>> -> memref<1x1x1024xf32, #tpu.memory_space<vmem>>
          %get3A_2358 = tpu.memref_squeeze %get3A_2357 : memref<1x1x1024xf32, #tpu.memory_space<vmem>> -> memref<1024xf32, #tpu.memory_space<vmem>>
          %get3A_2359 = arith.constant 736 : index
          %get3A_2360 = tpu.vector_load %get3A_2358[%get3A_2359] {strides = array<i32>} : memref<1024xf32, #tpu.memory_space<vmem>>, vector<16xf32>,
          %get3A_2361 = vector.shape_cast %get3A_2360 : vector<16xf32> to vector<16xf32>
          %get3A_2362 = arith.constant 736 : index
          %get3A_2363 = tpu.vector_load %arg9[%get3A_2362] {strides = array<i32>} : memref<1024xf32, #tpu.memory_space<vmem>>, vector<16xf32>,
          %get3A_2364 = vector.shape_cast %get3A_2363 : vector<16xf32> to vector<16xf32>
          %mul3A_2365 = arith.mulf %get3A_2361, %get3A_2364 : vector<16xf32>
          %swap3A_2366 = arith.constant 0 : i32
          %swap3A_2367 = tpu.memref_slice %arg6[%rem3A_1524, %scan3A_1573, %swap3A_2366] : memref<2x40x1024xf32, #tpu.memory_space<vmem>> -> memref<1x1x1024xf32, #tpu.memory_space<vmem>>
          %swap3A_2368 = tpu.memref_squeeze %swap3A_2367 : memref<1x1x1024xf32, #tpu.memory_space<vmem>> -> memref<1024xf32, #tpu.memory_space<vmem>>
          %swap3A_2369 = arith.constant 736 : index
          %swap3A_2370 = tpu.vector_load %swap3A_2368[%swap3A_2369] {strides = array<i32>} : memref<1024xf32, #tpu.memory_space<vmem>>, vector<16xf32>,
          %swap3A_2371 = vector.shape_cast %swap3A_2370 : vector<16xf32> to vector<16xf32>
          %swap3A_2372 = vector.shape_cast %mul3A_2365 : vector<16xf32> to vector<16xf32>
          tpu.vector_store %swap3A_2368[%swap3A_2369], %swap3A_2372 {strides = array<i32>} : memref<1024xf32, #tpu.memory_space<vmem>>, vector<16xf32>,
          %get3A_2373 = arith.constant 0 : i32
          %get3A_2374 = tpu.memref_slice %arg6[%rem3A_1524, %scan3A_1573, %get3A_2373] : memref<2x40x1024xf32, #tpu.memory_space<vmem>> -> memref<1x1x1024xf32, #tpu.memory_space<vmem>>
          %get3A_2375 = tpu.memref_squeeze %get3A_2374 : memref<1x1x1024xf32, #tpu.memory_space<vmem>> -> memref<1024xf32, #tpu.memory_space<vmem>>
          %get3A_2376 = arith.constant 752 : index
          %get3A_2377 = tpu.vector_load %get3A_2375[%get3A_2376] {strides = array<i32>} : memref<1024xf32, #tpu.memory_space<vmem>>, vector<16xf32>,
          %get3A_2378 = vector.shape_cast %get3A_2377 : vector<16xf32> to vector<16xf32>
          %get3A_2379 = arith.constant 752 : index
          %get3A_2380 = tpu.vector_load %arg9[%get3A_2379] {strides = array<i32>} : memref<1024xf32, #tpu.memory_space<vmem>>, vector<16xf32>,
          %get3A_2381 = vector.shape_cast %get3A_2380 : vector<16xf32> to vector<16xf32>
          %mul3A_2382 = arith.mulf %get3A_2378, %get3A_2381 : vector<16xf32>
          %swap3A_2383 = arith.constant 0 : i32
          %swap3A_2384 = tpu.memref_slice %arg6[%rem3A_1524, %scan3A_1573, %swap3A_2383] : memref<2x40x1024xf32, #tpu.memory_space<vmem>> -> memref<1x1x1024xf32, #tpu.memory_space<vmem>>
          %swap3A_2385 = tpu.memref_squeeze %swap3A_2384 : memref<1x1x1024xf32, #tpu.memory_space<vmem>> -> memref<1024xf32, #tpu.memory_space<vmem>>
          %swap3A_2386 = arith.constant 752 : index
          %swap3A_2387 = tpu.vector_load %swap3A_2385[%swap3A_2386] {strides = array<i32>} : memref<1024xf32, #tpu.memory_space<vmem>>, vector<16xf32>,
          %swap3A_2388 = vector.shape_cast %swap3A_2387 : vector<16xf32> to vector<16xf32>
          %swap3A_2389 = vector.shape_cast %mul3A_2382 : vector<16xf32> to vector<16xf32>
          tpu.vector_store %swap3A_2385[%swap3A_2386], %swap3A_2389 {strides = array<i32>} : memref<1024xf32, #tpu.memory_space<vmem>>, vector<16xf32>,
          %get3A_2390 = arith.constant 0 : i32
          %get3A_2391 = tpu.memref_slice %arg6[%rem3A_1524, %scan3A_1573, %get3A_2390] : memref<2x40x1024xf32, #tpu.memory_space<vmem>> -> memref<1x1x1024xf32, #tpu.memory_space<vmem>>
          %get3A_2392 = tpu.memref_squeeze %get3A_2391 : memref<1x1x1024xf32, #tpu.memory_space<vmem>> -> memref<1024xf32, #tpu.memory_space<vmem>>
          %get3A_2393 = arith.constant 768 : index
          %get3A_2394 = tpu.vector_load %get3A_2392[%get3A_2393] {strides = array<i32>} : memref<1024xf32, #tpu.memory_space<vmem>>, vector<16xf32>,
          %get3A_2395 = vector.shape_cast %get3A_2394 : vector<16xf32> to vector<16xf32>
          %get3A_2396 = arith.constant 768 : index
          %get3A_2397 = tpu.vector_load %arg9[%get3A_2396] {strides = array<i32>} : memref<1024xf32, #tpu.memory_space<vmem>>, vector<16xf32>,
          %get3A_2398 = vector.shape_cast %get3A_2397 : vector<16xf32> to vector<16xf32>
          %mul3A_2399 = arith.mulf %get3A_2395, %get3A_2398 : vector<16xf32>
          %swap3A_2400 = arith.constant 0 : i32
          %swap3A_2401 = tpu.memref_slice %arg6[%rem3A_1524, %scan3A_1573, %swap3A_2400] : memref<2x40x1024xf32, #tpu.memory_space<vmem>> -> memref<1x1x1024xf32, #tpu.memory_space<vmem>>
          %swap3A_2402 = tpu.memref_squeeze %swap3A_2401 : memref<1x1x1024xf32, #tpu.memory_space<vmem>> -> memref<1024xf32, #tpu.memory_space<vmem>>
          %swap3A_2403 = arith.constant 768 : index
          %swap3A_2404 = tpu.vector_load %swap3A_2402[%swap3A_2403] {strides = array<i32>} : memref<1024xf32, #tpu.memory_space<vmem>>, vector<16xf32>,
          %swap3A_2405 = vector.shape_cast %swap3A_2404 : vector<16xf32> to vector<16xf32>
          %swap3A_2406 = vector.shape_cast %mul3A_2399 : vector<16xf32> to vector<16xf32>
          tpu.vector_store %swap3A_2402[%swap3A_2403], %swap3A_2406 {strides = array<i32>} : memref<1024xf32, #tpu.memory_space<vmem>>, vector<16xf32>,
          %get3A_2407 = arith.constant 0 : i32
          %get3A_2408 = tpu.memref_slice %arg6[%rem3A_1524, %scan3A_1573, %get3A_2407] : memref<2x40x1024xf32, #tpu.memory_space<vmem>> -> memref<1x1x1024xf32, #tpu.memory_space<vmem>>
          %get3A_2409 = tpu.memref_squeeze %get3A_2408 : memref<1x1x1024xf32, #tpu.memory_space<vmem>> -> memref<1024xf32, #tpu.memory_space<vmem>>
          %get3A_2410 = arith.constant 784 : index
          %get3A_2411 = tpu.vector_load %get3A_2409[%get3A_2410] {strides = array<i32>} : memref<1024xf32, #tpu.memory_space<vmem>>, vector<16xf32>,
          %get3A_2412 = vector.shape_cast %get3A_2411 : vector<16xf32> to vector<16xf32>
          %get3A_2413 = arith.constant 784 : index
          %get3A_2414 = tpu.vector_load %arg9[%get3A_2413] {strides = array<i32>} : memref<1024xf32, #tpu.memory_space<vmem>>, vector<16xf32>,
          %get3A_2415 = vector.shape_cast %get3A_2414 : vector<16xf32> to vector<16xf32>
          %mul3A_2416 = arith.mulf %get3A_2412, %get3A_2415 : vector<16xf32>
          %swap3A_2417 = arith.constant 0 : i32
          %swap3A_2418 = tpu.memref_slice %arg6[%rem3A_1524, %scan3A_1573, %swap3A_2417] : memref<2x40x1024xf32, #tpu.memory_space<vmem>> -> memref<1x1x1024xf32, #tpu.memory_space<vmem>>
          %swap3A_2419 = tpu.memref_squeeze %swap3A_2418 : memref<1x1x1024xf32, #tpu.memory_space<vmem>> -> memref<1024xf32, #tpu.memory_space<vmem>>
          %swap3A_2420 = arith.constant 784 : index
          %swap3A_2421 = tpu.vector_load %swap3A_2419[%swap3A_2420] {strides = array<i32>} : memref<1024xf32, #tpu.memory_space<vmem>>, vector<16xf32>,
          %swap3A_2422 = vector.shape_cast %swap3A_2421 : vector<16xf32> to vector<16xf32>
          %swap3A_2423 = vector.shape_cast %mul3A_2416 : vector<16xf32> to vector<16xf32>
          tpu.vector_store %swap3A_2419[%swap3A_2420], %swap3A_2423 {strides = array<i32>} : memref<1024xf32, #tpu.memory_space<vmem>>, vector<16xf32>,
          %get3A_2424 = arith.constant 0 : i32
          %get3A_2425 = tpu.memref_slice %arg6[%rem3A_1524, %scan3A_1573, %get3A_2424] : memref<2x40x1024xf32, #tpu.memory_space<vmem>> -> memref<1x1x1024xf32, #tpu.memory_space<vmem>>
          %get3A_2426 = tpu.memref_squeeze %get3A_2425 : memref<1x1x1024xf32, #tpu.memory_space<vmem>> -> memref<1024xf32, #tpu.memory_space<vmem>>
          %get3A_2427 = arith.constant 800 : index
          %get3A_2428 = tpu.vector_load %get3A_2426[%get3A_2427] {strides = array<i32>} : memref<1024xf32, #tpu.memory_space<vmem>>, vector<16xf32>,
          %get3A_2429 = vector.shape_cast %get3A_2428 : vector<16xf32> to vector<16xf32>
          %get3A_2430 = arith.constant 800 : index
          %get3A_2431 = tpu.vector_load %arg9[%get3A_2430] {strides = array<i32>} : memref<1024xf32, #tpu.memory_space<vmem>>, vector<16xf32>,
          %get3A_2432 = vector.shape_cast %get3A_2431 : vector<16xf32> to vector<16xf32>
          %mul3A_2433 = arith.mulf %get3A_2429, %get3A_2432 : vector<16xf32>
          %swap3A_2434 = arith.constant 0 : i32
          %swap3A_2435 = tpu.memref_slice %arg6[%rem3A_1524, %scan3A_1573, %swap3A_2434] : memref<2x40x1024xf32, #tpu.memory_space<vmem>> -> memref<1x1x1024xf32, #tpu.memory_space<vmem>>
          %swap3A_2436 = tpu.memref_squeeze %swap3A_2435 : memref<1x1x1024xf32, #tpu.memory_space<vmem>> -> memref<1024xf32, #tpu.memory_space<vmem>>
          %swap3A_2437 = arith.constant 800 : index
          %swap3A_2438 = tpu.vector_load %swap3A_2436[%swap3A_2437] {strides = array<i32>} : memref<1024xf32, #tpu.memory_space<vmem>>, vector<16xf32>,
          %swap3A_2439 = vector.shape_cast %swap3A_2438 : vector<16xf32> to vector<16xf32>
          %swap3A_2440 = vector.shape_cast %mul3A_2433 : vector<16xf32> to vector<16xf32>
          tpu.vector_store %swap3A_2436[%swap3A_2437], %swap3A_2440 {strides = array<i32>} : memref<1024xf32, #tpu.memory_space<vmem>>, vector<16xf32>,
          %get3A_2441 = arith.constant 0 : i32
          %get3A_2442 = tpu.memref_slice %arg6[%rem3A_1524, %scan3A_1573, %get3A_2441] : memref<2x40x1024xf32, #tpu.memory_space<vmem>> -> memref<1x1x1024xf32, #tpu.memory_space<vmem>>
          %get3A_2443 = tpu.memref_squeeze %get3A_2442 : memref<1x1x1024xf32, #tpu.memory_space<vmem>> -> memref<1024xf32, #tpu.memory_space<vmem>>
          %get3A_2444 = arith.constant 816 : index
          %get3A_2445 = tpu.vector_load %get3A_2443[%get3A_2444] {strides = array<i32>} : memref<1024xf32, #tpu.memory_space<vmem>>, vector<16xf32>,
          %get3A_2446 = vector.shape_cast %get3A_2445 : vector<16xf32> to vector<16xf32>
          %get3A_2447 = arith.constant 816 : index
          %get3A_2448 = tpu.vector_load %arg9[%get3A_2447] {strides = array<i32>} : memref<1024xf32, #tpu.memory_space<vmem>>, vector<16xf32>,
          %get3A_2449 = vector.shape_cast %get3A_2448 : vector<16xf32> to vector<16xf32>
          %mul3A_2450 = arith.mulf %get3A_2446, %get3A_2449 : vector<16xf32>
          %swap3A_2451 = arith.constant 0 : i32
          %swap3A_2452 = tpu.memref_slice %arg6[%rem3A_1524, %scan3A_1573, %swap3A_2451] : memref<2x40x1024xf32, #tpu.memory_space<vmem>> -> memref<1x1x1024xf32, #tpu.memory_space<vmem>>
          %swap3A_2453 = tpu.memref_squeeze %swap3A_2452 : memref<1x1x1024xf32, #tpu.memory_space<vmem>> -> memref<1024xf32, #tpu.memory_space<vmem>>
          %swap3A_2454 = arith.constant 816 : index
          %swap3A_2455 = tpu.vector_load %swap3A_2453[%swap3A_2454] {strides = array<i32>} : memref<1024xf32, #tpu.memory_space<vmem>>, vector<16xf32>,
          %swap3A_2456 = vector.shape_cast %swap3A_2455 : vector<16xf32> to vector<16xf32>
          %swap3A_2457 = vector.shape_cast %mul3A_2450 : vector<16xf32> to vector<16xf32>
          tpu.vector_store %swap3A_2453[%swap3A_2454], %swap3A_2457 {strides = array<i32>} : memref<1024xf32, #tpu.memory_space<vmem>>, vector<16xf32>,
          %get3A_2458 = arith.constant 0 : i32
          %get3A_2459 = tpu.memref_slice %arg6[%rem3A_1524, %scan3A_1573, %get3A_2458] : memref<2x40x1024xf32, #tpu.memory_space<vmem>> -> memref<1x1x1024xf32, #tpu.memory_space<vmem>>
          %get3A_2460 = tpu.memref_squeeze %get3A_2459 : memref<1x1x1024xf32, #tpu.memory_space<vmem>> -> memref<1024xf32, #tpu.memory_space<vmem>>
          %get3A_2461 = arith.constant 832 : index
          %get3A_2462 = tpu.vector_load %get3A_2460[%get3A_2461] {strides = array<i32>} : memref<1024xf32, #tpu.memory_space<vmem>>, vector<16xf32>,
          %get3A_2463 = vector.shape_cast %get3A_2462 : vector<16xf32> to vector<16xf32>
          %get3A_2464 = arith.constant 832 : index
          %get3A_2465 = tpu.vector_load %arg9[%get3A_2464] {strides = array<i32>} : memref<1024xf32, #tpu.memory_space<vmem>>, vector<16xf32>,
          %get3A_2466 = vector.shape_cast %get3A_2465 : vector<16xf32> to vector<16xf32>
          %mul3A_2467 = arith.mulf %get3A_2463, %get3A_2466 : vector<16xf32>
          %swap3A_2468 = arith.constant 0 : i32
          %swap3A_2469 = tpu.memref_slice %arg6[%rem3A_1524, %scan3A_1573, %swap3A_2468] : memref<2x40x1024xf32, #tpu.memory_space<vmem>> -> memref<1x1x1024xf32, #tpu.memory_space<vmem>>
          %swap3A_2470 = tpu.memref_squeeze %swap3A_2469 : memref<1x1x1024xf32, #tpu.memory_space<vmem>> -> memref<1024xf32, #tpu.memory_space<vmem>>
          %swap3A_2471 = arith.constant 832 : index
          %swap3A_2472 = tpu.vector_load %swap3A_2470[%swap3A_2471] {strides = array<i32>} : memref<1024xf32, #tpu.memory_space<vmem>>, vector<16xf32>,
          %swap3A_2473 = vector.shape_cast %swap3A_2472 : vector<16xf32> to vector<16xf32>
          %swap3A_2474 = vector.shape_cast %mul3A_2467 : vector<16xf32> to vector<16xf32>
          tpu.vector_store %swap3A_2470[%swap3A_2471], %swap3A_2474 {strides = array<i32>} : memref<1024xf32, #tpu.memory_space<vmem>>, vector<16xf32>,
          %get3A_2475 = arith.constant 0 : i32
          %get3A_2476 = tpu.memref_slice %arg6[%rem3A_1524, %scan3A_1573, %get3A_2475] : memref<2x40x1024xf32, #tpu.memory_space<vmem>> -> memref<1x1x1024xf32, #tpu.memory_space<vmem>>
          %get3A_2477 = tpu.memref_squeeze %get3A_2476 : memref<1x1x1024xf32, #tpu.memory_space<vmem>> -> memref<1024xf32, #tpu.memory_space<vmem>>
          %get3A_2478 = arith.constant 848 : index
          %get3A_2479 = tpu.vector_load %get3A_2477[%get3A_2478] {strides = array<i32>} : memref<1024xf32, #tpu.memory_space<vmem>>, vector<16xf32>,
          %get3A_2480 = vector.shape_cast %get3A_2479 : vector<16xf32> to vector<16xf32>
          %get3A_2481 = arith.constant 848 : index
          %get3A_2482 = tpu.vector_load %arg9[%get3A_2481] {strides = array<i32>} : memref<1024xf32, #tpu.memory_space<vmem>>, vector<16xf32>,
          %get3A_2483 = vector.shape_cast %get3A_2482 : vector<16xf32> to vector<16xf32>
          %mul3A_2484 = arith.mulf %get3A_2480, %get3A_2483 : vector<16xf32>
          %swap3A_2485 = arith.constant 0 : i32
          %swap3A_2486 = tpu.memref_slice %arg6[%rem3A_1524, %scan3A_1573, %swap3A_2485] : memref<2x40x1024xf32, #tpu.memory_space<vmem>> -> memref<1x1x1024xf32, #tpu.memory_space<vmem>>
          %swap3A_2487 = tpu.memref_squeeze %swap3A_2486 : memref<1x1x1024xf32, #tpu.memory_space<vmem>> -> memref<1024xf32, #tpu.memory_space<vmem>>
          %swap3A_2488 = arith.constant 848 : index
          %swap3A_2489 = tpu.vector_load %swap3A_2487[%swap3A_2488] {strides = array<i32>} : memref<1024xf32, #tpu.memory_space<vmem>>, vector<16xf32>,
          %swap3A_2490 = vector.shape_cast %swap3A_2489 : vector<16xf32> to vector<16xf32>
          %swap3A_2491 = vector.shape_cast %mul3A_2484 : vector<16xf32> to vector<16xf32>
          tpu.vector_store %swap3A_2487[%swap3A_2488], %swap3A_2491 {strides = array<i32>} : memref<1024xf32, #tpu.memory_space<vmem>>, vector<16xf32>,
          %get3A_2492 = arith.constant 0 : i32
          %get3A_2493 = tpu.memref_slice %arg6[%rem3A_1524, %scan3A_1573, %get3A_2492] : memref<2x40x1024xf32, #tpu.memory_space<vmem>> -> memref<1x1x1024xf32, #tpu.memory_space<vmem>>
          %get3A_2494 = tpu.memref_squeeze %get3A_2493 : memref<1x1x1024xf32, #tpu.memory_space<vmem>> -> memref<1024xf32, #tpu.memory_space<vmem>>
          %get3A_2495 = arith.constant 864 : index
          %get3A_2496 = tpu.vector_load %get3A_2494[%get3A_2495] {strides = array<i32>} : memref<1024xf32, #tpu.memory_space<vmem>>, vector<16xf32>,
          %get3A_2497 = vector.shape_cast %get3A_2496 : vector<16xf32> to vector<16xf32>
          %get3A_2498 = arith.constant 864 : index
          %get3A_2499 = tpu.vector_load %arg9[%get3A_2498] {strides = array<i32>} : memref<1024xf32, #tpu.memory_space<vmem>>, vector<16xf32>,
          %get3A_2500 = vector.shape_cast %get3A_2499 : vector<16xf32> to vector<16xf32>
          %mul3A_2501 = arith.mulf %get3A_2497, %get3A_2500 : vector<16xf32>
          %swap3A_2502 = arith.constant 0 : i32
          %swap3A_2503 = tpu.memref_slice %arg6[%rem3A_1524, %scan3A_1573, %swap3A_2502] : memref<2x40x1024xf32, #tpu.memory_space<vmem>> -> memref<1x1x1024xf32, #tpu.memory_space<vmem>>
          %swap3A_2504 = tpu.memref_squeeze %swap3A_2503 : memref<1x1x1024xf32, #tpu.memory_space<vmem>> -> memref<1024xf32, #tpu.memory_space<vmem>>
          %swap3A_2505 = arith.constant 864 : index
          %swap3A_2506 = tpu.vector_load %swap3A_2504[%swap3A_2505] {strides = array<i32>} : memref<1024xf32, #tpu.memory_space<vmem>>, vector<16xf32>,
          %swap3A_2507 = vector.shape_cast %swap3A_2506 : vector<16xf32> to vector<16xf32>
          %swap3A_2508 = vector.shape_cast %mul3A_2501 : vector<16xf32> to vector<16xf32>
          tpu.vector_store %swap3A_2504[%swap3A_2505], %swap3A_2508 {strides = array<i32>} : memref<1024xf32, #tpu.memory_space<vmem>>, vector<16xf32>,
          %get3A_2509 = arith.constant 0 : i32
          %get3A_2510 = tpu.memref_slice %arg6[%rem3A_1524, %scan3A_1573, %get3A_2509] : memref<2x40x1024xf32, #tpu.memory_space<vmem>> -> memref<1x1x1024xf32, #tpu.memory_space<vmem>>
          %get3A_2511 = tpu.memref_squeeze %get3A_2510 : memref<1x1x1024xf32, #tpu.memory_space<vmem>> -> memref<1024xf32, #tpu.memory_space<vmem>>
          %get3A_2512 = arith.constant 880 : index
          %get3A_2513 = tpu.vector_load %get3A_2511[%get3A_2512] {strides = array<i32>} : memref<1024xf32, #tpu.memory_space<vmem>>, vector<16xf32>,
          %get3A_2514 = vector.shape_cast %get3A_2513 : vector<16xf32> to vector<16xf32>
          %get3A_2515 = arith.constant 880 : index
          %get3A_2516 = tpu.vector_load %arg9[%get3A_2515] {strides = array<i32>} : memref<1024xf32, #tpu.memory_space<vmem>>, vector<16xf32>,
          %get3A_2517 = vector.shape_cast %get3A_2516 : vector<16xf32> to vector<16xf32>
          %mul3A_2518 = arith.mulf %get3A_2514, %get3A_2517 : vector<16xf32>
          %swap3A_2519 = arith.constant 0 : i32
          %swap3A_2520 = tpu.memref_slice %arg6[%rem3A_1524, %scan3A_1573, %swap3A_2519] : memref<2x40x1024xf32, #tpu.memory_space<vmem>> -> memref<1x1x1024xf32, #tpu.memory_space<vmem>>
          %swap3A_2521 = tpu.memref_squeeze %swap3A_2520 : memref<1x1x1024xf32, #tpu.memory_space<vmem>> -> memref<1024xf32, #tpu.memory_space<vmem>>
          %swap3A_2522 = arith.constant 880 : index
          %swap3A_2523 = tpu.vector_load %swap3A_2521[%swap3A_2522] {strides = array<i32>} : memref<1024xf32, #tpu.memory_space<vmem>>, vector<16xf32>,
          %swap3A_2524 = vector.shape_cast %swap3A_2523 : vector<16xf32> to vector<16xf32>
          %swap3A_2525 = vector.shape_cast %mul3A_2518 : vector<16xf32> to vector<16xf32>
          tpu.vector_store %swap3A_2521[%swap3A_2522], %swap3A_2525 {strides = array<i32>} : memref<1024xf32, #tpu.memory_space<vmem>>, vector<16xf32>,
          %get3A_2526 = arith.constant 0 : i32
          %get3A_2527 = tpu.memref_slice %arg6[%rem3A_1524, %scan3A_1573, %get3A_2526] : memref<2x40x1024xf32, #tpu.memory_space<vmem>> -> memref<1x1x1024xf32, #tpu.memory_space<vmem>>
          %get3A_2528 = tpu.memref_squeeze %get3A_2527 : memref<1x1x1024xf32, #tpu.memory_space<vmem>> -> memref<1024xf32, #tpu.memory_space<vmem>>
          %get3A_2529 = arith.constant 896 : index
          %get3A_2530 = tpu.vector_load %get3A_2528[%get3A_2529] {strides = array<i32>} : memref<1024xf32, #tpu.memory_space<vmem>>, vector<16xf32>,
          %get3A_2531 = vector.shape_cast %get3A_2530 : vector<16xf32> to vector<16xf32>
          %get3A_2532 = arith.constant 896 : index
          %get3A_2533 = tpu.vector_load %arg9[%get3A_2532] {strides = array<i32>} : memref<1024xf32, #tpu.memory_space<vmem>>, vector<16xf32>,
          %get3A_2534 = vector.shape_cast %get3A_2533 : vector<16xf32> to vector<16xf32>
          %mul3A_2535 = arith.mulf %get3A_2531, %get3A_2534 : vector<16xf32>
          %swap3A_2536 = arith.constant 0 : i32
          %swap3A_2537 = tpu.memref_slice %arg6[%rem3A_1524, %scan3A_1573, %swap3A_2536] : memref<2x40x1024xf32, #tpu.memory_space<vmem>> -> memref<1x1x1024xf32, #tpu.memory_space<vmem>>
          %swap3A_2538 = tpu.memref_squeeze %swap3A_2537 : memref<1x1x1024xf32, #tpu.memory_space<vmem>> -> memref<1024xf32, #tpu.memory_space<vmem>>
          %swap3A_2539 = arith.constant 896 : index
          %swap3A_2540 = tpu.vector_load %swap3A_2538[%swap3A_2539] {strides = array<i32>} : memref<1024xf32, #tpu.memory_space<vmem>>, vector<16xf32>,
          %swap3A_2541 = vector.shape_cast %swap3A_2540 : vector<16xf32> to vector<16xf32>
          %swap3A_2542 = vector.shape_cast %mul3A_2535 : vector<16xf32> to vector<16xf32>
          tpu.vector_store %swap3A_2538[%swap3A_2539], %swap3A_2542 {strides = array<i32>} : memref<1024xf32, #tpu.memory_space<vmem>>, vector<16xf32>,
          %get3A_2543 = arith.constant 0 : i32
          %get3A_2544 = tpu.memref_slice %arg6[%rem3A_1524, %scan3A_1573, %get3A_2543] : memref<2x40x1024xf32, #tpu.memory_space<vmem>> -> memref<1x1x1024xf32, #tpu.memory_space<vmem>>
          %get3A_2545 = tpu.memref_squeeze %get3A_2544 : memref<1x1x1024xf32, #tpu.memory_space<vmem>> -> memref<1024xf32, #tpu.memory_space<vmem>>
          %get3A_2546 = arith.constant 912 : index
          %get3A_2547 = tpu.vector_load %get3A_2545[%get3A_2546] {strides = array<i32>} : memref<1024xf32, #tpu.memory_space<vmem>>, vector<16xf32>,
          %get3A_2548 = vector.shape_cast %get3A_2547 : vector<16xf32> to vector<16xf32>
          %get3A_2549 = arith.constant 912 : index
          %get3A_2550 = tpu.vector_load %arg9[%get3A_2549] {strides = array<i32>} : memref<1024xf32, #tpu.memory_space<vmem>>, vector<16xf32>,
          %get3A_2551 = vector.shape_cast %get3A_2550 : vector<16xf32> to vector<16xf32>
          %mul3A_2552 = arith.mulf %get3A_2548, %get3A_2551 : vector<16xf32>
          %swap3A_2553 = arith.constant 0 : i32
          %swap3A_2554 = tpu.memref_slice %arg6[%rem3A_1524, %scan3A_1573, %swap3A_2553] : memref<2x40x1024xf32, #tpu.memory_space<vmem>> -> memref<1x1x1024xf32, #tpu.memory_space<vmem>>
          %swap3A_2555 = tpu.memref_squeeze %swap3A_2554 : memref<1x1x1024xf32, #tpu.memory_space<vmem>> -> memref<1024xf32, #tpu.memory_space<vmem>>
          %swap3A_2556 = arith.constant 912 : index
          %swap3A_2557 = tpu.vector_load %swap3A_2555[%swap3A_2556] {strides = array<i32>} : memref<1024xf32, #tpu.memory_space<vmem>>, vector<16xf32>,
          %swap3A_2558 = vector.shape_cast %swap3A_2557 : vector<16xf32> to vector<16xf32>
          %swap3A_2559 = vector.shape_cast %mul3A_2552 : vector<16xf32> to vector<16xf32>
          tpu.vector_store %swap3A_2555[%swap3A_2556], %swap3A_2559 {strides = array<i32>} : memref<1024xf32, #tpu.memory_space<vmem>>, vector<16xf32>,
          %get3A_2560 = arith.constant 0 : i32
          %get3A_2561 = tpu.memref_slice %arg6[%rem3A_1524, %scan3A_1573, %get3A_2560] : memref<2x40x1024xf32, #tpu.memory_space<vmem>> -> memref<1x1x1024xf32, #tpu.memory_space<vmem>>
          %get3A_2562 = tpu.memref_squeeze %get3A_2561 : memref<1x1x1024xf32, #tpu.memory_space<vmem>> -> memref<1024xf32, #tpu.memory_space<vmem>>
          %get3A_2563 = arith.constant 928 : index
          %get3A_2564 = tpu.vector_load %get3A_2562[%get3A_2563] {strides = array<i32>} : memref<1024xf32, #tpu.memory_space<vmem>>, vector<16xf32>,
          %get3A_2565 = vector.shape_cast %get3A_2564 : vector<16xf32> to vector<16xf32>
          %get3A_2566 = arith.constant 928 : index
          %get3A_2567 = tpu.vector_load %arg9[%get3A_2566] {strides = array<i32>} : memref<1024xf32, #tpu.memory_space<vmem>>, vector<16xf32>,
          %get3A_2568 = vector.shape_cast %get3A_2567 : vector<16xf32> to vector<16xf32>
          %mul3A_2569 = arith.mulf %get3A_2565, %get3A_2568 : vector<16xf32>
          %swap3A_2570 = arith.constant 0 : i32
          %swap3A_2571 = tpu.memref_slice %arg6[%rem3A_1524, %scan3A_1573, %swap3A_2570] : memref<2x40x1024xf32, #tpu.memory_space<vmem>> -> memref<1x1x1024xf32, #tpu.memory_space<vmem>>
          %swap3A_2572 = tpu.memref_squeeze %swap3A_2571 : memref<1x1x1024xf32, #tpu.memory_space<vmem>> -> memref<1024xf32, #tpu.memory_space<vmem>>
          %swap3A_2573 = arith.constant 928 : index
          %swap3A_2574 = tpu.vector_load %swap3A_2572[%swap3A_2573] {strides = array<i32>} : memref<1024xf32, #tpu.memory_space<vmem>>, vector<16xf32>,
          %swap3A_2575 = vector.shape_cast %swap3A_2574 : vector<16xf32> to vector<16xf32>
          %swap3A_2576 = vector.shape_cast %mul3A_2569 : vector<16xf32> to vector<16xf32>
          tpu.vector_store %swap3A_2572[%swap3A_2573], %swap3A_2576 {strides = array<i32>} : memref<1024xf32, #tpu.memory_space<vmem>>, vector<16xf32>,
          %get3A_2577 = arith.constant 0 : i32
          %get3A_2578 = tpu.memref_slice %arg6[%rem3A_1524, %scan3A_1573, %get3A_2577] : memref<2x40x1024xf32, #tpu.memory_space<vmem>> -> memref<1x1x1024xf32, #tpu.memory_space<vmem>>
          %get3A_2579 = tpu.memref_squeeze %get3A_2578 : memref<1x1x1024xf32, #tpu.memory_space<vmem>> -> memref<1024xf32, #tpu.memory_space<vmem>>
          %get3A_2580 = arith.constant 944 : index
          %get3A_2581 = tpu.vector_load %get3A_2579[%get3A_2580] {strides = array<i32>} : memref<1024xf32, #tpu.memory_space<vmem>>, vector<16xf32>,
          %get3A_2582 = vector.shape_cast %get3A_2581 : vector<16xf32> to vector<16xf32>
          %get3A_2583 = arith.constant 944 : index
          %get3A_2584 = tpu.vector_load %arg9[%get3A_2583] {strides = array<i32>} : memref<1024xf32, #tpu.memory_space<vmem>>, vector<16xf32>,
          %get3A_2585 = vector.shape_cast %get3A_2584 : vector<16xf32> to vector<16xf32>
          %mul3A_2586 = arith.mulf %get3A_2582, %get3A_2585 : vector<16xf32>
          %swap3A_2587 = arith.constant 0 : i32
          %swap3A_2588 = tpu.memref_slice %arg6[%rem3A_1524, %scan3A_1573, %swap3A_2587] : memref<2x40x1024xf32, #tpu.memory_space<vmem>> -> memref<1x1x1024xf32, #tpu.memory_space<vmem>>
          %swap3A_2589 = tpu.memref_squeeze %swap3A_2588 : memref<1x1x1024xf32, #tpu.memory_space<vmem>> -> memref<1024xf32, #tpu.memory_space<vmem>>
          %swap3A_2590 = arith.constant 944 : index
          %swap3A_2591 = tpu.vector_load %swap3A_2589[%swap3A_2590] {strides = array<i32>} : memref<1024xf32, #tpu.memory_space<vmem>>, vector<16xf32>,
          %swap3A_2592 = vector.shape_cast %swap3A_2591 : vector<16xf32> to vector<16xf32>
          %swap3A_2593 = vector.shape_cast %mul3A_2586 : vector<16xf32> to vector<16xf32>
          tpu.vector_store %swap3A_2589[%swap3A_2590], %swap3A_2593 {strides = array<i32>} : memref<1024xf32, #tpu.memory_space<vmem>>, vector<16xf32>,
          %get3A_2594 = arith.constant 0 : i32
          %get3A_2595 = tpu.memref_slice %arg6[%rem3A_1524, %scan3A_1573, %get3A_2594] : memref<2x40x1024xf32, #tpu.memory_space<vmem>> -> memref<1x1x1024xf32, #tpu.memory_space<vmem>>
          %get3A_2596 = tpu.memref_squeeze %get3A_2595 : memref<1x1x1024xf32, #tpu.memory_space<vmem>> -> memref<1024xf32, #tpu.memory_space<vmem>>
          %get3A_2597 = arith.constant 960 : index
          %get3A_2598 = tpu.vector_load %get3A_2596[%get3A_2597] {strides = array<i32>} : memref<1024xf32, #tpu.memory_space<vmem>>, vector<16xf32>,
          %get3A_2599 = vector.shape_cast %get3A_2598 : vector<16xf32> to vector<16xf32>
          %get3A_2600 = arith.constant 960 : index
          %get3A_2601 = tpu.vector_load %arg9[%get3A_2600] {strides = array<i32>} : memref<1024xf32, #tpu.memory_space<vmem>>, vector<16xf32>,
          %get3A_2602 = vector.shape_cast %get3A_2601 : vector<16xf32> to vector<16xf32>
          %mul3A_2603 = arith.mulf %get3A_2599, %get3A_2602 : vector<16xf32>
          %swap3A_2604 = arith.constant 0 : i32
          %swap3A_2605 = tpu.memref_slice %arg6[%rem3A_1524, %scan3A_1573, %swap3A_2604] : memref<2x40x1024xf32, #tpu.memory_space<vmem>> -> memref<1x1x1024xf32, #tpu.memory_space<vmem>>
          %swap3A_2606 = tpu.memref_squeeze %swap3A_2605 : memref<1x1x1024xf32, #tpu.memory_space<vmem>> -> memref<1024xf32, #tpu.memory_space<vmem>>
          %swap3A_2607 = arith.constant 960 : index
          %swap3A_2608 = tpu.vector_load %swap3A_2606[%swap3A_2607] {strides = array<i32>} : memref<1024xf32, #tpu.memory_space<vmem>>, vector<16xf32>,
          %swap3A_2609 = vector.shape_cast %swap3A_2608 : vector<16xf32> to vector<16xf32>
          %swap3A_2610 = vector.shape_cast %mul3A_2603 : vector<16xf32> to vector<16xf32>
          tpu.vector_store %swap3A_2606[%swap3A_2607], %swap3A_2610 {strides = array<i32>} : memref<1024xf32, #tpu.memory_space<vmem>>, vector<16xf32>,
          %get3A_2611 = arith.constant 0 : i32
          %get3A_2612 = tpu.memref_slice %arg6[%rem3A_1524, %scan3A_1573, %get3A_2611] : memref<2x40x1024xf32, #tpu.memory_space<vmem>> -> memref<1x1x1024xf32, #tpu.memory_space<vmem>>
          %get3A_2613 = tpu.memref_squeeze %get3A_2612 : memref<1x1x1024xf32, #tpu.memory_space<vmem>> -> memref<1024xf32, #tpu.memory_space<vmem>>
          %get3A_2614 = arith.constant 976 : index
          %get3A_2615 = tpu.vector_load %get3A_2613[%get3A_2614] {strides = array<i32>} : memref<1024xf32, #tpu.memory_space<vmem>>, vector<16xf32>,
          %get3A_2616 = vector.shape_cast %get3A_2615 : vector<16xf32> to vector<16xf32>
          %get3A_2617 = arith.constant 976 : index
          %get3A_2618 = tpu.vector_load %arg9[%get3A_2617] {strides = array<i32>} : memref<1024xf32, #tpu.memory_space<vmem>>, vector<16xf32>,
          %get3A_2619 = vector.shape_cast %get3A_2618 : vector<16xf32> to vector<16xf32>
          %mul3A_2620 = arith.mulf %get3A_2616, %get3A_2619 : vector<16xf32>
          %swap3A_2621 = arith.constant 0 : i32
          %swap3A_2622 = tpu.memref_slice %arg6[%rem3A_1524, %scan3A_1573, %swap3A_2621] : memref<2x40x1024xf32, #tpu.memory_space<vmem>> -> memref<1x1x1024xf32, #tpu.memory_space<vmem>>
          %swap3A_2623 = tpu.memref_squeeze %swap3A_2622 : memref<1x1x1024xf32, #tpu.memory_space<vmem>> -> memref<1024xf32, #tpu.memory_space<vmem>>
          %swap3A_2624 = arith.constant 976 : index
          %swap3A_2625 = tpu.vector_load %swap3A_2623[%swap3A_2624] {strides = array<i32>} : memref<1024xf32, #tpu.memory_space<vmem>>, vector<16xf32>,
          %swap3A_2626 = vector.shape_cast %swap3A_2625 : vector<16xf32> to vector<16xf32>
          %swap3A_2627 = vector.shape_cast %mul3A_2620 : vector<16xf32> to vector<16xf32>
          tpu.vector_store %swap3A_2623[%swap3A_2624], %swap3A_2627 {strides = array<i32>} : memref<1024xf32, #tpu.memory_space<vmem>>, vector<16xf32>,
          %get3A_2628 = arith.constant 0 : i32
          %get3A_2629 = tpu.memref_slice %arg6[%rem3A_1524, %scan3A_1573, %get3A_2628] : memref<2x40x1024xf32, #tpu.memory_space<vmem>> -> memref<1x1x1024xf32, #tpu.memory_space<vmem>>
          %get3A_2630 = tpu.memref_squeeze %get3A_2629 : memref<1x1x1024xf32, #tpu.memory_space<vmem>> -> memref<1024xf32, #tpu.memory_space<vmem>>
          %get3A_2631 = arith.constant 992 : index
          %get3A_2632 = tpu.vector_load %get3A_2630[%get3A_2631] {strides = array<i32>} : memref<1024xf32, #tpu.memory_space<vmem>>, vector<16xf32>,
          %get3A_2633 = vector.shape_cast %get3A_2632 : vector<16xf32> to vector<16xf32>
          %get3A_2634 = arith.constant 992 : index
          %get3A_2635 = tpu.vector_load %arg9[%get3A_2634] {strides = array<i32>} : memref<1024xf32, #tpu.memory_space<vmem>>, vector<16xf32>,
          %get3A_2636 = vector.shape_cast %get3A_2635 : vector<16xf32> to vector<16xf32>
          %mul3A_2637 = arith.mulf %get3A_2633, %get3A_2636 : vector<16xf32>
          %swap3A_2638 = arith.constant 0 : i32
          %swap3A_2639 = tpu.memref_slice %arg6[%rem3A_1524, %scan3A_1573, %swap3A_2638] : memref<2x40x1024xf32, #tpu.memory_space<vmem>> -> memref<1x1x1024xf32, #tpu.memory_space<vmem>>
          %swap3A_2640 = tpu.memref_squeeze %swap3A_2639 : memref<1x1x1024xf32, #tpu.memory_space<vmem>> -> memref<1024xf32, #tpu.memory_space<vmem>>
          %swap3A_2641 = arith.constant 992 : index
          %swap3A_2642 = tpu.vector_load %swap3A_2640[%swap3A_2641] {strides = array<i32>} : memref<1024xf32, #tpu.memory_space<vmem>>, vector<16xf32>,
          %swap3A_2643 = vector.shape_cast %swap3A_2642 : vector<16xf32> to vector<16xf32>
          %swap3A_2644 = vector.shape_cast %mul3A_2637 : vector<16xf32> to vector<16xf32>
          tpu.vector_store %swap3A_2640[%swap3A_2641], %swap3A_2644 {strides = array<i32>} : memref<1024xf32, #tpu.memory_space<vmem>>, vector<16xf32>,
          %get3A_2645 = arith.constant 0 : i32
          %get3A_2646 = tpu.memref_slice %arg6[%rem3A_1524, %scan3A_1573, %get3A_2645] : memref<2x40x1024xf32, #tpu.memory_space<vmem>> -> memref<1x1x1024xf32, #tpu.memory_space<vmem>>
          %get3A_2647 = tpu.memref_squeeze %get3A_2646 : memref<1x1x1024xf32, #tpu.memory_space<vmem>> -> memref<1024xf32, #tpu.memory_space<vmem>>
          %get3A_2648 = arith.constant 1008 : index
          %get3A_2649 = tpu.vector_load %get3A_2647[%get3A_2648] {strides = array<i32>} : memref<1024xf32, #tpu.memory_space<vmem>>, vector<16xf32>,
          %get3A_2650 = vector.shape_cast %get3A_2649 : vector<16xf32> to vector<16xf32>
          %get3A_2651 = arith.constant 1008 : index
          %get3A_2652 = tpu.vector_load %arg9[%get3A_2651] {strides = array<i32>} : memref<1024xf32, #tpu.memory_space<vmem>>, vector<16xf32>,
          %get3A_2653 = vector.shape_cast %get3A_2652 : vector<16xf32> to vector<16xf32>
          %mul3A_2654 = arith.mulf %get3A_2650, %get3A_2653 : vector<16xf32>
          %swap3A_2655 = arith.constant 0 : i32
          %swap3A_2656 = tpu.memref_slice %arg6[%rem3A_1524, %scan3A_1573, %swap3A_2655] : memref<2x40x1024xf32, #tpu.memory_space<vmem>> -> memref<1x1x1024xf32, #tpu.memory_space<vmem>>
          %swap3A_2657 = tpu.memref_squeeze %swap3A_2656 : memref<1x1x1024xf32, #tpu.memory_space<vmem>> -> memref<1024xf32, #tpu.memory_space<vmem>>
          %swap3A_2658 = arith.constant 1008 : index
          %swap3A_2659 = tpu.vector_load %swap3A_2657[%swap3A_2658] {strides = array<i32>} : memref<1024xf32, #tpu.memory_space<vmem>>, vector<16xf32>,
          %swap3A_2660 = vector.shape_cast %swap3A_2659 : vector<16xf32> to vector<16xf32>
          %swap3A_2661 = vector.shape_cast %mul3A_2654 : vector<16xf32> to vector<16xf32>
          tpu.vector_store %swap3A_2657[%swap3A_2658], %swap3A_2661 {strides = array<i32>} : memref<1024xf32, #tpu.memory_space<vmem>>, vector<16xf32>,
        }
        %scan3A_1551 = arith.constant 40 : i32
        %rem3A_1552 = arith.constant 2 : i32
        %rem3A_1553 = arith.remsi %while3A_1503, %rem3A_1552 : i32
        %mul3A_1554 = arith.constant 32 : i32
        %mul3A_1555 = arith.muli %mul3A_1554, %while3A_1503 : i32
        %add3A_1556 = arith.addi %add3A, %mul3A_1555 : i32
        %mul3A_1557 = arith.constant 40 : i32
        %mul3A_1558 = arith.muli %add3A_1556, %mul3A_1557 : i32
        %dma_start3A_1559 = arith.constant 0 : i32
        %dma_start3A_1560 = arith.constant 0 : i32
        %dma_start3A_1561 = tpu.memref_slice %arg6[%rem3A_1553, %dma_start3A_1559, %dma_start3A_1560] : memref<2x40x1024xf32, #tpu.memory_space<vmem>> -> memref<1x40x1024xf32, #tpu.memory_space<vmem>>
        %dma_start3A_1562 = tpu.memref_squeeze %dma_start3A_1561 : memref<1x40x1024xf32, #tpu.memory_space<vmem>> -> memref<40x1024xf32, #tpu.memory_space<vmem>>
        %dma_start3A_1563 = arith.constant 0 : i32
        %dma_start3A_1564 = tpu.memref_slice %arg5[%mul3A_1558, %dma_start3A_1563] : memref<100000x1024xf32, #tpu.memory_space<hbm>> -> memref<40x1024xf32, #tpu.memory_space<hbm>>
        %dma_start3A_1565 = tpu.memref_slice %arg11[%rem3A_1553] : memref<2x!tpu.dma_semaphore, #tpu.memory_space<semaphore_mem>> -> memref<1x!tpu.dma_semaphore, #tpu.memory_space<semaphore_mem>>
        %dma_start3A_1566 = tpu.memref_squeeze %dma_start3A_1565 : memref<1x!tpu.dma_semaphore, #tpu.memory_space<semaphore_mem>> -> memref<!tpu.dma_semaphore, #tpu.memory_space<semaphore_mem>>
        %dma_start3A_1567 = arith.constant 0 : i32
        %dma_start3A_1568 = tpu.memref_slice %arg5[%mul3A_1558, %dma_start3A_1567] : memref<100000x1024xf32, #tpu.memory_space<hbm>> -> memref<40x1024xf32, #tpu.memory_space<hbm>>
        %dma_start3A_1569 = arith.constant 0 : i32
        %dma_start3A_1570 = arith.constant 0 : i32
        %dma_start3A_1571 = tpu.memref_slice %arg6[%rem3A_1553, %dma_start3A_1569, %dma_start3A_1570] : memref<2x40x1024xf32, #tpu.memory_space<vmem>> -> memref<1x40x1024xf32, #tpu.memory_space<vmem>>
        %dma_start3A_1572 = tpu.memref_squeeze %dma_start3A_1571 : memref<1x40x1024xf32, #tpu.memory_space<vmem>> -> memref<40x1024xf32, #tpu.memory_space<vmem>>
        tpu.enqueue_dma source(%dma_start3A_1572 : memref<40x1024xf32, #tpu.memory_space<vmem>>) target(%dma_start3A_1568 : memref<40x1024xf32, #tpu.memory_space<hbm>>) target_semaphore(%dma_start3A_1566 : memref<!tpu.dma_semaphore, #tpu.memory_space<semaphore_mem>>)
      } else {
      }
      %add3A_1509 = arith.constant 1 : i32
      %add3A_1510 = arith.addi %while3A_1503, %add3A_1509 : i32
      %mul3A_1511 = arith.constant 32 : i32
      %mul3A_1512 = arith.muli %mul3A_1511, %add3A_1510 : i32
      %add3A_1513 = arith.addi %add3A, %mul3A_1512 : i32
      %lt3A_1514 = arith.constant 2500 : i32
      %lt3A_1515 = arith.cmpi slt, %add3A_1513, %lt3A_1514 : i32
      %ge3A = arith.constant 1 : i32
      %ge3A_1516 = arith.cmpi sge, %while3A_1503, %ge3A : i32
      %and3A = arith.andi %ge3A_1516, %lt3A_1515 : i1
      %convert_element_type3A_1517 = arith.extui %and3A : i1 to i32
      %cond3A_1518 = arith.constant 0 : i32
      %cond3A_1519 = arith.cmpi ne, %convert_element_type3A_1517, %cond3A_1518 : i32
      scf.if %cond3A_1519 {
        %sub3A_1523 = arith.constant 1 : i32
        %sub3A_1524 = arith.subi %while3A_1503, %sub3A_1523 : i32
        %rem3A_1525 = arith.constant 2 : i32
        %rem3A_1526 = arith.remsi %sub3A_1524, %rem3A_1525 : i32
        %mul3A_1527 = arith.constant 32 : i32
        %mul3A_1528 = arith.muli %mul3A_1527, %sub3A_1524 : i32
        %add3A_1529 = arith.addi %add3A, %mul3A_1528 : i32
        %mul3A_1530 = arith.constant 40 : i32
        %mul3A_1531 = arith.muli %add3A_1529, %mul3A_1530 : i32
        %dma_wait3A_1532 = arith.constant 0 : i32
        %dma_wait3A_1533 = arith.constant 0 : i32
        %dma_wait3A_1534 = tpu.memref_slice %arg6[%rem3A_1526, %dma_wait3A_1532, %dma_wait3A_1533] : memref<2x40x1024xf32, #tpu.memory_space<vmem>> -> memref<1x40x1024xf32, #tpu.memory_space<vmem>>
        %dma_wait3A_1535 = tpu.memref_squeeze %dma_wait3A_1534 : memref<1x40x1024xf32, #tpu.memory_space<vmem>> -> memref<40x1024xf32, #tpu.memory_space<vmem>>
        %dma_wait3A_1536 = arith.constant 0 : i32
        %dma_wait3A_1537 = tpu.memref_slice %arg5[%mul3A_1531, %dma_wait3A_1536] : memref<100000x1024xf32, #tpu.memory_space<hbm>> -> memref<40x1024xf32, #tpu.memory_space<hbm>>
        %dma_wait3A_1538 = tpu.memref_slice %arg11[%rem3A_1526] : memref<2x!tpu.dma_semaphore, #tpu.memory_space<semaphore_mem>> -> memref<1x!tpu.dma_semaphore, #tpu.memory_space<semaphore_mem>>
        %dma_wait3A_1539 = tpu.memref_squeeze %dma_wait3A_1538 : memref<1x!tpu.dma_semaphore, #tpu.memory_space<semaphore_mem>> -> memref<!tpu.dma_semaphore, #tpu.memory_space<semaphore_mem>>
        %dma_wait3A_1540 = arith.constant 0 : i32
        %dma_wait3A_1541 = tpu.memref_slice %arg5[%mul3A_1531, %dma_wait3A_1540] : memref<100000x1024xf32, #tpu.memory_space<hbm>> -> memref<40x1024xf32, #tpu.memory_space<hbm>>
        %dma_wait3A_1542 = arith.constant 0 : i32
        %dma_wait3A_1543 = arith.constant 0 : i32
        %dma_wait3A_1544 = tpu.memref_slice %arg6[%rem3A_1526, %dma_wait3A_1542, %dma_wait3A_1543] : memref<2x40x1024xf32, #tpu.memory_space<vmem>> -> memref<1x40x1024xf32, #tpu.memory_space<vmem>>
        %dma_wait3A_1545 = tpu.memref_squeeze %dma_wait3A_1544 : memref<1x40x1024xf32, #tpu.memory_space<vmem>> -> memref<40x1024xf32, #tpu.memory_space<vmem>>
        tpu.wait_dma2 semaphore(%dma_wait3A_1539 : memref<!tpu.dma_semaphore, #tpu.memory_space<semaphore_mem>>) src(%dma_wait3A_1545 : memref<40x1024xf32, #tpu.memory_space<vmem>>) dst(%dma_wait3A_1541 : memref<40x1024xf32, #tpu.memory_space<hbm>>)
      } else {
      }
      %convert_element_type3A_1520 = arith.extui %lt3A_1515 : i1 to i32
      %cond3A_1521 = arith.constant 0 : i32
      %cond3A_1522 = arith.cmpi ne, %convert_element_type3A_1520, %cond3A_1521 : i32
      scf.if %cond3A_1522 {
        %add3A_1523 = arith.constant 1 : i32
        %add3A_1524 = arith.addi %while3A_1503, %add3A_1523 : i32
        %rem3A_1525 = arith.constant 2 : i32
        %rem3A_1526 = arith.remsi %add3A_1524, %rem3A_1525 : i32
        %mul3A_1527 = arith.constant 32 : i32
        %mul3A_1528 = arith.muli %mul3A_1527, %add3A_1524 : i32
        %add3A_1529 = arith.addi %add3A, %mul3A_1528 : i32
        %mul3A_1530 = arith.constant 40 : i32
        %mul3A_1531 = arith.muli %add3A_1529, %mul3A_1530 : i32
        %dma_start3A_1532 = arith.constant 0 : i32
        %dma_start3A_1533 = arith.constant 0 : i32
        %dma_start3A_1534 = tpu.memref_slice %arg6[%rem3A_1526, %dma_start3A_1532, %dma_start3A_1533] : memref<2x40x1024xf32, #tpu.memory_space<vmem>> -> memref<1x40x1024xf32, #tpu.memory_space<vmem>>
        %dma_start3A_1535 = tpu.memref_squeeze %dma_start3A_1534 : memref<1x40x1024xf32, #tpu.memory_space<vmem>> -> memref<40x1024xf32, #tpu.memory_space<vmem>>
        %dma_start3A_1536 = arith.constant 0 : i32
        %dma_start3A_1537 = tpu.memref_slice %arg2[%mul3A_1531, %dma_start3A_1536] : memref<100000x1024xf32, #tpu.memory_space<hbm>> -> memref<40x1024xf32, #tpu.memory_space<hbm>>
        %dma_start3A_1538 = tpu.memref_slice %arg10[%rem3A_1526] : memref<2x!tpu.dma_semaphore, #tpu.memory_space<semaphore_mem>> -> memref<1x!tpu.dma_semaphore, #tpu.memory_space<semaphore_mem>>
        %dma_start3A_1539 = tpu.memref_squeeze %dma_start3A_1538 : memref<1x!tpu.dma_semaphore, #tpu.memory_space<semaphore_mem>> -> memref<!tpu.dma_semaphore, #tpu.memory_space<semaphore_mem>>
        %dma_start3A_1540 = arith.constant 0 : i32
        %dma_start3A_1541 = arith.constant 0 : i32
        %dma_start3A_1542 = tpu.memref_slice %arg6[%rem3A_1526, %dma_start3A_1540, %dma_start3A_1541] : memref<2x40x1024xf32, #tpu.memory_space<vmem>> -> memref<1x40x1024xf32, #tpu.memory_space<vmem>>
        %dma_start3A_1543 = tpu.memref_squeeze %dma_start3A_1542 : memref<1x40x1024xf32, #tpu.memory_space<vmem>> -> memref<40x1024xf32, #tpu.memory_space<vmem>>
        %dma_start3A_1544 = arith.constant 0 : i32
        %dma_start3A_1545 = tpu.memref_slice %arg2[%mul3A_1531, %dma_start3A_1544] : memref<100000x1024xf32, #tpu.memory_space<hbm>> -> memref<40x1024xf32, #tpu.memory_space<hbm>>
        tpu.enqueue_dma source(%dma_start3A_1545 : memref<40x1024xf32, #tpu.memory_space<hbm>>) target(%dma_start3A_1543 : memref<40x1024xf32, #tpu.memory_space<vmem>>) target_semaphore(%dma_start3A_1539 : memref<!tpu.dma_semaphore, #tpu.memory_space<semaphore_mem>>)
      } else {
      }
    }
    %sub3A = arith.constant 2500 : i32
    %sub3A_1451 = arith.constant 1 : i32
    %sub3A_1452 = arith.subi %sub3A, %sub3A_1451 : i32
    %sub3A_1453 = arith.subi %sub3A_1452, %add3A : i32
    %div3A_1454 = arith.constant 32 : i32
    %div3A_1455 = arith.divsi %sub3A_1453, %div3A_1454 : i32
    %add3A_1456 = arith.constant 1 : i32
    %add3A_1457 = arith.addi %div3A_1455, %add3A_1456 : i32
    %sub3A_1458 = arith.constant 2 : i32
    %sub3A_1459 = arith.subi %add3A_1457, %sub3A_1458 : i32
    %rem3A_1460 = arith.constant 2 : i32
    %rem3A_1461 = arith.remsi %sub3A_1459, %rem3A_1460 : i32
    %mul3A_1462 = arith.constant 32 : i32
    %mul3A_1463 = arith.muli %mul3A_1462, %sub3A_1459 : i32
    %add3A_1464 = arith.addi %add3A, %mul3A_1463 : i32
    %mul3A_1465 = arith.constant 40 : i32
    %mul3A_1466 = arith.muli %add3A_1464, %mul3A_1465 : i32
    %dma_wait3A = arith.constant 0 : i32
    %dma_wait3A_1467 = arith.constant 0 : i32
    %dma_wait3A_1468 = tpu.memref_slice %arg6[%rem3A_1461, %dma_wait3A, %dma_wait3A_1467] : memref<2x40x1024xf32, #tpu.memory_space<vmem>> -> memref<1x40x1024xf32, #tpu.memory_space<vmem>>
    %dma_wait3A_1469 = tpu.memref_squeeze %dma_wait3A_1468 : memref<1x40x1024xf32, #tpu.memory_space<vmem>> -> memref<40x1024xf32, #tpu.memory_space<vmem>>
    %dma_wait3A_1470 = arith.constant 0 : i32
    %dma_wait3A_1471 = tpu.memref_slice %arg5[%mul3A_1466, %dma_wait3A_1470] : memref<100000x1024xf32, #tpu.memory_space<hbm>> -> memref<40x1024xf32, #tpu.memory_space<hbm>>
    %dma_wait3A_1472 = tpu.memref_slice %arg11[%rem3A_1461] : memref<2x!tpu.dma_semaphore, #tpu.memory_space<semaphore_mem>> -> memref<1x!tpu.dma_semaphore, #tpu.memory_space<semaphore_mem>>
    %dma_wait3A_1473 = tpu.memref_squeeze %dma_wait3A_1472 : memref<1x!tpu.dma_semaphore, #tpu.memory_space<semaphore_mem>> -> memref<!tpu.dma_semaphore, #tpu.memory_space<semaphore_mem>>
    %dma_wait3A_1474 = arith.constant 0 : i32
    %dma_wait3A_1475 = tpu.memref_slice %arg5[%mul3A_1466, %dma_wait3A_1474] : memref<100000x1024xf32, #tpu.memory_space<hbm>> -> memref<40x1024xf32, #tpu.memory_space<hbm>>
    %dma_wait3A_1476 = arith.constant 0 : i32
    %dma_wait3A_1477 = arith.constant 0 : i32
    %dma_wait3A_1478 = tpu.memref_slice %arg6[%rem3A_1461, %dma_wait3A_1476, %dma_wait3A_1477] : memref<2x40x1024xf32, #tpu.memory_space<vmem>> -> memref<1x40x1024xf32, #tpu.memory_space<vmem>>
    %dma_wait3A_1479 = tpu.memref_squeeze %dma_wait3A_1478 : memref<1x40x1024xf32, #tpu.memory_space<vmem>> -> memref<40x1024xf32, #tpu.memory_space<vmem>>
    tpu.wait_dma2 semaphore(%dma_wait3A_1473 : memref<!tpu.dma_semaphore, #tpu.memory_space<semaphore_mem>>) src(%dma_wait3A_1479 : memref<40x1024xf32, #tpu.memory_space<vmem>>) dst(%dma_wait3A_1475 : memref<40x1024xf32, #tpu.memory_space<hbm>>)
    %sub3A_1480 = arith.constant 1 : i32
    %sub3A_1481 = arith.subi %add3A_1457, %sub3A_1480 : i32
    %rem3A_1482 = arith.constant 2 : i32
    %rem3A_1483 = arith.remsi %sub3A_1481, %rem3A_1482 : i32
    %mul3A_1484 = arith.constant 32 : i32
    %mul3A_1485 = arith.muli %mul3A_1484, %sub3A_1481 : i32
    %add3A_1486 = arith.addi %add3A, %mul3A_1485 : i32
    %mul3A_1487 = arith.constant 40 : i32
    %mul3A_1488 = arith.muli %add3A_1486, %mul3A_1487 : i32
    %dma_wait3A_1489 = arith.constant 0 : i32
    %dma_wait3A_1490 = arith.constant 0 : i32
    %dma_wait3A_1491 = tpu.memref_slice %arg6[%rem3A_1483, %dma_wait3A_1489, %dma_wait3A_1490] : memref<2x40x1024xf32, #tpu.memory_space<vmem>> -> memref<1x40x1024xf32, #tpu.memory_space<vmem>>
    %dma_wait3A_1492 = tpu.memref_squeeze %dma_wait3A_1491 : memref<1x40x1024xf32, #tpu.memory_space<vmem>> -> memref<40x1024xf32, #tpu.memory_space<vmem>>
    %dma_wait3A_1493 = arith.constant 0 : i32
    %dma_wait3A_1494 = tpu.memref_slice %arg5[%mul3A_1488, %dma_wait3A_1493] : memref<100000x1024xf32, #tpu.memory_space<hbm>> -> memref<40x1024xf32, #tpu.memory_space<hbm>>
    %dma_wait3A_1495 = tpu.memref_slice %arg11[%rem3A_1483] : memref<2x!tpu.dma_semaphore, #tpu.memory_space<semaphore_mem>> -> memref<1x!tpu.dma_semaphore, #tpu.memory_space<semaphore_mem>>
    %dma_wait3A_1496 = tpu.memref_squeeze %dma_wait3A_1495 : memref<1x!tpu.dma_semaphore, #tpu.memory_space<semaphore_mem>> -> memref<!tpu.dma_semaphore, #tpu.memory_space<semaphore_mem>>
    %dma_wait3A_1497 = arith.constant 0 : i32
    %dma_wait3A_1498 = tpu.memref_slice %arg5[%mul3A_1488, %dma_wait3A_1497] : memref<100000x1024xf32, #tpu.memory_space<hbm>> -> memref<40x1024xf32, #tpu.memory_space<hbm>>
    %dma_wait3A_1499 = arith.constant 0 : i32
    %dma_wait3A_1500 = arith.constant 0 : i32
    %dma_wait3A_1501 = tpu.memref_slice %arg6[%rem3A_1483, %dma_wait3A_1499, %dma_wait3A_1500] : memref<2x40x1024xf32, #tpu.memory_space<vmem>> -> memref<1x40x1024xf32, #tpu.memory_space<vmem>>
    %dma_wait3A_1502 = tpu.memref_squeeze %dma_wait3A_1501 : memref<1x40x1024xf32, #tpu.memory_space<vmem>> -> memref<40x1024xf32, #tpu.memory_space<vmem>>
    tpu.wait_dma2 semaphore(%dma_wait3A_1496 : memref<!tpu.dma_semaphore, #tpu.memory_space<semaphore_mem>>) src(%dma_wait3A_1502 : memref<40x1024xf32, #tpu.memory_space<vmem>>) dst(%dma_wait3A_1498 : memref<40x1024xf32, #tpu.memory_space<hbm>>)
    return
  }
}

</mosaic_0001>

<sc_bundles>
// kernel: kernel.3.cloned.1.call-start
scs
__scs_entry_jumppad:
0x0: {  	(pc) =	sbr.rel $0x88, $3  }
0x1: {  	(tag) =	ssettag $0x0;
	lr =	simm.s32 $0x1  }
0x2: {  	[smem:$0x3F9E] =	sst lr;
	_ =	strace $0xD0000000  }
0x3: {  	_ = 	snop  }
0x4: {  	_ = 	snop  }
0x5: {  	_ = 	snop  }
0x6: {  	_ = 	snop  }
0x7: {  	_ = 	snop  }
__scs_overlays_trampoline_lowered:
0x8: {  	[smem:$0x3FAD] =	sst s0  }
0x9: {  	[smem:$0x3FAE] =	sst s1  }
0xa: {  	[smem:$0x3FAF] =	sst s2  }
0xb: {  	[smem:$0x3FB0] =	sst s3  }
0xc: {  	[smem:$0x3FB1] =	sst s4  }
0xd: {  	[smem:$0x3FB2] =	sst s5  }
0xe: {  	[smem:$0x3FB3] =	sst s6  }
0xf: {  	[smem:$0x3FB4] =	sst s7  }
0x10: {  	[smem:$0x3FB5] =	sst s8  }
0x11: {  	[smem:$0x3FB6] =	sst s9;
	s0 =	simm.s32 @!p0 $0x0  }
0x12: {  	s1 =	sld [smem:$0x3F9C];
	s0 =	simm.s32 @p0 $0x1  }
0x13: {  	[smem:$0x3FB7] =	sst s0;
	s0 =	simm.s32 @!p1 $0x0  }
0x14: {  	s2 =	sld [smem:$0x3F9B];
	s0 =	simm.s32 @p1 $0x1  }
0x15: {  	[smem:$0x3FB8] =	sst s0;
	s0 =	simm.s32 @!p2 $0x0  }
0x16: {  	s3 =	sld [smem:$0x3FDB];
	s0 =	simm.s32 @p2 $0x1  }
0x17: {  	s4 =	simm.s32 $0x1BF5;
	[smem:$0x3FBA] =	sst s0  }
0x18: {  	s0 =	sld [smem:$0x3F9D];
	_ =	swait.ge [sflag:s4], $0x0  }
0x19: {  	s7 =	sld [smem:$0x3F9E]  }
0x1a: {  	s8 =	sadd.s32 $0xFFFFE003, lr  }
0x1b: {  	s9 =	sadd.s32 $0xFFFFFEF7, lr;
	s5 =	simm.s32 $0xFFFFFFFF;
	p2 =	slt.u32 s8, $0xFFFFF086  }
0x1c: {  	p1 =	slt.u32 s9, $0xF7A;
	s5 =	simm.s32 @!p2 $0x0  }
0x1d: {  	s5 =	simm.s32 @p1 $0x1;
	p0 =	seq.s32 s7, s2  }
0x1e: {  	s7 =	smul.u32 @!p0 $0xF7A, s2;
	p2 =	seq.s32 @!p0 s5, $0x0  }
0x1f: {  	s9 =	smul.u32 $0xF7A, s1;
	s8 =	simm.s32 @!p0 $0x1BF5;
	p2 =	por !p2, p0  }
0x20: {  	[sflag:s8] =	ssyncset.s32 @!p0 $0xFFFFF086;
	s6 =	sadd.s32 @!p0 s3, s7;
	s7 =	simm.s32 @!p0 $0x108  }
0x21: {  	s3 =	sadd.s32 s3, s9;
	s6 =	sadd.s32 @!p0 $0x88, s6;
	s7 =	simm.s32 @p2 $0x1082  }
0x22: {  	[simem:s7], [sflag:s8] =	dma.local @!p0 [hbm:s6], $0xF7A  }
0x23: {  	s9 =	sor.u32 $0xD0000000, s2;
	s6 =	simm.s32 $0x108;
	_ =	swait.ge @!p0 [sflag:s8], $0x0  }
0x24: {  	s3 =	sadd.s32 $0x88, s3;
	s6 =	simm.s32 @!p1 $0x1082;
	[sflag:s4] =	ssyncset.s32 $0xFFFFF086  }
0x25: {  	[simem:s6], [sflag:s4] =	dma.local [hbm:s3], $0xF7A  }
0x26: {  	[smem:$0x3F9E] =	sst s1;
	(tag) =	ssettag s2;
	_ =	strace s9  }
0x27: {  	s1 =	sld [smem:$0x3FAE]  }
0x28: {  	s2 =	sld [smem:$0x3FAF]  }
0x29: {  	s4 =	sld [smem:$0x3FB1]  }
0x2a: {  	p0 =	seq.s32 s5, $0x0;
	s5 =	sld [smem:$0x3FB2]  }
0x2b: {  	s6 =	sld [smem:$0x3FB3]  }
0x2c: {  	s7 =	sld [smem:$0x3FB4]  }
0x2d: {  	s3 =	simm.s32 $0x108;
	s8 =	sld [smem:$0x3FB5]  }
0x2e: {  	s3 =	simm.s32 @!p0 $0x1082;
	s9 =	sld [smem:$0x3FB6]  }
0x2f: {  	lr =	sadd.s32 s0, s3;
	s0 =	sld [smem:$0x3FAD]  }
0x30: {  	s3 =	sld [smem:$0x3FB0]  }
0x31: {  	[smem:$0x3FB9] =	sst s10  }
0x32: {  	s10 =	sld [smem:$0x3FB7];
	_ =	sdelay $0x3  }
0x33: {  	p0 =	seq.s32 s10, $0x1;
	s10 =	sld [smem:$0x3FB9];
	_ =	sdelay $0x3  }
0x34: {  	[smem:$0x3FB9] =	sst s10  }
0x35: {  	s10 =	sld [smem:$0x3FB8];
	_ =	sdelay $0x3  }
0x36: {  	p1 =	seq.s32 s10, $0x1;
	s10 =	sld [smem:$0x3FB9];
	_ =	sdelay $0x3  }
0x37: {  	[smem:$0x3FB9] =	sst s10  }
0x38: {  	s10 =	sld [smem:$0x3FBA]  }
0x39: {  	_ = 	snop;
	(pc) =	sbr.ind lr, $3  }
0x3a: {  	_ = 	snop  }
0x3b: {  	_ = 	snop  }
0x3c: {  	p2 =	seq.s32 s10, $0x1;
	s10 =	sld [smem:$0x3FB9]  }
0x3d: {  	_ =	shalt  }
0x3e: {  	_ =	shalt  }
0x3f: {  	_ =	shalt  }
0x40: {  	_ =	shalt  }
0x41: {  	_ =	shalt  }
0x42: {  	_ =	shalt  }
0x43: {  	_ =	shalt  }
0x44: {  	_ =	shalt  }
0x45: {  	_ =	shalt  }
0x46: {  	_ =	shalt  }
0x47: {  	_ =	shalt  }
0x48: {  	_ =	shalt  }
0x49: {  	_ =	shalt  }
0x4a: {  	_ =	shalt  }
0x4b: {  	_ =	shalt  }
0x4c: {  	_ =	shalt  }
0x4d: {  	_ =	shalt  }
0x4e: {  	_ =	shalt  }
0x4f: {  	_ =	shalt  }
0x50: {  	_ =	shalt  }
0x51: {  	_ =	shalt  }
0x52: {  	_ =	shalt  }
0x53: {  	_ =	shalt  }
0x54: {  	_ =	shalt  }
0x55: {  	_ =	shalt  }
0x56: {  	_ =	shalt  }
0x57: {  	_ =	shalt  }
0x58: {  	_ =	shalt  }
0x59: {  	_ =	shalt  }
0x5a: {  	_ =	shalt  }
0x5b: {  	_ =	shalt  }
0x5c: {  	_ =	shalt  }
0x5d: {  	_ =	shalt  }
0x5e: {  	_ =	shalt  }
0x5f: {  	_ =	shalt  }
0x60: {  	_ =	shalt  }
0x61: {  	_ =	shalt  }
0x62: {  	_ =	shalt  }
0x63: {  	_ =	shalt  }
0x64: {  	_ =	shalt  }
0x65: {  	_ =	shalt  }
0x66: {  	_ =	shalt  }
0x67: {  	_ =	shalt  }
0x68: {  	_ =	shalt  }
0x69: {  	_ =	shalt  }
0x6a: {  	_ =	shalt  }
0x6b: {  	_ =	shalt  }
0x6c: {  	_ =	shalt  }
0x6d: {  	_ =	shalt  }
0x6e: {  	_ =	shalt  }
0x6f: {  	_ =	shalt  }
0x70: {  	_ =	shalt  }
0x71: {  	_ =	shalt  }
0x72: {  	_ =	shalt  }
0x73: {  	_ =	shalt  }
0x74: {  	_ =	shalt  }
0x75: {  	_ =	shalt  }
0x76: {  	_ =	shalt  }
0x77: {  	_ =	shalt  }
0x78: {  	_ =	shalt  }
0x79: {  	_ =	shalt  }
0x7a: {  	_ =	shalt  }
0x7b: {  	_ =	shalt  }
0x7c: {  	_ =	shalt  }
0x7d: {  	_ =	shalt  }
0x7e: {  	_ =	shalt  }
0x7f: {  	_ =	shalt  }
0x80: {  	_ =	shalt  }
0x81: {  	_ =	shalt  }
0x82: {  	_ =	shalt  }
0x83: {  	_ =	shalt  }
0x84: {  	_ =	shalt  }
0x85: {  	_ =	shalt  }
0x86: {  	_ =	shalt  }
0x87: {  	_ =	shalt  }
.Lfunc_end0:
.L_simem_size_0:
called_computation_lowered:
.L_overlay_start_0:
0x88: {  	s2 =	sld [smem:$0x3FD9]  }
0x89: {  	s3 =	sld [smem:$0x3FFE];
	_ =	sdelay $0x1  }
0x8a: {  	s1 =	srdreg.scid  }
0x8b: {  	s0 =	sand.u32 $0x1, s1  }
0x8c: {  	s17 =	sshll.u32 s0, $0xA;
	s2 =	sadd.s32 s3, s2  }
0x8d: {  	s2 =	sadd.s32 s2, s17  }
0x8e: {  	[smem:$0x3FC5] =	sst s2  }
0x8f: {  	_ = 	snop  }
0x90: {  	s2 =	sld [smem:$0x3FC9]  }
0x91: {  	s18 =	sld [smem:$0x3FC8]  }
0x92: {  	s4 =	sld [smem:$0x3FD0];
	(tm) =	ssettm $0x1  }
0x93: {  	s5 =	sld [smem:$0x3FFB];
	_ =	sdelay $0x3  }
0x94: {  	_ =	strace s5  }
0x95: {  	s5 =	sld [smem:$0x3FFC];
	_ =	sdelay $0x3  }
0x96: {  	_ =	strace s5  }
0x97: {  	s5 =	sld [smem:$0x3FFD];
	_ =	sdelay $0x3  }
0x98: {  	_ =	strace s5  }
0x99: {  	_ =	strace $0x8FFFFFFF  }
0x9a: {  	s19 =	sld [smem:$0x3FDB];
	_ =	sdelay $0x1  }
0x9b: {  	s6 =	simm.s32 $_scs_section_size  }
0x9c: {  	s7 =	simm.s32 $_size__tile_overlayer_lowered;
	s8 =	simm.s32 $_tile_overlayer_lowered  }
0x9d: {  	s22 =	simm.s32 $0x1BFF;
	s21 =	sshll.u32 s8, $0x1;
	s5 =	sadd.s32 s6, s19  }
0x9e: {  	s9 =	simm.s32 $0x0;
	s20 =	sshll.u32 s7, $0x1;
	s7 =	sadd.s32 s21, s5  }
0x9f: {  	[timem:s9], [sflag:s22] =	dma.local [hbm:s7], s20  }
0xa0: {  	_ =	swait.ge [sflag:s22], s20  }
0xa1: {  	s6 =	ssub.s32 $0x0, s20;
	[sflag:s22] =	ssyncset.done $0x0  }
0xa2: {  	[sflag:s22] =	ssyncadd.s32 s6;
	_ =	sdelay $0x1  }
0xa3: {  	s23 =	simm.s32 $0x1B8B  }
0xa4: {  	_ =	swait.ge [sflag:s23], $0x1  }
0xa5: {  	[sflag:s23] =	ssyncset.done $0x0  }
0xa6: {  	s25 =	simm.s32 $0x1B8E;
	s24 =	sld [smem:$0x3FFE];
	[sflag:s23] =	ssyncadd.s32 $0xFFFFFFFF  }
0xa7: {  	s26 =	simm.s32 $execute0_lowered;
	[smem:$0x3FD2] =	sst s25  }
0xa8: {  	s7 =	sshll.u32 s26, $0x1;
	_ =	strace $0x80000046;
	[dreg:$0x1] =	wrdreg $0xFFFFFFFF  }
0xa9: {  	s28 =	simm.s32 $_size_execute0_lowered;
	s5 =	sadd.s32 s5, s7;
	[dreg:$0x0] =	wrdreg $0x0  }
0xaa: {  	s7 =	sshll.u32 s28, $0x1;
	[dreg:$0x2] =	wrdreg s5  }
0xab: {  	[dreg:$0x3] =	wrdreg s7  }
0xac: {  	[dreg:$0x4] =	wrdreg $0xC0  }
0xad: {  	_ =	task [dreg:s9], $0x5FFFF  }
0xae: {  	[dreg:$0x1] =	wrdreg $0xFFFFFFFF  }
0xaf: {  	[dreg:$0x0] =	wrdreg $0x60  }
0xb0: {  	[dreg:$0x2] =	wrdreg s2  }
0xb1: {  	[dreg:$0x3] =	wrdreg s18  }
0xb2: {  	[dreg:$0x4] =	wrdreg s24  }
0xb3: {  	[dreg:$0x5] =	wrdreg s4  }
0xb4: {  	[dreg:$0x6] =	wrdreg $0x9  }
0xb5: {  	_ =	task.clear_ibuf [dreg:s9], $0x7FFFF;
	_ =	strace $0x90000046  }
0xb6: {  	s29 =	simm.s32 $0x9;
	_ =	strace $0x80000048  }
0xb7: {  	_ =	swait.ge [sflag:s29], $0x1  }
0xb8: {  	[sflag:s29] =	ssyncadd.s32 $0xFFFFFFFF  }
0xb9: {  	_ =	strace $0x90000048  }
0xba: {  	_ =	sfence  }
0xbb: {  	s30 =	sld [smem:$0x0];
	_ =	sdelay $0x2  }
0xbc: {  	s31 =	sshll.u32 s1, $0xD;
	s1 =	sshrl.u32 s1, $0x2  }
0xbd: {  	s3 =	sand.u32 $0x4000, s31;
	s1 =	sadd.s32 s1, s30  }
0xbe: {  	s0 =	sor.u32 s3, s0;
	s1 =	sshll.u32 s1, $0x11  }
0xbf: {  	s0 =	sor.u32 s1, s0  }
0xc0: {  	s0 =	sadd.s32 $0x8F2B, s0  }
0xc1: {  	[sflag:s0] =	ssyncadd.remote.s32 $0x1  }
0xc2: {  	_ =	sfence.sel $0xFFFF  }
0xc3: {  	[dreg:$0x0] =	wrdreg $0xFFFFFFFF;
	(pc) =	sbr.abs _section_cstart, $3  }
0xc4: {  	[dreg:$0x1] =	wrdreg $0xFFFFFFFF  }
0xc5: {  	_ =	task.clear_ibuf [dreg:s9], $0x2FFFF;
	_ =	strace $0x9FFFFFFF  }
0xc6: {  	(tm) =	ssettm $0x7FFFFFFF  }
0xc7: {  	_ =	shalt  }
tec
execute0_lowered:
.L_overlay_start_1:
0x0: {  	(tag) =	ssettag $0x1  }
0x1: {  	s1 =	rddreg [dreg:$0x0]  }
0x2: {  	s2 =	rddreg [dreg:$0x1]  }
0x3: {  	s7 =	rddreg [dreg:$0x2];
	s3 =	srdreg.scid  }
0x4: {  	s0 =	stileid.u32;
	s4 =	rddreg [dreg:$0x3];
	s5 =	simm.s32 $0x0  }
0x5: {  	s14 =	simm.s32 $0x14400;
	s8 =	sand.u32 $0x1, s3;
	s6 =	sshll.u32 s0, $0x1  }
0x6: {  	s15 =	simm.s32 $0x0;
	s3 =	rddreg [dreg:$0x4];
	s6 =	sor.u32 s8, s6  }
0x7: {  	[smem:$0x7FF] =	sst s5;
	s7 =	sadd.s32 $0x400, s7;
	s10 =	smul.u32 $0x1400, s6  }
.Ltmp0:
0x8: {  	s8 =	ssub.s32 $0x2, s8;
	s9 =	ssub.s32 $0x3, s6;
	(pc) =	sbr.rel .LBB2_1-.Ltmp0, $4  }
0x9: {  	_ =	strace $0x80000047;
	s31 =	sshrl.u32 s8, $0x1;
	s9 =	sshrl.u32 s9, $0x5  }
0xa: {  	s13 =	ssub.s32 s8, s31;
	s11 =	sand.u32 $0x1, s9;
	s8 =	sadd.s32 s1, s10  }
0xb: {  	s12 =	sxor.u32 $0x1, s11;
	s10 =	sadd.s32 $0x3, s11;
	s11 =	smax.u32 s13, $0x1  }
0xc: {  	s13 =	simm.s32 $0x5;
	s9 =	sadd.s32 $0x3, s12;
	s12 =	simm.s32 $0x14000  }
.LBB2_11:
0xd: {  	s15 =	sadd.s32 $0x1, s15  }
0xe: {  	_ =	swait.ge [sflag:s9], $0xA000;
	p0 =	sne.s32 s15, s11  }
.Ltmp1:
0xf: {  	[sflag:s9] =	ssyncset.done $0x0;
	(pc) =	sbr.rel @!p0 .LBB2_12-.Ltmp1, $4  }
0x10: {  	[sflag:s9] =	ssyncadd.s32 $0xFFFF6000  }
0x11: {  	_ =	swait.ge [sflag:s10], $0xA000  }
0x12: {  	[sflag:s10] =	ssyncset.done $0x0  }
0x13: {  	[sflag:s10] =	ssyncadd.s32 $0xFFFF6000  }
.LBB2_1:
0x14: {  	[tilespmem:s12], [sflag:$0x5] =	stream.linear.gather [hbm4b:s2+s5], $0x400, $0x38;
	[tilespmem:$0x14900] =	vst v63  }
0x15: {  	_ =	swait.ge [sflag:s13], $0x400  }
0x16: {  	[sflag:s13] =	ssyncset.done $0x0  }
0x17: {  	[sflag:s13] =	ssyncadd.s32 $0xFFFFFC00  }
0x18: {  	[tilespmem:s14], [sflag:$0x5] =	stream.linear.gather [hbm4b:s7+s5], $0x100, $0x38;
	[tilespmem:$0x14900] =	vst v63  }
0x19: {  	_ =	swait.ge [sflag:s13], $0x100  }
0x1a: {  	[sflag:s13] =	ssyncset.done $0x0  }
0x1b: {  	[sflag:s13] =	ssyncadd.s32 $0xFFFFFF00  }
0x1c: {  	v0 =	vld [tilespmem:$0x14400]  }
0x1d: {  	v1 =	vld [tilespmem:$0x14480]  }
0x1e: {  	v2 =	vld [tilespmem:$0x14000]  }
0x1f: {  	v3 =	vld [tilespmem:$0x14010]  }
0x20: {  	v4 =	vld [tilespmem:$0x14020]  }
0x21: {  	v5 =	vld [tilespmem:$0x14030];
	(erf) = vrcp.f32 v0  }
0x22: {  	v6 =	vld [tilespmem:$0x14040]  }
0x23: {  	v28 =	vld [tilespmem:$0x14050]  }
0x24: {  	v8 =	vld [tilespmem:$0x14060]  }
0x25: {  	v29 =	vld [tilespmem:$0x14070]  }
0x26: {  	v31 =	vld [tilespmem:$0x14080];
	(erf) = vrcp.f32 v1  }
0x27: {  	v11 =	vld [tilespmem:$0x14090];
	vm0 =	veq.s32 v2, $0x0;
	vm10 =	veq.s32 v3, $0x0;
	vm1 =	veq.s32 v2, $0x1  }
0x28: {  	v32 =	vld [tilespmem:$0x140A0];
	vm11 =	veq.s32 v3, $0x1;
	vm12 =	veq.s32 v4, $0x0;
	vm13 =	veq.s32 v4, $0x1  }
0x29: {  	v34 =	vld [tilespmem:$0x140B0];
	vm14 =	veq.s32 v5, $0x0;
	vm15 =	veq.s32 v6, $0x0;
	vm4 =	veq.s32 v5, $0x1  }
0x2a: {  	v14 =	vld [tilespmem:$0x140C0];
	vm5 =	veq.s32 v6, $0x1;
	vm6 =	veq.s32 v28, $0x0;
	vm7 =	veq.s32 v28, $0x1;
	v0 =	vpop (erf)  }
0x2b: {  	v35 =	vld [tilespmem:$0x140D0];
	vm8 =	veq.s32 v8, $0x0;
	vm9 =	veq.s32 v29, $0x0;
	v7 =	vnsel vm0, $0x0, v0  }
0x2c: {  	v27 =	vnsel vm10, $0x0, v0;
	v9 =	vnsel vm12, $0x0, v0;
	v10 =	vnsel vm14, $0x0, v0  }
0x2d: {  	v30 =	vnsel vm15, $0x0, v0;
	v12 =	vnsel vm6, $0x0, v0;
	v13 =	vnsel vm8, $0x0, v0  }
0x2e: {  	v37 =	vld [tilespmem:$0x140E0];
	vm10 =	veq.s32 v8, $0x1;
	v33 =	vnsel vm9, $0x0, v0;
	vm12 =	veq.s32 v31, $0x0  }
0x2f: {  	v17 =	vld [tilespmem:$0x140F0];
	v1 =	vpop (erf);
	vm14 =	veq.s32 v11, $0x0;
	vm15 =	veq.s32 v32, $0x0;
	vm6 =	veq.s32 v34, $0x0  }
0x30: {  	v38 =	vld [tilespmem:$0x14100];
	vm8 =	veq.s32 v14, $0x0;
	vm9 =	veq.s32 v35, $0x0;
	v7 =	vsel vm1, v1, v7  }
0x31: {  	v40 =	vld [tilespmem:$0x14110];
	v2 =	vsel vm11, v1, v27;
	v9 =	vsel vm13, v1, v9;
	v10 =	vsel vm4, v1, v10  }
0x32: {  	v20 =	vld [tilespmem:$0x14120];
	v5 =	vsel vm5, v1, v30;
	v12 =	vsel vm7, v1, v12;
	vm11 =	veq.s32 v29, $0x1  }
0x33: {  	v41 =	vld [tilespmem:$0x14130];
	v13 =	vsel vm10, v1, v13;
	v15 =	vnsel vm12, $0x0, v0;
	vm13 =	veq.s32 v31, $0x1  }
0x34: {  	v16 =	vnsel vm14, $0x0, v0;
	vm4 =	veq.s32 v11, $0x1;
	v36 =	vnsel vm15, $0x0, v0  }
0x35: {  	vm5 =	veq.s32 v32, $0x1;
	v18 =	vnsel vm6, $0x0, v0;
	vm7 =	veq.s32 v34, $0x1  }
0x36: {  	v43 =	vld [tilespmem:$0x14140];
	v19 =	vnsel vm8, $0x0, v0;
	vm10 =	veq.s32 v14, $0x1;
	v39 =	vnsel vm9, $0x0, v0  }
0x37: {  	v23 =	vld [tilespmem:$0x14150];
	vm12 =	veq.s32 v37, $0x0;
	vm14 =	veq.s32 v17, $0x0;
	vm15 =	veq.s32 v38, $0x0  }
0x38: {  	v45 =	vld [tilespmem:$0x14160];
	vm6 =	veq.s32 v40, $0x0;
	vm8 =	veq.s32 v20, $0x0;
	vm9 =	veq.s32 v41, $0x0  }
0x39: {  	v49 =	vld [tilespmem:$0x14170];
	v8 =	vsel vm11, v1, v33;
	v15 =	vsel vm13, v1, v15;
	v16 =	vsel vm4, v1, v16  }
0x3a: {  	v50 =	vld [tilespmem:$0x14180];
	v11 =	vsel vm5, v1, v36;
	v18 =	vsel vm7, v1, v18;
	vm11 =	veq.s32 v35, $0x1  }
0x3b: {  	v52 =	vld [tilespmem:$0x14190];
	v19 =	vsel vm10, v1, v19;
	v21 =	vnsel vm12, $0x0, v0;
	vm13 =	veq.s32 v37, $0x1  }
0x3c: {  	v22 =	vnsel vm14, $0x0, v0;
	vm4 =	veq.s32 v17, $0x1;
	v42 =	vnsel vm15, $0x0, v0  }
0x3d: {  	vm5 =	veq.s32 v38, $0x1;
	v44 =	vnsel vm6, $0x0, v0;
	vm7 =	veq.s32 v40, $0x1  }
0x3e: {  	v55 =	vld [tilespmem:$0x141A0];
	[tilespmem:$0x14500] =	vst v7;
	v47 =	vnsel vm8, $0x0, v0;
	vm10 =	veq.s32 v20, $0x1;
	v48 =	vnsel vm9, $0x0, v0  }
0x3f: {  	v58 =	vld [tilespmem:$0x141B0];
	[tilespmem:$0x14510] =	vst v2;
	vm12 =	veq.s32 v43, $0x0;
	vm14 =	veq.s32 v23, $0x0;
	vm15 =	veq.s32 v45, $0x0  }
0x40: {  	v60 =	vld [tilespmem:$0x141C0];
	[tilespmem:$0x14520] =	vst v9;
	vm6 =	veq.s32 v49, $0x0;
	vm8 =	veq.s32 v50, $0x0;
	vm9 =	veq.s32 v52, $0x0  }
0x41: {  	v63 =	vld [tilespmem:$0x141D0];
	[tilespmem:$0x14530] =	vst v10;
	v14 =	vsel vm11, v1, v39;
	v21 =	vsel vm13, v1, v21;
	v22 =	vsel vm4, v1, v22  }
0x42: {  	v24 =	vld [tilespmem:$0x141E0];
	[tilespmem:$0x14540] =	vst v5;
	v17 =	vsel vm5, v1, v42;
	v46 =	vsel vm7, v1, v44;
	vm11 =	veq.s32 v41, $0x1  }
0x43: {  	v26 =	vld [tilespmem:$0x141F0];
	[tilespmem:$0x14550] =	vst v12;
	v7 =	vsel vm10, v1, v47;
	v51 =	vnsel vm12, $0x0, v0;
	vm13 =	veq.s32 v43, $0x1  }
0x44: {  	[tilespmem:$0x14560] =	vst v13;
	v53 =	vnsel vm14, $0x0, v0;
	vm4 =	veq.s32 v23, $0x1;
	v54 =	vnsel vm15, $0x0, v0  }
0x45: {  	vm5 =	veq.s32 v45, $0x1;
	[tilespmem:$0x14570] =	vst v8;
	v59 =	vnsel vm6, $0x0, v0;
	vm7 =	veq.s32 v49, $0x1  }
0x46: {  	[tilespmem:$0x14580] =	vst v15;
	v61 =	vnsel vm8, $0x0, v0;
	vm10 =	veq.s32 v50, $0x1;
	v62 =	vnsel vm9, $0x0, v0  }
0x47: {  	[tilespmem:$0x14590] =	vst v16;
	vm12 =	veq.s32 v55, $0x0;
	vm14 =	veq.s32 v58, $0x0;
	vm15 =	veq.s32 v60, $0x0  }
0x48: {  	[tilespmem:$0x145A0] =	vst v11;
	vm6 =	veq.s32 v63, $0x0;
	vm8 =	veq.s32 v24, $0x0;
	vm9 =	veq.s32 v26, $0x0  }
0x49: {  	[tilespmem:$0x145B0] =	vst v18;
	v9 =	vsel vm11, v1, v48;
	v5 =	vsel vm13, v1, v51;
	v56 =	vsel vm4, v1, v53  }
0x4a: {  	[tilespmem:$0x145C0] =	vst v19;
	v57 =	vsel vm5, v1, v54;
	v15 =	vsel vm7, v1, v59;
	vm11 =	veq.s32 v52, $0x1  }
0x4b: {  	v30 =	vld [tilespmem:$0x14200];
	v23 =	vsel vm10, v1, v61;
	v25 =	vnsel vm12, $0x0, v0;
	vm13 =	veq.s32 v55, $0x1;
	[tilespmem:$0x145D0] =	vst v14  }
0x4c: {  	v31 =	vld [tilespmem:$0x14210];
	v28 =	vnsel vm14, $0x0, v0;
	[tilespmem:$0x145E0] =	vst v21;
	vm4 =	veq.s32 v58, $0x1;
	v29 =	vnsel vm15, $0x0, v0  }
0x4d: {  	v33 =	vld [tilespmem:$0x14220];
	vm5 =	veq.s32 v60, $0x1;
	[tilespmem:$0x145F0] =	vst v22;
	v32 =	vnsel vm6, $0x0, v0;
	vm7 =	veq.s32 v63, $0x1  }
0x4e: {  	v37 =	vld [tilespmem:$0x14230];
	[tilespmem:$0x14600] =	vst v17;
	v35 =	vnsel vm8, $0x0, v0;
	vm10 =	veq.s32 v24, $0x1;
	v36 =	vnsel vm9, $0x0, v0  }
0x4f: {  	v39 =	vld [tilespmem:$0x14240];
	[tilespmem:$0x14610] =	vst v46;
	v10 =	vsel vm11, v1, v62;
	v27 =	vsel vm13, v1, v25;
	v18 =	vsel vm4, v1, v28  }
0x50: {  	v41 =	vld [tilespmem:$0x14250];
	[tilespmem:$0x14620] =	vst v7;
	v13 =	vsel vm5, v1, v29;
	v34 =	vsel vm7, v1, v32;
	vm11 =	veq.s32 v26, $0x1  }
0x51: {  	v44 =	vld [tilespmem:$0x14260];
	[tilespmem:$0x14630] =	vst v9;
	v38 =	vsel vm10, v1, v35;
	v7 =	vsel vm11, v1, v36;
	vm12 =	veq.s32 v30, $0x0  }
0x52: {  	v45 =	vld [tilespmem:$0x14270];
	[tilespmem:$0x14640] =	vst v5;
	vm13 =	veq.s32 v30, $0x1;
	vm14 =	veq.s32 v31, $0x0;
	vm4 =	veq.s32 v31, $0x1  }
0x53: {  	v47 =	vld [tilespmem:$0x14280];
	[tilespmem:$0x14650] =	vst v56;
	v40 =	vnsel vm12, $0x0, v0;
	v42 =	vnsel vm14, $0x0, v0;
	vm15 =	veq.s32 v33, $0x0  }
0x54: {  	v51 =	vld [tilespmem:$0x14290];
	[tilespmem:$0x14660] =	vst v57;
	vm5 =	veq.s32 v33, $0x1;
	vm6 =	veq.s32 v37, $0x0;
	vm7 =	veq.s32 v37, $0x1  }
0x55: {  	v52 =	vld [tilespmem:$0x142A0];
	[tilespmem:$0x14670] =	vst v15;
	v5 =	vsel vm13, v1, v40;
	v43 =	vnsel vm15, $0x0, v0;
	v8 =	vsel vm4, v1, v42  }
0x56: {  	v54 =	vld [tilespmem:$0x142B0];
	[tilespmem:$0x14680] =	vst v23;
	v46 =	vnsel vm6, $0x0, v0;
	vm8 =	veq.s32 v39, $0x0;
	vm9 =	veq.s32 v41, $0x0  }
0x57: {  	v58 =	vld [tilespmem:$0x142C0];
	[tilespmem:$0x14690] =	vst v10;
	vm10 =	veq.s32 v39, $0x1;
	vm11 =	veq.s32 v41, $0x1;
	vm12 =	veq.s32 v44, $0x0  }
0x58: {  	v60 =	vld [tilespmem:$0x142D0];
	[tilespmem:$0x146A0] =	vst v27;
	vm13 =	veq.s32 v44, $0x1;
	vm14 =	veq.s32 v45, $0x0;
	vm15 =	veq.s32 v47, $0x0  }
0x59: {  	[tilespmem:$0x146B0] =	vst v18;
	vm4 =	veq.s32 v45, $0x1;
	v12 =	vsel vm5, v1, v43;
	v48 =	vsel vm7, v1, v46  }
0x5a: {  	[tilespmem:$0x146C0] =	vst v13;
	v49 =	vnsel vm8, $0x0, v0;
	v50 =	vnsel vm9, $0x0, v0;
	v53 =	vnsel vm12, $0x0, v0  }
0x5b: {  	[tilespmem:$0x146D0] =	vst v34;
	v56 =	vnsel vm14, $0x0, v0;
	v57 =	vnsel vm15, $0x0, v0;
	vm5 =	veq.s32 v47, $0x1  }
0x5c: {  	v20 =	vld [tilespmem:$0x14300];
	[tilespmem:$0x146E0] =	vst v38;
	vm6 =	veq.s32 v51, $0x0;
	vm7 =	veq.s32 v51, $0x1;
	vm8 =	veq.s32 v52, $0x0  }
0x5d: {  	v62 =	vld [tilespmem:$0x142E0];
	[tilespmem:$0x146F0] =	vst v7;
	vm9 =	veq.s32 v54, $0x0;
	vm12 =	veq.s32 v58, $0x0;
	vm14 =	veq.s32 v60, $0x0  }
0x5e: {  	v22 =	vld [tilespmem:$0x14310];
	[tilespmem:$0x14700] =	vst v5;
	v11 =	vsel vm10, v1, v49;
	v14 =	vsel vm11, v1, v50;
	v55 =	vsel vm13, v1, v53  }
0x5f: {  	v25 =	vld [tilespmem:$0x14320];
	[tilespmem:$0x14710] =	vst v8;
	v59 =	vsel vm4, v1, v56;
	v9 =	vsel vm5, v1, v57;
	v61 =	vnsel vm6, $0x0, v0  }
0x60: {  	v63 =	vnsel vm8, $0x0, v0;
	[tilespmem:$0x14720] =	vst v12;
	vm10 =	veq.s32 v52, $0x1;
	v17 =	vnsel vm9, $0x0, v0  }
0x61: {  	v18 =	vld [tilespmem:$0x142F0];
	vm11 =	veq.s32 v54, $0x1;
	[tilespmem:$0x14730] =	vst v48;
	v21 =	vnsel vm12, $0x0, v0;
	vm13 =	veq.s32 v58, $0x1  }
0x62: {  	v29 =	vld [tilespmem:$0x14340];
	v23 =	vnsel vm14, $0x0, v0;
	vm15 =	veq.s32 v62, $0x0;
	vm4 =	veq.s32 v60, $0x1;
	[tilespmem:$0x14740] =	vst v11  }
0x63: {  	v27 =	vld [tilespmem:$0x14330];
	vm5 =	veq.s32 v62, $0x1;
	vm8 =	veq.s32 v20, $0x0;
	vm9 =	veq.s32 v22, $0x0;
	[tilespmem:$0x14750] =	vst v14  }
0x64: {  	v34 =	vld [tilespmem:$0x14360];
	vm12 =	veq.s32 v25, $0x0;
	v5 =	vsel vm7, v1, v61;
	v8 =	vsel vm10, v1, v63;
	[tilespmem:$0x14760] =	vst v55  }
0x65: {  	v36 =	vld [tilespmem:$0x14370];
	v19 =	vsel vm11, v1, v17;
	v11 =	vsel vm13, v1, v21;
	v24 =	vnsel vm15, $0x0, v0;
	[tilespmem:$0x14770] =	vst v59  }
0x66: {  	v26 =	vsel vm4, v1, v23;
	vm6 =	veq.s32 v18, $0x0;
	[tilespmem:$0x14780] =	vst v9;
	vm7 =	veq.s32 v18, $0x1  }
0x67: {  	v31 =	vnsel vm8, $0x0, v0;
	vm10 =	veq.s32 v20, $0x1;
	v32 =	vnsel vm9, $0x0, v0;
	[tilespmem:$0x14790] =	vst v5  }
0x68: {  	v33 =	vld [tilespmem:$0x14350];
	vm11 =	veq.s32 v22, $0x1;
	v35 =	vnsel vm12, $0x0, v0;
	vm13 =	veq.s32 v25, $0x1;
	[tilespmem:$0x147A0] =	vst v8  }
0x69: {  	vm14 =	veq.s32 v27, $0x0;
	vm15 =	veq.s32 v29, $0x0;
	vm4 =	veq.s32 v27, $0x1;
	[tilespmem:$0x147B0] =	vst v19  }
0x6a: {  	vm8 =	veq.s32 v34, $0x0;
	vm9 =	veq.s32 v36, $0x0;
	v2 =	vsel vm5, v1, v24;
	[tilespmem:$0x147C0] =	vst v11  }
0x6b: {  	v40 =	vld [tilespmem:$0x14380];
	v28 =	vnsel vm6, $0x0, v0;
	v9 =	vsel vm10, v1, v31;
	v8 =	vsel vm11, v1, v32;
	[tilespmem:$0x147D0] =	vst v26  }
0x6c: {  	v42 =	vld [tilespmem:$0x14390];
	v37 =	vsel vm13, v1, v35;
	v38 =	vnsel vm14, $0x0, v0;
	v39 =	vnsel vm15, $0x0, v0;
	[tilespmem:$0x147E0] =	vst v2  }
0x6d: {  	v44 =	vld [tilespmem:$0x143A0];
	vm5 =	veq.s32 v29, $0x1;
	vm6 =	veq.s32 v33, $0x0;
	v46 =	vnsel vm8, $0x0, v0;
	[tilespmem:$0x14800] =	vst v9  }
0x6e: {  	vm10 =	veq.s32 v34, $0x1;
	v47 =	vnsel vm9, $0x0, v0;
	vm11 =	veq.s32 v36, $0x1;
	[tilespmem:$0x14810] =	vst v8  }
0x6f: {  	v48 =	vld [tilespmem:$0x143B0];
	v30 =	vsel vm7, v1, v28;
	v41 =	vsel vm4, v1, v38;
	v2 =	vsel vm5, v1, v39;
	[tilespmem:$0x14820] =	vst v37  }
0x70: {  	v50 =	vld [tilespmem:$0x143C0];
	v43 =	vnsel vm6, $0x0, v0;
	vm7 =	veq.s32 v33, $0x1;
	v49 =	vsel vm10, v1, v46;
	[tilespmem:$0x147F0] =	vst v30  }
0x71: {  	v52 =	vld [tilespmem:$0x143D0];
	v7 =	vsel vm11, v1, v47;
	vm12 =	veq.s32 v40, $0x0;
	vm13 =	veq.s32 v40, $0x1;
	[tilespmem:$0x14830] =	vst v41  }
0x72: {  	vm14 =	veq.s32 v42, $0x0;
	vm15 =	veq.s32 v44, $0x0;
	vm4 =	veq.s32 v42, $0x1;
	[tilespmem:$0x14840] =	vst v2  }
0x73: {  	v57 =	vld [tilespmem:$0x143F0];
	vm5 =	veq.s32 v44, $0x1;
	v45 =	vsel vm7, v1, v43;
	v51 =	vnsel vm12, $0x0, v0;
	[tilespmem:$0x14860] =	vst v49  }
0x74: {  	v55 =	vld [tilespmem:$0x143E0];
	v53 =	vnsel vm14, $0x0, v0;
	v54 =	vnsel vm15, $0x0, v0;
	[tilespmem:$0x14870] =	vst v7;
	v2 =	vsel vm13, v1, v51  }
0x75: {  	[tilespmem:$0x14850] =	vst v45;
	v56 =	vsel vm4, v1, v53;
	v5 =	vsel vm5, v1, v54;
	vm6 =	veq.s32 v48, $0x0  }
0x76: {  	vm7 =	veq.s32 v48, $0x1;
	vm8 =	veq.s32 v50, $0x0;
	vm9 =	veq.s32 v52, $0x0;
	[tilespmem:$0x14880] =	vst v2  }
0x77: {  	vm10 =	veq.s32 v50, $0x1;
	vm11 =	veq.s32 v52, $0x1;
	v58 =	vnsel vm6, $0x0, v0;
	[tilespmem:$0x14890] =	vst v56  }
0x78: {  	vm14 =	veq.s32 v57, $0x0;
	v59 =	vnsel vm8, $0x0, v0;
	[tilespmem:$0x148A0] =	vst v5;
	v2 =	vsel vm7, v1, v58  }
0x79: {  	v60 =	vnsel vm9, $0x0, v0;
	vm12 =	veq.s32 v55, $0x0;
	v61 =	vsel vm10, v1, v59;
	[tilespmem:$0x148B0] =	vst v2  }
.Ltmp2:
0x7a: {  	vm13 =	veq.s32 v55, $0x1;
	v62 =	vsel vm11, v1, v60;
	v63 =	vnsel vm12, $0x0, v0;
	[tilespmem:$0x148C0] =	vst v61;
	(pc) =	sbr.rel .LBB2_2-.Ltmp2, $4  }
0x7b: {  	vm15 =	veq.s32 v57, $0x1;
	v0 =	vnsel vm14, $0x0, v0;
	v2 =	vsel vm13, v1, v63;
	[tilespmem:$0x148D0] =	vst v62  }
0x7c: {  	v0 =	vsel vm15, v1, v0;
	[tilespmem:$0x148E0] =	vst v2  }
0x7d: {  	s16 =	simm.s32 $0x0;
	[tilespmem:$0x148F0] =	vst v0  }
0x7e: {  	[tilespmem:s5], [sflag:$0x1] =	stream.linear.gather [hbm4b:s8+s5], $0xA000, $0x38;
	[tilespmem:$0x14900] =	vst v63  }
.LBB2_6:
0x7f: {  	s17 =	sadd.s32 $0x1, s16  }
0x80: {  	s18 =	sshll.u32 s17, $0x5  }
0x81: {  	p0 =	seq.s32 s16, $0x0;
	s18 =	sor.u32 s6, s18  }
0x82: {  	p1 =	sgt.u32 @!p0 s18, $0x9C3  }
0x83: {  	p0 =	por p0, p1  }
.Ltmp3:
0x84: {  	_ = 	snop;
	(pc) =	sbr.rel @p0 .LBB2_8-.Ltmp3, $1  }
0x85: {  	_ =	sdelay $0x3  }
0x86: {  	s16 =	sxor.u32 $0xFFFFFFFF, s16  }
0x87: {  	s16 =	sand.u32 $0x1, s16  }
0x88: {  	s16 =	sadd.s32 $0x3, s16  }
0x89: {  	_ =	swait.ge [sflag:s16], $0xA000  }
0x8a: {  	[sflag:s16] =	ssyncset.done $0x0  }
0x8b: {  	[sflag:s16] =	ssyncadd.s32 $0xFFFF6000  }
.LBB2_9:
0x8c: {  	s16 =	sand.u32 $0x1, s17;
	s18 =	smul.u32 $0x1400, s18  }
0x8d: {  	s19 =	smul.u32 $0x28000, s16;
	_ =	sdelay $0x1  }
0x8e: {  	s16 =	sadd.s32 $0x1, s16;
	s18 =	sadd.s32 s1, s18;
	s19 =	sshrl.u32 s19, $0x2  }
0x8f: {  	[tilespmem:s19], [sflag:s16] =	stream.linear.gather [hbm4b:s18+s5], $0xA000, $0x38;
	[tilespmem:$0x14900] =	vst v63  }
.LBB2_10:
0x90: {  	p0 =	sne.s32 s17, $0x4F  }
.Ltmp4:
0x91: {  	_ = 	snop;
	(pc) =	sbr.rel @!p0 .LBB2_11-.Ltmp4, $2  }
0x92: {  	_ =	sdelay $0x2  }
0x93: {  	s16 =	smov.u32 s17  }
.LBB2_2:
0x94: {  	s17 =	sshll.u32 s16, $0x5  }
0x95: {  	s17 =	sor.u32 s6, s17  }
0x96: {  	p0 =	sgt.u32 s17, $0x9C3  }
.Ltmp5:
0x97: {  	_ = 	snop;
	(pc) =	sbr.rel @p0 .LBB2_6-.Ltmp5, $1  }
0x98: {  	_ =	sdelay $0x3  }
0x99: {  	s18 =	sand.u32 $0x1, s16  }
0x9a: {  	s19 =	smul.u32 $0x28000, s18;
	s20 =	sadd.s32 $0x1, s18  }
0x9b: {  	s21 =	simm.s32 $0x0;
	_ =	swait.ge [sflag:s20], $0xA000  }
0x9c: {  	s22 =	sand.u32 $0xE000, s21;
	s19 =	sshrl.u32 s19, $0x2;
	[sflag:s20] =	ssyncset.done $0x0  }
0x9d: {  	s21 =	sand.u32 $0x380, s21;
	s22 =	sadd.s32 s22, s19;
	[sflag:s20] =	ssyncadd.s32 $0xFFFF6000  }
0x9e: {  	s20 =	sadd.s32 s21, s22;
	v1 =	vld [tilespmem:$0x14500]  }
0x9f: {  	v0 =	vld [tilespmem:s20+$0x0];
	_ =	sdelay $0x4  }
0xa0: {  	v0 =	vmul.f32 v1, v0;
	_ =	sdelay $0x1  }
0xa1: {  	[tilespmem:s20+$0x0] =	vst v0;
	v0 =	vld [tilespmem:s20+$0x10]  }
0xa2: {  	v1 =	vld [tilespmem:$0x14510];
	_ =	sdelay $0x4  }
0xa3: {  	v0 =	vmul.f32 v1, v0;
	_ =	sdelay $0x1  }
0xa4: {  	[tilespmem:s20+$0x10] =	vst v0;
	v0 =	vld [tilespmem:s20+$0x20]  }
0xa5: {  	v1 =	vld [tilespmem:$0x14520];
	_ =	sdelay $0x4  }
0xa6: {  	v0 =	vmul.f32 v1, v0;
	_ =	sdelay $0x1  }
0xa7: {  	[tilespmem:s20+$0x20] =	vst v0;
	v0 =	vld [tilespmem:s20+$0x30]  }
0xa8: {  	v1 =	vld [tilespmem:$0x14530];
	_ =	sdelay $0x4  }
0xa9: {  	v0 =	vmul.f32 v1, v0;
	_ =	sdelay $0x1  }
0xaa: {  	[tilespmem:s20+$0x30] =	vst v0;
	v0 =	vld [tilespmem:s20+$0x40]  }
0xab: {  	v1 =	vld [tilespmem:$0x14540];
	_ =	sdelay $0x4  }
0xac: {  	v0 =	vmul.f32 v1, v0;
	_ =	sdelay $0x1  }
0xad: {  	[tilespmem:s20+$0x40] =	vst v0;
	v0 =	vld [tilespmem:s20+$0x50]  }
0xae: {  	v1 =	vld [tilespmem:$0x14550];
	_ =	sdelay $0x4  }
0xaf: {  	v0 =	vmul.f32 v1, v0;
	_ =	sdelay $0x1  }
0xb0: {  	[tilespmem:s20+$0x50] =	vst v0;
	v0 =	vld [tilespmem:s20+$0x60]  }
0xb1: {  	v1 =	vld [tilespmem:$0x14560];
	_ =	sdelay $0x4  }
0xb2: {  	v0 =	vmul.f32 v1, v0;
	_ =	sdelay $0x1  }
0xb3: {  	[tilespmem:s20+$0x60] =	vst v0;
	v0 =	vld [tilespmem:s20+$0x70]  }
0xb4: {  	v1 =	vld [tilespmem:$0x14570];
	_ =	sdelay $0x4  }
0xb5: {  	v0 =	vmul.f32 v1, v0;
	_ =	sdelay $0x1  }
0xb6: {  	[tilespmem:s20+$0x70] =	vst v0;
	v0 =	vld [tilespmem:s20+$0x400]  }
0xb7: {  	v1 =	vld [tilespmem:$0x14580];
	_ =	sdelay $0x4  }
0xb8: {  	v0 =	vmul.f32 v1, v0;
	_ =	sdelay $0x1  }
0xb9: {  	[tilespmem:s20+$0x400] =	vst v0;
	v0 =	vld [tilespmem:s20+$0x410]  }
0xba: {  	v1 =	vld [tilespmem:$0x14590];
	_ =	sdelay $0x4  }
0xbb: {  	v0 =	vmul.f32 v1, v0;
	_ =	sdelay $0x1  }
0xbc: {  	[tilespmem:s20+$0x410] =	vst v0;
	v0 =	vld [tilespmem:s20+$0x420]  }
0xbd: {  	v1 =	vld [tilespmem:$0x145A0];
	_ =	sdelay $0x4  }
0xbe: {  	v0 =	vmul.f32 v1, v0;
	_ =	sdelay $0x1  }
0xbf: {  	[tilespmem:s20+$0x420] =	vst v0;
	v0 =	vld [tilespmem:s20+$0x430]  }
0xc0: {  	v1 =	vld [tilespmem:$0x145B0];
	_ =	sdelay $0x4  }
0xc1: {  	v0 =	vmul.f32 v1, v0;
	_ =	sdelay $0x1  }
0xc2: {  	[tilespmem:s20+$0x430] =	vst v0;
	v0 =	vld [tilespmem:s20+$0x440]  }
0xc3: {  	v1 =	vld [tilespmem:$0x145C0];
	_ =	sdelay $0x4  }
0xc4: {  	v0 =	vmul.f32 v1, v0;
	_ =	sdelay $0x1  }
0xc5: {  	[tilespmem:s20+$0x440] =	vst v0;
	v0 =	vld [tilespmem:s20+$0x450]  }
0xc6: {  	v1 =	vld [tilespmem:$0x145D0];
	_ =	sdelay $0x4  }
0xc7: {  	v0 =	vmul.f32 v1, v0;
	_ =	sdelay $0x1  }
0xc8: {  	[tilespmem:s20+$0x450] =	vst v0;
	v0 =	vld [tilespmem:s20+$0x460]  }
0xc9: {  	v1 =	vld [tilespmem:$0x145E0];
	_ =	sdelay $0x4  }
0xca: {  	v0 =	vmul.f32 v1, v0;
	_ =	sdelay $0x1  }
0xcb: {  	[tilespmem:s20+$0x460] =	vst v0;
	v0 =	vld [tilespmem:s20+$0x470]  }
0xcc: {  	v1 =	vld [tilespmem:$0x145F0];
	_ =	sdelay $0x4  }
0xcd: {  	v0 =	vmul.f32 v1, v0;
	_ =	sdelay $0x1  }
0xce: {  	[tilespmem:s20+$0x470] =	vst v0;
	v0 =	vld [tilespmem:s20+$0x800]  }
0xcf: {  	v1 =	vld [tilespmem:$0x14600];
	_ =	sdelay $0x4  }
0xd0: {  	v0 =	vmul.f32 v1, v0;
	_ =	sdelay $0x1  }
0xd1: {  	[tilespmem:s20+$0x800] =	vst v0;
	v0 =	vld [tilespmem:s20+$0x810]  }
0xd2: {  	v1 =	vld [tilespmem:$0x14610];
	_ =	sdelay $0x4  }
0xd3: {  	v0 =	vmul.f32 v1, v0;
	_ =	sdelay $0x1  }
0xd4: {  	[tilespmem:s20+$0x810] =	vst v0;
	v0 =	vld [tilespmem:s20+$0x820]  }
0xd5: {  	v1 =	vld [tilespmem:$0x14620];
	_ =	sdelay $0x4  }
0xd6: {  	v0 =	vmul.f32 v1, v0;
	_ =	sdelay $0x1  }
0xd7: {  	[tilespmem:s20+$0x820] =	vst v0;
	v0 =	vld [tilespmem:s20+$0x830]  }
0xd8: {  	v1 =	vld [tilespmem:$0x14630];
	_ =	sdelay $0x4  }
0xd9: {  	v0 =	vmul.f32 v1, v0;
	_ =	sdelay $0x1  }
0xda: {  	[tilespmem:s20+$0x830] =	vst v0;
	v0 =	vld [tilespmem:s20+$0x840]  }
0xdb: {  	v1 =	vld [tilespmem:$0x14640];
	_ =	sdelay $0x4  }
0xdc: {  	v0 =	vmul.f32 v1, v0;
	_ =	sdelay $0x1  }
0xdd: {  	[tilespmem:s20+$0x840] =	vst v0;
	v0 =	vld [tilespmem:s20+$0x850]  }
0xde: {  	v1 =	vld [tilespmem:$0x14650];
	_ =	sdelay $0x4  }
0xdf: {  	v0 =	vmul.f32 v1, v0;
	_ =	sdelay $0x1  }
0xe0: {  	[tilespmem:s20+$0x850] =	vst v0;
	v0 =	vld [tilespmem:s20+$0x860]  }
0xe1: {  	v1 =	vld [tilespmem:$0x14660];
	_ =	sdelay $0x4  }
0xe2: {  	v0 =	vmul.f32 v1, v0;
	_ =	sdelay $0x1  }
0xe3: {  	[tilespmem:s20+$0x860] =	vst v0;
	v0 =	vld [tilespmem:s20+$0x870]  }
0xe4: {  	v1 =	vld [tilespmem:$0x14670];
	_ =	sdelay $0x4  }
0xe5: {  	v0 =	vmul.f32 v1, v0;
	_ =	sdelay $0x1  }
0xe6: {  	[tilespmem:s20+$0x870] =	vst v0;
	v0 =	vld [tilespmem:s20+$0xC00]  }
0xe7: {  	v1 =	vld [tilespmem:$0x14680];
	_ =	sdelay $0x4  }
0xe8: {  	v0 =	vmul.f32 v1, v0;
	_ =	sdelay $0x1  }
0xe9: {  	[tilespmem:s20+$0xC00] =	vst v0;
	v0 =	vld [tilespmem:s20+$0xC10]  }
0xea: {  	v1 =	vld [tilespmem:$0x14690];
	_ =	sdelay $0x4  }
0xeb: {  	v0 =	vmul.f32 v1, v0;
	_ =	sdelay $0x1  }
0xec: {  	[tilespmem:s20+$0xC10] =	vst v0;
	v0 =	vld [tilespmem:s20+$0xC20]  }
0xed: {  	v1 =	vld [tilespmem:$0x146A0];
	_ =	sdelay $0x4  }
0xee: {  	v0 =	vmul.f32 v1, v0;
	_ =	sdelay $0x1  }
0xef: {  	[tilespmem:s20+$0xC20] =	vst v0;
	v0 =	vld [tilespmem:s20+$0xC30]  }
0xf0: {  	v1 =	vld [tilespmem:$0x146B0];
	_ =	sdelay $0x4  }
0xf1: {  	v0 =	vmul.f32 v1, v0;
	_ =	sdelay $0x1  }
0xf2: {  	[tilespmem:s20+$0xC30] =	vst v0;
	v0 =	vld [tilespmem:s20+$0xC40]  }
0xf3: {  	v1 =	vld [tilespmem:$0x146C0];
	_ =	sdelay $0x4  }
0xf4: {  	v0 =	vmul.f32 v1, v0;
	_ =	sdelay $0x1  }
0xf5: {  	[tilespmem:s20+$0xC40] =	vst v0;
	v0 =	vld [tilespmem:s20+$0xC50]  }
0xf6: {  	v1 =	vld [tilespmem:$0x146D0];
	_ =	sdelay $0x4  }
0xf7: {  	v0 =	vmul.f32 v1, v0;
	_ =	sdelay $0x1  }
0xf8: {  	[tilespmem:s20+$0xC50] =	vst v0;
	v0 =	vld [tilespmem:s20+$0xC60]  }
0xf9: {  	v1 =	vld [tilespmem:$0x146E0];
	_ =	sdelay $0x4  }
0xfa: {  	v0 =	vmul.f32 v1, v0;
	_ =	sdelay $0x1  }
0xfb: {  	[tilespmem:s20+$0xC60] =	vst v0;
	v0 =	vld [tilespmem:s20+$0xC70]  }
0xfc: {  	v1 =	vld [tilespmem:$0x146F0];
	_ =	sdelay $0x4  }
0xfd: {  	v0 =	vmul.f32 v1, v0;
	_ =	sdelay $0x1  }
0xfe: {  	[tilespmem:s20+$0xC70] =	vst v0;
	v0 =	vld [tilespmem:s20+$0x1000]  }
0xff: {  	v1 =	vld [tilespmem:$0x14700];
	_ =	sdelay $0x4  }
0x100: {  	v0 =	vmul.f32 v1, v0;
	_ =	sdelay $0x1  }
0x101: {  	[tilespmem:s20+$0x1000] =	vst v0;
	v0 =	vld [tilespmem:s20+$0x1010]  }
0x102: {  	v1 =	vld [tilespmem:$0x14710];
	_ =	sdelay $0x4  }
0x103: {  	v0 =	vmul.f32 v1, v0;
	_ =	sdelay $0x1  }
0x104: {  	[tilespmem:s20+$0x1010] =	vst v0;
	v0 =	vld [tilespmem:s20+$0x1020]  }
0x105: {  	v1 =	vld [tilespmem:$0x14720];
	_ =	sdelay $0x4  }
0x106: {  	v0 =	vmul.f32 v1, v0;
	_ =	sdelay $0x1  }
0x107: {  	[tilespmem:s20+$0x1020] =	vst v0;
	v0 =	vld [tilespmem:s20+$0x1030]  }
0x108: {  	v1 =	vld [tilespmem:$0x14730];
	_ =	sdelay $0x4  }
0x109: {  	v0 =	vmul.f32 v1, v0;
	_ =	sdelay $0x1  }
0x10a: {  	[tilespmem:s20+$0x1030] =	vst v0;
	v0 =	vld [tilespmem:s20+$0x1040]  }
0x10b: {  	v1 =	vld [tilespmem:$0x14740];
	_ =	sdelay $0x4  }
0x10c: {  	v0 =	vmul.f32 v1, v0;
	_ =	sdelay $0x1  }
0x10d: {  	[tilespmem:s20+$0x1040] =	vst v0;
	v0 =	vld [tilespmem:s20+$0x1050]  }
0x10e: {  	v1 =	vld [tilespmem:$0x14750];
	_ =	sdelay $0x4  }
0x10f: {  	v0 =	vmul.f32 v1, v0;
	_ =	sdelay $0x1  }
0x110: {  	[tilespmem:s20+$0x1050] =	vst v0;
	v0 =	vld [tilespmem:s20+$0x1060]  }
0x111: {  	v1 =	vld [tilespmem:$0x14760];
	_ =	sdelay $0x4  }
0x112: {  	v0 =	vmul.f32 v1, v0;
	_ =	sdelay $0x1  }
0x113: {  	[tilespmem:s20+$0x1060] =	vst v0;
	v0 =	vld [tilespmem:s20+$0x1070]  }
0x114: {  	v1 =	vld [tilespmem:$0x14770];
	_ =	sdelay $0x4  }
0x115: {  	v0 =	vmul.f32 v1, v0;
	_ =	sdelay $0x1  }
0x116: {  	[tilespmem:s20+$0x1070] =	vst v0;
	v0 =	vld [tilespmem:s20+$0x1400]  }
0x117: {  	v1 =	vld [tilespmem:$0x14780];
	_ =	sdelay $0x4  }
0x118: {  	v0 =	vmul.f32 v1, v0;
	_ =	sdelay $0x1  }
0x119: {  	[tilespmem:s20+$0x1400] =	vst v0;
	v0 =	vld [tilespmem:s20+$0x1410]  }
0x11a: {  	v1 =	vld [tilespmem:$0x14790];
	_ =	sdelay $0x4  }
0x11b: {  	v0 =	vmul.f32 v1, v0;
	_ =	sdelay $0x1  }
0x11c: {  	[tilespmem:s20+$0x1410] =	vst v0;
	v0 =	vld [tilespmem:s20+$0x1420]  }
0x11d: {  	v1 =	vld [tilespmem:$0x147A0];
	_ =	sdelay $0x4  }
0x11e: {  	v0 =	vmul.f32 v1, v0;
	_ =	sdelay $0x1  }
0x11f: {  	[tilespmem:s20+$0x1420] =	vst v0;
	v0 =	vld [tilespmem:s20+$0x1430]  }
0x120: {  	v1 =	vld [tilespmem:$0x147B0];
	_ =	sdelay $0x4  }
0x121: {  	v0 =	vmul.f32 v1, v0;
	_ =	sdelay $0x1  }
0x122: {  	[tilespmem:s20+$0x1430] =	vst v0;
	v0 =	vld [tilespmem:s20+$0x1440]  }
0x123: {  	v1 =	vld [tilespmem:$0x147C0];
	_ =	sdelay $0x4  }
0x124: {  	v0 =	vmul.f32 v1, v0;
	_ =	sdelay $0x1  }
0x125: {  	[tilespmem:s20+$0x1440] =	vst v0;
	v0 =	vld [tilespmem:s20+$0x1450]  }
0x126: {  	v1 =	vld [tilespmem:$0x147D0];
	_ =	sdelay $0x4  }
0x127: {  	v0 =	vmul.f32 v1, v0;
	_ =	sdelay $0x1  }
0x128: {  	[tilespmem:s20+$0x1450] =	vst v0;
	v0 =	vld [tilespmem:s20+$0x1460]  }
0x129: {  	v1 =	vld [tilespmem:$0x147E0];
	_ =	sdelay $0x4  }
0x12a: {  	v0 =	vmul.f32 v1, v0;
	_ =	sdelay $0x1  }
0x12b: {  	[tilespmem:s20+$0x1460] =	vst v0;
	v0 =	vld [tilespmem:s20+$0x1470]  }
0x12c: {  	v1 =	vld [tilespmem:$0x147F0];
	_ =	sdelay $0x4  }
0x12d: {  	v0 =	vmul.f32 v1, v0;
	_ =	sdelay $0x1  }
0x12e: {  	[tilespmem:s20+$0x1470] =	vst v0;
	v0 =	vld [tilespmem:s20+$0x1800]  }
0x12f: {  	v1 =	vld [tilespmem:$0x14800];
	_ =	sdelay $0x4  }
0x130: {  	v0 =	vmul.f32 v1, v0;
	_ =	sdelay $0x1  }
0x131: {  	[tilespmem:s20+$0x1800] =	vst v0;
	v0 =	vld [tilespmem:s20+$0x1810]  }
0x132: {  	v1 =	vld [tilespmem:$0x14810];
	_ =	sdelay $0x4  }
0x133: {  	v0 =	vmul.f32 v1, v0;
	_ =	sdelay $0x1  }
0x134: {  	[tilespmem:s20+$0x1810] =	vst v0;
	v0 =	vld [tilespmem:s20+$0x1820]  }
0x135: {  	v1 =	vld [tilespmem:$0x14820];
	_ =	sdelay $0x4  }
0x136: {  	v0 =	vmul.f32 v1, v0;
	_ =	sdelay $0x1  }
0x137: {  	[tilespmem:s20+$0x1820] =	vst v0;
	v0 =	vld [tilespmem:s20+$0x1830]  }
0x138: {  	v1 =	vld [tilespmem:$0x14830];
	_ =	sdelay $0x4  }
0x139: {  	v0 =	vmul.f32 v1, v0;
	_ =	sdelay $0x1  }
0x13a: {  	[tilespmem:s20+$0x1830] =	vst v0;
	v0 =	vld [tilespmem:s20+$0x1840]  }
0x13b: {  	v1 =	vld [tilespmem:$0x14840];
	_ =	sdelay $0x4  }
0x13c: {  	v0 =	vmul.f32 v1, v0;
	_ =	sdelay $0x1  }
0x13d: {  	[tilespmem:s20+$0x1840] =	vst v0;
	v0 =	vld [tilespmem:s20+$0x1850]  }
0x13e: {  	v1 =	vld [tilespmem:$0x14850];
	_ =	sdelay $0x4  }
0x13f: {  	v0 =	vmul.f32 v1, v0;
	_ =	sdelay $0x1  }
0x140: {  	[tilespmem:s20+$0x1850] =	vst v0;
	v0 =	vld [tilespmem:s20+$0x1860]  }
0x141: {  	v1 =	vld [tilespmem:$0x14860];
	_ =	sdelay $0x4  }
0x142: {  	v0 =	vmul.f32 v1, v0;
	_ =	sdelay $0x1  }
0x143: {  	[tilespmem:s20+$0x1860] =	vst v0;
	v0 =	vld [tilespmem:s20+$0x1870]  }
0x144: {  	v1 =	vld [tilespmem:$0x14870];
	_ =	sdelay $0x4  }
0x145: {  	v0 =	vmul.f32 v1, v0;
	_ =	sdelay $0x1  }
0x146: {  	[tilespmem:s20+$0x1870] =	vst v0;
	v0 =	vld [tilespmem:s20+$0x1C00]  }
0x147: {  	v1 =	vld [tilespmem:$0x14880];
	_ =	sdelay $0x4  }
0x148: {  	v0 =	vmul.f32 v1, v0;
	_ =	sdelay $0x1  }
0x149: {  	[tilespmem:s20+$0x1C00] =	vst v0;
	v0 =	vld [tilespmem:s20+$0x1C10]  }
0x14a: {  	v1 =	vld [tilespmem:$0x14890];
	_ =	sdelay $0x4  }
0x14b: {  	v0 =	vmul.f32 v1, v0;
	_ =	sdelay $0x1  }
0x14c: {  	[tilespmem:s20+$0x1C10] =	vst v0;
	v0 =	vld [tilespmem:s20+$0x1C20]  }
0x14d: {  	v1 =	vld [tilespmem:$0x148A0];
	_ =	sdelay $0x4  }
0x14e: {  	v0 =	vmul.f32 v1, v0;
	_ =	sdelay $0x1  }
0x14f: {  	[tilespmem:s20+$0x1C20] =	vst v0;
	v0 =	vld [tilespmem:s20+$0x1C30]  }
0x150: {  	v1 =	vld [tilespmem:$0x148B0];
	_ =	sdelay $0x4  }
0x151: {  	v0 =	vmul.f32 v1, v0;
	_ =	sdelay $0x1  }
0x152: {  	[tilespmem:s20+$0x1C30] =	vst v0;
	v0 =	vld [tilespmem:s20+$0x1C40]  }
0x153: {  	v1 =	vld [tilespmem:$0x148C0];
	_ =	sdelay $0x4  }
0x154: {  	v0 =	vmul.f32 v1, v0;
	_ =	sdelay $0x1  }
0x155: {  	[tilespmem:s20+$0x1C40] =	vst v0;
	v0 =	vld [tilespmem:s20+$0x1C50]  }
0x156: {  	v1 =	vld [tilespmem:$0x148D0];
	_ =	sdelay $0x4  }
0x157: {  	v0 =	vmul.f32 v1, v0;
	_ =	sdelay $0x1  }
0x158: {  	[tilespmem:s20+$0x1C50] =	vst v0;
	v0 =	vld [tilespmem:s20+$0x1C60]  }
0x159: {  	v1 =	vld [tilespmem:$0x148E0];
	_ =	sdelay $0x4  }
0x15a: {  	v0 =	vmul.f32 v1, v0;
	_ =	sdelay $0x1  }
0x15b: {  	[tilespmem:s20+$0x1C60] =	vst v0;
	v0 =	vld [tilespmem:s20+$0x1C70]  }
0x15c: {  	v1 =	vld [tilespmem:$0x148F0];
	_ =	sdelay $0x2  }
0x15d: {  	s30 =	simm.s32 $0x400  }
0x15e: {  	s31 =	sand.u32 $0xE000, s30;
	s21 =	simm.s32 $0x80  }
0x15f: {  	s24 =	sadd.s32 s31, s19;
	s22 =	simm.s32 $0x800;
	s23 =	sand.u32 $0x380, s21;
	v0 =	vmul.f32 v1, v0  }
.LBB2_4:
0x160: {  	p0 =	sne.s32 s22, $0x9C00;
	s23 =	sadd.s32 s23, s24  }
0x161: {  	v1 =	vld [tilespmem:s23+$0x0];
	[tilespmem:s20+$0x1C70] =	vst v0;
	s20 =	smov.u32 s23  }
0x162: {  	v0 =	vld [tilespmem:$0x14500];
	_ =	sdelay $0x4  }
0x163: {  	v0 =	vmul.f32 v0, v1;
	_ =	sdelay $0x1  }
0x164: {  	[tilespmem:s20+$0x0] =	vst v0;
	v0 =	vld [tilespmem:s20+$0x10]  }
0x165: {  	v1 =	vld [tilespmem:$0x14510];
	_ =	sdelay $0x4  }
0x166: {  	v0 =	vmul.f32 v1, v0;
	_ =	sdelay $0x1  }
0x167: {  	[tilespmem:s20+$0x10] =	vst v0;
	v0 =	vld [tilespmem:s20+$0x20]  }
0x168: {  	v1 =	vld [tilespmem:$0x14520];
	_ =	sdelay $0x4  }
0x169: {  	v0 =	vmul.f32 v1, v0;
	_ =	sdelay $0x1  }
0x16a: {  	[tilespmem:s20+$0x20] =	vst v0;
	v0 =	vld [tilespmem:s20+$0x30]  }
0x16b: {  	v1 =	vld [tilespmem:$0x14530];
	_ =	sdelay $0x4  }
0x16c: {  	v0 =	vmul.f32 v1, v0;
	_ =	sdelay $0x1  }
0x16d: {  	[tilespmem:s20+$0x30] =	vst v0;
	v0 =	vld [tilespmem:s20+$0x40]  }
0x16e: {  	v1 =	vld [tilespmem:$0x14540];
	_ =	sdelay $0x4  }
0x16f: {  	v0 =	vmul.f32 v1, v0;
	_ =	sdelay $0x1  }
0x170: {  	[tilespmem:s20+$0x40] =	vst v0;
	v0 =	vld [tilespmem:s20+$0x50]  }
0x171: {  	v1 =	vld [tilespmem:$0x14550];
	_ =	sdelay $0x4  }
0x172: {  	v0 =	vmul.f32 v1, v0;
	_ =	sdelay $0x1  }
0x173: {  	[tilespmem:s20+$0x50] =	vst v0;
	v0 =	vld [tilespmem:s20+$0x60]  }
0x174: {  	v1 =	vld [tilespmem:$0x14560];
	_ =	sdelay $0x4  }
0x175: {  	v0 =	vmul.f32 v1, v0;
	_ =	sdelay $0x1  }
0x176: {  	[tilespmem:s20+$0x60] =	vst v0;
	v0 =	vld [tilespmem:s20+$0x70]  }
0x177: {  	v1 =	vld [tilespmem:$0x14570];
	_ =	sdelay $0x4  }
0x178: {  	v0 =	vmul.f32 v1, v0;
	_ =	sdelay $0x1  }
0x179: {  	[tilespmem:s20+$0x70] =	vst v0;
	v0 =	vld [tilespmem:s20+$0x400]  }
0x17a: {  	v1 =	vld [tilespmem:$0x14580];
	_ =	sdelay $0x4  }
0x17b: {  	v0 =	vmul.f32 v1, v0;
	_ =	sdelay $0x1  }
0x17c: {  	[tilespmem:s20+$0x400] =	vst v0;
	v0 =	vld [tilespmem:s20+$0x410]  }
0x17d: {  	v1 =	vld [tilespmem:$0x14590];
	_ =	sdelay $0x4  }
0x17e: {  	v0 =	vmul.f32 v1, v0;
	_ =	sdelay $0x1  }
0x17f: {  	[tilespmem:s20+$0x410] =	vst v0;
	v0 =	vld [tilespmem:s20+$0x420]  }
0x180: {  	v1 =	vld [tilespmem:$0x145A0];
	_ =	sdelay $0x4  }
0x181: {  	v0 =	vmul.f32 v1, v0;
	_ =	sdelay $0x1  }
0x182: {  	[tilespmem:s20+$0x420] =	vst v0;
	v0 =	vld [tilespmem:s20+$0x430]  }
0x183: {  	v1 =	vld [tilespmem:$0x145B0];
	_ =	sdelay $0x4  }
0x184: {  	v0 =	vmul.f32 v1, v0;
	_ =	sdelay $0x1  }
0x185: {  	[tilespmem:s20+$0x430] =	vst v0;
	v0 =	vld [tilespmem:s20+$0x440]  }
0x186: {  	v1 =	vld [tilespmem:$0x145C0];
	_ =	sdelay $0x4  }
0x187: {  	v0 =	vmul.f32 v1, v0;
	_ =	sdelay $0x1  }
0x188: {  	[tilespmem:s20+$0x440] =	vst v0;
	v0 =	vld [tilespmem:s20+$0x450]  }
0x189: {  	v1 =	vld [tilespmem:$0x145D0];
	_ =	sdelay $0x4  }
0x18a: {  	v0 =	vmul.f32 v1, v0;
	_ =	sdelay $0x1  }
0x18b: {  	[tilespmem:s20+$0x450] =	vst v0;
	v0 =	vld [tilespmem:s20+$0x460]  }
0x18c: {  	v1 =	vld [tilespmem:$0x145E0];
	_ =	sdelay $0x4  }
0x18d: {  	v0 =	vmul.f32 v1, v0;
	_ =	sdelay $0x1  }
0x18e: {  	[tilespmem:s20+$0x460] =	vst v0;
	v0 =	vld [tilespmem:s20+$0x470]  }
0x18f: {  	v1 =	vld [tilespmem:$0x145F0];
	_ =	sdelay $0x4  }
0x190: {  	v0 =	vmul.f32 v1, v0;
	_ =	sdelay $0x1  }
0x191: {  	[tilespmem:s20+$0x470] =	vst v0;
	v0 =	vld [tilespmem:s20+$0x800]  }
0x192: {  	v1 =	vld [tilespmem:$0x14600];
	_ =	sdelay $0x4  }
0x193: {  	v0 =	vmul.f32 v1, v0;
	_ =	sdelay $0x1  }
0x194: {  	[tilespmem:s20+$0x800] =	vst v0;
	v0 =	vld [tilespmem:s20+$0x810]  }
0x195: {  	v1 =	vld [tilespmem:$0x14610];
	_ =	sdelay $0x4  }
0x196: {  	v0 =	vmul.f32 v1, v0;
	_ =	sdelay $0x1  }
0x197: {  	[tilespmem:s20+$0x810] =	vst v0;
	v0 =	vld [tilespmem:s20+$0x820]  }
0x198: {  	v1 =	vld [tilespmem:$0x14620];
	_ =	sdelay $0x4  }
0x199: {  	v0 =	vmul.f32 v1, v0;
	_ =	sdelay $0x1  }
0x19a: {  	[tilespmem:s20+$0x820] =	vst v0;
	v0 =	vld [tilespmem:s20+$0x830]  }
0x19b: {  	v1 =	vld [tilespmem:$0x14630];
	_ =	sdelay $0x4  }
0x19c: {  	v0 =	vmul.f32 v1, v0;
	_ =	sdelay $0x1  }
0x19d: {  	[tilespmem:s20+$0x830] =	vst v0;
	v0 =	vld [tilespmem:s20+$0x840]  }
0x19e: {  	v1 =	vld [tilespmem:$0x14640];
	_ =	sdelay $0x4  }
0x19f: {  	v0 =	vmul.f32 v1, v0;
	_ =	sdelay $0x1  }
0x1a0: {  	[tilespmem:s20+$0x840] =	vst v0;
	v0 =	vld [tilespmem:s20+$0x850]  }
0x1a1: {  	v1 =	vld [tilespmem:$0x14650];
	_ =	sdelay $0x4  }
0x1a2: {  	v0 =	vmul.f32 v1, v0;
	_ =	sdelay $0x1  }
0x1a3: {  	[tilespmem:s20+$0x850] =	vst v0;
	v0 =	vld [tilespmem:s20+$0x860]  }
0x1a4: {  	v1 =	vld [tilespmem:$0x14660];
	_ =	sdelay $0x4  }
0x1a5: {  	v0 =	vmul.f32 v1, v0;
	_ =	sdelay $0x1  }
0x1a6: {  	[tilespmem:s20+$0x860] =	vst v0;
	v0 =	vld [tilespmem:s20+$0x870]  }
0x1a7: {  	v1 =	vld [tilespmem:$0x14670];
	_ =	sdelay $0x4  }
0x1a8: {  	v0 =	vmul.f32 v1, v0;
	_ =	sdelay $0x1  }
0x1a9: {  	[tilespmem:s20+$0x870] =	vst v0;
	v0 =	vld [tilespmem:s20+$0xC00]  }
0x1aa: {  	v1 =	vld [tilespmem:$0x14680];
	_ =	sdelay $0x4  }
0x1ab: {  	v0 =	vmul.f32 v1, v0;
	_ =	sdelay $0x1  }
0x1ac: {  	[tilespmem:s20+$0xC00] =	vst v0;
	v0 =	vld [tilespmem:s20+$0xC10]  }
0x1ad: {  	v1 =	vld [tilespmem:$0x14690];
	_ =	sdelay $0x4  }
0x1ae: {  	v0 =	vmul.f32 v1, v0;
	_ =	sdelay $0x1  }
0x1af: {  	[tilespmem:s20+$0xC10] =	vst v0;
	v0 =	vld [tilespmem:s20+$0xC20]  }
0x1b0: {  	v1 =	vld [tilespmem:$0x146A0];
	_ =	sdelay $0x4  }
0x1b1: {  	v0 =	vmul.f32 v1, v0;
	_ =	sdelay $0x1  }
0x1b2: {  	[tilespmem:s20+$0xC20] =	vst v0;
	v0 =	vld [tilespmem:s20+$0xC30]  }
0x1b3: {  	v1 =	vld [tilespmem:$0x146B0];
	_ =	sdelay $0x4  }
0x1b4: {  	v0 =	vmul.f32 v1, v0;
	_ =	sdelay $0x1  }
0x1b5: {  	[tilespmem:s20+$0xC30] =	vst v0;
	v0 =	vld [tilespmem:s20+$0xC40]  }
0x1b6: {  	v1 =	vld [tilespmem:$0x146C0];
	_ =	sdelay $0x4  }
0x1b7: {  	v0 =	vmul.f32 v1, v0;
	_ =	sdelay $0x1  }
0x1b8: {  	[tilespmem:s20+$0xC40] =	vst v0;
	v0 =	vld [tilespmem:s20+$0xC50]  }
0x1b9: {  	v1 =	vld [tilespmem:$0x146D0];
	_ =	sdelay $0x4  }
0x1ba: {  	v0 =	vmul.f32 v1, v0;
	_ =	sdelay $0x1  }
0x1bb: {  	[tilespmem:s20+$0xC50] =	vst v0;
	v0 =	vld [tilespmem:s20+$0xC60]  }
0x1bc: {  	v1 =	vld [tilespmem:$0x146E0];
	_ =	sdelay $0x4  }
0x1bd: {  	v0 =	vmul.f32 v1, v0;
	_ =	sdelay $0x1  }
0x1be: {  	[tilespmem:s20+$0xC60] =	vst v0;
	v0 =	vld [tilespmem:s20+$0xC70]  }
0x1bf: {  	v1 =	vld [tilespmem:$0x146F0];
	_ =	sdelay $0x4  }
0x1c0: {  	v0 =	vmul.f32 v1, v0;
	_ =	sdelay $0x1  }
0x1c1: {  	[tilespmem:s20+$0xC70] =	vst v0;
	v0 =	vld [tilespmem:s20+$0x1000]  }
0x1c2: {  	v1 =	vld [tilespmem:$0x14700];
	_ =	sdelay $0x4  }
0x1c3: {  	v0 =	vmul.f32 v1, v0;
	_ =	sdelay $0x1  }
0x1c4: {  	[tilespmem:s20+$0x1000] =	vst v0;
	v0 =	vld [tilespmem:s20+$0x1010]  }
0x1c5: {  	v1 =	vld [tilespmem:$0x14710];
	_ =	sdelay $0x4  }
0x1c6: {  	v0 =	vmul.f32 v1, v0;
	_ =	sdelay $0x1  }
0x1c7: {  	[tilespmem:s20+$0x1010] =	vst v0;
	v0 =	vld [tilespmem:s20+$0x1020]  }
0x1c8: {  	v1 =	vld [tilespmem:$0x14720];
	_ =	sdelay $0x4  }
0x1c9: {  	v0 =	vmul.f32 v1, v0;
	_ =	sdelay $0x1  }
0x1ca: {  	[tilespmem:s20+$0x1020] =	vst v0;
	v0 =	vld [tilespmem:s20+$0x1030]  }
0x1cb: {  	v1 =	vld [tilespmem:$0x14730];
	_ =	sdelay $0x4  }
0x1cc: {  	v0 =	vmul.f32 v1, v0;
	_ =	sdelay $0x1  }
0x1cd: {  	[tilespmem:s20+$0x1030] =	vst v0;
	v0 =	vld [tilespmem:s20+$0x1040]  }
0x1ce: {  	v1 =	vld [tilespmem:$0x14740];
	_ =	sdelay $0x4  }
0x1cf: {  	v0 =	vmul.f32 v1, v0;
	_ =	sdelay $0x1  }
0x1d0: {  	[tilespmem:s20+$0x1040] =	vst v0;
	v0 =	vld [tilespmem:s20+$0x1050]  }
0x1d1: {  	v1 =	vld [tilespmem:$0x14750];
	_ =	sdelay $0x4  }
0x1d2: {  	v0 =	vmul.f32 v1, v0;
	_ =	sdelay $0x1  }
0x1d3: {  	[tilespmem:s20+$0x1050] =	vst v0;
	v0 =	vld [tilespmem:s20+$0x1060]  }
0x1d4: {  	v1 =	vld [tilespmem:$0x14760];
	_ =	sdelay $0x4  }
0x1d5: {  	v0 =	vmul.f32 v1, v0;
	_ =	sdelay $0x1  }
0x1d6: {  	[tilespmem:s20+$0x1060] =	vst v0;
	v0 =	vld [tilespmem:s20+$0x1070]  }
0x1d7: {  	v1 =	vld [tilespmem:$0x14770];
	_ =	sdelay $0x4  }
0x1d8: {  	v0 =	vmul.f32 v1, v0;
	_ =	sdelay $0x1  }
0x1d9: {  	[tilespmem:s20+$0x1070] =	vst v0;
	v0 =	vld [tilespmem:s20+$0x1400]  }
0x1da: {  	v1 =	vld [tilespmem:$0x14780];
	_ =	sdelay $0x4  }
0x1db: {  	v0 =	vmul.f32 v1, v0;
	_ =	sdelay $0x1  }
0x1dc: {  	[tilespmem:s20+$0x1400] =	vst v0;
	v0 =	vld [tilespmem:s20+$0x1410]  }
0x1dd: {  	v1 =	vld [tilespmem:$0x14790];
	_ =	sdelay $0x4  }
0x1de: {  	v0 =	vmul.f32 v1, v0;
	_ =	sdelay $0x1  }
0x1df: {  	[tilespmem:s20+$0x1410] =	vst v0;
	v0 =	vld [tilespmem:s20+$0x1420]  }
0x1e0: {  	v1 =	vld [tilespmem:$0x147A0];
	_ =	sdelay $0x4  }
0x1e1: {  	v0 =	vmul.f32 v1, v0;
	_ =	sdelay $0x1  }
0x1e2: {  	[tilespmem:s20+$0x1420] =	vst v0;
	v0 =	vld [tilespmem:s20+$0x1430]  }
0x1e3: {  	v1 =	vld [tilespmem:$0x147B0];
	_ =	sdelay $0x4  }
0x1e4: {  	v0 =	vmul.f32 v1, v0;
	_ =	sdelay $0x1  }
0x1e5: {  	[tilespmem:s20+$0x1430] =	vst v0;
	v0 =	vld [tilespmem:s20+$0x1440]  }
0x1e6: {  	v1 =	vld [tilespmem:$0x147C0];
	_ =	sdelay $0x4  }
0x1e7: {  	v0 =	vmul.f32 v1, v0;
	_ =	sdelay $0x1  }
0x1e8: {  	[tilespmem:s20+$0x1440] =	vst v0;
	v0 =	vld [tilespmem:s20+$0x1450]  }
0x1e9: {  	v1 =	vld [tilespmem:$0x147D0];
	_ =	sdelay $0x4  }
0x1ea: {  	v0 =	vmul.f32 v1, v0;
	_ =	sdelay $0x1  }
0x1eb: {  	[tilespmem:s20+$0x1450] =	vst v0;
	v0 =	vld [tilespmem:s20+$0x1460]  }
0x1ec: {  	v1 =	vld [tilespmem:$0x147E0];
	_ =	sdelay $0x4  }
0x1ed: {  	v0 =	vmul.f32 v1, v0;
	_ =	sdelay $0x1  }
0x1ee: {  	[tilespmem:s20+$0x1460] =	vst v0;
	v0 =	vld [tilespmem:s20+$0x1470]  }
0x1ef: {  	v1 =	vld [tilespmem:$0x147F0];
	_ =	sdelay $0x4  }
0x1f0: {  	v0 =	vmul.f32 v1, v0;
	_ =	sdelay $0x1  }
0x1f1: {  	[tilespmem:s20+$0x1470] =	vst v0;
	v0 =	vld [tilespmem:s20+$0x1800]  }
0x1f2: {  	v1 =	vld [tilespmem:$0x14800];
	_ =	sdelay $0x4  }
0x1f3: {  	v0 =	vmul.f32 v1, v0;
	_ =	sdelay $0x1  }
0x1f4: {  	[tilespmem:s20+$0x1800] =	vst v0;
	v0 =	vld [tilespmem:s20+$0x1810]  }
0x1f5: {  	v1 =	vld [tilespmem:$0x14810];
	_ =	sdelay $0x4  }
0x1f6: {  	v0 =	vmul.f32 v1, v0;
	_ =	sdelay $0x1  }
0x1f7: {  	[tilespmem:s20+$0x1810] =	vst v0;
	v0 =	vld [tilespmem:s20+$0x1820]  }
0x1f8: {  	v1 =	vld [tilespmem:$0x14820];
	_ =	sdelay $0x4  }
0x1f9: {  	v0 =	vmul.f32 v1, v0;
	_ =	sdelay $0x1  }
0x1fa: {  	[tilespmem:s20+$0x1820] =	vst v0;
	v0 =	vld [tilespmem:s20+$0x1830]  }
0x1fb: {  	v1 =	vld [tilespmem:$0x14830];
	_ =	sdelay $0x4  }
0x1fc: {  	v0 =	vmul.f32 v1, v0;
	_ =	sdelay $0x1  }
0x1fd: {  	[tilespmem:s20+$0x1830] =	vst v0;
	v0 =	vld [tilespmem:s20+$0x1840]  }
0x1fe: {  	v1 =	vld [tilespmem:$0x14840];
	_ =	sdelay $0x4  }
0x1ff: {  	v0 =	vmul.f32 v1, v0;
	_ =	sdelay $0x1  }
0x200: {  	[tilespmem:s20+$0x1840] =	vst v0;
	v0 =	vld [tilespmem:s20+$0x1850]  }
0x201: {  	v1 =	vld [tilespmem:$0x14850];
	_ =	sdelay $0x4  }
0x202: {  	v0 =	vmul.f32 v1, v0;
	_ =	sdelay $0x1  }
0x203: {  	[tilespmem:s20+$0x1850] =	vst v0;
	v0 =	vld [tilespmem:s20+$0x1860]  }
0x204: {  	v1 =	vld [tilespmem:$0x14860];
	_ =	sdelay $0x4  }
0x205: {  	v0 =	vmul.f32 v1, v0;
	_ =	sdelay $0x1  }
0x206: {  	[tilespmem:s20+$0x1860] =	vst v0;
	v0 =	vld [tilespmem:s20+$0x1870]  }
0x207: {  	v1 =	vld [tilespmem:$0x14870];
	_ =	sdelay $0x4  }
0x208: {  	v0 =	vmul.f32 v1, v0;
	_ =	sdelay $0x1  }
0x209: {  	[tilespmem:s20+$0x1870] =	vst v0;
	v0 =	vld [tilespmem:s20+$0x1C00]  }
0x20a: {  	v1 =	vld [tilespmem:$0x14880];
	_ =	sdelay $0x4  }
0x20b: {  	v0 =	vmul.f32 v1, v0;
	_ =	sdelay $0x1  }
0x20c: {  	[tilespmem:s20+$0x1C00] =	vst v0;
	v0 =	vld [tilespmem:s20+$0x1C10]  }
0x20d: {  	v1 =	vld [tilespmem:$0x14890];
	_ =	sdelay $0x4  }
0x20e: {  	v0 =	vmul.f32 v1, v0;
	_ =	sdelay $0x1  }
0x20f: {  	[tilespmem:s20+$0x1C10] =	vst v0;
	v0 =	vld [tilespmem:s20+$0x1C20]  }
0x210: {  	v1 =	vld [tilespmem:$0x148A0];
	_ =	sdelay $0x4  }
0x211: {  	v0 =	vmul.f32 v1, v0;
	_ =	sdelay $0x1  }
0x212: {  	[tilespmem:s20+$0x1C20] =	vst v0;
	v0 =	vld [tilespmem:s20+$0x1C30]  }
0x213: {  	v1 =	vld [tilespmem:$0x148B0];
	_ =	sdelay $0x4  }
0x214: {  	v0 =	vmul.f32 v1, v0;
	_ =	sdelay $0x1  }
0x215: {  	[tilespmem:s20+$0x1C30] =	vst v0;
	v0 =	vld [tilespmem:s20+$0x1C40]  }
0x216: {  	v1 =	vld [tilespmem:$0x148C0];
	_ =	sdelay $0x4  }
0x217: {  	v0 =	vmul.f32 v1, v0;
	_ =	sdelay $0x1  }
0x218: {  	[tilespmem:s20+$0x1C40] =	vst v0;
	v0 =	vld [tilespmem:s20+$0x1C50]  }
0x219: {  	v1 =	vld [tilespmem:$0x148D0];
	_ =	sdelay $0x4  }
0x21a: {  	v0 =	vmul.f32 v1, v0;
	_ =	sdelay $0x1  }
0x21b: {  	[tilespmem:s20+$0x1C50] =	vst v0;
	v0 =	vld [tilespmem:s20+$0x1C60]  }
0x21c: {  	v1 =	vld [tilespmem:$0x148E0];
	_ =	sdelay $0x4  }
0x21d: {  	v0 =	vmul.f32 v1, v0;
	_ =	sdelay $0x1  }
0x21e: {  	[tilespmem:s20+$0x1C60] =	vst v0;
	v0 =	vld [tilespmem:s20+$0x1C70]  }
0x21f: {  	v1 =	vld [tilespmem:$0x148F0]  }
.Ltmp6:
0x220: {  	(pc) =	sbr.rel @p0 .LBB2_4-.Ltmp6, $3  }
0x221: {  	_ =	sdelay $0x1  }
0x222: {  	s24 =	sand.u32 $0xE000, s22;
	s21 =	sadd.s32 $0x80, s21  }
0x223: {  	s22 =	sadd.s32 $0x400, s22;
	s23 =	sand.u32 $0x380, s21;
	s24 =	sadd.s32 s24, s19;
	v0 =	vmul.f32 v1, v0  }
0x224: {  	s21 =	sadd.s32 s23, s24  }
0x225: {  	v1 =	vld [tilespmem:s21+$0x0];
	[tilespmem:s20+$0x1C70] =	vst v0  }
0x226: {  	v0 =	vld [tilespmem:$0x14500];
	_ =	sdelay $0x4  }
0x227: {  	v0 =	vmul.f32 v0, v1;
	_ =	sdelay $0x1  }
0x228: {  	v58 =	vld [tilespmem:s21+$0x10];
	[tilespmem:s21+$0x0] =	vst v0  }
0x229: {  	v59 =	vld [tilespmem:$0x14510];
	_ =	sdelay $0x4  }
0x22a: {  	v0 =	vmul.f32 v59, v58;
	_ =	sdelay $0x1  }
0x22b: {  	v60 =	vld [tilespmem:s21+$0x20];
	[tilespmem:s21+$0x10] =	vst v0  }
0x22c: {  	v61 =	vld [tilespmem:$0x14520];
	_ =	sdelay $0x4  }
0x22d: {  	v0 =	vmul.f32 v61, v60;
	_ =	sdelay $0x1  }
0x22e: {  	v62 =	vld [tilespmem:s21+$0x30];
	[tilespmem:s21+$0x20] =	vst v0  }
0x22f: {  	v63 =	vld [tilespmem:$0x14530];
	_ =	sdelay $0x4  }
0x230: {  	v0 =	vmul.f32 v63, v62;
	_ =	sdelay $0x1  }
0x231: {  	v4 =	vld [tilespmem:s21+$0x40];
	[tilespmem:s21+$0x30] =	vst v0  }
0x232: {  	v5 =	vld [tilespmem:$0x14540];
	_ =	sdelay $0x4  }
0x233: {  	v0 =	vmul.f32 v5, v4;
	_ =	sdelay $0x1  }
0x234: {  	v6 =	vld [tilespmem:s21+$0x50];
	[tilespmem:s21+$0x40] =	vst v0  }
0x235: {  	v7 =	vld [tilespmem:$0x14550];
	_ =	sdelay $0x4  }
0x236: {  	v0 =	vmul.f32 v7, v6;
	_ =	sdelay $0x1  }
0x237: {  	v8 =	vld [tilespmem:s21+$0x60];
	[tilespmem:s21+$0x50] =	vst v0  }
0x238: {  	v9 =	vld [tilespmem:$0x14560];
	_ =	sdelay $0x4  }
0x239: {  	v0 =	vmul.f32 v9, v8;
	_ =	sdelay $0x1  }
0x23a: {  	v10 =	vld [tilespmem:s21+$0x70];
	[tilespmem:s21+$0x60] =	vst v0  }
0x23b: {  	v11 =	vld [tilespmem:$0x14570];
	_ =	sdelay $0x4  }
0x23c: {  	v0 =	vmul.f32 v11, v10;
	_ =	sdelay $0x1  }
0x23d: {  	v12 =	vld [tilespmem:s21+$0x400];
	[tilespmem:s21+$0x70] =	vst v0  }
0x23e: {  	v13 =	vld [tilespmem:$0x14580];
	_ =	sdelay $0x4  }
0x23f: {  	v0 =	vmul.f32 v13, v12;
	_ =	sdelay $0x1  }
0x240: {  	v14 =	vld [tilespmem:s21+$0x410];
	[tilespmem:s21+$0x400] =	vst v0  }
0x241: {  	v15 =	vld [tilespmem:$0x14590];
	_ =	sdelay $0x4  }
0x242: {  	v0 =	vmul.f32 v15, v14;
	_ =	sdelay $0x1  }
0x243: {  	v16 =	vld [tilespmem:s21+$0x420];
	[tilespmem:s21+$0x410] =	vst v0  }
0x244: {  	v17 =	vld [tilespmem:$0x145A0];
	_ =	sdelay $0x4  }
0x245: {  	v0 =	vmul.f32 v17, v16;
	_ =	sdelay $0x1  }
0x246: {  	v18 =	vld [tilespmem:s21+$0x430];
	[tilespmem:s21+$0x420] =	vst v0  }
0x247: {  	v19 =	vld [tilespmem:$0x145B0];
	_ =	sdelay $0x4  }
0x248: {  	v0 =	vmul.f32 v19, v18;
	_ =	sdelay $0x1  }
0x249: {  	v20 =	vld [tilespmem:s21+$0x440];
	[tilespmem:s21+$0x430] =	vst v0  }
0x24a: {  	v21 =	vld [tilespmem:$0x145C0];
	_ =	sdelay $0x4  }
0x24b: {  	v0 =	vmul.f32 v21, v20;
	_ =	sdelay $0x1  }
0x24c: {  	v22 =	vld [tilespmem:s21+$0x450];
	[tilespmem:s21+$0x440] =	vst v0  }
0x24d: {  	v23 =	vld [tilespmem:$0x145D0];
	_ =	sdelay $0x4  }
0x24e: {  	v0 =	vmul.f32 v23, v22;
	_ =	sdelay $0x1  }
0x24f: {  	v24 =	vld [tilespmem:s21+$0x460];
	[tilespmem:s21+$0x450] =	vst v0  }
0x250: {  	v25 =	vld [tilespmem:$0x145E0];
	_ =	sdelay $0x4  }
0x251: {  	v0 =	vmul.f32 v25, v24;
	_ =	sdelay $0x1  }
0x252: {  	v26 =	vld [tilespmem:s21+$0x470];
	[tilespmem:s21+$0x460] =	vst v0  }
0x253: {  	v27 =	vld [tilespmem:$0x145F0];
	_ =	sdelay $0x4  }
0x254: {  	v0 =	vmul.f32 v27, v26;
	_ =	sdelay $0x1  }
0x255: {  	v28 =	vld [tilespmem:s21+$0x800];
	[tilespmem:s21+$0x470] =	vst v0  }
0x256: {  	v29 =	vld [tilespmem:$0x14600];
	_ =	sdelay $0x4  }
0x257: {  	v0 =	vmul.f32 v29, v28;
	_ =	sdelay $0x1  }
0x258: {  	v30 =	vld [tilespmem:s21+$0x810];
	[tilespmem:s21+$0x800] =	vst v0  }
0x259: {  	v31 =	vld [tilespmem:$0x14610];
	_ =	sdelay $0x4  }
0x25a: {  	v0 =	vmul.f32 v31, v30;
	_ =	sdelay $0x1  }
0x25b: {  	v32 =	vld [tilespmem:s21+$0x820];
	[tilespmem:s21+$0x810] =	vst v0  }
0x25c: {  	v33 =	vld [tilespmem:$0x14620];
	_ =	sdelay $0x4  }
0x25d: {  	v0 =	vmul.f32 v33, v32;
	_ =	sdelay $0x1  }
0x25e: {  	v34 =	vld [tilespmem:s21+$0x830];
	[tilespmem:s21+$0x820] =	vst v0  }
0x25f: {  	v35 =	vld [tilespmem:$0x14630];
	_ =	sdelay $0x4  }
0x260: {  	v0 =	vmul.f32 v35, v34;
	_ =	sdelay $0x1  }
0x261: {  	v36 =	vld [tilespmem:s21+$0x840];
	[tilespmem:s21+$0x830] =	vst v0  }
0x262: {  	v37 =	vld [tilespmem:$0x14640];
	_ =	sdelay $0x4  }
0x263: {  	v0 =	vmul.f32 v37, v36;
	_ =	sdelay $0x1  }
0x264: {  	v38 =	vld [tilespmem:s21+$0x850];
	[tilespmem:s21+$0x840] =	vst v0  }
0x265: {  	v39 =	vld [tilespmem:$0x14650];
	_ =	sdelay $0x4  }
0x266: {  	v0 =	vmul.f32 v39, v38;
	_ =	sdelay $0x1  }
0x267: {  	v40 =	vld [tilespmem:s21+$0x860];
	[tilespmem:s21+$0x850] =	vst v0  }
0x268: {  	v41 =	vld [tilespmem:$0x14660];
	_ =	sdelay $0x4  }
0x269: {  	v0 =	vmul.f32 v41, v40;
	_ =	sdelay $0x1  }
0x26a: {  	v42 =	vld [tilespmem:s21+$0x870];
	[tilespmem:s21+$0x860] =	vst v0  }
0x26b: {  	v43 =	vld [tilespmem:$0x14670];
	_ =	sdelay $0x4  }
0x26c: {  	v0 =	vmul.f32 v43, v42;
	_ =	sdelay $0x1  }
0x26d: {  	v44 =	vld [tilespmem:s21+$0xC00];
	[tilespmem:s21+$0x870] =	vst v0  }
0x26e: {  	v45 =	vld [tilespmem:$0x14680];
	_ =	sdelay $0x4  }
0x26f: {  	v0 =	vmul.f32 v45, v44;
	_ =	sdelay $0x1  }
0x270: {  	v46 =	vld [tilespmem:s21+$0xC10];
	[tilespmem:s21+$0xC00] =	vst v0  }
0x271: {  	v47 =	vld [tilespmem:$0x14690];
	_ =	sdelay $0x4  }
0x272: {  	v0 =	vmul.f32 v47, v46;
	_ =	sdelay $0x1  }
0x273: {  	v48 =	vld [tilespmem:s21+$0xC20];
	[tilespmem:s21+$0xC10] =	vst v0  }
0x274: {  	v49 =	vld [tilespmem:$0x146A0];
	_ =	sdelay $0x4  }
0x275: {  	v0 =	vmul.f32 v49, v48;
	_ =	sdelay $0x1  }
0x276: {  	v50 =	vld [tilespmem:s21+$0xC30];
	[tilespmem:s21+$0xC20] =	vst v0  }
0x277: {  	v51 =	vld [tilespmem:$0x146B0];
	_ =	sdelay $0x4  }
0x278: {  	v0 =	vmul.f32 v51, v50;
	_ =	sdelay $0x1  }
0x279: {  	v52 =	vld [tilespmem:s21+$0xC40];
	[tilespmem:s21+$0xC30] =	vst v0  }
0x27a: {  	v53 =	vld [tilespmem:$0x146C0];
	_ =	sdelay $0x4  }
0x27b: {  	v0 =	vmul.f32 v53, v52;
	_ =	sdelay $0x1  }
0x27c: {  	v54 =	vld [tilespmem:s21+$0xC50];
	[tilespmem:s21+$0xC40] =	vst v0  }
0x27d: {  	v55 =	vld [tilespmem:$0x146D0];
	_ =	sdelay $0x4  }
0x27e: {  	v0 =	vmul.f32 v55, v54;
	_ =	sdelay $0x1  }
0x27f: {  	v56 =	vld [tilespmem:s21+$0xC60];
	[tilespmem:s21+$0xC50] =	vst v0  }
0x280: {  	v57 =	vld [tilespmem:$0x146E0];
	_ =	sdelay $0x4  }
0x281: {  	v0 =	vmul.f32 v57, v56;
	_ =	sdelay $0x1  }
0x282: {  	v58 =	vld [tilespmem:s21+$0xC70];
	[tilespmem:s21+$0xC60] =	vst v0  }
0x283: {  	v59 =	vld [tilespmem:$0x146F0];
	_ =	sdelay $0x4  }
0x284: {  	v0 =	vmul.f32 v59, v58;
	_ =	sdelay $0x1  }
0x285: {  	v60 =	vld [tilespmem:s21+$0x1000];
	[tilespmem:s21+$0xC70] =	vst v0  }
0x286: {  	v61 =	vld [tilespmem:$0x14700];
	_ =	sdelay $0x4  }
0x287: {  	v0 =	vmul.f32 v61, v60;
	_ =	sdelay $0x1  }
0x288: {  	v62 =	vld [tilespmem:s21+$0x1010];
	[tilespmem:s21+$0x1000] =	vst v0  }
0x289: {  	v63 =	vld [tilespmem:$0x14710];
	_ =	sdelay $0x4  }
0x28a: {  	v0 =	vmul.f32 v63, v62;
	_ =	sdelay $0x1  }
0x28b: {  	v4 =	vld [tilespmem:s21+$0x1020];
	[tilespmem:s21+$0x1010] =	vst v0  }
0x28c: {  	v5 =	vld [tilespmem:$0x14720];
	_ =	sdelay $0x4  }
0x28d: {  	v0 =	vmul.f32 v5, v4;
	_ =	sdelay $0x1  }
0x28e: {  	v6 =	vld [tilespmem:s21+$0x1030];
	[tilespmem:s21+$0x1020] =	vst v0  }
0x28f: {  	v7 =	vld [tilespmem:$0x14730];
	_ =	sdelay $0x4  }
0x290: {  	v0 =	vmul.f32 v7, v6;
	_ =	sdelay $0x1  }
0x291: {  	v8 =	vld [tilespmem:s21+$0x1040];
	[tilespmem:s21+$0x1030] =	vst v0  }
0x292: {  	v9 =	vld [tilespmem:$0x14740];
	_ =	sdelay $0x4  }
0x293: {  	v0 =	vmul.f32 v9, v8;
	_ =	sdelay $0x1  }
0x294: {  	v10 =	vld [tilespmem:s21+$0x1050];
	[tilespmem:s21+$0x1040] =	vst v0  }
0x295: {  	v11 =	vld [tilespmem:$0x14750];
	_ =	sdelay $0x4  }
0x296: {  	v0 =	vmul.f32 v11, v10;
	_ =	sdelay $0x1  }
0x297: {  	v12 =	vld [tilespmem:s21+$0x1060];
	[tilespmem:s21+$0x1050] =	vst v0  }
0x298: {  	v13 =	vld [tilespmem:$0x14760];
	_ =	sdelay $0x4  }
0x299: {  	v0 =	vmul.f32 v13, v12;
	_ =	sdelay $0x1  }
0x29a: {  	v14 =	vld [tilespmem:s21+$0x1070];
	[tilespmem:s21+$0x1060] =	vst v0  }
0x29b: {  	v15 =	vld [tilespmem:$0x14770];
	_ =	sdelay $0x4  }
0x29c: {  	v0 =	vmul.f32 v15, v14;
	_ =	sdelay $0x1  }
0x29d: {  	v16 =	vld [tilespmem:s21+$0x1400];
	[tilespmem:s21+$0x1070] =	vst v0  }
0x29e: {  	v17 =	vld [tilespmem:$0x14780];
	_ =	sdelay $0x4  }
0x29f: {  	v0 =	vmul.f32 v17, v16;
	_ =	sdelay $0x1  }
0x2a0: {  	v18 =	vld [tilespmem:s21+$0x1410];
	[tilespmem:s21+$0x1400] =	vst v0  }
0x2a1: {  	v19 =	vld [tilespmem:$0x14790];
	_ =	sdelay $0x4  }
0x2a2: {  	v0 =	vmul.f32 v19, v18;
	_ =	sdelay $0x1  }
0x2a3: {  	v20 =	vld [tilespmem:s21+$0x1420];
	[tilespmem:s21+$0x1410] =	vst v0  }
0x2a4: {  	v21 =	vld [tilespmem:$0x147A0];
	_ =	sdelay $0x4  }
0x2a5: {  	v0 =	vmul.f32 v21, v20;
	_ =	sdelay $0x1  }
0x2a6: {  	v22 =	vld [tilespmem:s21+$0x1430];
	[tilespmem:s21+$0x1420] =	vst v0  }
0x2a7: {  	v23 =	vld [tilespmem:$0x147B0];
	_ =	sdelay $0x4  }
0x2a8: {  	v0 =	vmul.f32 v23, v22;
	_ =	sdelay $0x1  }
0x2a9: {  	v24 =	vld [tilespmem:s21+$0x1440];
	[tilespmem:s21+$0x1430] =	vst v0  }
0x2aa: {  	v25 =	vld [tilespmem:$0x147C0];
	_ =	sdelay $0x4  }
0x2ab: {  	v0 =	vmul.f32 v25, v24;
	_ =	sdelay $0x1  }
0x2ac: {  	v26 =	vld [tilespmem:s21+$0x1450];
	[tilespmem:s21+$0x1440] =	vst v0  }
0x2ad: {  	v27 =	vld [tilespmem:$0x147D0];
	_ =	sdelay $0x4  }
0x2ae: {  	v0 =	vmul.f32 v27, v26;
	_ =	sdelay $0x1  }
0x2af: {  	v28 =	vld [tilespmem:s21+$0x1460];
	[tilespmem:s21+$0x1450] =	vst v0  }
0x2b0: {  	v29 =	vld [tilespmem:$0x147E0];
	_ =	sdelay $0x4  }
0x2b1: {  	v0 =	vmul.f32 v29, v28;
	_ =	sdelay $0x1  }
0x2b2: {  	v30 =	vld [tilespmem:s21+$0x1470];
	[tilespmem:s21+$0x1460] =	vst v0  }
0x2b3: {  	v31 =	vld [tilespmem:$0x147F0];
	_ =	sdelay $0x4  }
0x2b4: {  	v0 =	vmul.f32 v31, v30;
	_ =	sdelay $0x1  }
0x2b5: {  	v32 =	vld [tilespmem:s21+$0x1800];
	[tilespmem:s21+$0x1470] =	vst v0  }
0x2b6: {  	v33 =	vld [tilespmem:$0x14800];
	_ =	sdelay $0x4  }
0x2b7: {  	v0 =	vmul.f32 v33, v32;
	_ =	sdelay $0x1  }
0x2b8: {  	v34 =	vld [tilespmem:s21+$0x1810];
	[tilespmem:s21+$0x1800] =	vst v0  }
0x2b9: {  	v35 =	vld [tilespmem:$0x14810];
	_ =	sdelay $0x4  }
0x2ba: {  	v0 =	vmul.f32 v35, v34;
	_ =	sdelay $0x1  }
0x2bb: {  	v36 =	vld [tilespmem:s21+$0x1820];
	[tilespmem:s21+$0x1810] =	vst v0  }
0x2bc: {  	v37 =	vld [tilespmem:$0x14820];
	_ =	sdelay $0x4  }
0x2bd: {  	v0 =	vmul.f32 v37, v36;
	_ =	sdelay $0x1  }
0x2be: {  	v38 =	vld [tilespmem:s21+$0x1830];
	[tilespmem:s21+$0x1820] =	vst v0  }
0x2bf: {  	v39 =	vld [tilespmem:$0x14830];
	_ =	sdelay $0x4  }
0x2c0: {  	v0 =	vmul.f32 v39, v38;
	_ =	sdelay $0x1  }
0x2c1: {  	v40 =	vld [tilespmem:s21+$0x1840];
	[tilespmem:s21+$0x1830] =	vst v0  }
0x2c2: {  	v41 =	vld [tilespmem:$0x14840];
	_ =	sdelay $0x4  }
0x2c3: {  	v0 =	vmul.f32 v41, v40;
	_ =	sdelay $0x1  }
0x2c4: {  	v42 =	vld [tilespmem:s21+$0x1850];
	[tilespmem:s21+$0x1840] =	vst v0  }
0x2c5: {  	v43 =	vld [tilespmem:$0x14850];
	_ =	sdelay $0x4  }
0x2c6: {  	v0 =	vmul.f32 v43, v42;
	_ =	sdelay $0x1  }
0x2c7: {  	v44 =	vld [tilespmem:s21+$0x1860];
	[tilespmem:s21+$0x1850] =	vst v0  }
0x2c8: {  	v45 =	vld [tilespmem:$0x14860];
	_ =	sdelay $0x4  }
0x2c9: {  	v0 =	vmul.f32 v45, v44;
	_ =	sdelay $0x1  }
0x2ca: {  	v46 =	vld [tilespmem:s21+$0x1870];
	[tilespmem:s21+$0x1860] =	vst v0  }
0x2cb: {  	v47 =	vld [tilespmem:$0x14870];
	_ =	sdelay $0x4  }
0x2cc: {  	v0 =	vmul.f32 v47, v46;
	_ =	sdelay $0x1  }
0x2cd: {  	v48 =	vld [tilespmem:s21+$0x1C00];
	[tilespmem:s21+$0x1870] =	vst v0  }
0x2ce: {  	v49 =	vld [tilespmem:$0x14880];
	_ =	sdelay $0x4  }
0x2cf: {  	v0 =	vmul.f32 v49, v48;
	_ =	sdelay $0x1  }
0x2d0: {  	v50 =	vld [tilespmem:s21+$0x1C10];
	[tilespmem:s21+$0x1C00] =	vst v0  }
0x2d1: {  	v51 =	vld [tilespmem:$0x14890];
	_ =	sdelay $0x4  }
0x2d2: {  	v0 =	vmul.f32 v51, v50;
	_ =	sdelay $0x1  }
0x2d3: {  	v52 =	vld [tilespmem:s21+$0x1C20];
	[tilespmem:s21+$0x1C10] =	vst v0  }
0x2d4: {  	v53 =	vld [tilespmem:$0x148A0];
	_ =	sdelay $0x4  }
0x2d5: {  	v0 =	vmul.f32 v53, v52;
	_ =	sdelay $0x1  }
0x2d6: {  	v54 =	vld [tilespmem:s21+$0x1C30];
	[tilespmem:s21+$0x1C20] =	vst v0  }
0x2d7: {  	v55 =	vld [tilespmem:$0x148B0];
	_ =	sdelay $0x4  }
0x2d8: {  	v0 =	vmul.f32 v55, v54;
	_ =	sdelay $0x1  }
0x2d9: {  	v56 =	vld [tilespmem:s21+$0x1C40];
	[tilespmem:s21+$0x1C30] =	vst v0  }
0x2da: {  	v57 =	vld [tilespmem:$0x148C0];
	_ =	sdelay $0x4  }
0x2db: {  	v0 =	vmul.f32 v57, v56;
	_ =	sdelay $0x1  }
0x2dc: {  	v58 =	vld [tilespmem:s21+$0x1C50];
	[tilespmem:s21+$0x1C40] =	vst v0  }
0x2dd: {  	v59 =	vld [tilespmem:$0x148D0];
	_ =	sdelay $0x4  }
0x2de: {  	v0 =	vmul.f32 v59, v58;
	_ =	sdelay $0x1  }
0x2df: {  	v60 =	vld [tilespmem:s21+$0x1C60];
	[tilespmem:s21+$0x1C50] =	vst v0  }
0x2e0: {  	v61 =	vld [tilespmem:$0x148E0];
	_ =	sdelay $0x4  }
0x2e1: {  	v0 =	vmul.f32 v61, v60;
	_ =	sdelay $0x1  }
0x2e2: {  	v62 =	vld [tilespmem:s21+$0x1C70];
	[tilespmem:s21+$0x1C60] =	vst v0  }
0x2e3: {  	v63 =	vld [tilespmem:$0x148F0];
	_ =	sdelay $0x3  }
.Ltmp7:
0x2e4: {  	_ = 	snop;
	(pc) =	sbr.rel .LBB2_6-.Ltmp7, $3  }
0x2e5: {  	s17 =	smul.u32 $0x1400, s17;
	v0 =	vmul.f32 v63, v62;
	_ =	sdelay $0x1  }
0x2e6: {  	s18 =	sadd.s32 $0x3, s18;
	s17 =	sadd.s32 s4, s17;
	[tilespmem:s21+$0x1C70] =	vst v0  }
0x2e7: {  	[hbm4b:s17+s5] =	stream.linear.scatter [tilespmem:s19], [sflag:s18], $0xA000, $0x38;
	[tilespmem:$0x14900] =	vst v63  }
.LBB2_8:
0x2e8: {  	p0 =	sgt.u32 s18, $0x9C3  }
.Ltmp8:
0x2e9: {  	_ = 	snop;
	(pc) =	sbr.rel @p0 .LBB2_10-.Ltmp8, $4  }
.Ltmp9:
0x2ea: {  	_ = 	snop;
	(pc) =	sbr.rel @!p0 .LBB2_9-.Ltmp9, $4  }
0x2eb: {  	_ = 	snop  }
0x2ec: {  	_ = 	snop  }
0x2ed: {  	_ = 	snop  }
0x2ee: {  	_ = 	snop  }
.LBB2_12:
0x2ef: {  	_ =	sfence.sel $0x180000  }
0x2f0: {  	[bflag:$0x0] =	sbarrier.arrive $0xFFFF  }
0x2f1: {  	p0 =	sne.s32 s0, $0x0;
	_ =	strace $0x90000047  }
0x2f2: {  	s0 =	sadd.s32 @!p0 $0x100000, s3;
	[bflag:$0x2] =	sbarrier.arrive $0xFFFF  }
0x2f3: {  	[sflag:s0] =	ssyncadd.tile.s32 @!p0 $0x1;
	_ =	shalt  }
.Lfunc_end2:
_tile_overlayer_lowered:
.L_overlay_start_2:
0x2f4: {  	(tag) =	ssettag $0x2  }
0x2f5: {  	s0 =	rddreg [dreg:$0x0];
	s2 =	stileid.u32  }
0x2f6: {  	s1 =	rddreg [dreg:$0x1];
	p0 =	sne.s32 s2, $0x0  }
0x2f7: {  	s3 =	rddreg [dreg:$0x2];
	[bflag:$0x3] =	sbarrier.arrive $0xFFFF;
	s2 =	simm.s32 @!p0 $0x1C05  }
0x2f8: {  	[timem:s3], [sflag:s2] =	dma.local @!p0 [hbm:s0], s1  }
0x2f9: {  	s0 =	simm.s32 @!p0 $0x5  }
0x2fa: {  	_ =	swait.ge @!p0 [sflag:s0], s1  }
0x2fb: {  	s1 =	ssub.s32 @!p0 $0x0, s1;
	[sflag:s0] =	ssyncset.done @!p0 $0x0  }
0x2fc: {  	[sflag:s0] =	ssyncadd.s32 @!p0 s1  }
0x2fd: {  	[bflag:$0x3] =	sbarrier.arrive $0xFFFF  }
0x2fe: {  	_ =	shalt  }

</sc_bundles>
